<compile_context>
chip_gen: v7x
topology: tpu7x:2x2x1
jax: 0.10.2.dev20260603
libtpu: 0.0.44.dev20260713+nightly
codegen_flags: <defaults>
</compile_context>

<pallas_src>
import dataclasses
import functools

import jax
import jax.numpy as jnp
from jax import lax
from jax.experimental import pallas as pl
from jax.experimental.pallas import tpu as pltpu
from jax.experimental.pallas import tpu_sc as plsc

N_NODES = 10000
N_EDGES = 160000
FEAT = 256
HID = 512
OUT = 256

HALF = 128
ROW_BLK = 1000

NC = 2
NS = 16
EB = 125
SUB_ROWS = N_EDGES // (NS * EB)
DEG_ROWS = N_EDGES // (NC * NS * EB)
NPAD = 10240
STRIPE = NPAD // NS
PHASES = 2
PH_ROWS = SUB_ROWS // PHASES

@functools.lru_cache(maxsize=None)
def _vmesh():
    return plsc.VectorSubcoreMesh(core_axis_name="c", subcore_axis_name="s")


@functools.lru_cache(maxsize=None)
def _sc_params():
    cp = pltpu.CompilerParams()
    if "needs_layout_passes" in pltpu.CompilerParams.__dataclass_fields__:
        cp = dataclasses.replace(cp, needs_layout_passes=False)
    return cp


def _sc_degree(dst2d, ew2d, zrows):

    @functools.partial(
        pl.kernel,
        out_type=jax.ShapeDtypeStruct((NC, NPAD, HALF), jnp.float32),
        mesh=_vmesh(),
        compiler_params=_sc_params(),
        scratch_types=[
            pltpu.VMEM_SHARED((NPAD, HALF), jnp.float32),
            pltpu.VMEM((DEG_ROWS, EB), jnp.int32),
            pltpu.VMEM((DEG_ROWS, EB), jnp.float32),
            pltpu.VMEM((EB, HALF), jnp.float32),
            pltpu.VMEM((EB, HALF), jnp.float32),
            pltpu.SemaphoreType.DMA,
            pltpu.SemaphoreType.DMA,
        ],
    )
    def k(dst_hbm, ew_hbm, z_hbm, out_hbm, acc, dst_v, ew_v, msg0, msg1, sem0, sem1):
        c = lax.axis_index("c")
        s = lax.axis_index("s")
        msg = (msg0, msg1)
        sem = (sem0, sem1)
        pltpu.sync_copy(z_hbm, acc.at[pl.ds(s * STRIPE, STRIPE)])
        row0 = c * (NS * DEG_ROWS) + s * DEG_ROWS
        pltpu.sync_copy(dst_hbm.at[pl.ds(row0, DEG_ROWS)], dst_v)
        pltpu.sync_copy(ew_hbm.at[pl.ds(row0, DEG_ROWS)], ew_v)

        @pl.loop(0, EB)
        def _z(e):
            for j in range(1, HALF // 16):
                msg0[e, pl.ds(j * 16, 16)] = jnp.zeros((16,), jnp.float32)
                msg1[e, pl.ds(j * 16, 16)] = jnp.zeros((16,), jnp.float32)

        plsc.subcore_barrier()

        @pl.loop(0, DEG_ROWS // 2)
        def _blk(k2):
            for b in range(2):
                r = 2 * k2 + b

                @plsc.parallel_loop(0, EB, unroll=8)
                def _e(e):
                    w = plsc.load_gather(
                        ew_v,
                        [jnp.full((16,), r, jnp.int32), jnp.full((16,), e, jnp.int32)],
                    )
                    msg[b][e, pl.ds(0, 16)] = w

                pltpu.sync_copy(msg[b], acc.at[dst_v.at[r]], add=True)

        plsc.subcore_barrier()
        pltpu.sync_copy(
            acc.at[pl.ds(s * STRIPE, STRIPE)],
            out_hbm.at[c].at[pl.ds(s * STRIPE, STRIPE)],
        )

    return k(dst2d, ew2d, zrows)


def _sc_aggregate(ysplit, src2d, dst2d, ew2d, zrows):

    @functools.partial(
        pl.kernel,
        out_type=jax.ShapeDtypeStruct((NC, NPAD, HALF), jnp.float32),
        mesh=_vmesh(),
        compiler_params=_sc_params(),
        scratch_types=[
            pltpu.VMEM_SHARED((NPAD, HALF), jnp.float32),
            pltpu.VMEM((PH_ROWS, EB), jnp.int32),
            pltpu.VMEM((PH_ROWS, EB), jnp.int32),
            pltpu.VMEM((PH_ROWS, EB), jnp.float32),
            pltpu.VMEM((EB, HALF), jnp.float32),
            pltpu.VMEM((EB, HALF), jnp.float32),
            pltpu.SemaphoreType.DMA,
            pltpu.SemaphoreType.DMA,
        ],
    )
    def k(y_hbm, src_hbm, dst_hbm, ew_hbm, z_hbm, g_hbm, acc, src_v, dst_v, ew_v,
          gbuf0, gbuf1, gsem0, gsem1):
        c = lax.axis_index("c")
        s = lax.axis_index("s")
        gbuf = (gbuf0, gbuf1)
        gsem = (gsem0, gsem1)
        y_c = y_hbm.at[c]
        pltpu.sync_copy(z_hbm, acc.at[pl.ds(s * STRIPE, STRIPE)])
        plsc.subcore_barrier()

        @pl.loop(0, PHASES)
        def _phase(p):
            row0 = s * SUB_ROWS + p * PH_ROWS
            pltpu.sync_copy(src_hbm.at[pl.ds(row0, PH_ROWS)], src_v)
            pltpu.sync_copy(dst_hbm.at[pl.ds(row0, PH_ROWS)], dst_v)
            pltpu.sync_copy(ew_hbm.at[pl.ds(row0, PH_ROWS)], ew_v)
            pltpu.make_async_copy(y_c.at[src_v.at[0]], gbuf[0], gsem[0]).start()

            @pl.loop(0, PH_ROWS // 2)
            def _blk(k2):
                for b in range(2):
                    r = 2 * k2 + b
                    nxt = 1 - b
                    pltpu.make_async_copy(y_c.at[src_v.at[r]], gbuf[b], gsem[b]).wait()

                    @pl.when(r + 1 < PH_ROWS)
                    def _():
                        pltpu.make_async_copy(
                            y_c.at[src_v.at[r + 1]], gbuf[nxt], gsem[nxt]
                        ).start()

                    @plsc.parallel_loop(0, EB, unroll=8)
                    def _e(e):
                        w = plsc.load_gather(
                            ew_v,
                            [jnp.full((16,), r, jnp.int32),
                             jnp.full((16,), e, jnp.int32)],
                        )
                        for j in range(HALF // 16):
                            sl = (e, pl.ds(j * 16, 16))
                            gbuf[b][sl] = gbuf[b][sl] * w

                    pltpu.sync_copy(gbuf[b], acc.at[dst_v.at[r]], add=True)

        plsc.subcore_barrier()
        pltpu.sync_copy(
            acc.at[pl.ds(s * STRIPE, STRIPE)],
            g_hbm.at[c].at[pl.ds(s * STRIPE, STRIPE)],
        )

    return k(ysplit, src2d, dst2d, ew2d, zrows)


def _prescale_body(x_ref, degp_ref, y_ref, dis_ref):
    deg = degp_ref[0, :, 0:1] + degp_ref[1, :, 0:1] + 1.0
    dis = jnp.where(deg > 0.0, lax.rsqrt(deg), 0.0)
    y = dis * x_ref[...]
    y_ref[...] = jnp.stack((y[:, :HALF], y[:, HALF:]))
    dis_ref[...] = dis


def _prescale(x, degp):
    grid = (N_NODES // ROW_BLK,)
    return pl.pallas_call(
        _prescale_body,
        grid=grid,
        in_specs=[
            pl.BlockSpec((ROW_BLK, FEAT), lambda i: (i, 0)),
            pl.BlockSpec((NC, ROW_BLK, HALF), lambda i: (0, i, 0)),
        ],
        out_specs=[
            pl.BlockSpec((NC, ROW_BLK, HALF), lambda i: (0, i, 0)),
            pl.BlockSpec((ROW_BLK, 1), lambda i: (i, 0)),
        ],
        out_shape=[
            jax.ShapeDtypeStruct((NC, NPAD, HALF), jnp.float32),
            jax.ShapeDtypeStruct((NPAD, 1), jnp.float32),
        ],
    )(x, degp)


def _fused_mlp_body(g1_ref, y1_ref, dis_ref, w1_ref, b1_ref, w2_ref, y2_ref):
    dis = dis_ref[...]
    s1a = dis * (g1_ref[0] + y1_ref[0])
    s1b = dis * (g1_ref[1] + y1_ref[1])
    s1 = jnp.concatenate((s1a, s1b), axis=1)
    h = jnp.maximum(
        jnp.dot(s1, w1_ref[...], preferred_element_type=jnp.float32) + b1_ref[...],
        0.0,
    )
    z = jnp.dot(h, w2_ref[...], preferred_element_type=jnp.float32)
    y2 = dis * z
    y2_ref[...] = jnp.stack((y2[:, :HALF], y2[:, HALF:]))


def _fused_mlp(g1, y1, dis2d, W1, b1, W2):
    grid = (N_NODES // ROW_BLK,)
    return pl.pallas_call(
        _fused_mlp_body,
        grid=grid,
        in_specs=[
            pl.BlockSpec((NC, ROW_BLK, HALF), lambda i: (0, i, 0)),
            pl.BlockSpec((NC, ROW_BLK, HALF), lambda i: (0, i, 0)),
            pl.BlockSpec((ROW_BLK, 1), lambda i: (i, 0)),
            pl.BlockSpec((FEAT, HID), lambda i: (0, 0)),
            pl.BlockSpec((1, HID), lambda i: (0, 0)),
            pl.BlockSpec((HID, OUT), lambda i: (0, 0)),
        ],
        out_specs=pl.BlockSpec((NC, ROW_BLK, HALF), lambda i: (0, i, 0)),
        out_shape=jax.ShapeDtypeStruct((NC, NPAD, HALF), jnp.float32),
    )(g1, y1, dis2d, W1, b1, W2)


def _final_body(g2_ref, y2_ref, dis_ref, b2_ref, out_ref):
    dis = dis_ref[...]
    a = dis * (g2_ref[0] + y2_ref[0])
    b = dis * (g2_ref[1] + y2_ref[1])
    out_ref[...] = jnp.concatenate((a, b), axis=1) + b2_ref[...]


def _final(g2, y2, dis2d, b2):
    grid = (N_NODES // ROW_BLK,)
    return pl.pallas_call(
        _final_body,
        grid=grid,
        in_specs=[
            pl.BlockSpec((NC, ROW_BLK, HALF), lambda i: (0, i, 0)),
            pl.BlockSpec((NC, ROW_BLK, HALF), lambda i: (0, i, 0)),
            pl.BlockSpec((ROW_BLK, 1), lambda i: (i, 0)),
            pl.BlockSpec((1, OUT), lambda i: (0, 0)),
        ],
        out_specs=pl.BlockSpec((ROW_BLK, OUT), lambda i: (i, 0)),
        out_shape=jax.ShapeDtypeStruct((N_NODES, OUT), jnp.float32),
    )(g2, y2, dis2d, b2)


def kernel(x, edge_index, edge_weight, W1, b1, W2, b2):
    src2d = edge_index[0].astype(jnp.int32).reshape(-1, EB)
    dst2d = edge_index[1].astype(jnp.int32).reshape(-1, EB)
    ew2d = edge_weight.astype(jnp.float32).reshape(-1, EB)

    z128 = jnp.zeros((STRIPE, HALF), jnp.float32)

    degp = _sc_degree(dst2d, ew2d, z128)
    y1, dis2d = _prescale(x, degp)
    g1 = _sc_aggregate(y1, src2d, dst2d, ew2d, z128)
    y2 = _fused_mlp(g1, y1, dis2d, W1, b1.reshape(1, HID), W2)
    g2 = _sc_aggregate(y2, src2d, dst2d, ew2d, z128)
    return _final(g2, y2, dis2d, b2.reshape(1, OUT))

# --- scband reference (transcript-rebuilt; emitter-appended) ---
"""Pipeline reference for scband-gcn-nn-49228915147364 (READ-ONLY COPY).

The authoritative reference and input builder live on the scoring server;
editing this copy changes nothing except your own understanding.
"""

import jax, jax.numpy as jnp
import numpy as np

N_NODES = 10000
N_EDGES = 160000
FEAT = 256
HID = 512
OUT = 256


def gcn_conv(x, edge_index, edge_weight, W, b, num_nodes):
    src = edge_index[0]
    dst = edge_index[1]
    loop = jnp.arange(num_nodes, dtype=edge_index.dtype)
    src = jnp.concatenate([src, loop])
    dst = jnp.concatenate([dst, loop])
    ew = jnp.concatenate([edge_weight, jnp.ones((num_nodes,), dtype=edge_weight.dtype)])
    deg = jnp.zeros((num_nodes,), dtype=x.dtype).at[dst].add(ew)
    deg_inv_sqrt = jnp.power(deg, -0.5)
    deg_inv_sqrt = jnp.where(jnp.isinf(deg_inv_sqrt), 0.0, deg_inv_sqrt)
    norm = deg_inv_sqrt[src] * ew * deg_inv_sqrt[dst]
    h = x @ W
    msg = h[src] * norm[:, None]
    out = jnp.zeros((num_nodes, W.shape[1]), dtype=x.dtype).at[dst].add(msg)
    return out + b


def setup_inputs(seed: int = 0) -> dict:
    key = jax.random.key(seed)
    k_x, k_ei, k_ew, k_w1, k_w2 = (jax.random.fold_in(key, i) for i in range(5))
    x = jax.random.normal(k_x, (N_NODES, FEAT), dtype=jnp.float32)
    edge_index = jax.random.randint(k_ei, (2, N_EDGES), 0, N_NODES, dtype=jnp.int64)
    edge_weight = jax.random.uniform(k_ew, (N_EDGES,), dtype=jnp.float32)
    W1 = jax.random.normal(k_w1, (FEAT, HID), dtype=jnp.float32) * (1.0 / np.sqrt(FEAT))
    b1 = jnp.zeros((HID,), dtype=jnp.float32)
    W2 = jax.random.normal(k_w2, (HID, OUT), dtype=jnp.float32) * (1.0 / np.sqrt(HID))
    b2 = jnp.zeros((OUT,), dtype=jnp.float32)
    return {"x": x, "edge_index": edge_index, "edge_weight": edge_weight, "W1": W1, "b1": b1, "W2": W2, "b2": b2}


def reference(x, edge_index, edge_weight, W1, b1, W2, b2):
    h = gcn_conv(x, edge_index, edge_weight, W1, b1, N_NODES)
    h = jax.nn.relu(h)
    logits = gcn_conv(h, edge_index, edge_weight, W2, b2, N_NODES)
    return logits

if __name__ == "__main__":
    import jax
    _d = setup_inputs()
    print(jax.jit(kernel)(*tuple(_d.values())))

</pallas_src>

<mosaic_0001>
#map = affine_map<(d0, d1) -> (0, 0, 0)>
#map1 = affine_map<(d0, d1) -> (0, 0)>
module attributes {stable_mosaic.version = 14 : i64} {
  func.func @k(%arg0: i32, %arg1: i32, %arg2: memref<2x10240x128xf32, #tpu.memory_space<hbm>>, %arg3: memref<1280x125xi32, #tpu.memory_space<hbm>>, %arg4: memref<1280x125xi32, #tpu.memory_space<hbm>>, %arg5: memref<1280x125xf32, #tpu.memory_space<hbm>>, %arg6: memref<640x128xf32, #tpu.memory_space<hbm>>, %arg7: memref<2x10240x128xf32, #tpu.memory_space<hbm>>, %arg8: memref<10240x128xf32, #tpu.memory_space<vmem_shared>>, %arg9: memref<40x125xi32, #tpu.memory_space<vmem>>, %arg10: memref<40x125xi32, #tpu.memory_space<vmem>>, %arg11: memref<40x125xf32, #tpu.memory_space<vmem>>, %arg12: memref<125x128xf32, #tpu.memory_space<vmem>>, %arg13: memref<125x128xf32, #tpu.memory_space<vmem>>, %arg14: memref<!tpu.dma_semaphore, #tpu.memory_space<semaphore_mem>>, %arg15: memref<!tpu.dma_semaphore, #tpu.memory_space<semaphore_mem>>) attributes {dimension_semantics = [#tpu.dimension_semantics<core_parallel>, #tpu.dimension_semantics<subcore_parallel>], iteration_bounds = array<i64: 2, 16>, scalar_prefetch = 0 : i64, scratch_operands = 8 : i64, tpu.core_type = #tpu.core_type<sc_vector_subcore>, window_params = [{transform_indices = #map}, {transform_indices = #map1}, {transform_indices = #map1}, {transform_indices = #map1}, {transform_indices = #map1}, {transform_indices = #map}]} {
    %mul3A = arith.constant 640 : i32
    %mul3A_0 = arith.muli %arg1, %mul3A : i32
    "tpu.region"() ({
      %run_scoped3A = tpu.sem_alloc : memref<!tpu.dma_semaphore, #tpu.memory_space<semaphore_mem>>
      %dma_start3A = arith.constant 0 : i32
      %dma_start3A_10 = tpu.memref_slice %arg8[%mul3A_0, %dma_start3A] : memref<10240x128xf32, #tpu.memory_space<vmem_shared>> -> memref<640x128xf32, #tpu.memory_space<vmem_shared>>
      tpu.enqueue_dma source(%arg6 : memref<640x128xf32, #tpu.memory_space<hbm>>) target(%dma_start3A_10 : memref<640x128xf32, #tpu.memory_space<vmem_shared>>) target_semaphore(%run_scoped3A : memref<!tpu.dma_semaphore, #tpu.memory_space<semaphore_mem>>)
      %dma_wait3A = arith.constant 0 : i32
      %dma_wait3A_11 = tpu.memref_slice %arg8[%mul3A_0, %dma_wait3A] : memref<10240x128xf32, #tpu.memory_space<vmem_shared>> -> memref<640x128xf32, #tpu.memory_space<vmem_shared>>
      tpu.wait_dma2 semaphore(%run_scoped3A : memref<!tpu.dma_semaphore, #tpu.memory_space<semaphore_mem>>) src(%arg6 : memref<640x128xf32, #tpu.memory_space<hbm>>) dst(%dma_wait3A_11 : memref<640x128xf32, #tpu.memory_space<vmem_shared>>)
      tpu.yield
    }) : () -> ()
    %barrier3A = arith.constant 0 : index
    tpu.barrier barrier_id(%barrier3A)
    %scan3A = arith.constant 0 : i32
    %scan3A_1 = arith.constant 2 : i32
    %scan3A_2 = arith.addi %scan3A, %scan3A_1 : i32
    %scan3A_3 = arith.constant 1 : i32
    scf.for %scan3A_10 = %scan3A to %scan3A_2 step %scan3A_3  : i32 {
      %mul3A_11 = arith.constant 1 : i32
      %mul3A_12 = arith.muli %scan3A_10, %mul3A_11 : i32
      %add3A = arith.constant 0 : i32
      %add3A_13 = arith.addi %add3A, %mul3A_12 : i32
      %mul3A_14 = arith.constant 80 : i32
      %mul3A_15 = arith.muli %arg1, %mul3A_14 : i32
      %mul3A_16 = arith.constant 40 : i32
      %mul3A_17 = arith.muli %add3A_13, %mul3A_16 : i32
      %add3A_18 = arith.addi %mul3A_15, %mul3A_17 : i32
      "tpu.region"() ({
        %run_scoped3A = tpu.sem_alloc : memref<!tpu.dma_semaphore, #tpu.memory_space<semaphore_mem>>
        %dma_start3A_34 = arith.constant 0 : i32
        %dma_start3A_35 = tpu.memref_slice %arg3[%add3A_18, %dma_start3A_34] : memref<1280x125xi32, #tpu.memory_space<hbm>> -> memref<40x125xi32, #tpu.memory_space<hbm>>
        %dma_start3A_36 = arith.constant 0 : i32
        %dma_start3A_37 = tpu.memref_slice %arg3[%add3A_18, %dma_start3A_36] : memref<1280x125xi32, #tpu.memory_space<hbm>> -> memref<40x125xi32, #tpu.memory_space<hbm>>
        tpu.enqueue_dma source(%dma_start3A_37 : memref<40x125xi32, #tpu.memory_space<hbm>>) target(%arg9 : memref<40x125xi32, #tpu.memory_space<vmem>>) target_semaphore(%run_scoped3A : memref<!tpu.dma_semaphore, #tpu.memory_space<semaphore_mem>>)
        %dma_wait3A = arith.constant 0 : i32
        %dma_wait3A_38 = tpu.memref_slice %arg3[%add3A_18, %dma_wait3A] : memref<1280x125xi32, #tpu.memory_space<hbm>> -> memref<40x125xi32, #tpu.memory_space<hbm>>
        %dma_wait3A_39 = arith.constant 0 : i32
        %dma_wait3A_40 = tpu.memref_slice %arg3[%add3A_18, %dma_wait3A_39] : memref<1280x125xi32, #tpu.memory_space<hbm>> -> memref<40x125xi32, #tpu.memory_space<hbm>>
        tpu.wait_dma2 semaphore(%run_scoped3A : memref<!tpu.dma_semaphore, #tpu.memory_space<semaphore_mem>>) src(%dma_wait3A_40 : memref<40x125xi32, #tpu.memory_space<hbm>>) dst(%arg9 : memref<40x125xi32, #tpu.memory_space<vmem>>)
        tpu.yield
      }) : () -> ()
      "tpu.region"() ({
        %run_scoped3A = tpu.sem_alloc : memref<!tpu.dma_semaphore, #tpu.memory_space<semaphore_mem>>
        %dma_start3A_34 = arith.constant 0 : i32
        %dma_start3A_35 = tpu.memref_slice %arg4[%add3A_18, %dma_start3A_34] : memref<1280x125xi32, #tpu.memory_space<hbm>> -> memref<40x125xi32, #tpu.memory_space<hbm>>
        %dma_start3A_36 = arith.constant 0 : i32
        %dma_start3A_37 = tpu.memref_slice %arg4[%add3A_18, %dma_start3A_36] : memref<1280x125xi32, #tpu.memory_space<hbm>> -> memref<40x125xi32, #tpu.memory_space<hbm>>
        tpu.enqueue_dma source(%dma_start3A_37 : memref<40x125xi32, #tpu.memory_space<hbm>>) target(%arg10 : memref<40x125xi32, #tpu.memory_space<vmem>>) target_semaphore(%run_scoped3A : memref<!tpu.dma_semaphore, #tpu.memory_space<semaphore_mem>>)
        %dma_wait3A = arith.constant 0 : i32
        %dma_wait3A_38 = tpu.memref_slice %arg4[%add3A_18, %dma_wait3A] : memref<1280x125xi32, #tpu.memory_space<hbm>> -> memref<40x125xi32, #tpu.memory_space<hbm>>
        %dma_wait3A_39 = arith.constant 0 : i32
        %dma_wait3A_40 = tpu.memref_slice %arg4[%add3A_18, %dma_wait3A_39] : memref<1280x125xi32, #tpu.memory_space<hbm>> -> memref<40x125xi32, #tpu.memory_space<hbm>>
        tpu.wait_dma2 semaphore(%run_scoped3A : memref<!tpu.dma_semaphore, #tpu.memory_space<semaphore_mem>>) src(%dma_wait3A_40 : memref<40x125xi32, #tpu.memory_space<hbm>>) dst(%arg10 : memref<40x125xi32, #tpu.memory_space<vmem>>)
        tpu.yield
      }) : () -> ()
      "tpu.region"() ({
        %run_scoped3A = tpu.sem_alloc : memref<!tpu.dma_semaphore, #tpu.memory_space<semaphore_mem>>
        %dma_start3A_34 = arith.constant 0 : i32
        %dma_start3A_35 = tpu.memref_slice %arg5[%add3A_18, %dma_start3A_34] : memref<1280x125xf32, #tpu.memory_space<hbm>> -> memref<40x125xf32, #tpu.memory_space<hbm>>
        %dma_start3A_36 = arith.constant 0 : i32
        %dma_start3A_37 = tpu.memref_slice %arg5[%add3A_18, %dma_start3A_36] : memref<1280x125xf32, #tpu.memory_space<hbm>> -> memref<40x125xf32, #tpu.memory_space<hbm>>
        tpu.enqueue_dma source(%dma_start3A_37 : memref<40x125xf32, #tpu.memory_space<hbm>>) target(%arg11 : memref<40x125xf32, #tpu.memory_space<vmem>>) target_semaphore(%run_scoped3A : memref<!tpu.dma_semaphore, #tpu.memory_space<semaphore_mem>>)
        %dma_wait3A = arith.constant 0 : i32
        %dma_wait3A_38 = tpu.memref_slice %arg5[%add3A_18, %dma_wait3A] : memref<1280x125xf32, #tpu.memory_space<hbm>> -> memref<40x125xf32, #tpu.memory_space<hbm>>
        %dma_wait3A_39 = arith.constant 0 : i32
        %dma_wait3A_40 = tpu.memref_slice %arg5[%add3A_18, %dma_wait3A_39] : memref<1280x125xf32, #tpu.memory_space<hbm>> -> memref<40x125xf32, #tpu.memory_space<hbm>>
        tpu.wait_dma2 semaphore(%run_scoped3A : memref<!tpu.dma_semaphore, #tpu.memory_space<semaphore_mem>>) src(%dma_wait3A_40 : memref<40x125xf32, #tpu.memory_space<hbm>>) dst(%arg11 : memref<40x125xf32, #tpu.memory_space<vmem>>)
        tpu.yield
      }) : () -> ()
      %dma_start3A = arith.constant 0 : i32
      %dma_start3A_19 = arith.constant 0 : i32
      %dma_start3A_20 = tpu.memref_slice %arg9[%dma_start3A, %dma_start3A_19] : memref<40x125xi32, #tpu.memory_space<vmem>> -> memref<1x125xi32, #tpu.memory_space<vmem>>
      %dma_start3A_21 = tpu.memref_squeeze %dma_start3A_20 : memref<1x125xi32, #tpu.memory_space<vmem>> -> memref<125xi32, #tpu.memory_space<vmem>>
      %dma_start3A_22 = arith.constant 0 : i32
      %dma_start3A_23 = arith.constant 0 : i32
      %dma_start3A_24 = tpu.memref_slice %arg2[%arg0, %dma_start3A_22, %dma_start3A_23] : memref<2x10240x128xf32, #tpu.memory_space<hbm>> -> memref<1x10240x128xf32, #tpu.memory_space<hbm>>
      %dma_start3A_25 = tpu.memref_squeeze %dma_start3A_24 : memref<1x10240x128xf32, #tpu.memory_space<hbm>> -> memref<10240x128xf32, #tpu.memory_space<hbm>>
      %dma_start3A_26 = arith.constant 0 : i32
      %dma_start3A_27 = arith.constant 0 : i32
      %dma_start3A_28 = tpu.memref_slice %dma_start3A_25[%dma_start3A_26, %dma_start3A_27] : memref<10240x128xf32, #tpu.memory_space<hbm>> -> memref<10240x128xf32, #tpu.memory_space<hbm>>
      tpu.enqueue_indirect_dma source(%dma_start3A_28 : memref<10240x128xf32, #tpu.memory_space<hbm>>) target(%arg12 : memref<125x128xf32, #tpu.memory_space<vmem>>) offsets(%dma_start3A_21 : memref<125xi32, #tpu.memory_space<vmem>>) semaphore(%arg14 : memref<!tpu.dma_semaphore, #tpu.memory_space<semaphore_mem>>)
      %scan3A_29 = arith.constant 0 : i32
      %scan3A_30 = arith.constant 20 : i32
      %scan3A_31 = arith.addi %scan3A_29, %scan3A_30 : i32
      %scan3A_32 = arith.constant 1 : i32
      scf.for %scan3A_34 = %scan3A_29 to %scan3A_31 step %scan3A_32  : i32 {
        %mul3A_35 = arith.constant 1 : i32
        %mul3A_36 = arith.muli %scan3A_34, %mul3A_35 : i32
        %add3A_37 = arith.constant 0 : i32
        %add3A_38 = arith.addi %add3A_37, %mul3A_36 : i32
        %mul3A_39 = arith.constant 2 : i32
        %mul3A_40 = arith.muli %mul3A_39, %add3A_38 : i32
        %add3A_41 = arith.constant 0 : i32
        %add3A_42 = arith.addi %mul3A_40, %add3A_41 : i32
        %dma_wait3A = arith.constant 0 : i32
        %dma_wait3A_43 = tpu.memref_slice %arg9[%add3A_42, %dma_wait3A] : memref<40x125xi32, #tpu.memory_space<vmem>> -> memref<1x125xi32, #tpu.memory_space<vmem>>
        %dma_wait3A_44 = tpu.memref_squeeze %dma_wait3A_43 : memref<1x125xi32, #tpu.memory_space<vmem>> -> memref<125xi32, #tpu.memory_space<vmem>>
        %dma_wait3A_45 = arith.constant 0 : i32
        %dma_wait3A_46 = arith.constant 0 : i32
        %dma_wait3A_47 = tpu.memref_slice %arg2[%arg0, %dma_wait3A_45, %dma_wait3A_46] : memref<2x10240x128xf32, #tpu.memory_space<hbm>> -> memref<1x10240x128xf32, #tpu.memory_space<hbm>>
        %dma_wait3A_48 = tpu.memref_squeeze %dma_wait3A_47 : memref<1x10240x128xf32, #tpu.memory_space<hbm>> -> memref<10240x128xf32, #tpu.memory_space<hbm>>
        %dma_wait3A_49 = arith.constant 0 : i32
        %dma_wait3A_50 = arith.constant 0 : i32
        %dma_wait3A_51 = tpu.memref_slice %dma_wait3A_48[%dma_wait3A_49, %dma_wait3A_50] : memref<10240x128xf32, #tpu.memory_space<hbm>> -> memref<10240x128xf32, #tpu.memory_space<hbm>>
        tpu.wait_indirect_dma semaphore(%arg14 : memref<!tpu.dma_semaphore, #tpu.memory_space<semaphore_mem>>) src(%dma_wait3A_51 : memref<10240x128xf32, #tpu.memory_space<hbm>>) dst(%arg12 : memref<125x128xf32, #tpu.memory_space<vmem>>)
        %add3A_52 = arith.constant 1 : i32
        %add3A_53 = arith.addi %add3A_42, %add3A_52 : i32
        %lt3A = arith.constant 40 : i32
        %lt3A_54 = arith.cmpi slt, %add3A_53, %lt3A : i32
        %convert_element_type3A = arith.extui %lt3A_54 : i1 to i32
        %cond3A = arith.constant 0 : i32
        %cond3A_55 = arith.cmpi ne, %convert_element_type3A, %cond3A : i32
        scf.if %cond3A_55 {
          %add3A_82 = arith.constant 1 : i32
          %add3A_83 = arith.addi %add3A_42, %add3A_82 : i32
          %dma_start3A_84 = arith.constant 0 : i32
          %dma_start3A_85 = tpu.memref_slice %arg9[%add3A_83, %dma_start3A_84] : memref<40x125xi32, #tpu.memory_space<vmem>> -> memref<1x125xi32, #tpu.memory_space<vmem>>
          %dma_start3A_86 = tpu.memref_squeeze %dma_start3A_85 : memref<1x125xi32, #tpu.memory_space<vmem>> -> memref<125xi32, #tpu.memory_space<vmem>>
          %dma_start3A_87 = arith.constant 0 : i32
          %dma_start3A_88 = arith.constant 0 : i32
          %dma_start3A_89 = tpu.memref_slice %arg2[%arg0, %dma_start3A_87, %dma_start3A_88] : memref<2x10240x128xf32, #tpu.memory_space<hbm>> -> memref<1x10240x128xf32, #tpu.memory_space<hbm>>
          %dma_start3A_90 = tpu.memref_squeeze %dma_start3A_89 : memref<1x10240x128xf32, #tpu.memory_space<hbm>> -> memref<10240x128xf32, #tpu.memory_space<hbm>>
          %dma_start3A_91 = arith.constant 0 : i32
          %dma_start3A_92 = arith.constant 0 : i32
          %dma_start3A_93 = tpu.memref_slice %dma_start3A_90[%dma_start3A_91, %dma_start3A_92] : memref<10240x128xf32, #tpu.memory_space<hbm>> -> memref<10240x128xf32, #tpu.memory_space<hbm>>
          tpu.enqueue_indirect_dma source(%dma_start3A_93 : memref<10240x128xf32, #tpu.memory_space<hbm>>) target(%arg13 : memref<125x128xf32, #tpu.memory_space<vmem>>) offsets(%dma_start3A_86 : memref<125xi32, #tpu.memory_space<vmem>>) semaphore(%arg15 : memref<!tpu.dma_semaphore, #tpu.memory_space<semaphore_mem>>)
        } else {
        }
        %parallel_loop3A = arith.constant 0 : i32
        %parallel_loop3A_56 = arith.constant 125 : i32
        %parallel_loop3A_57 = arith.constant 1 : i32
        scf.for %parallel_loop3A_82 = %parallel_loop3A to %parallel_loop3A_56 step %parallel_loop3A_57  : i32 {
          %parallel_loop3A_83 = vector.broadcast %add3A_42 : i32 to vector<16xi32>
          %parallel_loop3A_84 = vector.broadcast %parallel_loop3A_82 : i32 to vector<16xi32>
          %parallel_loop3A_85 = tpu.vector_load_idx %arg11[%parallel_loop3A_83, %parallel_loop3A_84] : memref<40x125xf32, #tpu.memory_space<vmem>>[vector<16xi32>, vector<16xi32>], vector<16xf32>,
          %parallel_loop3A_86 = arith.index_cast %parallel_loop3A_82 : i32 to index
          %parallel_loop3A_87 = arith.constant 0 : index
          %parallel_loop3A_88 = tpu.vector_load %arg12[%parallel_loop3A_86, %parallel_loop3A_87] {strides = array<i32>} : memref<125x128xf32, #tpu.memory_space<vmem>>, vector<16xf32>,
          %parallel_loop3A_89 = arith.mulf %parallel_loop3A_88, %parallel_loop3A_85 : vector<16xf32>
          %parallel_loop3A_90 = arith.index_cast %parallel_loop3A_82 : i32 to index
          %parallel_loop3A_91 = arith.constant 0 : index
          %parallel_loop3A_92 = tpu.vector_load %arg12[%parallel_loop3A_90, %parallel_loop3A_91] {strides = array<i32>} : memref<125x128xf32, #tpu.memory_space<vmem>>, vector<16xf32>,
          tpu.vector_store %arg12[%parallel_loop3A_90, %parallel_loop3A_91], %parallel_loop3A_89 {strides = array<i32>} : memref<125x128xf32, #tpu.memory_space<vmem>>, vector<16xf32>,
          %parallel_loop3A_93 = arith.index_cast %parallel_loop3A_82 : i32 to index
          %parallel_loop3A_94 = arith.constant 16 : index
          %parallel_loop3A_95 = tpu.vector_load %arg12[%parallel_loop3A_93, %parallel_loop3A_94] {strides = array<i32>} : memref<125x128xf32, #tpu.memory_space<vmem>>, vector<16xf32>,
          %parallel_loop3A_96 = arith.mulf %parallel_loop3A_95, %parallel_loop3A_85 : vector<16xf32>
          %parallel_loop3A_97 = arith.index_cast %parallel_loop3A_82 : i32 to index
          %parallel_loop3A_98 = arith.constant 16 : index
          %parallel_loop3A_99 = tpu.vector_load %arg12[%parallel_loop3A_97, %parallel_loop3A_98] {strides = array<i32>} : memref<125x128xf32, #tpu.memory_space<vmem>>, vector<16xf32>,
          tpu.vector_store %arg12[%parallel_loop3A_97, %parallel_loop3A_98], %parallel_loop3A_96 {strides = array<i32>} : memref<125x128xf32, #tpu.memory_space<vmem>>, vector<16xf32>,
          %parallel_loop3A_100 = arith.index_cast %parallel_loop3A_82 : i32 to index
          %parallel_loop3A_101 = arith.constant 32 : index
          %parallel_loop3A_102 = tpu.vector_load %arg12[%parallel_loop3A_100, %parallel_loop3A_101] {strides = array<i32>} : memref<125x128xf32, #tpu.memory_space<vmem>>, vector<16xf32>,
          %parallel_loop3A_103 = arith.mulf %parallel_loop3A_102, %parallel_loop3A_85 : vector<16xf32>
          %parallel_loop3A_104 = arith.index_cast %parallel_loop3A_82 : i32 to index
          %parallel_loop3A_105 = arith.constant 32 : index
          %parallel_loop3A_106 = tpu.vector_load %arg12[%parallel_loop3A_104, %parallel_loop3A_105] {strides = array<i32>} : memref<125x128xf32, #tpu.memory_space<vmem>>, vector<16xf32>,
          tpu.vector_store %arg12[%parallel_loop3A_104, %parallel_loop3A_105], %parallel_loop3A_103 {strides = array<i32>} : memref<125x128xf32, #tpu.memory_space<vmem>>, vector<16xf32>,
          %parallel_loop3A_107 = arith.index_cast %parallel_loop3A_82 : i32 to index
          %parallel_loop3A_108 = arith.constant 48 : index
          %parallel_loop3A_109 = tpu.vector_load %arg12[%parallel_loop3A_107, %parallel_loop3A_108] {strides = array<i32>} : memref<125x128xf32, #tpu.memory_space<vmem>>, vector<16xf32>,
          %parallel_loop3A_110 = arith.mulf %parallel_loop3A_109, %parallel_loop3A_85 : vector<16xf32>
          %parallel_loop3A_111 = arith.index_cast %parallel_loop3A_82 : i32 to index
          %parallel_loop3A_112 = arith.constant 48 : index
          %parallel_loop3A_113 = tpu.vector_load %arg12[%parallel_loop3A_111, %parallel_loop3A_112] {strides = array<i32>} : memref<125x128xf32, #tpu.memory_space<vmem>>, vector<16xf32>,
          tpu.vector_store %arg12[%parallel_loop3A_111, %parallel_loop3A_112], %parallel_loop3A_110 {strides = array<i32>} : memref<125x128xf32, #tpu.memory_space<vmem>>, vector<16xf32>,
          %parallel_loop3A_114 = arith.index_cast %parallel_loop3A_82 : i32 to index
          %parallel_loop3A_115 = arith.constant 64 : index
          %parallel_loop3A_116 = tpu.vector_load %arg12[%parallel_loop3A_114, %parallel_loop3A_115] {strides = array<i32>} : memref<125x128xf32, #tpu.memory_space<vmem>>, vector<16xf32>,
          %parallel_loop3A_117 = arith.mulf %parallel_loop3A_116, %parallel_loop3A_85 : vector<16xf32>
          %parallel_loop3A_118 = arith.index_cast %parallel_loop3A_82 : i32 to index
          %parallel_loop3A_119 = arith.constant 64 : index
          %parallel_loop3A_120 = tpu.vector_load %arg12[%parallel_loop3A_118, %parallel_loop3A_119] {strides = array<i32>} : memref<125x128xf32, #tpu.memory_space<vmem>>, vector<16xf32>,
          tpu.vector_store %arg12[%parallel_loop3A_118, %parallel_loop3A_119], %parallel_loop3A_117 {strides = array<i32>} : memref<125x128xf32, #tpu.memory_space<vmem>>, vector<16xf32>,
          %parallel_loop3A_121 = arith.index_cast %parallel_loop3A_82 : i32 to index
          %parallel_loop3A_122 = arith.constant 80 : index
          %parallel_loop3A_123 = tpu.vector_load %arg12[%parallel_loop3A_121, %parallel_loop3A_122] {strides = array<i32>} : memref<125x128xf32, #tpu.memory_space<vmem>>, vector<16xf32>,
          %parallel_loop3A_124 = arith.mulf %parallel_loop3A_123, %parallel_loop3A_85 : vector<16xf32>
          %parallel_loop3A_125 = arith.index_cast %parallel_loop3A_82 : i32 to index
          %parallel_loop3A_126 = arith.constant 80 : index
          %parallel_loop3A_127 = tpu.vector_load %arg12[%parallel_loop3A_125, %parallel_loop3A_126] {strides = array<i32>} : memref<125x128xf32, #tpu.memory_space<vmem>>, vector<16xf32>,
          tpu.vector_store %arg12[%parallel_loop3A_125, %parallel_loop3A_126], %parallel_loop3A_124 {strides = array<i32>} : memref<125x128xf32, #tpu.memory_space<vmem>>, vector<16xf32>,
          %parallel_loop3A_128 = arith.index_cast %parallel_loop3A_82 : i32 to index
          %parallel_loop3A_129 = arith.constant 96 : index
          %parallel_loop3A_130 = tpu.vector_load %arg12[%parallel_loop3A_128, %parallel_loop3A_129] {strides = array<i32>} : memref<125x128xf32, #tpu.memory_space<vmem>>, vector<16xf32>,
          %parallel_loop3A_131 = arith.mulf %parallel_loop3A_130, %parallel_loop3A_85 : vector<16xf32>
          %parallel_loop3A_132 = arith.index_cast %parallel_loop3A_82 : i32 to index
          %parallel_loop3A_133 = arith.constant 96 : index
          %parallel_loop3A_134 = tpu.vector_load %arg12[%parallel_loop3A_132, %parallel_loop3A_133] {strides = array<i32>} : memref<125x128xf32, #tpu.memory_space<vmem>>, vector<16xf32>,
          tpu.vector_store %arg12[%parallel_loop3A_132, %parallel_loop3A_133], %parallel_loop3A_131 {strides = array<i32>} : memref<125x128xf32, #tpu.memory_space<vmem>>, vector<16xf32>,
          %parallel_loop3A_135 = arith.index_cast %parallel_loop3A_82 : i32 to index
          %parallel_loop3A_136 = arith.constant 112 : index
          %parallel_loop3A_137 = tpu.vector_load %arg12[%parallel_loop3A_135, %parallel_loop3A_136] {strides = array<i32>} : memref<125x128xf32, #tpu.memory_space<vmem>>, vector<16xf32>,
          %parallel_loop3A_138 = arith.mulf %parallel_loop3A_137, %parallel_loop3A_85 : vector<16xf32>
          %parallel_loop3A_139 = arith.index_cast %parallel_loop3A_82 : i32 to index
          %parallel_loop3A_140 = arith.constant 112 : index
          %parallel_loop3A_141 = tpu.vector_load %arg12[%parallel_loop3A_139, %parallel_loop3A_140] {strides = array<i32>} : memref<125x128xf32, #tpu.memory_space<vmem>>, vector<16xf32>,
          tpu.vector_store %arg12[%parallel_loop3A_139, %parallel_loop3A_140], %parallel_loop3A_138 {strides = array<i32>} : memref<125x128xf32, #tpu.memory_space<vmem>>, vector<16xf32>,
        } {sc.loop_unroll_factor = 8 : i64, sc.parallel_access}
        "tpu.region"() ({
          %run_scoped3A = tpu.sem_alloc : memref<!tpu.dma_semaphore, #tpu.memory_space<semaphore_mem>>
          %dma_start3A_82 = arith.constant 0 : i32
          %dma_start3A_83 = tpu.memref_slice %arg10[%add3A_42, %dma_start3A_82] : memref<40x125xi32, #tpu.memory_space<vmem>> -> memref<1x125xi32, #tpu.memory_space<vmem>>
          %dma_start3A_84 = tpu.memref_squeeze %dma_start3A_83 : memref<1x125xi32, #tpu.memory_space<vmem>> -> memref<125xi32, #tpu.memory_space<vmem>>
          %dma_start3A_85 = arith.constant 0 : i32
          %dma_start3A_86 = arith.constant 0 : i32
          %dma_start3A_87 = tpu.memref_slice %arg8[%dma_start3A_85, %dma_start3A_86] : memref<10240x128xf32, #tpu.memory_space<vmem_shared>> -> memref<10240x128xf32, #tpu.memory_space<vmem_shared>>
          tpu.enqueue_indirect_dma source(%arg12 : memref<125x128xf32, #tpu.memory_space<vmem>>) target(%dma_start3A_87 : memref<10240x128xf32, #tpu.memory_space<vmem_shared>>) offsets(%dma_start3A_84 : memref<125xi32, #tpu.memory_space<vmem>>) semaphore(%run_scoped3A : memref<!tpu.dma_semaphore, #tpu.memory_space<semaphore_mem>>) {add = true}
          %dma_wait3A_88 = arith.constant 0 : i32
          %dma_wait3A_89 = tpu.memref_slice %arg10[%add3A_42, %dma_wait3A_88] : memref<40x125xi32, #tpu.memory_space<vmem>> -> memref<1x125xi32, #tpu.memory_space<vmem>>
          %dma_wait3A_90 = tpu.memref_squeeze %dma_wait3A_89 : memref<1x125xi32, #tpu.memory_space<vmem>> -> memref<125xi32, #tpu.memory_space<vmem>>
          %dma_wait3A_91 = arith.constant 0 : i32
          %dma_wait3A_92 = arith.constant 0 : i32
          %dma_wait3A_93 = tpu.memref_slice %arg8[%dma_wait3A_91, %dma_wait3A_92] : memref<10240x128xf32, #tpu.memory_space<vmem_shared>> -> memref<10240x128xf32, #tpu.memory_space<vmem_shared>>
          tpu.wait_indirect_dma semaphore(%run_scoped3A : memref<!tpu.dma_semaphore, #tpu.memory_space<semaphore_mem>>) src(%arg12 : memref<125x128xf32, #tpu.memory_space<vmem>>) dst(%dma_wait3A_93 : memref<10240x128xf32, #tpu.memory_space<vmem_shared>>)
          tpu.yield
        }) : () -> ()
        %mul3A_58 = arith.constant 2 : i32
        %mul3A_59 = arith.muli %mul3A_58, %add3A_38 : i32
        %add3A_60 = arith.constant 1 : i32
        %add3A_61 = arith.addi %mul3A_59, %add3A_60 : i32
        %dma_wait3A_62 = arith.constant 0 : i32
        %dma_wait3A_63 = tpu.memref_slice %arg9[%add3A_61, %dma_wait3A_62] : memref<40x125xi32, #tpu.memory_space<vmem>> -> memref<1x125xi32, #tpu.memory_space<vmem>>
        %dma_wait3A_64 = tpu.memref_squeeze %dma_wait3A_63 : memref<1x125xi32, #tpu.memory_space<vmem>> -> memref<125xi32, #tpu.memory_space<vmem>>
        %dma_wait3A_65 = arith.constant 0 : i32
        %dma_wait3A_66 = arith.constant 0 : i32
        %dma_wait3A_67 = tpu.memref_slice %arg2[%arg0, %dma_wait3A_65, %dma_wait3A_66] : memref<2x10240x128xf32, #tpu.memory_space<hbm>> -> memref<1x10240x128xf32, #tpu.memory_space<hbm>>
        %dma_wait3A_68 = tpu.memref_squeeze %dma_wait3A_67 : memref<1x10240x128xf32, #tpu.memory_space<hbm>> -> memref<10240x128xf32, #tpu.memory_space<hbm>>
        %dma_wait3A_69 = arith.constant 0 : i32
        %dma_wait3A_70 = arith.constant 0 : i32
        %dma_wait3A_71 = tpu.memref_slice %dma_wait3A_68[%dma_wait3A_69, %dma_wait3A_70] : memref<10240x128xf32, #tpu.memory_space<hbm>> -> memref<10240x128xf32, #tpu.memory_space<hbm>>
        tpu.wait_indirect_dma semaphore(%arg15 : memref<!tpu.dma_semaphore, #tpu.memory_space<semaphore_mem>>) src(%dma_wait3A_71 : memref<10240x128xf32, #tpu.memory_space<hbm>>) dst(%arg13 : memref<125x128xf32, #tpu.memory_space<vmem>>)
        %add3A_72 = arith.constant 1 : i32
        %add3A_73 = arith.addi %add3A_61, %add3A_72 : i32
        %lt3A_74 = arith.constant 40 : i32
        %lt3A_75 = arith.cmpi slt, %add3A_73, %lt3A_74 : i32
        %convert_element_type3A_76 = arith.extui %lt3A_75 : i1 to i32
        %cond3A_77 = arith.constant 0 : i32
        %cond3A_78 = arith.cmpi ne, %convert_element_type3A_76, %cond3A_77 : i32
        scf.if %cond3A_78 {
          %add3A_82 = arith.constant 1 : i32
          %add3A_83 = arith.addi %add3A_61, %add3A_82 : i32
          %dma_start3A_84 = arith.constant 0 : i32
          %dma_start3A_85 = tpu.memref_slice %arg9[%add3A_83, %dma_start3A_84] : memref<40x125xi32, #tpu.memory_space<vmem>> -> memref<1x125xi32, #tpu.memory_space<vmem>>
          %dma_start3A_86 = tpu.memref_squeeze %dma_start3A_85 : memref<1x125xi32, #tpu.memory_space<vmem>> -> memref<125xi32, #tpu.memory_space<vmem>>
          %dma_start3A_87 = arith.constant 0 : i32
          %dma_start3A_88 = arith.constant 0 : i32
          %dma_start3A_89 = tpu.memref_slice %arg2[%arg0, %dma_start3A_87, %dma_start3A_88] : memref<2x10240x128xf32, #tpu.memory_space<hbm>> -> memref<1x10240x128xf32, #tpu.memory_space<hbm>>
          %dma_start3A_90 = tpu.memref_squeeze %dma_start3A_89 : memref<1x10240x128xf32, #tpu.memory_space<hbm>> -> memref<10240x128xf32, #tpu.memory_space<hbm>>
          %dma_start3A_91 = arith.constant 0 : i32
          %dma_start3A_92 = arith.constant 0 : i32
          %dma_start3A_93 = tpu.memref_slice %dma_start3A_90[%dma_start3A_91, %dma_start3A_92] : memref<10240x128xf32, #tpu.memory_space<hbm>> -> memref<10240x128xf32, #tpu.memory_space<hbm>>
          tpu.enqueue_indirect_dma source(%dma_start3A_93 : memref<10240x128xf32, #tpu.memory_space<hbm>>) target(%arg12 : memref<125x128xf32, #tpu.memory_space<vmem>>) offsets(%dma_start3A_86 : memref<125xi32, #tpu.memory_space<vmem>>) semaphore(%arg14 : memref<!tpu.dma_semaphore, #tpu.memory_space<semaphore_mem>>)
        } else {
        }
        %parallel_loop3A_79 = arith.constant 0 : i32
        %parallel_loop3A_80 = arith.constant 125 : i32
        %parallel_loop3A_81 = arith.constant 1 : i32
        scf.for %parallel_loop3A_82 = %parallel_loop3A_79 to %parallel_loop3A_80 step %parallel_loop3A_81  : i32 {
          %parallel_loop3A_83 = vector.broadcast %add3A_61 : i32 to vector<16xi32>
          %parallel_loop3A_84 = vector.broadcast %parallel_loop3A_82 : i32 to vector<16xi32>
          %parallel_loop3A_85 = tpu.vector_load_idx %arg11[%parallel_loop3A_83, %parallel_loop3A_84] : memref<40x125xf32, #tpu.memory_space<vmem>>[vector<16xi32>, vector<16xi32>], vector<16xf32>,
          %parallel_loop3A_86 = arith.index_cast %parallel_loop3A_82 : i32 to index
          %parallel_loop3A_87 = arith.constant 0 : index
          %parallel_loop3A_88 = tpu.vector_load %arg13[%parallel_loop3A_86, %parallel_loop3A_87] {strides = array<i32>} : memref<125x128xf32, #tpu.memory_space<vmem>>, vector<16xf32>,
          %parallel_loop3A_89 = arith.mulf %parallel_loop3A_88, %parallel_loop3A_85 : vector<16xf32>
          %parallel_loop3A_90 = arith.index_cast %parallel_loop3A_82 : i32 to index
          %parallel_loop3A_91 = arith.constant 0 : index
          %parallel_loop3A_92 = tpu.vector_load %arg13[%parallel_loop3A_90, %parallel_loop3A_91] {strides = array<i32>} : memref<125x128xf32, #tpu.memory_space<vmem>>, vector<16xf32>,
          tpu.vector_store %arg13[%parallel_loop3A_90, %parallel_loop3A_91], %parallel_loop3A_89 {strides = array<i32>} : memref<125x128xf32, #tpu.memory_space<vmem>>, vector<16xf32>,
          %parallel_loop3A_93 = arith.index_cast %parallel_loop3A_82 : i32 to index
          %parallel_loop3A_94 = arith.constant 16 : index
          %parallel_loop3A_95 = tpu.vector_load %arg13[%parallel_loop3A_93, %parallel_loop3A_94] {strides = array<i32>} : memref<125x128xf32, #tpu.memory_space<vmem>>, vector<16xf32>,
          %parallel_loop3A_96 = arith.mulf %parallel_loop3A_95, %parallel_loop3A_85 : vector<16xf32>
          %parallel_loop3A_97 = arith.index_cast %parallel_loop3A_82 : i32 to index
          %parallel_loop3A_98 = arith.constant 16 : index
          %parallel_loop3A_99 = tpu.vector_load %arg13[%parallel_loop3A_97, %parallel_loop3A_98] {strides = array<i32>} : memref<125x128xf32, #tpu.memory_space<vmem>>, vector<16xf32>,
          tpu.vector_store %arg13[%parallel_loop3A_97, %parallel_loop3A_98], %parallel_loop3A_96 {strides = array<i32>} : memref<125x128xf32, #tpu.memory_space<vmem>>, vector<16xf32>,
          %parallel_loop3A_100 = arith.index_cast %parallel_loop3A_82 : i32 to index
          %parallel_loop3A_101 = arith.constant 32 : index
          %parallel_loop3A_102 = tpu.vector_load %arg13[%parallel_loop3A_100, %parallel_loop3A_101] {strides = array<i32>} : memref<125x128xf32, #tpu.memory_space<vmem>>, vector<16xf32>,
          %parallel_loop3A_103 = arith.mulf %parallel_loop3A_102, %parallel_loop3A_85 : vector<16xf32>
          %parallel_loop3A_104 = arith.index_cast %parallel_loop3A_82 : i32 to index
          %parallel_loop3A_105 = arith.constant 32 : index
          %parallel_loop3A_106 = tpu.vector_load %arg13[%parallel_loop3A_104, %parallel_loop3A_105] {strides = array<i32>} : memref<125x128xf32, #tpu.memory_space<vmem>>, vector<16xf32>,
          tpu.vector_store %arg13[%parallel_loop3A_104, %parallel_loop3A_105], %parallel_loop3A_103 {strides = array<i32>} : memref<125x128xf32, #tpu.memory_space<vmem>>, vector<16xf32>,
          %parallel_loop3A_107 = arith.index_cast %parallel_loop3A_82 : i32 to index
          %parallel_loop3A_108 = arith.constant 48 : index
          %parallel_loop3A_109 = tpu.vector_load %arg13[%parallel_loop3A_107, %parallel_loop3A_108] {strides = array<i32>} : memref<125x128xf32, #tpu.memory_space<vmem>>, vector<16xf32>,
          %parallel_loop3A_110 = arith.mulf %parallel_loop3A_109, %parallel_loop3A_85 : vector<16xf32>
          %parallel_loop3A_111 = arith.index_cast %parallel_loop3A_82 : i32 to index
          %parallel_loop3A_112 = arith.constant 48 : index
          %parallel_loop3A_113 = tpu.vector_load %arg13[%parallel_loop3A_111, %parallel_loop3A_112] {strides = array<i32>} : memref<125x128xf32, #tpu.memory_space<vmem>>, vector<16xf32>,
          tpu.vector_store %arg13[%parallel_loop3A_111, %parallel_loop3A_112], %parallel_loop3A_110 {strides = array<i32>} : memref<125x128xf32, #tpu.memory_space<vmem>>, vector<16xf32>,
          %parallel_loop3A_114 = arith.index_cast %parallel_loop3A_82 : i32 to index
          %parallel_loop3A_115 = arith.constant 64 : index
          %parallel_loop3A_116 = tpu.vector_load %arg13[%parallel_loop3A_114, %parallel_loop3A_115] {strides = array<i32>} : memref<125x128xf32, #tpu.memory_space<vmem>>, vector<16xf32>,
          %parallel_loop3A_117 = arith.mulf %parallel_loop3A_116, %parallel_loop3A_85 : vector<16xf32>
          %parallel_loop3A_118 = arith.index_cast %parallel_loop3A_82 : i32 to index
          %parallel_loop3A_119 = arith.constant 64 : index
          %parallel_loop3A_120 = tpu.vector_load %arg13[%parallel_loop3A_118, %parallel_loop3A_119] {strides = array<i32>} : memref<125x128xf32, #tpu.memory_space<vmem>>, vector<16xf32>,
          tpu.vector_store %arg13[%parallel_loop3A_118, %parallel_loop3A_119], %parallel_loop3A_117 {strides = array<i32>} : memref<125x128xf32, #tpu.memory_space<vmem>>, vector<16xf32>,
          %parallel_loop3A_121 = arith.index_cast %parallel_loop3A_82 : i32 to index
          %parallel_loop3A_122 = arith.constant 80 : index
          %parallel_loop3A_123 = tpu.vector_load %arg13[%parallel_loop3A_121, %parallel_loop3A_122] {strides = array<i32>} : memref<125x128xf32, #tpu.memory_space<vmem>>, vector<16xf32>,
          %parallel_loop3A_124 = arith.mulf %parallel_loop3A_123, %parallel_loop3A_85 : vector<16xf32>
          %parallel_loop3A_125 = arith.index_cast %parallel_loop3A_82 : i32 to index
          %parallel_loop3A_126 = arith.constant 80 : index
          %parallel_loop3A_127 = tpu.vector_load %arg13[%parallel_loop3A_125, %parallel_loop3A_126] {strides = array<i32>} : memref<125x128xf32, #tpu.memory_space<vmem>>, vector<16xf32>,
          tpu.vector_store %arg13[%parallel_loop3A_125, %parallel_loop3A_126], %parallel_loop3A_124 {strides = array<i32>} : memref<125x128xf32, #tpu.memory_space<vmem>>, vector<16xf32>,
          %parallel_loop3A_128 = arith.index_cast %parallel_loop3A_82 : i32 to index
          %parallel_loop3A_129 = arith.constant 96 : index
          %parallel_loop3A_130 = tpu.vector_load %arg13[%parallel_loop3A_128, %parallel_loop3A_129] {strides = array<i32>} : memref<125x128xf32, #tpu.memory_space<vmem>>, vector<16xf32>,
          %parallel_loop3A_131 = arith.mulf %parallel_loop3A_130, %parallel_loop3A_85 : vector<16xf32>
          %parallel_loop3A_132 = arith.index_cast %parallel_loop3A_82 : i32 to index
          %parallel_loop3A_133 = arith.constant 96 : index
          %parallel_loop3A_134 = tpu.vector_load %arg13[%parallel_loop3A_132, %parallel_loop3A_133] {strides = array<i32>} : memref<125x128xf32, #tpu.memory_space<vmem>>, vector<16xf32>,
          tpu.vector_store %arg13[%parallel_loop3A_132, %parallel_loop3A_133], %parallel_loop3A_131 {strides = array<i32>} : memref<125x128xf32, #tpu.memory_space<vmem>>, vector<16xf32>,
          %parallel_loop3A_135 = arith.index_cast %parallel_loop3A_82 : i32 to index
          %parallel_loop3A_136 = arith.constant 112 : index
          %parallel_loop3A_137 = tpu.vector_load %arg13[%parallel_loop3A_135, %parallel_loop3A_136] {strides = array<i32>} : memref<125x128xf32, #tpu.memory_space<vmem>>, vector<16xf32>,
          %parallel_loop3A_138 = arith.mulf %parallel_loop3A_137, %parallel_loop3A_85 : vector<16xf32>
          %parallel_loop3A_139 = arith.index_cast %parallel_loop3A_82 : i32 to index
          %parallel_loop3A_140 = arith.constant 112 : index
          %parallel_loop3A_141 = tpu.vector_load %arg13[%parallel_loop3A_139, %parallel_loop3A_140] {strides = array<i32>} : memref<125x128xf32, #tpu.memory_space<vmem>>, vector<16xf32>,
          tpu.vector_store %arg13[%parallel_loop3A_139, %parallel_loop3A_140], %parallel_loop3A_138 {strides = array<i32>} : memref<125x128xf32, #tpu.memory_space<vmem>>, vector<16xf32>,
        } {sc.loop_unroll_factor = 8 : i64, sc.parallel_access}
        "tpu.region"() ({
          %run_scoped3A = tpu.sem_alloc : memref<!tpu.dma_semaphore, #tpu.memory_space<semaphore_mem>>
          %dma_start3A_82 = arith.constant 0 : i32
          %dma_start3A_83 = tpu.memref_slice %arg10[%add3A_61, %dma_start3A_82] : memref<40x125xi32, #tpu.memory_space<vmem>> -> memref<1x125xi32, #tpu.memory_space<vmem>>
          %dma_start3A_84 = tpu.memref_squeeze %dma_start3A_83 : memref<1x125xi32, #tpu.memory_space<vmem>> -> memref<125xi32, #tpu.memory_space<vmem>>
          %dma_start3A_85 = arith.constant 0 : i32
          %dma_start3A_86 = arith.constant 0 : i32
          %dma_start3A_87 = tpu.memref_slice %arg8[%dma_start3A_85, %dma_start3A_86] : memref<10240x128xf32, #tpu.memory_space<vmem_shared>> -> memref<10240x128xf32, #tpu.memory_space<vmem_shared>>
          tpu.enqueue_indirect_dma source(%arg13 : memref<125x128xf32, #tpu.memory_space<vmem>>) target(%dma_start3A_87 : memref<10240x128xf32, #tpu.memory_space<vmem_shared>>) offsets(%dma_start3A_84 : memref<125xi32, #tpu.memory_space<vmem>>) semaphore(%run_scoped3A : memref<!tpu.dma_semaphore, #tpu.memory_space<semaphore_mem>>) {add = true}
          %dma_wait3A_88 = arith.constant 0 : i32
          %dma_wait3A_89 = tpu.memref_slice %arg10[%add3A_61, %dma_wait3A_88] : memref<40x125xi32, #tpu.memory_space<vmem>> -> memref<1x125xi32, #tpu.memory_space<vmem>>
          %dma_wait3A_90 = tpu.memref_squeeze %dma_wait3A_89 : memref<1x125xi32, #tpu.memory_space<vmem>> -> memref<125xi32, #tpu.memory_space<vmem>>
          %dma_wait3A_91 = arith.constant 0 : i32
          %dma_wait3A_92 = arith.constant 0 : i32
          %dma_wait3A_93 = tpu.memref_slice %arg8[%dma_wait3A_91, %dma_wait3A_92] : memref<10240x128xf32, #tpu.memory_space<vmem_shared>> -> memref<10240x128xf32, #tpu.memory_space<vmem_shared>>
          tpu.wait_indirect_dma semaphore(%run_scoped3A : memref<!tpu.dma_semaphore, #tpu.memory_space<semaphore_mem>>) src(%arg13 : memref<125x128xf32, #tpu.memory_space<vmem>>) dst(%dma_wait3A_93 : memref<10240x128xf32, #tpu.memory_space<vmem_shared>>)
          tpu.yield
        }) : () -> ()
      }
      %scan3A_33 = arith.constant 20 : i32
    }
    %scan3A_4 = arith.constant 2 : i32
    %barrier3A_5 = arith.constant 0 : index
    tpu.barrier barrier_id(%barrier3A_5)
    %mul3A_6 = arith.constant 640 : i32
    %mul3A_7 = arith.muli %arg1, %mul3A_6 : i32
    %mul3A_8 = arith.constant 640 : i32
    %mul3A_9 = arith.muli %arg1, %mul3A_8 : i32
    "tpu.region"() ({
      %run_scoped3A = tpu.sem_alloc : memref<!tpu.dma_semaphore, #tpu.memory_space<semaphore_mem>>
      %dma_start3A = arith.constant 0 : i32
      %dma_start3A_10 = arith.constant 0 : i32
      %dma_start3A_11 = tpu.memref_slice %arg7[%arg0, %dma_start3A, %dma_start3A_10] : memref<2x10240x128xf32, #tpu.memory_space<hbm>> -> memref<1x10240x128xf32, #tpu.memory_space<hbm>>
      %dma_start3A_12 = tpu.memref_squeeze %dma_start3A_11 : memref<1x10240x128xf32, #tpu.memory_space<hbm>> -> memref<10240x128xf32, #tpu.memory_space<hbm>>
      %dma_start3A_13 = arith.constant 0 : i32
      %dma_start3A_14 = tpu.memref_slice %dma_start3A_12[%mul3A_9, %dma_start3A_13] : memref<10240x128xf32, #tpu.memory_space<hbm>> -> memref<640x128xf32, #tpu.memory_space<hbm>>
      %dma_start3A_15 = arith.constant 0 : i32
      %dma_start3A_16 = tpu.memref_slice %arg8[%mul3A_7, %dma_start3A_15] : memref<10240x128xf32, #tpu.memory_space<vmem_shared>> -> memref<640x128xf32, #tpu.memory_space<vmem_shared>>
      tpu.enqueue_dma source(%dma_start3A_16 : memref<640x128xf32, #tpu.memory_space<vmem_shared>>) target(%dma_start3A_14 : memref<640x128xf32, #tpu.memory_space<hbm>>) target_semaphore(%run_scoped3A : memref<!tpu.dma_semaphore, #tpu.memory_space<semaphore_mem>>)
      %dma_wait3A = arith.constant 0 : i32
      %dma_wait3A_17 = arith.constant 0 : i32
      %dma_wait3A_18 = tpu.memref_slice %arg7[%arg0, %dma_wait3A, %dma_wait3A_17] : memref<2x10240x128xf32, #tpu.memory_space<hbm>> -> memref<1x10240x128xf32, #tpu.memory_space<hbm>>
      %dma_wait3A_19 = tpu.memref_squeeze %dma_wait3A_18 : memref<1x10240x128xf32, #tpu.memory_space<hbm>> -> memref<10240x128xf32, #tpu.memory_space<hbm>>
      %dma_wait3A_20 = arith.constant 0 : i32
      %dma_wait3A_21 = tpu.memref_slice %dma_wait3A_19[%mul3A_9, %dma_wait3A_20] : memref<10240x128xf32, #tpu.memory_space<hbm>> -> memref<640x128xf32, #tpu.memory_space<hbm>>
      %dma_wait3A_22 = arith.constant 0 : i32
      %dma_wait3A_23 = tpu.memref_slice %arg8[%mul3A_7, %dma_wait3A_22] : memref<10240x128xf32, #tpu.memory_space<vmem_shared>> -> memref<640x128xf32, #tpu.memory_space<vmem_shared>>
      tpu.wait_dma2 semaphore(%run_scoped3A : memref<!tpu.dma_semaphore, #tpu.memory_space<semaphore_mem>>) src(%dma_wait3A_23 : memref<640x128xf32, #tpu.memory_space<vmem_shared>>) dst(%dma_wait3A_21 : memref<640x128xf32, #tpu.memory_space<hbm>>)
      tpu.yield
    }) : () -> ()
    return
  }
}

#map = affine_map<(d0, d1) -> (0, 0)>
#map1 = affine_map<(d0, d1) -> (0, 0, 0)>
module attributes {stable_mosaic.version = 14 : i64} {
  func.func @k(%arg0: i32, %arg1: i32, %arg2: memref<1280x125xi32, #tpu.memory_space<hbm>>, %arg3: memref<1280x125xf32, #tpu.memory_space<hbm>>, %arg4: memref<640x128xf32, #tpu.memory_space<hbm>>, %arg5: memref<2x10240x128xf32, #tpu.memory_space<hbm>>, %arg6: memref<10240x128xf32, #tpu.memory_space<vmem_shared>>, %arg7: memref<40x125xi32, #tpu.memory_space<vmem>>, %arg8: memref<40x125xf32, #tpu.memory_space<vmem>>, %arg9: memref<125x128xf32, #tpu.memory_space<vmem>>, %arg10: memref<125x128xf32, #tpu.memory_space<vmem>>, %arg11: memref<!tpu.dma_semaphore, #tpu.memory_space<semaphore_mem>>, %arg12: memref<!tpu.dma_semaphore, #tpu.memory_space<semaphore_mem>>) attributes {dimension_semantics = [#tpu.dimension_semantics<core_parallel>, #tpu.dimension_semantics<subcore_parallel>], iteration_bounds = array<i64: 2, 16>, scalar_prefetch = 0 : i64, scratch_operands = 7 : i64, tpu.core_type = #tpu.core_type<sc_vector_subcore>, window_params = [{transform_indices = #map}, {transform_indices = #map}, {transform_indices = #map}, {transform_indices = #map1}]} {
    %mul3A = arith.constant 640 : i32
    %mul3A_0 = arith.muli %arg1, %mul3A : i32
    "tpu.region"() ({
      %run_scoped3A = tpu.sem_alloc : memref<!tpu.dma_semaphore, #tpu.memory_space<semaphore_mem>>
      %dma_start3A = arith.constant 0 : i32
      %dma_start3A_19 = tpu.memref_slice %arg6[%mul3A_0, %dma_start3A] : memref<10240x128xf32, #tpu.memory_space<vmem_shared>> -> memref<640x128xf32, #tpu.memory_space<vmem_shared>>
      tpu.enqueue_dma source(%arg4 : memref<640x128xf32, #tpu.memory_space<hbm>>) target(%dma_start3A_19 : memref<640x128xf32, #tpu.memory_space<vmem_shared>>) target_semaphore(%run_scoped3A : memref<!tpu.dma_semaphore, #tpu.memory_space<semaphore_mem>>)
      %dma_wait3A = arith.constant 0 : i32
      %dma_wait3A_20 = tpu.memref_slice %arg6[%mul3A_0, %dma_wait3A] : memref<10240x128xf32, #tpu.memory_space<vmem_shared>> -> memref<640x128xf32, #tpu.memory_space<vmem_shared>>
      tpu.wait_dma2 semaphore(%run_scoped3A : memref<!tpu.dma_semaphore, #tpu.memory_space<semaphore_mem>>) src(%arg4 : memref<640x128xf32, #tpu.memory_space<hbm>>) dst(%dma_wait3A_20 : memref<640x128xf32, #tpu.memory_space<vmem_shared>>)
      tpu.yield
    }) : () -> ()
    %mul3A_1 = arith.constant 640 : i32
    %mul3A_2 = arith.muli %arg0, %mul3A_1 : i32
    %mul3A_3 = arith.constant 40 : i32
    %mul3A_4 = arith.muli %arg1, %mul3A_3 : i32
    %add3A = arith.addi %mul3A_2, %mul3A_4 : i32
    "tpu.region"() ({
      %run_scoped3A = tpu.sem_alloc : memref<!tpu.dma_semaphore, #tpu.memory_space<semaphore_mem>>
      %dma_start3A = arith.constant 0 : i32
      %dma_start3A_19 = tpu.memref_slice %arg2[%add3A, %dma_start3A] : memref<1280x125xi32, #tpu.memory_space<hbm>> -> memref<40x125xi32, #tpu.memory_space<hbm>>
      %dma_start3A_20 = arith.constant 0 : i32
      %dma_start3A_21 = tpu.memref_slice %arg2[%add3A, %dma_start3A_20] : memref<1280x125xi32, #tpu.memory_space<hbm>> -> memref<40x125xi32, #tpu.memory_space<hbm>>
      tpu.enqueue_dma source(%dma_start3A_21 : memref<40x125xi32, #tpu.memory_space<hbm>>) target(%arg7 : memref<40x125xi32, #tpu.memory_space<vmem>>) target_semaphore(%run_scoped3A : memref<!tpu.dma_semaphore, #tpu.memory_space<semaphore_mem>>)
      %dma_wait3A = arith.constant 0 : i32
      %dma_wait3A_22 = tpu.memref_slice %arg2[%add3A, %dma_wait3A] : memref<1280x125xi32, #tpu.memory_space<hbm>> -> memref<40x125xi32, #tpu.memory_space<hbm>>
      %dma_wait3A_23 = arith.constant 0 : i32
      %dma_wait3A_24 = tpu.memref_slice %arg2[%add3A, %dma_wait3A_23] : memref<1280x125xi32, #tpu.memory_space<hbm>> -> memref<40x125xi32, #tpu.memory_space<hbm>>
      tpu.wait_dma2 semaphore(%run_scoped3A : memref<!tpu.dma_semaphore, #tpu.memory_space<semaphore_mem>>) src(%dma_wait3A_24 : memref<40x125xi32, #tpu.memory_space<hbm>>) dst(%arg7 : memref<40x125xi32, #tpu.memory_space<vmem>>)
      tpu.yield
    }) : () -> ()
    "tpu.region"() ({
      %run_scoped3A = tpu.sem_alloc : memref<!tpu.dma_semaphore, #tpu.memory_space<semaphore_mem>>
      %dma_start3A = arith.constant 0 : i32
      %dma_start3A_19 = tpu.memref_slice %arg3[%add3A, %dma_start3A] : memref<1280x125xf32, #tpu.memory_space<hbm>> -> memref<40x125xf32, #tpu.memory_space<hbm>>
      %dma_start3A_20 = arith.constant 0 : i32
      %dma_start3A_21 = tpu.memref_slice %arg3[%add3A, %dma_start3A_20] : memref<1280x125xf32, #tpu.memory_space<hbm>> -> memref<40x125xf32, #tpu.memory_space<hbm>>
      tpu.enqueue_dma source(%dma_start3A_21 : memref<40x125xf32, #tpu.memory_space<hbm>>) target(%arg8 : memref<40x125xf32, #tpu.memory_space<vmem>>) target_semaphore(%run_scoped3A : memref<!tpu.dma_semaphore, #tpu.memory_space<semaphore_mem>>)
      %dma_wait3A = arith.constant 0 : i32
      %dma_wait3A_22 = tpu.memref_slice %arg3[%add3A, %dma_wait3A] : memref<1280x125xf32, #tpu.memory_space<hbm>> -> memref<40x125xf32, #tpu.memory_space<hbm>>
      %dma_wait3A_23 = arith.constant 0 : i32
      %dma_wait3A_24 = tpu.memref_slice %arg3[%add3A, %dma_wait3A_23] : memref<1280x125xf32, #tpu.memory_space<hbm>> -> memref<40x125xf32, #tpu.memory_space<hbm>>
      tpu.wait_dma2 semaphore(%run_scoped3A : memref<!tpu.dma_semaphore, #tpu.memory_space<semaphore_mem>>) src(%dma_wait3A_24 : memref<40x125xf32, #tpu.memory_space<hbm>>) dst(%arg8 : memref<40x125xf32, #tpu.memory_space<vmem>>)
      tpu.yield
    }) : () -> ()
    %scan3A = arith.constant 0 : i32
    %scan3A_5 = arith.constant 125 : i32
    %scan3A_6 = arith.addi %scan3A, %scan3A_5 : i32
    %scan3A_7 = arith.constant 1 : i32
    scf.for %scan3A_19 = %scan3A to %scan3A_6 step %scan3A_7  : i32 {
      %mul3A_20 = arith.constant 1 : i32
      %mul3A_21 = arith.muli %scan3A_19, %mul3A_20 : i32
      %add3A_22 = arith.constant 0 : i32
      %add3A_23 = arith.addi %add3A_22, %mul3A_21 : i32
      %broadcast_in_dim3A = arith.constant 0.000000e+00 : f32
      %broadcast_in_dim3A_24 = vector.broadcast %broadcast_in_dim3A : f32 to vector<16xf32>
      %swap3A = arith.index_cast %add3A_23 : i32 to index
      %swap3A_25 = arith.constant 16 : index
      %swap3A_26 = tpu.vector_load %arg9[%swap3A, %swap3A_25] {strides = array<i32>} : memref<125x128xf32, #tpu.memory_space<vmem>>, vector<16xf32>,
      tpu.vector_store %arg9[%swap3A, %swap3A_25], %broadcast_in_dim3A_24 {strides = array<i32>} : memref<125x128xf32, #tpu.memory_space<vmem>>, vector<16xf32>,
      %broadcast_in_dim3A_27 = arith.constant 0.000000e+00 : f32
      %broadcast_in_dim3A_28 = vector.broadcast %broadcast_in_dim3A_27 : f32 to vector<16xf32>
      %swap3A_29 = arith.index_cast %add3A_23 : i32 to index
      %swap3A_30 = arith.constant 16 : index
      %swap3A_31 = tpu.vector_load %arg10[%swap3A_29, %swap3A_30] {strides = array<i32>} : memref<125x128xf32, #tpu.memory_space<vmem>>, vector<16xf32>,
      tpu.vector_store %arg10[%swap3A_29, %swap3A_30], %broadcast_in_dim3A_28 {strides = array<i32>} : memref<125x128xf32, #tpu.memory_space<vmem>>, vector<16xf32>,
      %broadcast_in_dim3A_32 = arith.constant 0.000000e+00 : f32
      %broadcast_in_dim3A_33 = vector.broadcast %broadcast_in_dim3A_32 : f32 to vector<16xf32>
      %swap3A_34 = arith.index_cast %add3A_23 : i32 to index
      %swap3A_35 = arith.constant 32 : index
      %swap3A_36 = tpu.vector_load %arg9[%swap3A_34, %swap3A_35] {strides = array<i32>} : memref<125x128xf32, #tpu.memory_space<vmem>>, vector<16xf32>,
      tpu.vector_store %arg9[%swap3A_34, %swap3A_35], %broadcast_in_dim3A_33 {strides = array<i32>} : memref<125x128xf32, #tpu.memory_space<vmem>>, vector<16xf32>,
      %broadcast_in_dim3A_37 = arith.constant 0.000000e+00 : f32
      %broadcast_in_dim3A_38 = vector.broadcast %broadcast_in_dim3A_37 : f32 to vector<16xf32>
      %swap3A_39 = arith.index_cast %add3A_23 : i32 to index
      %swap3A_40 = arith.constant 32 : index
      %swap3A_41 = tpu.vector_load %arg10[%swap3A_39, %swap3A_40] {strides = array<i32>} : memref<125x128xf32, #tpu.memory_space<vmem>>, vector<16xf32>,
      tpu.vector_store %arg10[%swap3A_39, %swap3A_40], %broadcast_in_dim3A_38 {strides = array<i32>} : memref<125x128xf32, #tpu.memory_space<vmem>>, vector<16xf32>,
      %broadcast_in_dim3A_42 = arith.constant 0.000000e+00 : f32
      %broadcast_in_dim3A_43 = vector.broadcast %broadcast_in_dim3A_42 : f32 to vector<16xf32>
      %swap3A_44 = arith.index_cast %add3A_23 : i32 to index
      %swap3A_45 = arith.constant 48 : index
      %swap3A_46 = tpu.vector_load %arg9[%swap3A_44, %swap3A_45] {strides = array<i32>} : memref<125x128xf32, #tpu.memory_space<vmem>>, vector<16xf32>,
      tpu.vector_store %arg9[%swap3A_44, %swap3A_45], %broadcast_in_dim3A_43 {strides = array<i32>} : memref<125x128xf32, #tpu.memory_space<vmem>>, vector<16xf32>,
      %broadcast_in_dim3A_47 = arith.constant 0.000000e+00 : f32
      %broadcast_in_dim3A_48 = vector.broadcast %broadcast_in_dim3A_47 : f32 to vector<16xf32>
      %swap3A_49 = arith.index_cast %add3A_23 : i32 to index
      %swap3A_50 = arith.constant 48 : index
      %swap3A_51 = tpu.vector_load %arg10[%swap3A_49, %swap3A_50] {strides = array<i32>} : memref<125x128xf32, #tpu.memory_space<vmem>>, vector<16xf32>,
      tpu.vector_store %arg10[%swap3A_49, %swap3A_50], %broadcast_in_dim3A_48 {strides = array<i32>} : memref<125x128xf32, #tpu.memory_space<vmem>>, vector<16xf32>,
      %broadcast_in_dim3A_52 = arith.constant 0.000000e+00 : f32
      %broadcast_in_dim3A_53 = vector.broadcast %broadcast_in_dim3A_52 : f32 to vector<16xf32>
      %swap3A_54 = arith.index_cast %add3A_23 : i32 to index
      %swap3A_55 = arith.constant 64 : index
      %swap3A_56 = tpu.vector_load %arg9[%swap3A_54, %swap3A_55] {strides = array<i32>} : memref<125x128xf32, #tpu.memory_space<vmem>>, vector<16xf32>,
      tpu.vector_store %arg9[%swap3A_54, %swap3A_55], %broadcast_in_dim3A_53 {strides = array<i32>} : memref<125x128xf32, #tpu.memory_space<vmem>>, vector<16xf32>,
      %broadcast_in_dim3A_57 = arith.constant 0.000000e+00 : f32
      %broadcast_in_dim3A_58 = vector.broadcast %broadcast_in_dim3A_57 : f32 to vector<16xf32>
      %swap3A_59 = arith.index_cast %add3A_23 : i32 to index
      %swap3A_60 = arith.constant 64 : index
      %swap3A_61 = tpu.vector_load %arg10[%swap3A_59, %swap3A_60] {strides = array<i32>} : memref<125x128xf32, #tpu.memory_space<vmem>>, vector<16xf32>,
      tpu.vector_store %arg10[%swap3A_59, %swap3A_60], %broadcast_in_dim3A_58 {strides = array<i32>} : memref<125x128xf32, #tpu.memory_space<vmem>>, vector<16xf32>,
      %broadcast_in_dim3A_62 = arith.constant 0.000000e+00 : f32
      %broadcast_in_dim3A_63 = vector.broadcast %broadcast_in_dim3A_62 : f32 to vector<16xf32>
      %swap3A_64 = arith.index_cast %add3A_23 : i32 to index
      %swap3A_65 = arith.constant 80 : index
      %swap3A_66 = tpu.vector_load %arg9[%swap3A_64, %swap3A_65] {strides = array<i32>} : memref<125x128xf32, #tpu.memory_space<vmem>>, vector<16xf32>,
      tpu.vector_store %arg9[%swap3A_64, %swap3A_65], %broadcast_in_dim3A_63 {strides = array<i32>} : memref<125x128xf32, #tpu.memory_space<vmem>>, vector<16xf32>,
      %broadcast_in_dim3A_67 = arith.constant 0.000000e+00 : f32
      %broadcast_in_dim3A_68 = vector.broadcast %broadcast_in_dim3A_67 : f32 to vector<16xf32>
      %swap3A_69 = arith.index_cast %add3A_23 : i32 to index
      %swap3A_70 = arith.constant 80 : index
      %swap3A_71 = tpu.vector_load %arg10[%swap3A_69, %swap3A_70] {strides = array<i32>} : memref<125x128xf32, #tpu.memory_space<vmem>>, vector<16xf32>,
      tpu.vector_store %arg10[%swap3A_69, %swap3A_70], %broadcast_in_dim3A_68 {strides = array<i32>} : memref<125x128xf32, #tpu.memory_space<vmem>>, vector<16xf32>,
      %broadcast_in_dim3A_72 = arith.constant 0.000000e+00 : f32
      %broadcast_in_dim3A_73 = vector.broadcast %broadcast_in_dim3A_72 : f32 to vector<16xf32>
      %swap3A_74 = arith.index_cast %add3A_23 : i32 to index
      %swap3A_75 = arith.constant 96 : index
      %swap3A_76 = tpu.vector_load %arg9[%swap3A_74, %swap3A_75] {strides = array<i32>} : memref<125x128xf32, #tpu.memory_space<vmem>>, vector<16xf32>,
      tpu.vector_store %arg9[%swap3A_74, %swap3A_75], %broadcast_in_dim3A_73 {strides = array<i32>} : memref<125x128xf32, #tpu.memory_space<vmem>>, vector<16xf32>,
      %broadcast_in_dim3A_77 = arith.constant 0.000000e+00 : f32
      %broadcast_in_dim3A_78 = vector.broadcast %broadcast_in_dim3A_77 : f32 to vector<16xf32>
      %swap3A_79 = arith.index_cast %add3A_23 : i32 to index
      %swap3A_80 = arith.constant 96 : index
      %swap3A_81 = tpu.vector_load %arg10[%swap3A_79, %swap3A_80] {strides = array<i32>} : memref<125x128xf32, #tpu.memory_space<vmem>>, vector<16xf32>,
      tpu.vector_store %arg10[%swap3A_79, %swap3A_80], %broadcast_in_dim3A_78 {strides = array<i32>} : memref<125x128xf32, #tpu.memory_space<vmem>>, vector<16xf32>,
      %broadcast_in_dim3A_82 = arith.constant 0.000000e+00 : f32
      %broadcast_in_dim3A_83 = vector.broadcast %broadcast_in_dim3A_82 : f32 to vector<16xf32>
      %swap3A_84 = arith.index_cast %add3A_23 : i32 to index
      %swap3A_85 = arith.constant 112 : index
      %swap3A_86 = tpu.vector_load %arg9[%swap3A_84, %swap3A_85] {strides = array<i32>} : memref<125x128xf32, #tpu.memory_space<vmem>>, vector<16xf32>,
      tpu.vector_store %arg9[%swap3A_84, %swap3A_85], %broadcast_in_dim3A_83 {strides = array<i32>} : memref<125x128xf32, #tpu.memory_space<vmem>>, vector<16xf32>,
      %broadcast_in_dim3A_87 = arith.constant 0.000000e+00 : f32
      %broadcast_in_dim3A_88 = vector.broadcast %broadcast_in_dim3A_87 : f32 to vector<16xf32>
      %swap3A_89 = arith.index_cast %add3A_23 : i32 to index
      %swap3A_90 = arith.constant 112 : index
      %swap3A_91 = tpu.vector_load %arg10[%swap3A_89, %swap3A_90] {strides = array<i32>} : memref<125x128xf32, #tpu.memory_space<vmem>>, vector<16xf32>,
      tpu.vector_store %arg10[%swap3A_89, %swap3A_90], %broadcast_in_dim3A_88 {strides = array<i32>} : memref<125x128xf32, #tpu.memory_space<vmem>>, vector<16xf32>,
    }
    %scan3A_8 = arith.constant 125 : i32
    %barrier3A = arith.constant 0 : index
    tpu.barrier barrier_id(%barrier3A)
    %scan3A_9 = arith.constant 0 : i32
    %scan3A_10 = arith.constant 20 : i32
    %scan3A_11 = arith.addi %scan3A_9, %scan3A_10 : i32
    %scan3A_12 = arith.constant 1 : i32
    scf.for %scan3A_19 = %scan3A_9 to %scan3A_11 step %scan3A_12  : i32 {
      %mul3A_20 = arith.constant 1 : i32
      %mul3A_21 = arith.muli %scan3A_19, %mul3A_20 : i32
      %add3A_22 = arith.constant 0 : i32
      %add3A_23 = arith.addi %add3A_22, %mul3A_21 : i32
      %mul3A_24 = arith.constant 2 : i32
      %mul3A_25 = arith.muli %mul3A_24, %add3A_23 : i32
      %add3A_26 = arith.constant 0 : i32
      %add3A_27 = arith.addi %mul3A_25, %add3A_26 : i32
      %parallel_loop3A = arith.constant 0 : i32
      %parallel_loop3A_28 = arith.constant 125 : i32
      %parallel_loop3A_29 = arith.constant 1 : i32
      scf.for %parallel_loop3A_37 = %parallel_loop3A to %parallel_loop3A_28 step %parallel_loop3A_29  : i32 {
        %parallel_loop3A_38 = vector.broadcast %add3A_27 : i32 to vector<16xi32>
        %parallel_loop3A_39 = vector.broadcast %parallel_loop3A_37 : i32 to vector<16xi32>
        %parallel_loop3A_40 = tpu.vector_load_idx %arg8[%parallel_loop3A_38, %parallel_loop3A_39] : memref<40x125xf32, #tpu.memory_space<vmem>>[vector<16xi32>, vector<16xi32>], vector<16xf32>,
        %parallel_loop3A_41 = arith.index_cast %parallel_loop3A_37 : i32 to index
        %parallel_loop3A_42 = arith.constant 0 : index
        %parallel_loop3A_43 = tpu.vector_load %arg9[%parallel_loop3A_41, %parallel_loop3A_42] {strides = array<i32>} : memref<125x128xf32, #tpu.memory_space<vmem>>, vector<16xf32>,
        tpu.vector_store %arg9[%parallel_loop3A_41, %parallel_loop3A_42], %parallel_loop3A_40 {strides = array<i32>} : memref<125x128xf32, #tpu.memory_space<vmem>>, vector<16xf32>,
      } {sc.loop_unroll_factor = 8 : i64, sc.parallel_access}
      "tpu.region"() ({
        %run_scoped3A = tpu.sem_alloc : memref<!tpu.dma_semaphore, #tpu.memory_space<semaphore_mem>>
        %dma_start3A = arith.constant 0 : i32
        %dma_start3A_37 = tpu.memref_slice %arg7[%add3A_27, %dma_start3A] : memref<40x125xi32, #tpu.memory_space<vmem>> -> memref<1x125xi32, #tpu.memory_space<vmem>>
        %dma_start3A_38 = tpu.memref_squeeze %dma_start3A_37 : memref<1x125xi32, #tpu.memory_space<vmem>> -> memref<125xi32, #tpu.memory_space<vmem>>
        %dma_start3A_39 = arith.constant 0 : i32
        %dma_start3A_40 = arith.constant 0 : i32
        %dma_start3A_41 = tpu.memref_slice %arg6[%dma_start3A_39, %dma_start3A_40] : memref<10240x128xf32, #tpu.memory_space<vmem_shared>> -> memref<10240x128xf32, #tpu.memory_space<vmem_shared>>
        tpu.enqueue_indirect_dma source(%arg9 : memref<125x128xf32, #tpu.memory_space<vmem>>) target(%dma_start3A_41 : memref<10240x128xf32, #tpu.memory_space<vmem_shared>>) offsets(%dma_start3A_38 : memref<125xi32, #tpu.memory_space<vmem>>) semaphore(%run_scoped3A : memref<!tpu.dma_semaphore, #tpu.memory_space<semaphore_mem>>) {add = true}
        %dma_wait3A = arith.constant 0 : i32
        %dma_wait3A_42 = tpu.memref_slice %arg7[%add3A_27, %dma_wait3A] : memref<40x125xi32, #tpu.memory_space<vmem>> -> memref<1x125xi32, #tpu.memory_space<vmem>>
        %dma_wait3A_43 = tpu.memref_squeeze %dma_wait3A_42 : memref<1x125xi32, #tpu.memory_space<vmem>> -> memref<125xi32, #tpu.memory_space<vmem>>
        %dma_wait3A_44 = arith.constant 0 : i32
        %dma_wait3A_45 = arith.constant 0 : i32
        %dma_wait3A_46 = tpu.memref_slice %arg6[%dma_wait3A_44, %dma_wait3A_45] : memref<10240x128xf32, #tpu.memory_space<vmem_shared>> -> memref<10240x128xf32, #tpu.memory_space<vmem_shared>>
        tpu.wait_indirect_dma semaphore(%run_scoped3A : memref<!tpu.dma_semaphore, #tpu.memory_space<semaphore_mem>>) src(%arg9 : memref<125x128xf32, #tpu.memory_space<vmem>>) dst(%dma_wait3A_46 : memref<10240x128xf32, #tpu.memory_space<vmem_shared>>)
        tpu.yield
      }) : () -> ()
      %mul3A_30 = arith.constant 2 : i32
      %mul3A_31 = arith.muli %mul3A_30, %add3A_23 : i32
      %add3A_32 = arith.constant 1 : i32
      %add3A_33 = arith.addi %mul3A_31, %add3A_32 : i32
      %parallel_loop3A_34 = arith.constant 0 : i32
      %parallel_loop3A_35 = arith.constant 125 : i32
      %parallel_loop3A_36 = arith.constant 1 : i32
      scf.for %parallel_loop3A_37 = %parallel_loop3A_34 to %parallel_loop3A_35 step %parallel_loop3A_36  : i32 {
        %parallel_loop3A_38 = vector.broadcast %add3A_33 : i32 to vector<16xi32>
        %parallel_loop3A_39 = vector.broadcast %parallel_loop3A_37 : i32 to vector<16xi32>
        %parallel_loop3A_40 = tpu.vector_load_idx %arg8[%parallel_loop3A_38, %parallel_loop3A_39] : memref<40x125xf32, #tpu.memory_space<vmem>>[vector<16xi32>, vector<16xi32>], vector<16xf32>,
        %parallel_loop3A_41 = arith.index_cast %parallel_loop3A_37 : i32 to index
        %parallel_loop3A_42 = arith.constant 0 : index
        %parallel_loop3A_43 = tpu.vector_load %arg10[%parallel_loop3A_41, %parallel_loop3A_42] {strides = array<i32>} : memref<125x128xf32, #tpu.memory_space<vmem>>, vector<16xf32>,
        tpu.vector_store %arg10[%parallel_loop3A_41, %parallel_loop3A_42], %parallel_loop3A_40 {strides = array<i32>} : memref<125x128xf32, #tpu.memory_space<vmem>>, vector<16xf32>,
      } {sc.loop_unroll_factor = 8 : i64, sc.parallel_access}
      "tpu.region"() ({
        %run_scoped3A = tpu.sem_alloc : memref<!tpu.dma_semaphore, #tpu.memory_space<semaphore_mem>>
        %dma_start3A = arith.constant 0 : i32
        %dma_start3A_37 = tpu.memref_slice %arg7[%add3A_33, %dma_start3A] : memref<40x125xi32, #tpu.memory_space<vmem>> -> memref<1x125xi32, #tpu.memory_space<vmem>>
        %dma_start3A_38 = tpu.memref_squeeze %dma_start3A_37 : memref<1x125xi32, #tpu.memory_space<vmem>> -> memref<125xi32, #tpu.memory_space<vmem>>
        %dma_start3A_39 = arith.constant 0 : i32
        %dma_start3A_40 = arith.constant 0 : i32
        %dma_start3A_41 = tpu.memref_slice %arg6[%dma_start3A_39, %dma_start3A_40] : memref<10240x128xf32, #tpu.memory_space<vmem_shared>> -> memref<10240x128xf32, #tpu.memory_space<vmem_shared>>
        tpu.enqueue_indirect_dma source(%arg10 : memref<125x128xf32, #tpu.memory_space<vmem>>) target(%dma_start3A_41 : memref<10240x128xf32, #tpu.memory_space<vmem_shared>>) offsets(%dma_start3A_38 : memref<125xi32, #tpu.memory_space<vmem>>) semaphore(%run_scoped3A : memref<!tpu.dma_semaphore, #tpu.memory_space<semaphore_mem>>) {add = true}
        %dma_wait3A = arith.constant 0 : i32
        %dma_wait3A_42 = tpu.memref_slice %arg7[%add3A_33, %dma_wait3A] : memref<40x125xi32, #tpu.memory_space<vmem>> -> memref<1x125xi32, #tpu.memory_space<vmem>>
        %dma_wait3A_43 = tpu.memref_squeeze %dma_wait3A_42 : memref<1x125xi32, #tpu.memory_space<vmem>> -> memref<125xi32, #tpu.memory_space<vmem>>
        %dma_wait3A_44 = arith.constant 0 : i32
        %dma_wait3A_45 = arith.constant 0 : i32
        %dma_wait3A_46 = tpu.memref_slice %arg6[%dma_wait3A_44, %dma_wait3A_45] : memref<10240x128xf32, #tpu.memory_space<vmem_shared>> -> memref<10240x128xf32, #tpu.memory_space<vmem_shared>>
        tpu.wait_indirect_dma semaphore(%run_scoped3A : memref<!tpu.dma_semaphore, #tpu.memory_space<semaphore_mem>>) src(%arg10 : memref<125x128xf32, #tpu.memory_space<vmem>>) dst(%dma_wait3A_46 : memref<10240x128xf32, #tpu.memory_space<vmem_shared>>)
        tpu.yield
      }) : () -> ()
    }
    %scan3A_13 = arith.constant 20 : i32
    %barrier3A_14 = arith.constant 0 : index
    tpu.barrier barrier_id(%barrier3A_14)
    %mul3A_15 = arith.constant 640 : i32
    %mul3A_16 = arith.muli %arg1, %mul3A_15 : i32
    %mul3A_17 = arith.constant 640 : i32
    %mul3A_18 = arith.muli %arg1, %mul3A_17 : i32
    "tpu.region"() ({
      %run_scoped3A = tpu.sem_alloc : memref<!tpu.dma_semaphore, #tpu.memory_space<semaphore_mem>>
      %dma_start3A = arith.constant 0 : i32
      %dma_start3A_19 = arith.constant 0 : i32
      %dma_start3A_20 = tpu.memref_slice %arg5[%arg0, %dma_start3A, %dma_start3A_19] : memref<2x10240x128xf32, #tpu.memory_space<hbm>> -> memref<1x10240x128xf32, #tpu.memory_space<hbm>>
      %dma_start3A_21 = tpu.memref_squeeze %dma_start3A_20 : memref<1x10240x128xf32, #tpu.memory_space<hbm>> -> memref<10240x128xf32, #tpu.memory_space<hbm>>
      %dma_start3A_22 = arith.constant 0 : i32
      %dma_start3A_23 = tpu.memref_slice %dma_start3A_21[%mul3A_18, %dma_start3A_22] : memref<10240x128xf32, #tpu.memory_space<hbm>> -> memref<640x128xf32, #tpu.memory_space<hbm>>
      %dma_start3A_24 = arith.constant 0 : i32
      %dma_start3A_25 = tpu.memref_slice %arg6[%mul3A_16, %dma_start3A_24] : memref<10240x128xf32, #tpu.memory_space<vmem_shared>> -> memref<640x128xf32, #tpu.memory_space<vmem_shared>>
      tpu.enqueue_dma source(%dma_start3A_25 : memref<640x128xf32, #tpu.memory_space<vmem_shared>>) target(%dma_start3A_23 : memref<640x128xf32, #tpu.memory_space<hbm>>) target_semaphore(%run_scoped3A : memref<!tpu.dma_semaphore, #tpu.memory_space<semaphore_mem>>)
      %dma_wait3A = arith.constant 0 : i32
      %dma_wait3A_26 = arith.constant 0 : i32
      %dma_wait3A_27 = tpu.memref_slice %arg5[%arg0, %dma_wait3A, %dma_wait3A_26] : memref<2x10240x128xf32, #tpu.memory_space<hbm>> -> memref<1x10240x128xf32, #tpu.memory_space<hbm>>
      %dma_wait3A_28 = tpu.memref_squeeze %dma_wait3A_27 : memref<1x10240x128xf32, #tpu.memory_space<hbm>> -> memref<10240x128xf32, #tpu.memory_space<hbm>>
      %dma_wait3A_29 = arith.constant 0 : i32
      %dma_wait3A_30 = tpu.memref_slice %dma_wait3A_28[%mul3A_18, %dma_wait3A_29] : memref<10240x128xf32, #tpu.memory_space<hbm>> -> memref<640x128xf32, #tpu.memory_space<hbm>>
      %dma_wait3A_31 = arith.constant 0 : i32
      %dma_wait3A_32 = tpu.memref_slice %arg6[%mul3A_16, %dma_wait3A_31] : memref<10240x128xf32, #tpu.memory_space<vmem_shared>> -> memref<640x128xf32, #tpu.memory_space<vmem_shared>>
      tpu.wait_dma2 semaphore(%run_scoped3A : memref<!tpu.dma_semaphore, #tpu.memory_space<semaphore_mem>>) src(%dma_wait3A_32 : memref<640x128xf32, #tpu.memory_space<vmem_shared>>) dst(%dma_wait3A_30 : memref<640x128xf32, #tpu.memory_space<hbm>>)
      tpu.yield
    }) : () -> ()
    return
  }
}

#map = affine_map<(d0, d1) -> (0, 0, 0)>
#map1 = affine_map<(d0, d1) -> (0, 0)>
module attributes {stable_mosaic.version = 14 : i64} {
  func.func @k(%arg0: i32, %arg1: i32, %arg2: memref<2x10240x128xf32, #tpu.memory_space<hbm>>, %arg3: memref<1280x125xi32, #tpu.memory_space<hbm>>, %arg4: memref<1280x125xi32, #tpu.memory_space<hbm>>, %arg5: memref<1280x125xf32, #tpu.memory_space<hbm>>, %arg6: memref<640x128xf32, #tpu.memory_space<hbm>>, %arg7: memref<2x10240x128xf32, #tpu.memory_space<hbm>>, %arg8: memref<10240x128xf32, #tpu.memory_space<vmem_shared>>, %arg9: memref<40x125xi32, #tpu.memory_space<vmem>>, %arg10: memref<40x125xi32, #tpu.memory_space<vmem>>, %arg11: memref<40x125xf32, #tpu.memory_space<vmem>>, %arg12: memref<125x128xf32, #tpu.memory_space<vmem>>, %arg13: memref<125x128xf32, #tpu.memory_space<vmem>>, %arg14: memref<!tpu.dma_semaphore, #tpu.memory_space<semaphore_mem>>, %arg15: memref<!tpu.dma_semaphore, #tpu.memory_space<semaphore_mem>>) attributes {dimension_semantics = [#tpu.dimension_semantics<core_parallel>, #tpu.dimension_semantics<subcore_parallel>], iteration_bounds = array<i64: 2, 16>, scalar_prefetch = 0 : i64, scratch_operands = 8 : i64, tpu.core_type = #tpu.core_type<sc_vector_subcore>, window_params = [{transform_indices = #map}, {transform_indices = #map1}, {transform_indices = #map1}, {transform_indices = #map1}, {transform_indices = #map1}, {transform_indices = #map}]} {
    %mul3A = arith.constant 640 : i32
    %mul3A_0 = arith.muli %arg1, %mul3A : i32
    "tpu.region"() ({
      %run_scoped3A = tpu.sem_alloc : memref<!tpu.dma_semaphore, #tpu.memory_space<semaphore_mem>>
      %dma_start3A = arith.constant 0 : i32
      %dma_start3A_10 = tpu.memref_slice %arg8[%mul3A_0, %dma_start3A] : memref<10240x128xf32, #tpu.memory_space<vmem_shared>> -> memref<640x128xf32, #tpu.memory_space<vmem_shared>>
      tpu.enqueue_dma source(%arg6 : memref<640x128xf32, #tpu.memory_space<hbm>>) target(%dma_start3A_10 : memref<640x128xf32, #tpu.memory_space<vmem_shared>>) target_semaphore(%run_scoped3A : memref<!tpu.dma_semaphore, #tpu.memory_space<semaphore_mem>>)
      %dma_wait3A = arith.constant 0 : i32
      %dma_wait3A_11 = tpu.memref_slice %arg8[%mul3A_0, %dma_wait3A] : memref<10240x128xf32, #tpu.memory_space<vmem_shared>> -> memref<640x128xf32, #tpu.memory_space<vmem_shared>>
      tpu.wait_dma2 semaphore(%run_scoped3A : memref<!tpu.dma_semaphore, #tpu.memory_space<semaphore_mem>>) src(%arg6 : memref<640x128xf32, #tpu.memory_space<hbm>>) dst(%dma_wait3A_11 : memref<640x128xf32, #tpu.memory_space<vmem_shared>>)
      tpu.yield
    }) : () -> ()
    %barrier3A = arith.constant 0 : index
    tpu.barrier barrier_id(%barrier3A)
    %scan3A = arith.constant 0 : i32
    %scan3A_1 = arith.constant 2 : i32
    %scan3A_2 = arith.addi %scan3A, %scan3A_1 : i32
    %scan3A_3 = arith.constant 1 : i32
    scf.for %scan3A_10 = %scan3A to %scan3A_2 step %scan3A_3  : i32 {
      %mul3A_11 = arith.constant 1 : i32
      %mul3A_12 = arith.muli %scan3A_10, %mul3A_11 : i32
      %add3A = arith.constant 0 : i32
      %add3A_13 = arith.addi %add3A, %mul3A_12 : i32
      %mul3A_14 = arith.constant 80 : i32
      %mul3A_15 = arith.muli %arg1, %mul3A_14 : i32
      %mul3A_16 = arith.constant 40 : i32
      %mul3A_17 = arith.muli %add3A_13, %mul3A_16 : i32
      %add3A_18 = arith.addi %mul3A_15, %mul3A_17 : i32
      "tpu.region"() ({
        %run_scoped3A = tpu.sem_alloc : memref<!tpu.dma_semaphore, #tpu.memory_space<semaphore_mem>>
        %dma_start3A_34 = arith.constant 0 : i32
        %dma_start3A_35 = tpu.memref_slice %arg3[%add3A_18, %dma_start3A_34] : memref<1280x125xi32, #tpu.memory_space<hbm>> -> memref<40x125xi32, #tpu.memory_space<hbm>>
        %dma_start3A_36 = arith.constant 0 : i32
        %dma_start3A_37 = tpu.memref_slice %arg3[%add3A_18, %dma_start3A_36] : memref<1280x125xi32, #tpu.memory_space<hbm>> -> memref<40x125xi32, #tpu.memory_space<hbm>>
        tpu.enqueue_dma source(%dma_start3A_37 : memref<40x125xi32, #tpu.memory_space<hbm>>) target(%arg9 : memref<40x125xi32, #tpu.memory_space<vmem>>) target_semaphore(%run_scoped3A : memref<!tpu.dma_semaphore, #tpu.memory_space<semaphore_mem>>)
        %dma_wait3A = arith.constant 0 : i32
        %dma_wait3A_38 = tpu.memref_slice %arg3[%add3A_18, %dma_wait3A] : memref<1280x125xi32, #tpu.memory_space<hbm>> -> memref<40x125xi32, #tpu.memory_space<hbm>>
        %dma_wait3A_39 = arith.constant 0 : i32
        %dma_wait3A_40 = tpu.memref_slice %arg3[%add3A_18, %dma_wait3A_39] : memref<1280x125xi32, #tpu.memory_space<hbm>> -> memref<40x125xi32, #tpu.memory_space<hbm>>
        tpu.wait_dma2 semaphore(%run_scoped3A : memref<!tpu.dma_semaphore, #tpu.memory_space<semaphore_mem>>) src(%dma_wait3A_40 : memref<40x125xi32, #tpu.memory_space<hbm>>) dst(%arg9 : memref<40x125xi32, #tpu.memory_space<vmem>>)
        tpu.yield
      }) : () -> ()
      "tpu.region"() ({
        %run_scoped3A = tpu.sem_alloc : memref<!tpu.dma_semaphore, #tpu.memory_space<semaphore_mem>>
        %dma_start3A_34 = arith.constant 0 : i32
        %dma_start3A_35 = tpu.memref_slice %arg4[%add3A_18, %dma_start3A_34] : memref<1280x125xi32, #tpu.memory_space<hbm>> -> memref<40x125xi32, #tpu.memory_space<hbm>>
        %dma_start3A_36 = arith.constant 0 : i32
        %dma_start3A_37 = tpu.memref_slice %arg4[%add3A_18, %dma_start3A_36] : memref<1280x125xi32, #tpu.memory_space<hbm>> -> memref<40x125xi32, #tpu.memory_space<hbm>>
        tpu.enqueue_dma source(%dma_start3A_37 : memref<40x125xi32, #tpu.memory_space<hbm>>) target(%arg10 : memref<40x125xi32, #tpu.memory_space<vmem>>) target_semaphore(%run_scoped3A : memref<!tpu.dma_semaphore, #tpu.memory_space<semaphore_mem>>)
        %dma_wait3A = arith.constant 0 : i32
        %dma_wait3A_38 = tpu.memref_slice %arg4[%add3A_18, %dma_wait3A] : memref<1280x125xi32, #tpu.memory_space<hbm>> -> memref<40x125xi32, #tpu.memory_space<hbm>>
        %dma_wait3A_39 = arith.constant 0 : i32
        %dma_wait3A_40 = tpu.memref_slice %arg4[%add3A_18, %dma_wait3A_39] : memref<1280x125xi32, #tpu.memory_space<hbm>> -> memref<40x125xi32, #tpu.memory_space<hbm>>
        tpu.wait_dma2 semaphore(%run_scoped3A : memref<!tpu.dma_semaphore, #tpu.memory_space<semaphore_mem>>) src(%dma_wait3A_40 : memref<40x125xi32, #tpu.memory_space<hbm>>) dst(%arg10 : memref<40x125xi32, #tpu.memory_space<vmem>>)
        tpu.yield
      }) : () -> ()
      "tpu.region"() ({
        %run_scoped3A = tpu.sem_alloc : memref<!tpu.dma_semaphore, #tpu.memory_space<semaphore_mem>>
        %dma_start3A_34 = arith.constant 0 : i32
        %dma_start3A_35 = tpu.memref_slice %arg5[%add3A_18, %dma_start3A_34] : memref<1280x125xf32, #tpu.memory_space<hbm>> -> memref<40x125xf32, #tpu.memory_space<hbm>>
        %dma_start3A_36 = arith.constant 0 : i32
        %dma_start3A_37 = tpu.memref_slice %arg5[%add3A_18, %dma_start3A_36] : memref<1280x125xf32, #tpu.memory_space<hbm>> -> memref<40x125xf32, #tpu.memory_space<hbm>>
        tpu.enqueue_dma source(%dma_start3A_37 : memref<40x125xf32, #tpu.memory_space<hbm>>) target(%arg11 : memref<40x125xf32, #tpu.memory_space<vmem>>) target_semaphore(%run_scoped3A : memref<!tpu.dma_semaphore, #tpu.memory_space<semaphore_mem>>)
        %dma_wait3A = arith.constant 0 : i32
        %dma_wait3A_38 = tpu.memref_slice %arg5[%add3A_18, %dma_wait3A] : memref<1280x125xf32, #tpu.memory_space<hbm>> -> memref<40x125xf32, #tpu.memory_space<hbm>>
        %dma_wait3A_39 = arith.constant 0 : i32
        %dma_wait3A_40 = tpu.memref_slice %arg5[%add3A_18, %dma_wait3A_39] : memref<1280x125xf32, #tpu.memory_space<hbm>> -> memref<40x125xf32, #tpu.memory_space<hbm>>
        tpu.wait_dma2 semaphore(%run_scoped3A : memref<!tpu.dma_semaphore, #tpu.memory_space<semaphore_mem>>) src(%dma_wait3A_40 : memref<40x125xf32, #tpu.memory_space<hbm>>) dst(%arg11 : memref<40x125xf32, #tpu.memory_space<vmem>>)
        tpu.yield
      }) : () -> ()
      %dma_start3A = arith.constant 0 : i32
      %dma_start3A_19 = arith.constant 0 : i32
      %dma_start3A_20 = tpu.memref_slice %arg9[%dma_start3A, %dma_start3A_19] : memref<40x125xi32, #tpu.memory_space<vmem>> -> memref<1x125xi32, #tpu.memory_space<vmem>>
      %dma_start3A_21 = tpu.memref_squeeze %dma_start3A_20 : memref<1x125xi32, #tpu.memory_space<vmem>> -> memref<125xi32, #tpu.memory_space<vmem>>
      %dma_start3A_22 = arith.constant 0 : i32
      %dma_start3A_23 = arith.constant 0 : i32
      %dma_start3A_24 = tpu.memref_slice %arg2[%arg0, %dma_start3A_22, %dma_start3A_23] : memref<2x10240x128xf32, #tpu.memory_space<hbm>> -> memref<1x10240x128xf32, #tpu.memory_space<hbm>>
      %dma_start3A_25 = tpu.memref_squeeze %dma_start3A_24 : memref<1x10240x128xf32, #tpu.memory_space<hbm>> -> memref<10240x128xf32, #tpu.memory_space<hbm>>
      %dma_start3A_26 = arith.constant 0 : i32
      %dma_start3A_27 = arith.constant 0 : i32
      %dma_start3A_28 = tpu.memref_slice %dma_start3A_25[%dma_start3A_26, %dma_start3A_27] : memref<10240x128xf32, #tpu.memory_space<hbm>> -> memref<10240x128xf32, #tpu.memory_space<hbm>>
      tpu.enqueue_indirect_dma source(%dma_start3A_28 : memref<10240x128xf32, #tpu.memory_space<hbm>>) target(%arg12 : memref<125x128xf32, #tpu.memory_space<vmem>>) offsets(%dma_start3A_21 : memref<125xi32, #tpu.memory_space<vmem>>) semaphore(%arg14 : memref<!tpu.dma_semaphore, #tpu.memory_space<semaphore_mem>>)
      %scan3A_29 = arith.constant 0 : i32
      %scan3A_30 = arith.constant 20 : i32
      %scan3A_31 = arith.addi %scan3A_29, %scan3A_30 : i32
      %scan3A_32 = arith.constant 1 : i32
      scf.for %scan3A_34 = %scan3A_29 to %scan3A_31 step %scan3A_32  : i32 {
        %mul3A_35 = arith.constant 1 : i32
        %mul3A_36 = arith.muli %scan3A_34, %mul3A_35 : i32
        %add3A_37 = arith.constant 0 : i32
        %add3A_38 = arith.addi %add3A_37, %mul3A_36 : i32
        %mul3A_39 = arith.constant 2 : i32
        %mul3A_40 = arith.muli %mul3A_39, %add3A_38 : i32
        %add3A_41 = arith.constant 0 : i32
        %add3A_42 = arith.addi %mul3A_40, %add3A_41 : i32
        %dma_wait3A = arith.constant 0 : i32
        %dma_wait3A_43 = tpu.memref_slice %arg9[%add3A_42, %dma_wait3A] : memref<40x125xi32, #tpu.memory_space<vmem>> -> memref<1x125xi32, #tpu.memory_space<vmem>>
        %dma_wait3A_44 = tpu.memref_squeeze %dma_wait3A_43 : memref<1x125xi32, #tpu.memory_space<vmem>> -> memref<125xi32, #tpu.memory_space<vmem>>
        %dma_wait3A_45 = arith.constant 0 : i32
        %dma_wait3A_46 = arith.constant 0 : i32
        %dma_wait3A_47 = tpu.memref_slice %arg2[%arg0, %dma_wait3A_45, %dma_wait3A_46] : memref<2x10240x128xf32, #tpu.memory_space<hbm>> -> memref<1x10240x128xf32, #tpu.memory_space<hbm>>
        %dma_wait3A_48 = tpu.memref_squeeze %dma_wait3A_47 : memref<1x10240x128xf32, #tpu.memory_space<hbm>> -> memref<10240x128xf32, #tpu.memory_space<hbm>>
        %dma_wait3A_49 = arith.constant 0 : i32
        %dma_wait3A_50 = arith.constant 0 : i32
        %dma_wait3A_51 = tpu.memref_slice %dma_wait3A_48[%dma_wait3A_49, %dma_wait3A_50] : memref<10240x128xf32, #tpu.memory_space<hbm>> -> memref<10240x128xf32, #tpu.memory_space<hbm>>
        tpu.wait_indirect_dma semaphore(%arg14 : memref<!tpu.dma_semaphore, #tpu.memory_space<semaphore_mem>>) src(%dma_wait3A_51 : memref<10240x128xf32, #tpu.memory_space<hbm>>) dst(%arg12 : memref<125x128xf32, #tpu.memory_space<vmem>>)
        %add3A_52 = arith.constant 1 : i32
        %add3A_53 = arith.addi %add3A_42, %add3A_52 : i32
        %lt3A = arith.constant 40 : i32
        %lt3A_54 = arith.cmpi slt, %add3A_53, %lt3A : i32
        %convert_element_type3A = arith.extui %lt3A_54 : i1 to i32
        %cond3A = arith.constant 0 : i32
        %cond3A_55 = arith.cmpi ne, %convert_element_type3A, %cond3A : i32
        scf.if %cond3A_55 {
          %add3A_82 = arith.constant 1 : i32
          %add3A_83 = arith.addi %add3A_42, %add3A_82 : i32
          %dma_start3A_84 = arith.constant 0 : i32
          %dma_start3A_85 = tpu.memref_slice %arg9[%add3A_83, %dma_start3A_84] : memref<40x125xi32, #tpu.memory_space<vmem>> -> memref<1x125xi32, #tpu.memory_space<vmem>>
          %dma_start3A_86 = tpu.memref_squeeze %dma_start3A_85 : memref<1x125xi32, #tpu.memory_space<vmem>> -> memref<125xi32, #tpu.memory_space<vmem>>
          %dma_start3A_87 = arith.constant 0 : i32
          %dma_start3A_88 = arith.constant 0 : i32
          %dma_start3A_89 = tpu.memref_slice %arg2[%arg0, %dma_start3A_87, %dma_start3A_88] : memref<2x10240x128xf32, #tpu.memory_space<hbm>> -> memref<1x10240x128xf32, #tpu.memory_space<hbm>>
          %dma_start3A_90 = tpu.memref_squeeze %dma_start3A_89 : memref<1x10240x128xf32, #tpu.memory_space<hbm>> -> memref<10240x128xf32, #tpu.memory_space<hbm>>
          %dma_start3A_91 = arith.constant 0 : i32
          %dma_start3A_92 = arith.constant 0 : i32
          %dma_start3A_93 = tpu.memref_slice %dma_start3A_90[%dma_start3A_91, %dma_start3A_92] : memref<10240x128xf32, #tpu.memory_space<hbm>> -> memref<10240x128xf32, #tpu.memory_space<hbm>>
          tpu.enqueue_indirect_dma source(%dma_start3A_93 : memref<10240x128xf32, #tpu.memory_space<hbm>>) target(%arg13 : memref<125x128xf32, #tpu.memory_space<vmem>>) offsets(%dma_start3A_86 : memref<125xi32, #tpu.memory_space<vmem>>) semaphore(%arg15 : memref<!tpu.dma_semaphore, #tpu.memory_space<semaphore_mem>>)
        } else {
        }
        %parallel_loop3A = arith.constant 0 : i32
        %parallel_loop3A_56 = arith.constant 125 : i32
        %parallel_loop3A_57 = arith.constant 1 : i32
        scf.for %parallel_loop3A_82 = %parallel_loop3A to %parallel_loop3A_56 step %parallel_loop3A_57  : i32 {
          %parallel_loop3A_83 = vector.broadcast %add3A_42 : i32 to vector<16xi32>
          %parallel_loop3A_84 = vector.broadcast %parallel_loop3A_82 : i32 to vector<16xi32>
          %parallel_loop3A_85 = tpu.vector_load_idx %arg11[%parallel_loop3A_83, %parallel_loop3A_84] : memref<40x125xf32, #tpu.memory_space<vmem>>[vector<16xi32>, vector<16xi32>], vector<16xf32>,
          %parallel_loop3A_86 = arith.index_cast %parallel_loop3A_82 : i32 to index
          %parallel_loop3A_87 = arith.constant 0 : index
          %parallel_loop3A_88 = tpu.vector_load %arg12[%parallel_loop3A_86, %parallel_loop3A_87] {strides = array<i32>} : memref<125x128xf32, #tpu.memory_space<vmem>>, vector<16xf32>,
          %parallel_loop3A_89 = arith.mulf %parallel_loop3A_88, %parallel_loop3A_85 : vector<16xf32>
          %parallel_loop3A_90 = arith.index_cast %parallel_loop3A_82 : i32 to index
          %parallel_loop3A_91 = arith.constant 0 : index
          %parallel_loop3A_92 = tpu.vector_load %arg12[%parallel_loop3A_90, %parallel_loop3A_91] {strides = array<i32>} : memref<125x128xf32, #tpu.memory_space<vmem>>, vector<16xf32>,
          tpu.vector_store %arg12[%parallel_loop3A_90, %parallel_loop3A_91], %parallel_loop3A_89 {strides = array<i32>} : memref<125x128xf32, #tpu.memory_space<vmem>>, vector<16xf32>,
          %parallel_loop3A_93 = arith.index_cast %parallel_loop3A_82 : i32 to index
          %parallel_loop3A_94 = arith.constant 16 : index
          %parallel_loop3A_95 = tpu.vector_load %arg12[%parallel_loop3A_93, %parallel_loop3A_94] {strides = array<i32>} : memref<125x128xf32, #tpu.memory_space<vmem>>, vector<16xf32>,
          %parallel_loop3A_96 = arith.mulf %parallel_loop3A_95, %parallel_loop3A_85 : vector<16xf32>
          %parallel_loop3A_97 = arith.index_cast %parallel_loop3A_82 : i32 to index
          %parallel_loop3A_98 = arith.constant 16 : index
          %parallel_loop3A_99 = tpu.vector_load %arg12[%parallel_loop3A_97, %parallel_loop3A_98] {strides = array<i32>} : memref<125x128xf32, #tpu.memory_space<vmem>>, vector<16xf32>,
          tpu.vector_store %arg12[%parallel_loop3A_97, %parallel_loop3A_98], %parallel_loop3A_96 {strides = array<i32>} : memref<125x128xf32, #tpu.memory_space<vmem>>, vector<16xf32>,
          %parallel_loop3A_100 = arith.index_cast %parallel_loop3A_82 : i32 to index
          %parallel_loop3A_101 = arith.constant 32 : index
          %parallel_loop3A_102 = tpu.vector_load %arg12[%parallel_loop3A_100, %parallel_loop3A_101] {strides = array<i32>} : memref<125x128xf32, #tpu.memory_space<vmem>>, vector<16xf32>,
          %parallel_loop3A_103 = arith.mulf %parallel_loop3A_102, %parallel_loop3A_85 : vector<16xf32>
          %parallel_loop3A_104 = arith.index_cast %parallel_loop3A_82 : i32 to index
          %parallel_loop3A_105 = arith.constant 32 : index
          %parallel_loop3A_106 = tpu.vector_load %arg12[%parallel_loop3A_104, %parallel_loop3A_105] {strides = array<i32>} : memref<125x128xf32, #tpu.memory_space<vmem>>, vector<16xf32>,
          tpu.vector_store %arg12[%parallel_loop3A_104, %parallel_loop3A_105], %parallel_loop3A_103 {strides = array<i32>} : memref<125x128xf32, #tpu.memory_space<vmem>>, vector<16xf32>,
          %parallel_loop3A_107 = arith.index_cast %parallel_loop3A_82 : i32 to index
          %parallel_loop3A_108 = arith.constant 48 : index
          %parallel_loop3A_109 = tpu.vector_load %arg12[%parallel_loop3A_107, %parallel_loop3A_108] {strides = array<i32>} : memref<125x128xf32, #tpu.memory_space<vmem>>, vector<16xf32>,
          %parallel_loop3A_110 = arith.mulf %parallel_loop3A_109, %parallel_loop3A_85 : vector<16xf32>
          %parallel_loop3A_111 = arith.index_cast %parallel_loop3A_82 : i32 to index
          %parallel_loop3A_112 = arith.constant 48 : index
          %parallel_loop3A_113 = tpu.vector_load %arg12[%parallel_loop3A_111, %parallel_loop3A_112] {strides = array<i32>} : memref<125x128xf32, #tpu.memory_space<vmem>>, vector<16xf32>,
          tpu.vector_store %arg12[%parallel_loop3A_111, %parallel_loop3A_112], %parallel_loop3A_110 {strides = array<i32>} : memref<125x128xf32, #tpu.memory_space<vmem>>, vector<16xf32>,
          %parallel_loop3A_114 = arith.index_cast %parallel_loop3A_82 : i32 to index
          %parallel_loop3A_115 = arith.constant 64 : index
          %parallel_loop3A_116 = tpu.vector_load %arg12[%parallel_loop3A_114, %parallel_loop3A_115] {strides = array<i32>} : memref<125x128xf32, #tpu.memory_space<vmem>>, vector<16xf32>,
          %parallel_loop3A_117 = arith.mulf %parallel_loop3A_116, %parallel_loop3A_85 : vector<16xf32>
          %parallel_loop3A_118 = arith.index_cast %parallel_loop3A_82 : i32 to index
          %parallel_loop3A_119 = arith.constant 64 : index
          %parallel_loop3A_120 = tpu.vector_load %arg12[%parallel_loop3A_118, %parallel_loop3A_119] {strides = array<i32>} : memref<125x128xf32, #tpu.memory_space<vmem>>, vector<16xf32>,
          tpu.vector_store %arg12[%parallel_loop3A_118, %parallel_loop3A_119], %parallel_loop3A_117 {strides = array<i32>} : memref<125x128xf32, #tpu.memory_space<vmem>>, vector<16xf32>,
          %parallel_loop3A_121 = arith.index_cast %parallel_loop3A_82 : i32 to index
          %parallel_loop3A_122 = arith.constant 80 : index
          %parallel_loop3A_123 = tpu.vector_load %arg12[%parallel_loop3A_121, %parallel_loop3A_122] {strides = array<i32>} : memref<125x128xf32, #tpu.memory_space<vmem>>, vector<16xf32>,
          %parallel_loop3A_124 = arith.mulf %parallel_loop3A_123, %parallel_loop3A_85 : vector<16xf32>
          %parallel_loop3A_125 = arith.index_cast %parallel_loop3A_82 : i32 to index
          %parallel_loop3A_126 = arith.constant 80 : index
          %parallel_loop3A_127 = tpu.vector_load %arg12[%parallel_loop3A_125, %parallel_loop3A_126] {strides = array<i32>} : memref<125x128xf32, #tpu.memory_space<vmem>>, vector<16xf32>,
          tpu.vector_store %arg12[%parallel_loop3A_125, %parallel_loop3A_126], %parallel_loop3A_124 {strides = array<i32>} : memref<125x128xf32, #tpu.memory_space<vmem>>, vector<16xf32>,
          %parallel_loop3A_128 = arith.index_cast %parallel_loop3A_82 : i32 to index
          %parallel_loop3A_129 = arith.constant 96 : index
          %parallel_loop3A_130 = tpu.vector_load %arg12[%parallel_loop3A_128, %parallel_loop3A_129] {strides = array<i32>} : memref<125x128xf32, #tpu.memory_space<vmem>>, vector<16xf32>,
          %parallel_loop3A_131 = arith.mulf %parallel_loop3A_130, %parallel_loop3A_85 : vector<16xf32>
          %parallel_loop3A_132 = arith.index_cast %parallel_loop3A_82 : i32 to index
          %parallel_loop3A_133 = arith.constant 96 : index
          %parallel_loop3A_134 = tpu.vector_load %arg12[%parallel_loop3A_132, %parallel_loop3A_133] {strides = array<i32>} : memref<125x128xf32, #tpu.memory_space<vmem>>, vector<16xf32>,
          tpu.vector_store %arg12[%parallel_loop3A_132, %parallel_loop3A_133], %parallel_loop3A_131 {strides = array<i32>} : memref<125x128xf32, #tpu.memory_space<vmem>>, vector<16xf32>,
          %parallel_loop3A_135 = arith.index_cast %parallel_loop3A_82 : i32 to index
          %parallel_loop3A_136 = arith.constant 112 : index
          %parallel_loop3A_137 = tpu.vector_load %arg12[%parallel_loop3A_135, %parallel_loop3A_136] {strides = array<i32>} : memref<125x128xf32, #tpu.memory_space<vmem>>, vector<16xf32>,
          %parallel_loop3A_138 = arith.mulf %parallel_loop3A_137, %parallel_loop3A_85 : vector<16xf32>
          %parallel_loop3A_139 = arith.index_cast %parallel_loop3A_82 : i32 to index
          %parallel_loop3A_140 = arith.constant 112 : index
          %parallel_loop3A_141 = tpu.vector_load %arg12[%parallel_loop3A_139, %parallel_loop3A_140] {strides = array<i32>} : memref<125x128xf32, #tpu.memory_space<vmem>>, vector<16xf32>,
          tpu.vector_store %arg12[%parallel_loop3A_139, %parallel_loop3A_140], %parallel_loop3A_138 {strides = array<i32>} : memref<125x128xf32, #tpu.memory_space<vmem>>, vector<16xf32>,
        } {sc.loop_unroll_factor = 8 : i64, sc.parallel_access}
        "tpu.region"() ({
          %run_scoped3A = tpu.sem_alloc : memref<!tpu.dma_semaphore, #tpu.memory_space<semaphore_mem>>
          %dma_start3A_82 = arith.constant 0 : i32
          %dma_start3A_83 = tpu.memref_slice %arg10[%add3A_42, %dma_start3A_82] : memref<40x125xi32, #tpu.memory_space<vmem>> -> memref<1x125xi32, #tpu.memory_space<vmem>>
          %dma_start3A_84 = tpu.memref_squeeze %dma_start3A_83 : memref<1x125xi32, #tpu.memory_space<vmem>> -> memref<125xi32, #tpu.memory_space<vmem>>
          %dma_start3A_85 = arith.constant 0 : i32
          %dma_start3A_86 = arith.constant 0 : i32
          %dma_start3A_87 = tpu.memref_slice %arg8[%dma_start3A_85, %dma_start3A_86] : memref<10240x128xf32, #tpu.memory_space<vmem_shared>> -> memref<10240x128xf32, #tpu.memory_space<vmem_shared>>
          tpu.enqueue_indirect_dma source(%arg12 : memref<125x128xf32, #tpu.memory_space<vmem>>) target(%dma_start3A_87 : memref<10240x128xf32, #tpu.memory_space<vmem_shared>>) offsets(%dma_start3A_84 : memref<125xi32, #tpu.memory_space<vmem>>) semaphore(%run_scoped3A : memref<!tpu.dma_semaphore, #tpu.memory_space<semaphore_mem>>) {add = true}
          %dma_wait3A_88 = arith.constant 0 : i32
          %dma_wait3A_89 = tpu.memref_slice %arg10[%add3A_42, %dma_wait3A_88] : memref<40x125xi32, #tpu.memory_space<vmem>> -> memref<1x125xi32, #tpu.memory_space<vmem>>
          %dma_wait3A_90 = tpu.memref_squeeze %dma_wait3A_89 : memref<1x125xi32, #tpu.memory_space<vmem>> -> memref<125xi32, #tpu.memory_space<vmem>>
          %dma_wait3A_91 = arith.constant 0 : i32
          %dma_wait3A_92 = arith.constant 0 : i32
          %dma_wait3A_93 = tpu.memref_slice %arg8[%dma_wait3A_91, %dma_wait3A_92] : memref<10240x128xf32, #tpu.memory_space<vmem_shared>> -> memref<10240x128xf32, #tpu.memory_space<vmem_shared>>
          tpu.wait_indirect_dma semaphore(%run_scoped3A : memref<!tpu.dma_semaphore, #tpu.memory_space<semaphore_mem>>) src(%arg12 : memref<125x128xf32, #tpu.memory_space<vmem>>) dst(%dma_wait3A_93 : memref<10240x128xf32, #tpu.memory_space<vmem_shared>>)
          tpu.yield
        }) : () -> ()
        %mul3A_58 = arith.constant 2 : i32
        %mul3A_59 = arith.muli %mul3A_58, %add3A_38 : i32
        %add3A_60 = arith.constant 1 : i32
        %add3A_61 = arith.addi %mul3A_59, %add3A_60 : i32
        %dma_wait3A_62 = arith.constant 0 : i32
        %dma_wait3A_63 = tpu.memref_slice %arg9[%add3A_61, %dma_wait3A_62] : memref<40x125xi32, #tpu.memory_space<vmem>> -> memref<1x125xi32, #tpu.memory_space<vmem>>
        %dma_wait3A_64 = tpu.memref_squeeze %dma_wait3A_63 : memref<1x125xi32, #tpu.memory_space<vmem>> -> memref<125xi32, #tpu.memory_space<vmem>>
        %dma_wait3A_65 = arith.constant 0 : i32
        %dma_wait3A_66 = arith.constant 0 : i32
        %dma_wait3A_67 = tpu.memref_slice %arg2[%arg0, %dma_wait3A_65, %dma_wait3A_66] : memref<2x10240x128xf32, #tpu.memory_space<hbm>> -> memref<1x10240x128xf32, #tpu.memory_space<hbm>>
        %dma_wait3A_68 = tpu.memref_squeeze %dma_wait3A_67 : memref<1x10240x128xf32, #tpu.memory_space<hbm>> -> memref<10240x128xf32, #tpu.memory_space<hbm>>
        %dma_wait3A_69 = arith.constant 0 : i32
        %dma_wait3A_70 = arith.constant 0 : i32
        %dma_wait3A_71 = tpu.memref_slice %dma_wait3A_68[%dma_wait3A_69, %dma_wait3A_70] : memref<10240x128xf32, #tpu.memory_space<hbm>> -> memref<10240x128xf32, #tpu.memory_space<hbm>>
        tpu.wait_indirect_dma semaphore(%arg15 : memref<!tpu.dma_semaphore, #tpu.memory_space<semaphore_mem>>) src(%dma_wait3A_71 : memref<10240x128xf32, #tpu.memory_space<hbm>>) dst(%arg13 : memref<125x128xf32, #tpu.memory_space<vmem>>)
        %add3A_72 = arith.constant 1 : i32
        %add3A_73 = arith.addi %add3A_61, %add3A_72 : i32
        %lt3A_74 = arith.constant 40 : i32
        %lt3A_75 = arith.cmpi slt, %add3A_73, %lt3A_74 : i32
        %convert_element_type3A_76 = arith.extui %lt3A_75 : i1 to i32
        %cond3A_77 = arith.constant 0 : i32
        %cond3A_78 = arith.cmpi ne, %convert_element_type3A_76, %cond3A_77 : i32
        scf.if %cond3A_78 {
          %add3A_82 = arith.constant 1 : i32
          %add3A_83 = arith.addi %add3A_61, %add3A_82 : i32
          %dma_start3A_84 = arith.constant 0 : i32
          %dma_start3A_85 = tpu.memref_slice %arg9[%add3A_83, %dma_start3A_84] : memref<40x125xi32, #tpu.memory_space<vmem>> -> memref<1x125xi32, #tpu.memory_space<vmem>>
          %dma_start3A_86 = tpu.memref_squeeze %dma_start3A_85 : memref<1x125xi32, #tpu.memory_space<vmem>> -> memref<125xi32, #tpu.memory_space<vmem>>
          %dma_start3A_87 = arith.constant 0 : i32
          %dma_start3A_88 = arith.constant 0 : i32
          %dma_start3A_89 = tpu.memref_slice %arg2[%arg0, %dma_start3A_87, %dma_start3A_88] : memref<2x10240x128xf32, #tpu.memory_space<hbm>> -> memref<1x10240x128xf32, #tpu.memory_space<hbm>>
          %dma_start3A_90 = tpu.memref_squeeze %dma_start3A_89 : memref<1x10240x128xf32, #tpu.memory_space<hbm>> -> memref<10240x128xf32, #tpu.memory_space<hbm>>
          %dma_start3A_91 = arith.constant 0 : i32
          %dma_start3A_92 = arith.constant 0 : i32
          %dma_start3A_93 = tpu.memref_slice %dma_start3A_90[%dma_start3A_91, %dma_start3A_92] : memref<10240x128xf32, #tpu.memory_space<hbm>> -> memref<10240x128xf32, #tpu.memory_space<hbm>>
          tpu.enqueue_indirect_dma source(%dma_start3A_93 : memref<10240x128xf32, #tpu.memory_space<hbm>>) target(%arg12 : memref<125x128xf32, #tpu.memory_space<vmem>>) offsets(%dma_start3A_86 : memref<125xi32, #tpu.memory_space<vmem>>) semaphore(%arg14 : memref<!tpu.dma_semaphore, #tpu.memory_space<semaphore_mem>>)
        } else {
        }
        %parallel_loop3A_79 = arith.constant 0 : i32
        %parallel_loop3A_80 = arith.constant 125 : i32
        %parallel_loop3A_81 = arith.constant 1 : i32
        scf.for %parallel_loop3A_82 = %parallel_loop3A_79 to %parallel_loop3A_80 step %parallel_loop3A_81  : i32 {
          %parallel_loop3A_83 = vector.broadcast %add3A_61 : i32 to vector<16xi32>
          %parallel_loop3A_84 = vector.broadcast %parallel_loop3A_82 : i32 to vector<16xi32>
          %parallel_loop3A_85 = tpu.vector_load_idx %arg11[%parallel_loop3A_83, %parallel_loop3A_84] : memref<40x125xf32, #tpu.memory_space<vmem>>[vector<16xi32>, vector<16xi32>], vector<16xf32>,
          %parallel_loop3A_86 = arith.index_cast %parallel_loop3A_82 : i32 to index
          %parallel_loop3A_87 = arith.constant 0 : index
          %parallel_loop3A_88 = tpu.vector_load %arg13[%parallel_loop3A_86, %parallel_loop3A_87] {strides = array<i32>} : memref<125x128xf32, #tpu.memory_space<vmem>>, vector<16xf32>,
          %parallel_loop3A_89 = arith.mulf %parallel_loop3A_88, %parallel_loop3A_85 : vector<16xf32>
          %parallel_loop3A_90 = arith.index_cast %parallel_loop3A_82 : i32 to index
          %parallel_loop3A_91 = arith.constant 0 : index
          %parallel_loop3A_92 = tpu.vector_load %arg13[%parallel_loop3A_90, %parallel_loop3A_91] {strides = array<i32>} : memref<125x128xf32, #tpu.memory_space<vmem>>, vector<16xf32>,
          tpu.vector_store %arg13[%parallel_loop3A_90, %parallel_loop3A_91], %parallel_loop3A_89 {strides = array<i32>} : memref<125x128xf32, #tpu.memory_space<vmem>>, vector<16xf32>,
          %parallel_loop3A_93 = arith.index_cast %parallel_loop3A_82 : i32 to index
          %parallel_loop3A_94 = arith.constant 16 : index
          %parallel_loop3A_95 = tpu.vector_load %arg13[%parallel_loop3A_93, %parallel_loop3A_94] {strides = array<i32>} : memref<125x128xf32, #tpu.memory_space<vmem>>, vector<16xf32>,
          %parallel_loop3A_96 = arith.mulf %parallel_loop3A_95, %parallel_loop3A_85 : vector<16xf32>
          %parallel_loop3A_97 = arith.index_cast %parallel_loop3A_82 : i32 to index
          %parallel_loop3A_98 = arith.constant 16 : index
          %parallel_loop3A_99 = tpu.vector_load %arg13[%parallel_loop3A_97, %parallel_loop3A_98] {strides = array<i32>} : memref<125x128xf32, #tpu.memory_space<vmem>>, vector<16xf32>,
          tpu.vector_store %arg13[%parallel_loop3A_97, %parallel_loop3A_98], %parallel_loop3A_96 {strides = array<i32>} : memref<125x128xf32, #tpu.memory_space<vmem>>, vector<16xf32>,
          %parallel_loop3A_100 = arith.index_cast %parallel_loop3A_82 : i32 to index
          %parallel_loop3A_101 = arith.constant 32 : index
          %parallel_loop3A_102 = tpu.vector_load %arg13[%parallel_loop3A_100, %parallel_loop3A_101] {strides = array<i32>} : memref<125x128xf32, #tpu.memory_space<vmem>>, vector<16xf32>,
          %parallel_loop3A_103 = arith.mulf %parallel_loop3A_102, %parallel_loop3A_85 : vector<16xf32>
          %parallel_loop3A_104 = arith.index_cast %parallel_loop3A_82 : i32 to index
          %parallel_loop3A_105 = arith.constant 32 : index
          %parallel_loop3A_106 = tpu.vector_load %arg13[%parallel_loop3A_104, %parallel_loop3A_105] {strides = array<i32>} : memref<125x128xf32, #tpu.memory_space<vmem>>, vector<16xf32>,
          tpu.vector_store %arg13[%parallel_loop3A_104, %parallel_loop3A_105], %parallel_loop3A_103 {strides = array<i32>} : memref<125x128xf32, #tpu.memory_space<vmem>>, vector<16xf32>,
          %parallel_loop3A_107 = arith.index_cast %parallel_loop3A_82 : i32 to index
          %parallel_loop3A_108 = arith.constant 48 : index
          %parallel_loop3A_109 = tpu.vector_load %arg13[%parallel_loop3A_107, %parallel_loop3A_108] {strides = array<i32>} : memref<125x128xf32, #tpu.memory_space<vmem>>, vector<16xf32>,
          %parallel_loop3A_110 = arith.mulf %parallel_loop3A_109, %parallel_loop3A_85 : vector<16xf32>
          %parallel_loop3A_111 = arith.index_cast %parallel_loop3A_82 : i32 to index
          %parallel_loop3A_112 = arith.constant 48 : index
          %parallel_loop3A_113 = tpu.vector_load %arg13[%parallel_loop3A_111, %parallel_loop3A_112] {strides = array<i32>} : memref<125x128xf32, #tpu.memory_space<vmem>>, vector<16xf32>,
          tpu.vector_store %arg13[%parallel_loop3A_111, %parallel_loop3A_112], %parallel_loop3A_110 {strides = array<i32>} : memref<125x128xf32, #tpu.memory_space<vmem>>, vector<16xf32>,
          %parallel_loop3A_114 = arith.index_cast %parallel_loop3A_82 : i32 to index
          %parallel_loop3A_115 = arith.constant 64 : index
          %parallel_loop3A_116 = tpu.vector_load %arg13[%parallel_loop3A_114, %parallel_loop3A_115] {strides = array<i32>} : memref<125x128xf32, #tpu.memory_space<vmem>>, vector<16xf32>,
          %parallel_loop3A_117 = arith.mulf %parallel_loop3A_116, %parallel_loop3A_85 : vector<16xf32>
          %parallel_loop3A_118 = arith.index_cast %parallel_loop3A_82 : i32 to index
          %parallel_loop3A_119 = arith.constant 64 : index
          %parallel_loop3A_120 = tpu.vector_load %arg13[%parallel_loop3A_118, %parallel_loop3A_119] {strides = array<i32>} : memref<125x128xf32, #tpu.memory_space<vmem>>, vector<16xf32>,
          tpu.vector_store %arg13[%parallel_loop3A_118, %parallel_loop3A_119], %parallel_loop3A_117 {strides = array<i32>} : memref<125x128xf32, #tpu.memory_space<vmem>>, vector<16xf32>,
          %parallel_loop3A_121 = arith.index_cast %parallel_loop3A_82 : i32 to index
          %parallel_loop3A_122 = arith.constant 80 : index
          %parallel_loop3A_123 = tpu.vector_load %arg13[%parallel_loop3A_121, %parallel_loop3A_122] {strides = array<i32>} : memref<125x128xf32, #tpu.memory_space<vmem>>, vector<16xf32>,
          %parallel_loop3A_124 = arith.mulf %parallel_loop3A_123, %parallel_loop3A_85 : vector<16xf32>
          %parallel_loop3A_125 = arith.index_cast %parallel_loop3A_82 : i32 to index
          %parallel_loop3A_126 = arith.constant 80 : index
          %parallel_loop3A_127 = tpu.vector_load %arg13[%parallel_loop3A_125, %parallel_loop3A_126] {strides = array<i32>} : memref<125x128xf32, #tpu.memory_space<vmem>>, vector<16xf32>,
          tpu.vector_store %arg13[%parallel_loop3A_125, %parallel_loop3A_126], %parallel_loop3A_124 {strides = array<i32>} : memref<125x128xf32, #tpu.memory_space<vmem>>, vector<16xf32>,
          %parallel_loop3A_128 = arith.index_cast %parallel_loop3A_82 : i32 to index
          %parallel_loop3A_129 = arith.constant 96 : index
          %parallel_loop3A_130 = tpu.vector_load %arg13[%parallel_loop3A_128, %parallel_loop3A_129] {strides = array<i32>} : memref<125x128xf32, #tpu.memory_space<vmem>>, vector<16xf32>,
          %parallel_loop3A_131 = arith.mulf %parallel_loop3A_130, %parallel_loop3A_85 : vector<16xf32>
          %parallel_loop3A_132 = arith.index_cast %parallel_loop3A_82 : i32 to index
          %parallel_loop3A_133 = arith.constant 96 : index
          %parallel_loop3A_134 = tpu.vector_load %arg13[%parallel_loop3A_132, %parallel_loop3A_133] {strides = array<i32>} : memref<125x128xf32, #tpu.memory_space<vmem>>, vector<16xf32>,
          tpu.vector_store %arg13[%parallel_loop3A_132, %parallel_loop3A_133], %parallel_loop3A_131 {strides = array<i32>} : memref<125x128xf32, #tpu.memory_space<vmem>>, vector<16xf32>,
          %parallel_loop3A_135 = arith.index_cast %parallel_loop3A_82 : i32 to index
          %parallel_loop3A_136 = arith.constant 112 : index
          %parallel_loop3A_137 = tpu.vector_load %arg13[%parallel_loop3A_135, %parallel_loop3A_136] {strides = array<i32>} : memref<125x128xf32, #tpu.memory_space<vmem>>, vector<16xf32>,
          %parallel_loop3A_138 = arith.mulf %parallel_loop3A_137, %parallel_loop3A_85 : vector<16xf32>
          %parallel_loop3A_139 = arith.index_cast %parallel_loop3A_82 : i32 to index
          %parallel_loop3A_140 = arith.constant 112 : index
          %parallel_loop3A_141 = tpu.vector_load %arg13[%parallel_loop3A_139, %parallel_loop3A_140] {strides = array<i32>} : memref<125x128xf32, #tpu.memory_space<vmem>>, vector<16xf32>,
          tpu.vector_store %arg13[%parallel_loop3A_139, %parallel_loop3A_140], %parallel_loop3A_138 {strides = array<i32>} : memref<125x128xf32, #tpu.memory_space<vmem>>, vector<16xf32>,
        } {sc.loop_unroll_factor = 8 : i64, sc.parallel_access}
        "tpu.region"() ({
          %run_scoped3A = tpu.sem_alloc : memref<!tpu.dma_semaphore, #tpu.memory_space<semaphore_mem>>
          %dma_start3A_82 = arith.constant 0 : i32
          %dma_start3A_83 = tpu.memref_slice %arg10[%add3A_61, %dma_start3A_82] : memref<40x125xi32, #tpu.memory_space<vmem>> -> memref<1x125xi32, #tpu.memory_space<vmem>>
          %dma_start3A_84 = tpu.memref_squeeze %dma_start3A_83 : memref<1x125xi32, #tpu.memory_space<vmem>> -> memref<125xi32, #tpu.memory_space<vmem>>
          %dma_start3A_85 = arith.constant 0 : i32
          %dma_start3A_86 = arith.constant 0 : i32
          %dma_start3A_87 = tpu.memref_slice %arg8[%dma_start3A_85, %dma_start3A_86] : memref<10240x128xf32, #tpu.memory_space<vmem_shared>> -> memref<10240x128xf32, #tpu.memory_space<vmem_shared>>
          tpu.enqueue_indirect_dma source(%arg13 : memref<125x128xf32, #tpu.memory_space<vmem>>) target(%dma_start3A_87 : memref<10240x128xf32, #tpu.memory_space<vmem_shared>>) offsets(%dma_start3A_84 : memref<125xi32, #tpu.memory_space<vmem>>) semaphore(%run_scoped3A : memref<!tpu.dma_semaphore, #tpu.memory_space<semaphore_mem>>) {add = true}
          %dma_wait3A_88 = arith.constant 0 : i32
          %dma_wait3A_89 = tpu.memref_slice %arg10[%add3A_61, %dma_wait3A_88] : memref<40x125xi32, #tpu.memory_space<vmem>> -> memref<1x125xi32, #tpu.memory_space<vmem>>
          %dma_wait3A_90 = tpu.memref_squeeze %dma_wait3A_89 : memref<1x125xi32, #tpu.memory_space<vmem>> -> memref<125xi32, #tpu.memory_space<vmem>>
          %dma_wait3A_91 = arith.constant 0 : i32
          %dma_wait3A_92 = arith.constant 0 : i32
          %dma_wait3A_93 = tpu.memref_slice %arg8[%dma_wait3A_91, %dma_wait3A_92] : memref<10240x128xf32, #tpu.memory_space<vmem_shared>> -> memref<10240x128xf32, #tpu.memory_space<vmem_shared>>
          tpu.wait_indirect_dma semaphore(%run_scoped3A : memref<!tpu.dma_semaphore, #tpu.memory_space<semaphore_mem>>) src(%arg13 : memref<125x128xf32, #tpu.memory_space<vmem>>) dst(%dma_wait3A_93 : memref<10240x128xf32, #tpu.memory_space<vmem_shared>>)
          tpu.yield
        }) : () -> ()
      }
      %scan3A_33 = arith.constant 20 : i32
    }
    %scan3A_4 = arith.constant 2 : i32
    %barrier3A_5 = arith.constant 0 : index
    tpu.barrier barrier_id(%barrier3A_5)
    %mul3A_6 = arith.constant 640 : i32
    %mul3A_7 = arith.muli %arg1, %mul3A_6 : i32
    %mul3A_8 = arith.constant 640 : i32
    %mul3A_9 = arith.muli %arg1, %mul3A_8 : i32
    "tpu.region"() ({
      %run_scoped3A = tpu.sem_alloc : memref<!tpu.dma_semaphore, #tpu.memory_space<semaphore_mem>>
      %dma_start3A = arith.constant 0 : i32
      %dma_start3A_10 = arith.constant 0 : i32
      %dma_start3A_11 = tpu.memref_slice %arg7[%arg0, %dma_start3A, %dma_start3A_10] : memref<2x10240x128xf32, #tpu.memory_space<hbm>> -> memref<1x10240x128xf32, #tpu.memory_space<hbm>>
      %dma_start3A_12 = tpu.memref_squeeze %dma_start3A_11 : memref<1x10240x128xf32, #tpu.memory_space<hbm>> -> memref<10240x128xf32, #tpu.memory_space<hbm>>
      %dma_start3A_13 = arith.constant 0 : i32
      %dma_start3A_14 = tpu.memref_slice %dma_start3A_12[%mul3A_9, %dma_start3A_13] : memref<10240x128xf32, #tpu.memory_space<hbm>> -> memref<640x128xf32, #tpu.memory_space<hbm>>
      %dma_start3A_15 = arith.constant 0 : i32
      %dma_start3A_16 = tpu.memref_slice %arg8[%mul3A_7, %dma_start3A_15] : memref<10240x128xf32, #tpu.memory_space<vmem_shared>> -> memref<640x128xf32, #tpu.memory_space<vmem_shared>>
      tpu.enqueue_dma source(%dma_start3A_16 : memref<640x128xf32, #tpu.memory_space<vmem_shared>>) target(%dma_start3A_14 : memref<640x128xf32, #tpu.memory_space<hbm>>) target_semaphore(%run_scoped3A : memref<!tpu.dma_semaphore, #tpu.memory_space<semaphore_mem>>)
      %dma_wait3A = arith.constant 0 : i32
      %dma_wait3A_17 = arith.constant 0 : i32
      %dma_wait3A_18 = tpu.memref_slice %arg7[%arg0, %dma_wait3A, %dma_wait3A_17] : memref<2x10240x128xf32, #tpu.memory_space<hbm>> -> memref<1x10240x128xf32, #tpu.memory_space<hbm>>
      %dma_wait3A_19 = tpu.memref_squeeze %dma_wait3A_18 : memref<1x10240x128xf32, #tpu.memory_space<hbm>> -> memref<10240x128xf32, #tpu.memory_space<hbm>>
      %dma_wait3A_20 = arith.constant 0 : i32
      %dma_wait3A_21 = tpu.memref_slice %dma_wait3A_19[%mul3A_9, %dma_wait3A_20] : memref<10240x128xf32, #tpu.memory_space<hbm>> -> memref<640x128xf32, #tpu.memory_space<hbm>>
      %dma_wait3A_22 = arith.constant 0 : i32
      %dma_wait3A_23 = tpu.memref_slice %arg8[%mul3A_7, %dma_wait3A_22] : memref<10240x128xf32, #tpu.memory_space<vmem_shared>> -> memref<640x128xf32, #tpu.memory_space<vmem_shared>>
      tpu.wait_dma2 semaphore(%run_scoped3A : memref<!tpu.dma_semaphore, #tpu.memory_space<semaphore_mem>>) src(%dma_wait3A_23 : memref<640x128xf32, #tpu.memory_space<vmem_shared>>) dst(%dma_wait3A_21 : memref<640x128xf32, #tpu.memory_space<hbm>>)
      tpu.yield
    }) : () -> ()
    return
  }
}

module attributes {stable_mosaic.version = 14 : i64} {
  func.func @_prescale_body(%arg0: i32, %arg1: memref<1000x256xf32, #tpu.memory_space<vmem>>, %arg2: memref<2x1000x128xf32, #tpu.memory_space<vmem>>, %arg3: memref<2x1000x128xf32, #tpu.memory_space<vmem>>, %arg4: memref<1000x1xf32, #tpu.memory_space<vmem>>) attributes {dimension_semantics = [#tpu.dimension_semantics<arbitrary>], iteration_bounds = array<i64: 10>, scalar_prefetch = 0 : i64, scratch_operands = 0 : i64, tpu.core_type = #tpu.core_type<tc>, window_params = [{transform_indices = @transform_0, window_bounds = array<i64: 1000, 256>}, {transform_indices = @transform_1, window_bounds = array<i64: 2, 1000, 128>}, {transform_indices = @transform_2, window_bounds = array<i64: 2, 1000, 128>}, {transform_indices = @transform_3, window_bounds = array<i64: 1000, 1>}]} {
    %get3A = arith.constant 0 : index
    %get3A_0 = arith.constant 0 : index
    %get3A_1 = arith.constant 0 : index
    %get3A_2 = vector.load %arg2[%get3A, %get3A_0, %get3A_1] : memref<2x1000x128xf32, #tpu.memory_space<vmem>>, vector<1x1000x1xf32>
    %get3A_3 = vector.shape_cast %get3A_2 : vector<1x1000x1xf32> to vector<1000x1xf32>
    %get3A_4 = arith.constant 1 : index
    %get3A_5 = arith.constant 0 : index
    %get3A_6 = arith.constant 0 : index
    %get3A_7 = vector.load %arg2[%get3A_4, %get3A_5, %get3A_6] : memref<2x1000x128xf32, #tpu.memory_space<vmem>>, vector<1x1000x1xf32>
    %get3A_8 = vector.shape_cast %get3A_7 : vector<1x1000x1xf32> to vector<1000x1xf32>
    %add3A = arith.addf %get3A_3, %get3A_8 : vector<1000x1xf32>
    %add3A_9 = arith.constant 1.000000e+00 : f32
    %add3A_10 = vector.broadcast %add3A_9 : f32 to vector<1000x1xf32>
    %add3A_11 = arith.addf %add3A, %add3A_10 : vector<1000x1xf32>
    %gt3A = arith.constant 0.000000e+00 : f32
    %gt3A_12 = vector.broadcast %gt3A : f32 to vector<1000x1xf32>
    %gt3A_13 = arith.cmpf ogt, %add3A_11, %gt3A_12 : vector<1000x1xf32>
    %rsqrt3A = math.rsqrt %add3A_11 : vector<1000x1xf32>
    %jit3A = arith.constant 0.000000e+00 : f32
    %broadcast_in_dim3A = vector.broadcast %jit3A : f32 to vector<1000x1xf32>
    %select_n3A = arith.select %gt3A_13, %rsqrt3A, %broadcast_in_dim3A : vector<1000x1xi1>, vector<1000x1xf32>
    %get3A_14 = arith.constant 0 : index
    %get3A_15 = arith.constant 0 : index
    %get3A_16 = vector.load %arg1[%get3A_14, %get3A_15] : memref<1000x256xf32, #tpu.memory_space<vmem>>, vector<1000x256xf32>
    %mul3A = vector.broadcast %select_n3A : vector<1000x1xf32> to vector<1000x256xf32>
    %mul3A_17 = arith.mulf %mul3A, %get3A_16 : vector<1000x256xf32>
    %slice3A = vector.extract_strided_slice %mul3A_17 {offsets = [0, 0], sizes = [1000, 128], strides = [1, 1]} : vector<1000x256xf32> to vector<1000x128xf32>
    %slice3A_18 = vector.extract_strided_slice %mul3A_17 {offsets = [0, 128], sizes = [1000, 128], strides = [1, 1]} : vector<1000x256xf32> to vector<1000x128xf32>
    %stack3A = vector.shape_cast %slice3A : vector<1000x128xf32> to vector<1x1000x128xf32>
    %stack3A_19 = vector.shape_cast %slice3A_18 : vector<1000x128xf32> to vector<1x1000x128xf32>
    %stack3A_20 = tpu.concatenate %stack3A, %stack3A_19 in 0 : vector<1x1000x128xf32>, vector<1x1000x128xf32> -> vector<2x1000x128xf32>
    %swap3A = arith.constant 0 : index
    %swap3A_21 = arith.constant 0 : index
    %swap3A_22 = arith.constant 0 : index
    %swap3A_23 = vector.load %arg3[%swap3A, %swap3A_21, %swap3A_22] : memref<2x1000x128xf32, #tpu.memory_space<vmem>>, vector<2x1000x128xf32>
    tpu.vector_store %arg3[%swap3A, %swap3A_21, %swap3A_22], %stack3A_20 {strides = array<i32>} : memref<2x1000x128xf32, #tpu.memory_space<vmem>>, vector<2x1000x128xf32>,
    %swap3A_24 = arith.constant 0 : index
    %swap3A_25 = arith.constant 0 : index
    %swap3A_26 = vector.load %arg4[%swap3A_24, %swap3A_25] : memref<1000x1xf32, #tpu.memory_space<vmem>>, vector<1000x1xf32>
    tpu.vector_store %arg4[%swap3A_24, %swap3A_25], %select_n3A {strides = array<i32>} : memref<1000x1xf32, #tpu.memory_space<vmem>>, vector<1000x1xf32>,
    return
  }
  func.func @transform_0(%arg0: i32) -> (i32, i32) {
    %c0_i32 = arith.constant 0 : i32
    %c0_i32_0 = arith.constant 0 : i32
    return %arg0, %c0_i32 : i32, i32
  }
  func.func @transform_1(%arg0: i32) -> (i32, i32, i32) {
    %c0_i32 = arith.constant 0 : i32
    %c0_i32_0 = arith.constant 0 : i32
    %c0_i32_1 = arith.constant 0 : i32
    return %c0_i32, %arg0, %c0_i32_0 : i32, i32, i32
  }
  func.func @transform_2(%arg0: i32) -> (i32, i32, i32) {
    %c0_i32 = arith.constant 0 : i32
    %c0_i32_0 = arith.constant 0 : i32
    %c0_i32_1 = arith.constant 0 : i32
    return %c0_i32, %arg0, %c0_i32_0 : i32, i32, i32
  }
  func.func @transform_3(%arg0: i32) -> (i32, i32) {
    %c0_i32 = arith.constant 0 : i32
    %c0_i32_0 = arith.constant 0 : i32
    return %arg0, %c0_i32 : i32, i32
  }
}

module attributes {stable_mosaic.version = 14 : i64} {
  func.func @_fused_mlp_body(%arg0: i32, %arg1: memref<2x1000x128xf32, #tpu.memory_space<vmem>>, %arg2: memref<2x1000x128xf32, #tpu.memory_space<vmem>>, %arg3: memref<1000x1xf32, #tpu.memory_space<vmem>>, %arg4: memref<256x512xf32, #tpu.memory_space<vmem>>, %arg5: memref<1x512xf32, #tpu.memory_space<vmem>>, %arg6: memref<512x256xf32, #tpu.memory_space<vmem>>, %arg7: memref<2x1000x128xf32, #tpu.memory_space<vmem>>) attributes {dimension_semantics = [#tpu.dimension_semantics<arbitrary>], iteration_bounds = array<i64: 10>, scalar_prefetch = 0 : i64, scratch_operands = 0 : i64, tpu.core_type = #tpu.core_type<tc>, window_params = [{transform_indices = @transform_0, window_bounds = array<i64: 2, 1000, 128>}, {transform_indices = @transform_1, window_bounds = array<i64: 2, 1000, 128>}, {transform_indices = @transform_2, window_bounds = array<i64: 1000, 1>}, {pipeline_mode = #tpu.pipeline_mode<synchronous>, transform_indices = @transform_3, window_bounds = array<i64: 256, 512>}, {pipeline_mode = #tpu.pipeline_mode<synchronous>, transform_indices = @transform_4, window_bounds = array<i64: 1, 512>}, {pipeline_mode = #tpu.pipeline_mode<synchronous>, transform_indices = @transform_5, window_bounds = array<i64: 512, 256>}, {transform_indices = @transform_6, window_bounds = array<i64: 2, 1000, 128>}]} {
    %get3A = arith.constant 0 : index
    %get3A_0 = arith.constant 0 : index
    %get3A_1 = vector.load %arg3[%get3A, %get3A_0] : memref<1000x1xf32, #tpu.memory_space<vmem>>, vector<1000x1xf32>
    %get3A_2 = arith.constant 0 : index
    %get3A_3 = arith.constant 0 : index
    %get3A_4 = arith.constant 0 : index
    %get3A_5 = vector.load %arg1[%get3A_2, %get3A_3, %get3A_4] : memref<2x1000x128xf32, #tpu.memory_space<vmem>>, vector<1x1000x128xf32>
    %get3A_6 = vector.shape_cast %get3A_5 : vector<1x1000x128xf32> to vector<1000x128xf32>
    %get3A_7 = arith.constant 0 : index
    %get3A_8 = arith.constant 0 : index
    %get3A_9 = arith.constant 0 : index
    %get3A_10 = vector.load %arg2[%get3A_7, %get3A_8, %get3A_9] : memref<2x1000x128xf32, #tpu.memory_space<vmem>>, vector<1x1000x128xf32>
    %get3A_11 = vector.shape_cast %get3A_10 : vector<1x1000x128xf32> to vector<1000x128xf32>
    %add3A = arith.addf %get3A_6, %get3A_11 : vector<1000x128xf32>
    %mul3A = vector.broadcast %get3A_1 : vector<1000x1xf32> to vector<1000x128xf32>
    %mul3A_12 = arith.mulf %mul3A, %add3A : vector<1000x128xf32>
    %get3A_13 = arith.constant 1 : index
    %get3A_14 = arith.constant 0 : index
    %get3A_15 = arith.constant 0 : index
    %get3A_16 = vector.load %arg1[%get3A_13, %get3A_14, %get3A_15] : memref<2x1000x128xf32, #tpu.memory_space<vmem>>, vector<1x1000x128xf32>
    %get3A_17 = vector.shape_cast %get3A_16 : vector<1x1000x128xf32> to vector<1000x128xf32>
    %get3A_18 = arith.constant 1 : index
    %get3A_19 = arith.constant 0 : index
    %get3A_20 = arith.constant 0 : index
    %get3A_21 = vector.load %arg2[%get3A_18, %get3A_19, %get3A_20] : memref<2x1000x128xf32, #tpu.memory_space<vmem>>, vector<1x1000x128xf32>
    %get3A_22 = vector.shape_cast %get3A_21 : vector<1x1000x128xf32> to vector<1000x128xf32>
    %add3A_23 = arith.addf %get3A_17, %get3A_22 : vector<1000x128xf32>
    %mul3A_24 = vector.broadcast %get3A_1 : vector<1000x1xf32> to vector<1000x128xf32>
    %mul3A_25 = arith.mulf %mul3A_24, %add3A_23 : vector<1000x128xf32>
    %concatenate3A = tpu.concatenate %mul3A_12, %mul3A_25 in 1 : vector<1000x128xf32>, vector<1000x128xf32> -> vector<1000x256xf32>
    %get3A_26 = arith.constant 0 : index
    %get3A_27 = arith.constant 0 : index
    %get3A_28 = vector.load %arg4[%get3A_26, %get3A_27] : memref<256x512xf32, #tpu.memory_space<vmem>>, vector<256x512xf32>
    %dot_general3A = arith.constant dense<0.000000e+00> : vector<1000x512xf32>
    %dot_general3A_29 = tpu.matmul %concatenate3A, %get3A_28, %dot_general3A {dimension_numbers = #tpu.dot_dimension_numbers<[1], [0], [0], [1], [0, 0, 1, 1], [], []>, transpose_lhs_hint = false} : vector<1000x256xf32>, vector<256x512xf32>, vector<1000x512xf32> -> vector<1000x512xf32>
    %get3A_30 = arith.constant 0 : index
    %get3A_31 = arith.constant 0 : index
    %get3A_32 = vector.load %arg5[%get3A_30, %get3A_31] : memref<1x512xf32, #tpu.memory_space<vmem>>, vector<1x512xf32>
    %add3A_33 = vector.broadcast %get3A_32 : vector<1x512xf32> to vector<1000x512xf32>
    %add3A_34 = arith.addf %dot_general3A_29, %add3A_33 : vector<1000x512xf32>
    %max3A = arith.constant 0.000000e+00 : f32
    %max3A_35 = vector.broadcast %max3A : f32 to vector<1000x512xf32>
    %max3A_36 = arith.maximumf %add3A_34, %max3A_35 : vector<1000x512xf32>
    %get3A_37 = arith.constant 0 : index
    %get3A_38 = arith.constant 0 : index
    %get3A_39 = vector.load %arg6[%get3A_37, %get3A_38] : memref<512x256xf32, #tpu.memory_space<vmem>>, vector<512x256xf32>
    %dot_general3A_40 = arith.constant dense<0.000000e+00> : vector<1000x256xf32>
    %dot_general3A_41 = tpu.matmul %max3A_36, %get3A_39, %dot_general3A_40 {dimension_numbers = #tpu.dot_dimension_numbers<[1], [0], [0], [1], [0, 0, 1, 1], [], []>, transpose_lhs_hint = false} : vector<1000x512xf32>, vector<512x256xf32>, vector<1000x256xf32> -> vector<1000x256xf32>
    %mul3A_42 = vector.broadcast %get3A_1 : vector<1000x1xf32> to vector<1000x256xf32>
    %mul3A_43 = arith.mulf %mul3A_42, %dot_general3A_41 : vector<1000x256xf32>
    %slice3A = vector.extract_strided_slice %mul3A_43 {offsets = [0, 0], sizes = [1000, 128], strides = [1, 1]} : vector<1000x256xf32> to vector<1000x128xf32>
    %slice3A_44 = vector.extract_strided_slice %mul3A_43 {offsets = [0, 128], sizes = [1000, 128], strides = [1, 1]} : vector<1000x256xf32> to vector<1000x128xf32>
    %stack3A = vector.shape_cast %slice3A : vector<1000x128xf32> to vector<1x1000x128xf32>
    %stack3A_45 = vector.shape_cast %slice3A_44 : vector<1000x128xf32> to vector<1x1000x128xf32>
    %stack3A_46 = tpu.concatenate %stack3A, %stack3A_45 in 0 : vector<1x1000x128xf32>, vector<1x1000x128xf32> -> vector<2x1000x128xf32>
    %swap3A = arith.constant 0 : index
    %swap3A_47 = arith.constant 0 : index
    %swap3A_48 = arith.constant 0 : index
    %swap3A_49 = vector.load %arg7[%swap3A, %swap3A_47, %swap3A_48] : memref<2x1000x128xf32, #tpu.memory_space<vmem>>, vector<2x1000x128xf32>
    tpu.vector_store %arg7[%swap3A, %swap3A_47, %swap3A_48], %stack3A_46 {strides = array<i32>} : memref<2x1000x128xf32, #tpu.memory_space<vmem>>, vector<2x1000x128xf32>,
    return
  }
  func.func @transform_0(%arg0: i32) -> (i32, i32, i32) {
    %c0_i32 = arith.constant 0 : i32
    %c0_i32_0 = arith.constant 0 : i32
    %c0_i32_1 = arith.constant 0 : i32
    return %c0_i32, %arg0, %c0_i32_0 : i32, i32, i32
  }
  func.func @transform_1(%arg0: i32) -> (i32, i32, i32) {
    %c0_i32 = arith.constant 0 : i32
    %c0_i32_0 = arith.constant 0 : i32
    %c0_i32_1 = arith.constant 0 : i32
    return %c0_i32, %arg0, %c0_i32_0 : i32, i32, i32
  }
  func.func @transform_2(%arg0: i32) -> (i32, i32) {
    %c0_i32 = arith.constant 0 : i32
    %c0_i32_0 = arith.constant 0 : i32
    return %arg0, %c0_i32 : i32, i32
  }
  func.func @transform_3(%arg0: i32) -> (i32, i32) {
    %c0_i32 = arith.constant 0 : i32
    %c0_i32_0 = arith.constant 0 : i32
    %c0_i32_1 = arith.constant 0 : i32
    return %c0_i32, %c0_i32_0 : i32, i32
  }
  func.func @transform_4(%arg0: i32) -> (i32, i32) {
    %c0_i32 = arith.constant 0 : i32
    %c0_i32_0 = arith.constant 0 : i32
    %c0_i32_1 = arith.constant 0 : i32
    return %c0_i32, %c0_i32_0 : i32, i32
  }
  func.func @transform_5(%arg0: i32) -> (i32, i32) {
    %c0_i32 = arith.constant 0 : i32
    %c0_i32_0 = arith.constant 0 : i32
    %c0_i32_1 = arith.constant 0 : i32
    return %c0_i32, %c0_i32_0 : i32, i32
  }
  func.func @transform_6(%arg0: i32) -> (i32, i32, i32) {
    %c0_i32 = arith.constant 0 : i32
    %c0_i32_0 = arith.constant 0 : i32
    %c0_i32_1 = arith.constant 0 : i32
    return %c0_i32, %arg0, %c0_i32_0 : i32, i32, i32
  }
}

module attributes {stable_mosaic.version = 14 : i64} {
  func.func @_final_body(%arg0: i32, %arg1: memref<2x1000x128xf32, #tpu.memory_space<vmem>>, %arg2: memref<2x1000x128xf32, #tpu.memory_space<vmem>>, %arg3: memref<1000x1xf32, #tpu.memory_space<vmem>>, %arg4: memref<1x256xf32, #tpu.memory_space<vmem>>, %arg5: memref<1000x256xf32, #tpu.memory_space<vmem>>) attributes {dimension_semantics = [#tpu.dimension_semantics<arbitrary>], iteration_bounds = array<i64: 10>, scalar_prefetch = 0 : i64, scratch_operands = 0 : i64, tpu.core_type = #tpu.core_type<tc>, window_params = [{transform_indices = @transform_0, window_bounds = array<i64: 2, 1000, 128>}, {transform_indices = @transform_1, window_bounds = array<i64: 2, 1000, 128>}, {transform_indices = @transform_2, window_bounds = array<i64: 1000, 1>}, {pipeline_mode = #tpu.pipeline_mode<synchronous>, transform_indices = @transform_3, window_bounds = array<i64: 1, 256>}, {transform_indices = @transform_4, window_bounds = array<i64: 1000, 256>}]} {
    %get3A = arith.constant 0 : index
    %get3A_0 = arith.constant 0 : index
    %get3A_1 = vector.load %arg3[%get3A, %get3A_0] : memref<1000x1xf32, #tpu.memory_space<vmem>>, vector<1000x1xf32>
    %get3A_2 = arith.constant 0 : index
    %get3A_3 = arith.constant 0 : index
    %get3A_4 = arith.constant 0 : index
    %get3A_5 = vector.load %arg1[%get3A_2, %get3A_3, %get3A_4] : memref<2x1000x128xf32, #tpu.memory_space<vmem>>, vector<1x1000x128xf32>
    %get3A_6 = vector.shape_cast %get3A_5 : vector<1x1000x128xf32> to vector<1000x128xf32>
    %get3A_7 = arith.constant 0 : index
    %get3A_8 = arith.constant 0 : index
    %get3A_9 = arith.constant 0 : index
    %get3A_10 = vector.load %arg2[%get3A_7, %get3A_8, %get3A_9] : memref<2x1000x128xf32, #tpu.memory_space<vmem>>, vector<1x1000x128xf32>
    %get3A_11 = vector.shape_cast %get3A_10 : vector<1x1000x128xf32> to vector<1000x128xf32>
    %add3A = arith.addf %get3A_6, %get3A_11 : vector<1000x128xf32>
    %mul3A = vector.broadcast %get3A_1 : vector<1000x1xf32> to vector<1000x128xf32>
    %mul3A_12 = arith.mulf %mul3A, %add3A : vector<1000x128xf32>
    %get3A_13 = arith.constant 1 : index
    %get3A_14 = arith.constant 0 : index
    %get3A_15 = arith.constant 0 : index
    %get3A_16 = vector.load %arg1[%get3A_13, %get3A_14, %get3A_15] : memref<2x1000x128xf32, #tpu.memory_space<vmem>>, vector<1x1000x128xf32>
    %get3A_17 = vector.shape_cast %get3A_16 : vector<1x1000x128xf32> to vector<1000x128xf32>
    %get3A_18 = arith.constant 1 : index
    %get3A_19 = arith.constant 0 : index
    %get3A_20 = arith.constant 0 : index
    %get3A_21 = vector.load %arg2[%get3A_18, %get3A_19, %get3A_20] : memref<2x1000x128xf32, #tpu.memory_space<vmem>>, vector<1x1000x128xf32>
    %get3A_22 = vector.shape_cast %get3A_21 : vector<1x1000x128xf32> to vector<1000x128xf32>
    %add3A_23 = arith.addf %get3A_17, %get3A_22 : vector<1000x128xf32>
    %mul3A_24 = vector.broadcast %get3A_1 : vector<1000x1xf32> to vector<1000x128xf32>
    %mul3A_25 = arith.mulf %mul3A_24, %add3A_23 : vector<1000x128xf32>
    %concatenate3A = tpu.concatenate %mul3A_12, %mul3A_25 in 1 : vector<1000x128xf32>, vector<1000x128xf32> -> vector<1000x256xf32>
    %get3A_26 = arith.constant 0 : index
    %get3A_27 = arith.constant 0 : index
    %get3A_28 = vector.load %arg4[%get3A_26, %get3A_27] : memref<1x256xf32, #tpu.memory_space<vmem>>, vector<1x256xf32>
    %add3A_29 = vector.broadcast %get3A_28 : vector<1x256xf32> to vector<1000x256xf32>
    %add3A_30 = arith.addf %concatenate3A, %add3A_29 : vector<1000x256xf32>
    %swap3A = arith.constant 0 : index
    %swap3A_31 = arith.constant 0 : index
    %swap3A_32 = vector.load %arg5[%swap3A, %swap3A_31] : memref<1000x256xf32, #tpu.memory_space<vmem>>, vector<1000x256xf32>
    tpu.vector_store %arg5[%swap3A, %swap3A_31], %add3A_30 {strides = array<i32>} : memref<1000x256xf32, #tpu.memory_space<vmem>>, vector<1000x256xf32>,
    return
  }
  func.func @transform_0(%arg0: i32) -> (i32, i32, i32) {
    %c0_i32 = arith.constant 0 : i32
    %c0_i32_0 = arith.constant 0 : i32
    %c0_i32_1 = arith.constant 0 : i32
    return %c0_i32, %arg0, %c0_i32_0 : i32, i32, i32
  }
  func.func @transform_1(%arg0: i32) -> (i32, i32, i32) {
    %c0_i32 = arith.constant 0 : i32
    %c0_i32_0 = arith.constant 0 : i32
    %c0_i32_1 = arith.constant 0 : i32
    return %c0_i32, %arg0, %c0_i32_0 : i32, i32, i32
  }
  func.func @transform_2(%arg0: i32) -> (i32, i32) {
    %c0_i32 = arith.constant 0 : i32
    %c0_i32_0 = arith.constant 0 : i32
    return %arg0, %c0_i32 : i32, i32
  }
  func.func @transform_3(%arg0: i32) -> (i32, i32) {
    %c0_i32 = arith.constant 0 : i32
    %c0_i32_0 = arith.constant 0 : i32
    %c0_i32_1 = arith.constant 0 : i32
    return %c0_i32, %c0_i32_0 : i32, i32
  }
  func.func @transform_4(%arg0: i32) -> (i32, i32) {
    %c0_i32 = arith.constant 0 : i32
    %c0_i32_0 = arith.constant 0 : i32
    return %arg0, %c0_i32 : i32, i32
  }
}

</mosaic_0001>

<sc_bundles>
// kernel: kernel.11.cloned.1.call-start
scs
__scs_entry_jumppad:
0x0: {  	(pc) =	sbr.rel $0x88, $3  }
0x1: {  	(tag) =	ssettag $0x0;
	lr =	simm.s32 $0x1  }
0x2: {  	[smem:$0x3F9A] =	sst lr;
	_ =	strace $0xD0000000  }
0x3: {  	_ = 	snop  }
0x4: {  	_ = 	snop  }
0x5: {  	_ = 	snop  }
0x6: {  	_ = 	snop  }
0x7: {  	_ = 	snop  }
__scs_overlays_trampoline_lowered:
0x8: {  	[smem:$0x3FA9] =	sst s0  }
0x9: {  	[smem:$0x3FAA] =	sst s1  }
0xa: {  	[smem:$0x3FAB] =	sst s2  }
0xb: {  	[smem:$0x3FAC] =	sst s3  }
0xc: {  	[smem:$0x3FAD] =	sst s4  }
0xd: {  	[smem:$0x3FAE] =	sst s5  }
0xe: {  	[smem:$0x3FAF] =	sst s6  }
0xf: {  	[smem:$0x3FB0] =	sst s7  }
0x10: {  	[smem:$0x3FB1] =	sst s8  }
0x11: {  	[smem:$0x3FB2] =	sst s9;
	s0 =	simm.s32 @!p0 $0x0  }
0x12: {  	s1 =	sld [smem:$0x3F98];
	s0 =	simm.s32 @p0 $0x1  }
0x13: {  	[smem:$0x3FB3] =	sst s0;
	s0 =	simm.s32 @!p1 $0x0  }
0x14: {  	s2 =	sld [smem:$0x3F97];
	s0 =	simm.s32 @p1 $0x1  }
0x15: {  	[smem:$0x3FB4] =	sst s0;
	s0 =	simm.s32 @!p2 $0x0  }
0x16: {  	s3 =	sld [smem:$0x3FDB];
	s0 =	simm.s32 @p2 $0x1  }
0x17: {  	s4 =	simm.s32 $0x1BF5;
	[smem:$0x3FB6] =	sst s0  }
0x18: {  	s0 =	sld [smem:$0x3F99];
	_ =	swait.ge [sflag:s4], $0x0  }
0x19: {  	s7 =	sld [smem:$0x3F9A]  }
0x1a: {  	s8 =	sadd.s32 $0xFFFFE003, lr  }
0x1b: {  	s9 =	sadd.s32 $0xFFFFFEF7, lr;
	s5 =	simm.s32 $0xFFFFFFFF;
	p2 =	slt.u32 s8, $0xFFFFF086  }
0x1c: {  	p1 =	slt.u32 s9, $0xF7A;
	s5 =	simm.s32 @!p2 $0x0  }
0x1d: {  	s5 =	simm.s32 @p1 $0x1;
	p0 =	seq.s32 s7, s2  }
0x1e: {  	s7 =	smul.u32 @!p0 $0xF7A, s2;
	p2 =	seq.s32 @!p0 s5, $0x0  }
0x1f: {  	s9 =	smul.u32 $0xF7A, s1;
	s8 =	simm.s32 @!p0 $0x1BF5;
	p2 =	por !p2, p0  }
0x20: {  	[sflag:s8] =	ssyncset.s32 @!p0 $0xFFFFF086;
	s6 =	sadd.s32 @!p0 s3, s7;
	s7 =	simm.s32 @!p0 $0x108  }
0x21: {  	s3 =	sadd.s32 s3, s9;
	s6 =	sadd.s32 @!p0 $0x88, s6;
	s7 =	simm.s32 @p2 $0x1082  }
0x22: {  	[simem:s7], [sflag:s8] =	dma.local @!p0 [hbm:s6], $0xF7A  }
0x23: {  	s9 =	sor.u32 $0xD0000000, s2;
	s6 =	simm.s32 $0x108;
	_ =	swait.ge @!p0 [sflag:s8], $0x0  }
0x24: {  	s3 =	sadd.s32 $0x88, s3;
	s6 =	simm.s32 @!p1 $0x1082;
	[sflag:s4] =	ssyncset.s32 $0xFFFFF086  }
0x25: {  	[simem:s6], [sflag:s4] =	dma.local [hbm:s3], $0xF7A  }
0x26: {  	[smem:$0x3F9A] =	sst s1;
	(tag) =	ssettag s2;
	_ =	strace s9  }
0x27: {  	s1 =	sld [smem:$0x3FAA]  }
0x28: {  	s2 =	sld [smem:$0x3FAB]  }
0x29: {  	s4 =	sld [smem:$0x3FAD]  }
0x2a: {  	p0 =	seq.s32 s5, $0x0;
	s5 =	sld [smem:$0x3FAE]  }
0x2b: {  	s6 =	sld [smem:$0x3FAF]  }
0x2c: {  	s7 =	sld [smem:$0x3FB0]  }
0x2d: {  	s3 =	simm.s32 $0x108;
	s8 =	sld [smem:$0x3FB1]  }
0x2e: {  	s3 =	simm.s32 @!p0 $0x1082;
	s9 =	sld [smem:$0x3FB2]  }
0x2f: {  	lr =	sadd.s32 s0, s3;
	s0 =	sld [smem:$0x3FA9]  }
0x30: {  	s3 =	sld [smem:$0x3FAC]  }
0x31: {  	[smem:$0x3FB5] =	sst s10  }
0x32: {  	s10 =	sld [smem:$0x3FB3];
	_ =	sdelay $0x3  }
0x33: {  	p0 =	seq.s32 s10, $0x1;
	s10 =	sld [smem:$0x3FB5];
	_ =	sdelay $0x3  }
0x34: {  	[smem:$0x3FB5] =	sst s10  }
0x35: {  	s10 =	sld [smem:$0x3FB4];
	_ =	sdelay $0x3  }
0x36: {  	p1 =	seq.s32 s10, $0x1;
	s10 =	sld [smem:$0x3FB5];
	_ =	sdelay $0x3  }
0x37: {  	[smem:$0x3FB5] =	sst s10  }
0x38: {  	s10 =	sld [smem:$0x3FB6]  }
0x39: {  	_ = 	snop;
	(pc) =	sbr.ind lr, $3  }
0x3a: {  	_ = 	snop  }
0x3b: {  	_ = 	snop  }
0x3c: {  	p2 =	seq.s32 s10, $0x1;
	s10 =	sld [smem:$0x3FB5]  }
0x3d: {  	_ =	shalt  }
0x3e: {  	_ =	shalt  }
0x3f: {  	_ =	shalt  }
0x40: {  	_ =	shalt  }
0x41: {  	_ =	shalt  }
0x42: {  	_ =	shalt  }
0x43: {  	_ =	shalt  }
0x44: {  	_ =	shalt  }
0x45: {  	_ =	shalt  }
0x46: {  	_ =	shalt  }
0x47: {  	_ =	shalt  }
0x48: {  	_ =	shalt  }
0x49: {  	_ =	shalt  }
0x4a: {  	_ =	shalt  }
0x4b: {  	_ =	shalt  }
0x4c: {  	_ =	shalt  }
0x4d: {  	_ =	shalt  }
0x4e: {  	_ =	shalt  }
0x4f: {  	_ =	shalt  }
0x50: {  	_ =	shalt  }
0x51: {  	_ =	shalt  }
0x52: {  	_ =	shalt  }
0x53: {  	_ =	shalt  }
0x54: {  	_ =	shalt  }
0x55: {  	_ =	shalt  }
0x56: {  	_ =	shalt  }
0x57: {  	_ =	shalt  }
0x58: {  	_ =	shalt  }
0x59: {  	_ =	shalt  }
0x5a: {  	_ =	shalt  }
0x5b: {  	_ =	shalt  }
0x5c: {  	_ =	shalt  }
0x5d: {  	_ =	shalt  }
0x5e: {  	_ =	shalt  }
0x5f: {  	_ =	shalt  }
0x60: {  	_ =	shalt  }
0x61: {  	_ =	shalt  }
0x62: {  	_ =	shalt  }
0x63: {  	_ =	shalt  }
0x64: {  	_ =	shalt  }
0x65: {  	_ =	shalt  }
0x66: {  	_ =	shalt  }
0x67: {  	_ =	shalt  }
0x68: {  	_ =	shalt  }
0x69: {  	_ =	shalt  }
0x6a: {  	_ =	shalt  }
0x6b: {  	_ =	shalt  }
0x6c: {  	_ =	shalt  }
0x6d: {  	_ =	shalt  }
0x6e: {  	_ =	shalt  }
0x6f: {  	_ =	shalt  }
0x70: {  	_ =	shalt  }
0x71: {  	_ =	shalt  }
0x72: {  	_ =	shalt  }
0x73: {  	_ =	shalt  }
0x74: {  	_ =	shalt  }
0x75: {  	_ =	shalt  }
0x76: {  	_ =	shalt  }
0x77: {  	_ =	shalt  }
0x78: {  	_ =	shalt  }
0x79: {  	_ =	shalt  }
0x7a: {  	_ =	shalt  }
0x7b: {  	_ =	shalt  }
0x7c: {  	_ =	shalt  }
0x7d: {  	_ =	shalt  }
0x7e: {  	_ =	shalt  }
0x7f: {  	_ =	shalt  }
0x80: {  	_ =	shalt  }
0x81: {  	_ =	shalt  }
0x82: {  	_ =	shalt  }
0x83: {  	_ =	shalt  }
0x84: {  	_ =	shalt  }
0x85: {  	_ =	shalt  }
0x86: {  	_ =	shalt  }
0x87: {  	_ =	shalt  }
.Lfunc_end0:
.L_simem_size_0:
called_computation.1_lowered:
.L_overlay_start_0:
0x88: {  	s2 =	sld [smem:$0x3FD9]  }
0x89: {  	s3 =	sld [smem:$0x3FFE];
	_ =	sdelay $0x1  }
0x8a: {  	s1 =	srdreg.scid  }
0x8b: {  	s0 =	sand.u32 $0x1, s1  }
0x8c: {  	s17 =	sshll.u32 s0, $0xA;
	s2 =	sadd.s32 s3, s2  }
0x8d: {  	s2 =	sadd.s32 s2, s17  }
0x8e: {  	[smem:$0x3FC1] =	sst s2  }
0x8f: {  	_ = 	snop  }
0x90: {  	s2 =	sld [smem:$0x3FD0];
	(tm) =	ssettm $0x1  }
0x91: {  	s18 =	sld [smem:$0x3FFB];
	_ =	sdelay $0x3  }
0x92: {  	_ =	strace s18  }
0x93: {  	s3 =	sld [smem:$0x3FFC];
	_ =	sdelay $0x3  }
0x94: {  	_ =	strace s3  }
0x95: {  	s3 =	sld [smem:$0x3FFD];
	_ =	sdelay $0x3  }
0x96: {  	_ =	strace s3  }
0x97: {  	_ =	strace $0x8FFFFFFF  }
0x98: {  	s19 =	sld [smem:$0x3FDB];
	_ =	sdelay $0x1  }
0x99: {  	s4 =	simm.s32 $_scs_section_size  }
0x9a: {  	s5 =	simm.s32 $_size__tile_overlayer_lowered;
	s6 =	simm.s32 $_tile_overlayer_lowered  }
0x9b: {  	s22 =	simm.s32 $0x1BFF;
	s21 =	sshll.u32 s6, $0x1;
	s3 =	sadd.s32 s4, s19  }
0x9c: {  	s7 =	simm.s32 $0x0;
	s20 =	sshll.u32 s5, $0x1;
	s5 =	sadd.s32 s21, s3  }
0x9d: {  	[timem:s7], [sflag:s22] =	dma.local [hbm:s5], s20  }
0x9e: {  	_ =	swait.ge [sflag:s22], s20  }
0x9f: {  	s4 =	ssub.s32 $0x0, s20;
	[sflag:s22] =	ssyncset.done $0x0  }
0xa0: {  	[sflag:s22] =	ssyncadd.s32 s4;
	_ =	sdelay $0x1  }
0xa1: {  	s23 =	simm.s32 $0x1B8B  }
0xa2: {  	_ =	swait.ge [sflag:s23], $0x1  }
0xa3: {  	[sflag:s23] =	ssyncset.done $0x0  }
0xa4: {  	s25 =	simm.s32 $0x1B8E;
	s24 =	sld [smem:$0x3FFE];
	[sflag:s23] =	ssyncadd.s32 $0xFFFFFFFF  }
0xa5: {  	s26 =	simm.s32 $execute0_lowered;
	[smem:$0x3FD2] =	sst s25  }
0xa6: {  	s5 =	sshll.u32 s26, $0x1;
	_ =	strace $0x80000049;
	[dreg:$0x1] =	wrdreg $0xFFFFFFFF  }
0xa7: {  	s28 =	simm.s32 $_size_execute0_lowered;
	s3 =	sadd.s32 s3, s5;
	[dreg:$0x0] =	wrdreg $0x0  }
0xa8: {  	s5 =	sshll.u32 s28, $0x1;
	[dreg:$0x2] =	wrdreg s3  }
0xa9: {  	[dreg:$0x3] =	wrdreg s5  }
0xaa: {  	[dreg:$0x4] =	wrdreg $0xC0  }
0xab: {  	_ =	task [dreg:s7], $0x5FFFF  }
0xac: {  	[dreg:$0x1] =	wrdreg $0xFFFFFFFF  }
0xad: {  	[dreg:$0x0] =	wrdreg $0x60  }
0xae: {  	[dreg:$0x2] =	wrdreg s24  }
0xaf: {  	[dreg:$0x3] =	wrdreg s2  }
0xb0: {  	[dreg:$0x4] =	wrdreg $0x0  }
0xb1: {  	[dreg:$0x5] =	wrdreg $0x9  }
0xb2: {  	_ =	task.clear_ibuf [dreg:s7], $0x6FFFF;
	_ =	strace $0x90000049  }
0xb3: {  	s29 =	simm.s32 $0x9;
	_ =	strace $0x8000004B  }
0xb4: {  	_ =	swait.ge [sflag:s29], $0x1  }
0xb5: {  	[sflag:s29] =	ssyncadd.s32 $0xFFFFFFFF  }
0xb6: {  	_ =	strace $0x9000004B  }
0xb7: {  	_ =	sfence  }
0xb8: {  	s30 =	sld [smem:$0x0];
	_ =	sdelay $0x2  }
0xb9: {  	s31 =	sshll.u32 s1, $0xD;
	s1 =	sshrl.u32 s1, $0x2  }
0xba: {  	s3 =	sand.u32 $0x4000, s31;
	s1 =	sadd.s32 s1, s30  }
0xbb: {  	s0 =	sor.u32 s3, s0;
	s1 =	sshll.u32 s1, $0x11  }
0xbc: {  	s0 =	sor.u32 s1, s0  }
0xbd: {  	s0 =	sadd.s32 $0x8F2B, s0  }
0xbe: {  	[sflag:s0] =	ssyncadd.remote.s32 $0x1  }
0xbf: {  	_ =	sfence.sel $0xFFFF  }
0xc0: {  	[dreg:$0x0] =	wrdreg $0xFFFFFFFF;
	(pc) =	sbr.abs _section_cstart, $3  }
0xc1: {  	[dreg:$0x1] =	wrdreg $0xFFFFFFFF  }
0xc2: {  	_ =	task.clear_ibuf [dreg:s7], $0x2FFFF;
	_ =	strace $0x9FFFFFFF  }
0xc3: {  	(tm) =	ssettm $0x7FFFFFFF  }
tec
execute0_lowered:
.L_overlay_start_1:
0x0: {  	(tag) =	ssettag $0x1  }
0x1: {  	s8 =	rddreg [dreg:$0x0]  }
0x2: {  	s1 =	rddreg [dreg:$0x1]  }
0x3: {  	s2 =	rddreg [dreg:$0x2]  }
0x4: {  	s0 =	rddreg [dreg:$0x3];
	s3 =	simm.s32 $0x0;
	s4 =	srdreg.scid  }
0x5: {  	s15 =	simm.s32 $0x15400;
	s16 =	simm.s32 $0x16800;
	s17 =	simm.s32 $0x7D  }
0x6: {  	s18 =	simm.s32 $0x17C00;
	s19 =	simm.s32 $0x1;
	s20 =	simm.s32 $0x1BC00  }
0x7: {  	s21 =	simm.s32 $0x2;
	[smem:$0x7FF] =	sst s3;
	s7 =	sand.u32 $0x1, s4  }
0x8: {  	s5 =	sadd.s32 $0x59600, s8;
	s4 =	stileid.u32;
	s6 =	sadd.s32 $0x1E00, s8  }
0x9: {  	_ =	strace $0x8000004A;
	s9 =	smul.u32 $0x28000, s7;
	s10 =	ssub.s32 $0x2, s7  }
0xa: {  	s11 =	smul.u32 $0x50000, s4;
	s7 =	sadd.s32 $0x6E00, s8;
	s31 =	sshll.u32 s4, $0x6  }
0xb: {  	s23 =	smul.u32 $0x2800, s4;
	s29 =	sshrl.u32 s10, $0x1;
	s12 =	sadd.s32 s9, s8  }
0xc: {  	s13 =	ssub.s32 s10, s29;
	s30 =	sshrl.u32 s11, $0x2;
	s8 =	sor.u32 $0x1C03, s31  }
0xd: {  	s9 =	smul.u32 $0x50, s4;
	s14 =	sadd.s32 s30, s2;
	s10 =	sadd.s32 $0x5E600, s12  }
0xe: {  	s22 =	sadd.s32 $0x9600, s12;
	s11 =	smax.u32 s13, $0x1;
	s13 =	simm.s32 $0x3  }
0xf: {  	s12 =	sshrl.u32 s14, $0x3;
	s14 =	simm.s32 $0x14000;
	s22 =	sadd.s32 s23, s22  }
.LBB2_1:
0x10: {  	[spmem:s12], [sflag:s8] =	dma.local [hbm:s7], $0x2800  }
0x11: {  	_ =	swait.ge [sflag:s13], $0x2800  }
0x12: {  	[sflag:s13] =	ssyncset.done $0x0  }
0x13: {  	[sflag:s13] =	ssyncadd.s32 $0xFFFFD800  }
0x14: {  	p1 =	por $0x1, $0x1;
	s23 =	simm.s32 $0x0;
	[bflag:$0x0] =	sbarrier.arrive $0xFFFF  }
.LBB2_2:
0x15: {  	s23 =	sadd.s32 s9, s23  }
0x16: {  	s24 =	sshll.u32 s23, $0x4  }
0x17: {  	s23 =	simm.s32 $0x0;
	s25 =	sadd.s32 s5, s24  }
0x18: {  	[tilespmem:s14], [sflag:$0x3] =	stream.linear.gather [hbm4b:s25+s23], $0x1400, $0x38;
	[tilespmem:$0x1FC00] =	vst v63  }
0x19: {  	_ =	swait.ge [sflag:s13], $0x1400  }
0x1a: {  	[sflag:s13] =	ssyncset.done $0x0  }
0x1b: {  	s31 =	sadd.s32 s1, s24;
	[sflag:s13] =	ssyncadd.s32 $0xFFFFEC00  }
0x1c: {  	[tilespmem:s15], [sflag:$0x3] =	stream.linear.gather [hbm4b:s31+s23], $0x1400, $0x38;
	[tilespmem:$0x1FC00] =	vst v63  }
0x1d: {  	_ =	swait.ge [sflag:s13], $0x1400  }
0x1e: {  	[sflag:s13] =	ssyncset.done $0x0  }
0x1f: {  	s24 =	sadd.s32 s6, s24;
	[sflag:s13] =	ssyncadd.s32 $0xFFFFEC00  }
0x20: {  	[tilespmem:s16], [sflag:$0x3] =	stream.linear.gather [hbm4b:s24+s23], $0x1400, $0x38;
	[tilespmem:$0x1FC00] =	vst v63  }
0x21: {  	_ =	swait.ge [sflag:s13], $0x1400  }
0x22: {  	[sflag:s13] =	ssyncset.done $0x0  }
0x23: {  	p0 =	por p1, p1;
	s24 =	simm.s32 $0x0;
	[sflag:s13] =	ssyncadd.s32 $0xFFFFEC00  }
0x24: {  	[tilespmem:s18], [sflag:$0x1] =	stream.indirect.gather [hbm4b:s10+s17], $0x80, s14, s17, $0xb8;
	[tilespmem:$0x1FC00] =	vst v63  }
.LBB2_3:
0x25: {  	s26 =	simm.s32 $0x1  }
0x26: {  	v2 =	vmov s26;
	s26 =	simm.s32 $0x7  }
0x27: {  	v3 =	vmov s26;
	s26 =	sshllo.u32 s24, $0x1  }
0x28: {  	s25 =	sshll.u32 s24, $0x8;
	_ =	swait.ge [sflag:s19], $0x3E80;
	s31 =	sshll.u32 s26, $0x9  }
0x29: {  	v0 =	vmov s25;
	[sflag:s19] =	ssyncset.done $0x0;
	s25 =	sshrl.u32 s31, $0x2  }
0x2a: {  	[sflag:s19] =	ssyncadd.s32 $0xFFFFC180;
	s28 =	sadd.s32 $0x14000, s25  }
0x2b: {  	[tilespmem:s20], [sflag:$0x2] =	stream.indirect.gather [hbm4b:s10+s17], $0x80, s28, s17, $0xb8;
	[tilespmem:$0x1FC00] =	vst v63  }
0x2c: {  	v1 =	vmov s23;
	s28 =	simm.s32 $0x17E00  }
0x2d: {  	v1 =	vand.u32 $0x78, v1;
	v5 =	vld [tilespmem:s28+$0xFFFFFE10]  }
0x2e: {  	v1 =	vor.u32 v0, v1;
	v3 =	vand.u32 $0x7F, v3;
	v6 =	vld [tilespmem:s28+$0xFFFFFE20]  }
0x2f: {  	v1 =	vbroadcast v1, $0x0;
	v3 =	vor.u32 v0, v3;
	v7 =	vld [tilespmem:s28+$0xFFFFFE30]  }
0x30: {  	v3 =	vbroadcast v3, $0x0;
	v8 =	vld [tilespmem:s28+$0xFFFFFE40]  }
0x31: {  	v9 =	vld [tilespmem:s28+$0xFFFFFE50]  }
0x32: {  	v10 =	vld [tilespmem:s28+$0xFFFFFE60]  }
0x33: {  	v2 =	vand.u32 $0x79, v2;
	v12 =	vld [tilespmem:s28+$0x1F0]  }
0x34: {  	v2 =	vor.u32 v0, v2;
	v13 =	vld [tilespmem:s28+$0xFFFFFE80]  }
0x35: {  	v2 =	vbroadcast v2, $0x0;
	v4 =	vld.idx.msk [tilespmem:v1+s16+$0x0], $0xffff  }
0x36: {  	v1 =	vld.idx.msk [tilespmem:v3+s16+$0x0], $0xffff  }
0x37: {  	v3 =	vld [tilespmem:s28+$0xFFFFFE00]  }
0x38: {  	v14 =	vld [tilespmem:s28+$0xFFFFFE90]  }
0x39: {  	v15 =	vld [tilespmem:s28+$0xFFFFFEA0]  }
0x3a: {  	v16 =	vld [tilespmem:s28+$0xFFFFFEB0];
	v5 =	vmul.f32 v5, v4  }
0x3b: {  	v2 =	vld.idx.msk [tilespmem:v2+s16+$0x0], $0xffff;
	v6 =	vmul.f32 v6, v4  }
0x3c: {  	s29 =	simm.s32 $0x2;
	v17 =	vld [tilespmem:s28+$0xFFFFFEC0];
	v3 =	vmul.f32 v3, v4;
	[tilespmem:s28+$0xFFFFFE10] =	vst v5  }
0x3d: {  	v11 =	vmov s29;
	v7 =	vmul.f32 v7, v4;
	v5 =	vld [tilespmem:s28+$0xFFFFFEE0];
	[tilespmem:s28+$0xFFFFFE20] =	vst v6  }
0x3e: {  	v12 =	vmul.f32 v12, v1;
	v6 =	vmul.f32 v8, v4;
	v8 =	vld [tilespmem:s28+$0xFFFFFEF0];
	[tilespmem:s28+$0xFFFFFE00] =	vst v3;
	v3 =	vand.u32 $0x7A, v11  }
0x3f: {  	[tilespmem:s28+$0xFFFFFE30] =	vst v7;
	v7 =	vmul.f32 v9, v4;
	v11 =	vld [tilespmem:s28+$0xFFFFFE70];
	v3 =	vor.u32 v0, v3  }
0x40: {  	v9 =	vld [tilespmem:s28+$0xFFFFFF00];
	[tilespmem:s28+$0x1F0] =	vst v12;
	v12 =	vmul.f32 v13, v2;
	v3 =	vbroadcast v3, $0x0  }
0x41: {  	s29 =	simm.s32 $0x3;
	v13 =	vld [tilespmem:s28+$0xFFFFFED0];
	[tilespmem:s28+$0xFFFFFE40] =	vst v6  }
0x42: {  	v6 =	vmul.f32 v10, v4;
	v10 =	vld [tilespmem:s28+$0xFFFFFF10];
	[tilespmem:s28+$0xFFFFFE80] =	vst v12;
	v12 =	vmov s29  }
0x43: {  	v17 =	vmul.f32 v17, v2;
	[tilespmem:s28+$0xFFFFFE50] =	vst v7;
	v7 =	vld [tilespmem:s28+$0xFFFFFF20];
	v12 =	vand.u32 $0x7B, v12  }
0x44: {  	[tilespmem:s28+$0xFFFFFE60] =	vst v6;
	v6 =	vmul.f32 v14, v2;
	v14 =	vld [tilespmem:s28+$0xFFFFFF40];
	v12 =	vor.u32 v0, v12;
	v4 =	vmul.f32 v11, v4  }
0x45: {  	v5 =	vmul.f32 v5, v2;
	v12 =	vbroadcast v12, $0x0;
	v11 =	vld [tilespmem:s28+$0xFFFFFF30]  }
0x46: {  	v13 =	vmul.f32 v13, v2;
	[tilespmem:s28+$0xFFFFFE70] =	vst v4;
	v4 =	vmul.f32 v15, v2;
	v3 =	vld.idx.msk [tilespmem:v3+s16+$0x0], $0xffff  }
0x47: {  	[tilespmem:s28+$0xFFFFFE90] =	vst v6;
	v15 =	vmul.f32 v16, v2;
	v2 =	vmul.f32 v8, v2;
	v8 =	vld [tilespmem:s28+$0xFFFFFF90]  }
0x48: {  	[tilespmem:s28+$0xFFFFFED0] =	vst v13;
	v13 =	vld [tilespmem:s28+$0xFFFFFFD0]  }
0x49: {  	[tilespmem:s28+$0xFFFFFEA0] =	vst v4;
	v4 =	vld [tilespmem:s28+$0xFFFFFF60]  }
0x4a: {  	[tilespmem:s28+$0xFFFFFEB0] =	vst v15;
	v15 =	vld [tilespmem:s28+$0xFFFFFF70]  }
0x4b: {  	[tilespmem:s28+$0xFFFFFEE0] =	vst v5;
	v12 =	vld.idx.msk [tilespmem:v12+s16+$0x0], $0xffff;
	v6 =	vmul.f32 v9, v3  }
0x4c: {  	s29 =	simm.s32 $0x4;
	[tilespmem:s28+$0xFFFFFEF0] =	vst v2;
	v9 =	vld [tilespmem:s28+$0xFFFFFF50];
	v5 =	vmul.f32 v10, v3  }
0x4d: {  	v16 =	vmov s29;
	v10 =	vld [tilespmem:s28+$0xFFFFFFA0];
	v2 =	vmul.f32 v7, v3;
	[tilespmem:s28+$0xFFFFFF00] =	vst v6  }
0x4e: {  	v14 =	vmul.f32 v14, v3;
	v6 =	vand.u32 $0x7C, v16;
	v16 =	vld [tilespmem:s28+$0xFFFFFF80];
	[tilespmem:s28+$0xFFFFFF10] =	vst v5  }
0x4f: {  	v7 =	vld [tilespmem:s28+$0xFFFFFFB0];
	v4 =	vmul.f32 v4, v3;
	[tilespmem:s28+$0xFFFFFF20] =	vst v2;
	v6 =	vor.u32 v0, v6  }
0x50: {  	v5 =	vmul.f32 v11, v3;
	v11 =	vld [tilespmem:s28+$0xFFFFFFC0];
	[tilespmem:s28+$0xFFFFFF40] =	vst v14;
	v6 =	vbroadcast v6, $0x0  }
0x51: {  	v14 =	vld [tilespmem:s28+$0xFFFFFFF0];
	[tilespmem:s28+$0xFFFFFF60] =	vst v4;
	v4 =	vmul.f32 v8, v12  }
0x52: {  	v8 =	vld [tilespmem:s28+$0x10];
	[tilespmem:s28+$0xFFFFFF30] =	vst v5;
	v9 =	vmul.f32 v9, v3  }
0x53: {  	s29 =	simm.s32 $0x5;
	v5 =	vld [tilespmem:s28+$0xFFFFFFE0];
	[tilespmem:s28+$0xFFFFFF90] =	vst v4;
	v2 =	vmul.f32 v16, v12  }
0x54: {  	v3 =	vmul.f32 v15, v3;
	v4 =	vmul.f32 v7, v12;
	v7 =	vld [tilespmem:s28+$0x30];
	v16 =	vmov s29;
	[tilespmem:s28+$0xFFFFFF50] =	vst v9  }
0x55: {  	v13 =	vmul.f32 v13, v12;
	v9 =	vld [tilespmem:s28+$0x0];
	[tilespmem:s28+$0xFFFFFF80] =	vst v2;
	v2 =	vand.u32 $0x7D, v16  }
0x56: {  	[tilespmem:s28+$0xFFFFFF70] =	vst v3;
	v3 =	vmul.f32 v10, v12;
	v6 =	vld.idx.msk [tilespmem:v6+s16+$0x0], $0xffff;
	v2 =	vor.u32 v0, v2  }
0x57: {  	[tilespmem:s28+$0xFFFFFFD0] =	vst v13;
	v13 =	vld [tilespmem:s28+$0x70];
	v2 =	vbroadcast v2, $0x0  }
0x58: {  	v10 =	vld [tilespmem:s28+$0x20];
	[tilespmem:s28+$0xFFFFFFA0] =	vst v3;
	v3 =	vmul.f32 v11, v12  }
0x59: {  	[tilespmem:s28+$0xFFFFFFB0] =	vst v4;
	v11 =	vld [tilespmem:s28+$0x40];
	v5 =	vmul.f32 v5, v12;
	v12 =	vmul.f32 v14, v12  }
0x5a: {  	[tilespmem:s28+$0xFFFFFFC0] =	vst v3;
	v3 =	vld [tilespmem:s28+$0x60]  }
0x5b: {  	s29 =	simm.s32 $0x6;
	[tilespmem:s28+$0xFFFFFFF0] =	vst v12;
	v12 =	vld [tilespmem:s28+$0x90];
	v4 =	vmul.f32 v9, v6  }
0x5c: {  	v15 =	vmov s29;
	[tilespmem:s28+$0xFFFFFFE0] =	vst v5;
	v9 =	vld [tilespmem:s28+$0x50];
	v5 =	vmul.f32 v8, v6  }
0x5d: {  	v10 =	vmul.f32 v10, v6;
	v2 =	vld.idx.msk [tilespmem:v2+s16+$0x0], $0xffff;
	[tilespmem:s28+$0x0] =	vst v4;
	v4 =	vand.u32 $0x7E, v15  }
0x5e: {  	v8 =	vld [tilespmem:s28+$0x80];
	[tilespmem:s28+$0x10] =	vst v5;
	v5 =	vmul.f32 v7, v6;
	v4 =	vor.u32 v0, v4  }
0x5f: {  	[tilespmem:s28+$0x20] =	vst v10;
	v10 =	vmul.f32 v11, v6;
	v11 =	vld [tilespmem:s28+$0xB0];
	v4 =	vbroadcast v4, $0x0  }
0x60: {  	v3 =	vmul.f32 v3, v6;
	v7 =	vld [tilespmem:s28+$0xA0];
	[tilespmem:s28+$0x30] =	vst v5  }
0x61: {  	[tilespmem:s28+$0x40] =	vst v10;
	v10 =	vld [tilespmem:s28+$0xD0];
	v5 =	vmul.f32 v9, v6  }
0x62: {  	[tilespmem:s28+$0x60] =	vst v3;
	v9 =	vld [tilespmem:s28+$0xC0];
	v3 =	vmul.f32 v12, v2  }
0x63: {  	[tilespmem:s28+$0x50] =	vst v5;
	v5 =	vld [tilespmem:s28+$0xE0]  }
0x64: {  	[tilespmem:s28+$0x90] =	vst v3;
	v3 =	vmul.f32 v11, v2;
	v11 =	vld [tilespmem:s28+$0x110]  }
0x65: {  	v16 =	vld.idx.msk [tilespmem:v4+s16+$0x0], $0xffff  }
0x66: {  	[tilespmem:s28+$0xFFFFFEC0] =	vst v17;
	v4 =	vmul.f32 v13, v6;
	v6 =	vld [tilespmem:s28+$0xF0]  }
0x67: {  	s30 =	simm.s32 $0xB;
	v8 =	vmul.f32 v8, v2;
	[tilespmem:s28+$0xB0] =	vst v3;
	v3 =	vmul.f32 v10, v2;
	v10 =	vld [tilespmem:s28+$0x130]  }
0x68: {  	s29 =	simm.s32 $0x8;
	v14 =	vmov s30;
	s30 =	simm.s32 $0xD;
	[tilespmem:s28+$0x70] =	vst v4;
	v4 =	vmul.f32 v7, v2;
	v7 =	vld [tilespmem:s28+$0x100]  }
0x69: {  	v17 =	vmov s30;
	[tilespmem:s28+$0x80] =	vst v8;
	v8 =	vmov s29;
	s29 =	simm.s32 $0x9  }
0x6a: {  	v8 =	vand.u32 $0x78, v8;
	v12 =	vmov s29;
	s29 =	simm.s32 $0xA;
	[tilespmem:s28+$0xA0] =	vst v4;
	v4 =	vmul.f32 v9, v2;
	v9 =	vld [tilespmem:s28+$0x120]  }
0x6b: {  	v13 =	vmov s29;
	s29 =	simm.s32 $0xC;
	v8 =	vor.u32 v0, v8;
	[tilespmem:s28+$0xD0] =	vst v3;
	v11 =	vmul.f32 v11, v16  }
0x6c: {  	v15 =	vmov s29;
	s29 =	simm.s32 $0xE;
	[tilespmem:s28+$0xC0] =	vst v4;
	v4 =	vmul.f32 v5, v2;
	v5 =	vld [tilespmem:s28+$0x140];
	v2 =	vmul.f32 v6, v2  }
0x6d: {  	v18 =	vld [tilespmem:s28+$0x150];
	v6 =	vmov s29;
	v10 =	vmul.f32 v10, v16;
	v3 =	vmul.f32 v7, v16;
	[tilespmem:s28+$0x110] =	vst v11  }
0x6e: {  	v19 =	vld [tilespmem:s28+$0x160];
	v7 =	vand.u32 $0x79, v12;
	v12 =	vand.u32 $0x7A, v13;
	v13 =	vand.u32 $0x7C, v15;
	[tilespmem:s28+$0xE0] =	vst v4  }
0x6f: {  	v15 =	vand.u32 $0x7E, v6;
	[tilespmem:s28+$0xF0] =	vst v2;
	v2 =	vand.u32 $0x7D, v17;
	v17 =	vld [tilespmem:s28+$0x170];
	v9 =	vmul.f32 v9, v16  }
0x70: {  	v6 =	vld [tilespmem:s28+$0x180];
	v4 =	vand.u32 $0x7B, v14;
	v11 =	vor.u32 v0, v12;
	v13 =	vor.u32 v0, v13;
	[tilespmem:s28+$0x100] =	vst v3  }
0x71: {  	v3 =	vbroadcast v8, $0x0;
	v8 =	vor.u32 v0, v7;
	v7 =	vld [tilespmem:s28+$0x190];
	[tilespmem:s28+$0x120] =	vst v9;
	v9 =	vmul.f32 v5, v16  }
0x72: {  	[tilespmem:s28+$0x130] =	vst v10;
	v10 =	vmul.f32 v18, v16;
	v20 =	vor.u32 v0, v4;
	v4 =	vbroadcast v8, $0x0;
	v8 =	vld [tilespmem:s28+$0x1A0]  }
0x73: {  	v12 =	vmul.f32 v19, v16;
	v15 =	vor.u32 v0, v15;
	v5 =	vbroadcast v11, $0x0;
	[tilespmem:s28+$0x140] =	vst v9;
	v9 =	vld [tilespmem:s28+$0x1B0]  }
0x74: {  	s30 =	simm.s32 $0xF;
	s29 =	simm.s32 $0x10;
	v14 =	vor.u32 v0, v2;
	[tilespmem:s28+$0x150] =	vst v10;
	v10 =	vld [tilespmem:s28+$0x1C0];
	v11 =	vbroadcast v20, $0x0;
	v2 =	vmul.f32 v17, v16  }
.LBB2_4:
0x75: {  	p1 =	slt.u32 s29, $0x70;
	v13 =	vbroadcast v13, $0x0;
	v16 =	vmov s30;
	[tilespmem:s28+$0x160] =	vst v12;
	v6 =	vmul.f32 v6, v1;
	v12 =	vld [tilespmem:s28+$0x1D0]  }
0x76: {  	v14 =	vbroadcast v14, $0x0;
	v16 =	vand.u32 $0x7F, v16;
	[tilespmem:s28+$0x170] =	vst v2;
	v2 =	vmul.f32 v7, v1;
	v7 =	vld [tilespmem:s28+$0x1E0]  }
0x77: {  	v15 =	vbroadcast v15, $0x0;
	v17 =	vld.idx.msk [tilespmem:v3+s16+$0x0], $0xffff;
	v3 =	vor.u32 v0, v16;
	[tilespmem:s28+$0x180] =	vst v6;
	v6 =	vmul.f32 v8, v1  }
0x78: {  	v8 =	vld.idx.msk [tilespmem:v4+s16+$0x0], $0xffff;
	v16 =	vbroadcast v3, $0x0;
	[tilespmem:s28+$0x190] =	vst v2;
	v2 =	vmul.f32 v9, v1  }
0x79: {  	v9 =	vld.idx.msk [tilespmem:v5+s16+$0x0], $0xffff;
	[tilespmem:s28+$0x1A0] =	vst v6;
	v3 =	vmul.f32 v10, v1  }
0x7a: {  	v5 =	vld.idx.msk [tilespmem:v11+s16+$0x0], $0xffff;
	[tilespmem:s28+$0x1B0] =	vst v2;
	v2 =	vmul.f32 v12, v1  }
0x7b: {  	v4 =	vld.idx.msk [tilespmem:v13+s16+$0x0], $0xffff;
	[tilespmem:s28+$0x1C0] =	vst v3;
	v1 =	vmul.f32 v7, v1  }
0x7c: {  	v3 =	vld.idx.msk [tilespmem:v14+s16+$0x0], $0xffff;
	[tilespmem:s28+$0x1D0] =	vst v2  }
0x7d: {  	v2 =	vld.idx.msk [tilespmem:v15+s16+$0x0], $0xffff;
	[tilespmem:s28+$0x1E0] =	vst v1  }
0x7e: {  	s28 =	sadd.s32 $0x400, s28;
	v1 =	vld.idx.msk [tilespmem:v16+s16+$0x0], $0xffff  }
0x7f: {  	v6 =	vld [tilespmem:s28+$0x1F0]  }
0x80: {  	v7 =	vld [tilespmem:s28+$0xFFFFFE00]  }
0x81: {  	v10 =	vld [tilespmem:s28+$0xFFFFFE10]  }
0x82: {  	v11 =	vld [tilespmem:s28+$0xFFFFFE20]  }
0x83: {  	v12 =	vld [tilespmem:s28+$0xFFFFFE30]  }
0x84: {  	v13 =	vld [tilespmem:s28+$0xFFFFFE40];
	v6 =	vmul.f32 v6, v1  }
0x85: {  	v7 =	vmul.f32 v7, v17;
	v14 =	vld [tilespmem:s28+$0xFFFFFE50]  }
0x86: {  	v10 =	vmul.f32 v10, v17;
	v15 =	vld [tilespmem:s28+$0xFFFFFE60];
	[tilespmem:s28+$0x1F0] =	vst v6  }
0x87: {  	[tilespmem:s28+$0xFFFFFE00] =	vst v7;
	v6 =	vmul.f32 v11, v17;
	v7 =	vld [tilespmem:s28+$0xFFFFFE70]  }
0x88: {  	[tilespmem:s28+$0xFFFFFE10] =	vst v10;
	v10 =	vmul.f32 v12, v17;
	v11 =	vld [tilespmem:s28+$0xFFFFFE80]  }
0x89: {  	[tilespmem:s28+$0xFFFFFE20] =	vst v6;
	v6 =	vmul.f32 v13, v17;
	v12 =	vld [tilespmem:s28+$0xFFFFFE90]  }
0x8a: {  	[tilespmem:s28+$0xFFFFFE30] =	vst v10;
	v10 =	vmul.f32 v14, v17;
	v13 =	vld [tilespmem:s28+$0xFFFFFEA0]  }
0x8b: {  	[tilespmem:s28+$0xFFFFFE40] =	vst v6;
	v6 =	vmul.f32 v15, v17;
	v14 =	vld [tilespmem:s28+$0xFFFFFEB0]  }
0x8c: {  	[tilespmem:s28+$0xFFFFFE50] =	vst v10;
	v7 =	vmul.f32 v7, v17;
	v10 =	vld [tilespmem:s28+$0xFFFFFEC0]  }
0x8d: {  	[tilespmem:s28+$0xFFFFFE60] =	vst v6;
	v6 =	vmul.f32 v11, v8;
	v11 =	vld [tilespmem:s28+$0xFFFFFED0]  }
0x8e: {  	[tilespmem:s28+$0xFFFFFE70] =	vst v7;
	v7 =	vmul.f32 v12, v8;
	v12 =	vld [tilespmem:s28+$0xFFFFFEE0]  }
0x8f: {  	[tilespmem:s28+$0xFFFFFE80] =	vst v6;
	v6 =	vmul.f32 v13, v8;
	v13 =	vld [tilespmem:s28+$0xFFFFFEF0]  }
0x90: {  	[tilespmem:s28+$0xFFFFFE90] =	vst v7;
	v7 =	vmul.f32 v14, v8;
	v14 =	vld [tilespmem:s28+$0xFFFFFF00]  }
0x91: {  	[tilespmem:s28+$0xFFFFFEA0] =	vst v6;
	v6 =	vmul.f32 v10, v8;
	v10 =	vld [tilespmem:s28+$0xFFFFFF10]  }
0x92: {  	[tilespmem:s28+$0xFFFFFEB0] =	vst v7;
	v7 =	vmul.f32 v11, v8;
	v11 =	vld [tilespmem:s28+$0xFFFFFF20]  }
0x93: {  	[tilespmem:s28+$0xFFFFFEC0] =	vst v6;
	v6 =	vmul.f32 v12, v8;
	v12 =	vld [tilespmem:s28+$0xFFFFFF30]  }
0x94: {  	[tilespmem:s28+$0xFFFFFED0] =	vst v7;
	v7 =	vmul.f32 v13, v8;
	v8 =	vld [tilespmem:s28+$0xFFFFFF40]  }
0x95: {  	[tilespmem:s28+$0xFFFFFEE0] =	vst v6;
	v6 =	vmul.f32 v14, v9;
	v13 =	vld [tilespmem:s28+$0xFFFFFF50]  }
0x96: {  	[tilespmem:s28+$0xFFFFFEF0] =	vst v7;
	v7 =	vmul.f32 v10, v9;
	v10 =	vld [tilespmem:s28+$0xFFFFFF60]  }
0x97: {  	[tilespmem:s28+$0xFFFFFF00] =	vst v6;
	v6 =	vmul.f32 v11, v9;
	v11 =	vld [tilespmem:s28+$0xFFFFFF70]  }
0x98: {  	[tilespmem:s28+$0xFFFFFF10] =	vst v7;
	v7 =	vmul.f32 v12, v9;
	v12 =	vld [tilespmem:s28+$0xFFFFFF80]  }
0x99: {  	[tilespmem:s28+$0xFFFFFF20] =	vst v6;
	v6 =	vmul.f32 v8, v9;
	v8 =	vld [tilespmem:s28+$0xFFFFFF90]  }
0x9a: {  	[tilespmem:s28+$0xFFFFFF30] =	vst v7;
	v7 =	vmul.f32 v13, v9;
	v13 =	vld [tilespmem:s28+$0xFFFFFFA0]  }
0x9b: {  	[tilespmem:s28+$0xFFFFFF40] =	vst v6;
	v6 =	vmul.f32 v10, v9;
	v10 =	vld [tilespmem:s28+$0xFFFFFFB0]  }
0x9c: {  	[tilespmem:s28+$0xFFFFFF50] =	vst v7;
	v7 =	vmul.f32 v11, v9;
	v9 =	vld [tilespmem:s28+$0xFFFFFFC0]  }
0x9d: {  	[tilespmem:s28+$0xFFFFFF60] =	vst v6;
	v6 =	vmul.f32 v12, v5;
	v11 =	vld [tilespmem:s28+$0xFFFFFFD0]  }
0x9e: {  	[tilespmem:s28+$0xFFFFFF70] =	vst v7;
	v7 =	vmul.f32 v8, v5;
	v8 =	vld [tilespmem:s28+$0xFFFFFFE0]  }
0x9f: {  	[tilespmem:s28+$0xFFFFFF80] =	vst v6;
	v6 =	vmul.f32 v13, v5;
	v12 =	vld [tilespmem:s28+$0xFFFFFFF0]  }
0xa0: {  	[tilespmem:s28+$0xFFFFFF90] =	vst v7;
	v7 =	vmul.f32 v10, v5;
	v10 =	vld [tilespmem:s28+$0x0]  }
0xa1: {  	[tilespmem:s28+$0xFFFFFFA0] =	vst v6;
	v6 =	vmul.f32 v9, v5;
	v9 =	vld [tilespmem:s28+$0x10]  }
0xa2: {  	[tilespmem:s28+$0xFFFFFFB0] =	vst v7;
	v7 =	vmul.f32 v11, v5;
	v11 =	vld [tilespmem:s28+$0x20]  }
0xa3: {  	[tilespmem:s28+$0xFFFFFFC0] =	vst v6;
	v6 =	vmul.f32 v8, v5;
	v8 =	vld [tilespmem:s28+$0x30]  }
0xa4: {  	[tilespmem:s28+$0xFFFFFFD0] =	vst v7;
	v5 =	vmul.f32 v12, v5;
	v7 =	vld [tilespmem:s28+$0x40]  }
0xa5: {  	[tilespmem:s28+$0xFFFFFFE0] =	vst v6;
	v6 =	vmul.f32 v10, v4;
	v10 =	vld [tilespmem:s28+$0x50]  }
0xa6: {  	[tilespmem:s28+$0xFFFFFFF0] =	vst v5;
	v5 =	vmul.f32 v9, v4;
	v9 =	vld [tilespmem:s28+$0x60]  }
0xa7: {  	[tilespmem:s28+$0x0] =	vst v6;
	v6 =	vmul.f32 v11, v4;
	v11 =	vld [tilespmem:s28+$0x70]  }
0xa8: {  	[tilespmem:s28+$0x10] =	vst v5;
	v5 =	vmul.f32 v8, v4;
	v8 =	vld [tilespmem:s28+$0x80]  }
0xa9: {  	[tilespmem:s28+$0x20] =	vst v6;
	v6 =	vmul.f32 v7, v4;
	v7 =	vld [tilespmem:s28+$0x90]  }
0xaa: {  	[tilespmem:s28+$0x30] =	vst v5;
	v5 =	vmul.f32 v10, v4;
	v10 =	vld [tilespmem:s28+$0xA0]  }
0xab: {  	[tilespmem:s28+$0x40] =	vst v6;
	v6 =	vmul.f32 v9, v4;
	v9 =	vld [tilespmem:s28+$0xB0]  }
0xac: {  	[tilespmem:s28+$0x50] =	vst v5;
	v4 =	vmul.f32 v11, v4;
	v5 =	vld [tilespmem:s28+$0xC0]  }
0xad: {  	[tilespmem:s28+$0x60] =	vst v6;
	v6 =	vmul.f32 v8, v3;
	v8 =	vld [tilespmem:s28+$0xD0]  }
0xae: {  	[tilespmem:s28+$0x70] =	vst v4;
	v4 =	vmul.f32 v7, v3;
	v7 =	vld [tilespmem:s28+$0xE0]  }
0xaf: {  	[tilespmem:s28+$0x80] =	vst v6;
	v6 =	vmul.f32 v10, v3;
	v10 =	vld [tilespmem:s28+$0xF0]  }
0xb0: {  	s30 =	sadd.s32 $0x1, s29;
	v11 =	vmov s29;
	[tilespmem:s28+$0x90] =	vst v4;
	v4 =	vmul.f32 v9, v3;
	v9 =	vld [tilespmem:s28+$0x100]  }
0xb1: {  	s31 =	sadd.s32 $0x3, s29;
	v12 =	vmov s30;
	s30 =	sadd.s32 $0x2, s29;
	v11 =	vand.u32 $0x78, v11;
	[tilespmem:s28+$0xA0] =	vst v6;
	v5 =	vmul.f32 v5, v3;
	v6 =	vld [tilespmem:s28+$0x110]  }
0xb2: {  	v14 =	vmov s31;
	s31 =	sadd.s32 $0x5, s29;
	v13 =	vmov s30;
	s30 =	sadd.s32 $0x4, s29;
	[tilespmem:s28+$0xB0] =	vst v4;
	v4 =	vmul.f32 v8, v3;
	v8 =	vld [tilespmem:s28+$0x120]  }
0xb3: {  	v16 =	vmov s31;
	v15 =	vmov s30;
	s30 =	sadd.s32 $0x6, s29;
	[tilespmem:s28+$0xC0] =	vst v5;
	v5 =	vmul.f32 v7, v3;
	v7 =	vld [tilespmem:s28+$0x130]  }
0xb4: {  	v17 =	vmov s30;
	v11 =	vor.u32 v0, v11;
	[tilespmem:s28+$0xD0] =	vst v4;
	v3 =	vmul.f32 v10, v3;
	v4 =	vld [tilespmem:s28+$0x140]  }
0xb5: {  	v10 =	vand.u32 $0x79, v12;
	v12 =	vand.u32 $0x7A, v13;
	[tilespmem:s28+$0xE0] =	vst v5;
	v5 =	vmul.f32 v9, v2;
	v9 =	vld [tilespmem:s28+$0x150]  }
0xb6: {  	v13 =	vand.u32 $0x7B, v14;
	v14 =	vand.u32 $0x7C, v15;
	[tilespmem:s28+$0xF0] =	vst v3;
	v6 =	vmul.f32 v6, v2;
	v15 =	vld [tilespmem:s28+$0x160]  }
0xb7: {  	v16 =	vand.u32 $0x7D, v16;
	v17 =	vand.u32 $0x7E, v17;
	[tilespmem:s28+$0x100] =	vst v5;
	v5 =	vmul.f32 v8, v2;
	v18 =	vld [tilespmem:s28+$0x170]  }
.Ltmp0:
0xb8: {  	v3 =	vbroadcast v11, $0x0;
	v8 =	vor.u32 v0, v10;
	[tilespmem:s28+$0x110] =	vst v6;
	v10 =	vmul.f32 v7, v2;
	v6 =	vld [tilespmem:s28+$0x180];
	(pc) =	sbr.rel @p1 .LBB2_4-.Ltmp0, $4  }
0xb9: {  	v19 =	vor.u32 v0, v13;
	v11 =	vor.u32 v0, v12;
	[tilespmem:s28+$0x120] =	vst v5;
	v12 =	vmul.f32 v4, v2;
	v7 =	vld [tilespmem:s28+$0x190]  }
0xba: {  	v13 =	vor.u32 v0, v14;
	v4 =	vbroadcast v8, $0x0;
	[tilespmem:s28+$0x130] =	vst v10;
	v10 =	vmul.f32 v9, v2;
	v8 =	vld [tilespmem:s28+$0x1A0]  }
0xbb: {  	v14 =	vor.u32 v0, v16;
	v5 =	vbroadcast v11, $0x0;
	[tilespmem:s28+$0x140] =	vst v12;
	v12 =	vmul.f32 v15, v2;
	v9 =	vld [tilespmem:s28+$0x1B0]  }
0xbc: {  	s30 =	sadd.s32 $0x7, s29;
	s29 =	sadd.s32 $0x8, s29;
	v11 =	vbroadcast v19, $0x0;
	v15 =	vor.u32 v0, v17;
	[tilespmem:s28+$0x150] =	vst v10;
	v2 =	vmul.f32 v18, v2;
	v10 =	vld [tilespmem:s28+$0x1C0]  }
0xbd: {  	_ =	sdelay $0x1  }
0xbe: {  	v17 =	vld [tilespmem:s28+$0x1D0]  }
0xbf: {  	v18 =	vld [tilespmem:s28+$0x1E0]  }
0xc0: {  	v19 =	vld.idx.msk [tilespmem:v3+s16+$0x0], $0xffff  }
0xc1: {  	v63 =	vld.idx.msk [tilespmem:v4+s16+$0x0], $0xffff  }
0xc2: {  	v20 =	vld.idx.msk [tilespmem:v5+s16+$0x0], $0xffff  }
0xc3: {  	s29 =	sadd.s32 $0x400, s28;
	v11 =	vld.idx.msk [tilespmem:v11+s16+$0x0], $0xffff  }
0xc4: {  	v23 =	vld [tilespmem:s29+$0x1F0]  }
0xc5: {  	v25 =	vld [tilespmem:s29+$0xFFFFFE00]  }
0xc6: {  	[tilespmem:s28+$0x160] =	vst v12;
	v6 =	vmul.f32 v6, v1;
	v27 =	vld [tilespmem:s29+$0xFFFFFE10]  }
0xc7: {  	[tilespmem:s28+$0x170] =	vst v2;
	v7 =	vmul.f32 v7, v1;
	v29 =	vld [tilespmem:s29+$0xFFFFFE20]  }
0xc8: {  	v30 =	vld [tilespmem:s29+$0xFFFFFE30];
	[tilespmem:s28+$0x180] =	vst v6;
	v22 =	vmul.f32 v8, v1  }
0xc9: {  	v31 =	vld [tilespmem:s29+$0xFFFFFE40];
	[tilespmem:s28+$0x190] =	vst v7;
	v24 =	vmul.f32 v9, v1  }
0xca: {  	v32 =	vld [tilespmem:s29+$0xFFFFFE50];
	[tilespmem:s28+$0x1A0] =	vst v22;
	v26 =	vmul.f32 v10, v1  }
0xcb: {  	v33 =	vld [tilespmem:s29+$0xFFFFFE60];
	[tilespmem:s28+$0x1B0] =	vst v24;
	v28 =	vmul.f32 v17, v1  }
0xcc: {  	v34 =	vld [tilespmem:s29+$0xFFFFFE70];
	v1 =	vmul.f32 v18, v1;
	[tilespmem:s28+$0x1C0] =	vst v26  }
0xcd: {  	v35 =	vld [tilespmem:s29+$0xFFFFFE80];
	v10 =	vmul.f32 v27, v19;
	[tilespmem:s28+$0x1D0] =	vst v28  }
0xce: {  	v36 =	vld [tilespmem:s29+$0xFFFFFE90];
	[tilespmem:s28+$0x1E0] =	vst v1;
	v1 =	vmul.f32 v25, v19  }
0xcf: {  	v38 =	vld [tilespmem:s29+$0xFFFFFEA0];
	v6 =	vmul.f32 v30, v19;
	[tilespmem:s29+$0xFFFFFE10] =	vst v10  }
0xd0: {  	v39 =	vld [tilespmem:s29+$0xFFFFFEB0];
	[tilespmem:s29+$0xFFFFFE00] =	vst v1;
	v1 =	vmul.f32 v29, v19  }
0xd1: {  	v41 =	vld [tilespmem:s29+$0xFFFFFEC0];
	v37 =	vmul.f32 v32, v19;
	[tilespmem:s29+$0xFFFFFE30] =	vst v6  }
0xd2: {  	v42 =	vld [tilespmem:s29+$0xFFFFFED0];
	[tilespmem:s29+$0xFFFFFE20] =	vst v1;
	v1 =	vmul.f32 v31, v19  }
0xd3: {  	v44 =	vld [tilespmem:s29+$0xFFFFFEE0];
	v40 =	vmul.f32 v34, v19;
	[tilespmem:s29+$0xFFFFFE50] =	vst v37  }
0xd4: {  	v45 =	vld [tilespmem:s29+$0xFFFFFEF0];
	[tilespmem:s29+$0xFFFFFE40] =	vst v1;
	v1 =	vmul.f32 v33, v19  }
0xd5: {  	v47 =	vld [tilespmem:s29+$0xFFFFFF00];
	v43 =	vmul.f32 v36, v63;
	[tilespmem:s29+$0xFFFFFE70] =	vst v40  }
0xd6: {  	v48 =	vld [tilespmem:s29+$0xFFFFFF10];
	[tilespmem:s29+$0xFFFFFE60] =	vst v1;
	v1 =	vmul.f32 v35, v63  }
0xd7: {  	v50 =	vld [tilespmem:s29+$0xFFFFFF20];
	v46 =	vmul.f32 v39, v63;
	[tilespmem:s29+$0xFFFFFE90] =	vst v43  }
0xd8: {  	v51 =	vld [tilespmem:s29+$0xFFFFFF30];
	[tilespmem:s29+$0xFFFFFE80] =	vst v1;
	v1 =	vmul.f32 v38, v63  }
0xd9: {  	v53 =	vld [tilespmem:s29+$0xFFFFFF40];
	v49 =	vmul.f32 v42, v63;
	[tilespmem:s29+$0xFFFFFEB0] =	vst v46  }
0xda: {  	v54 =	vld [tilespmem:s29+$0xFFFFFF50];
	[tilespmem:s29+$0xFFFFFEA0] =	vst v1;
	v1 =	vmul.f32 v41, v63  }
0xdb: {  	v56 =	vld [tilespmem:s29+$0xFFFFFF60];
	v52 =	vmul.f32 v45, v63;
	[tilespmem:s29+$0xFFFFFED0] =	vst v49  }
0xdc: {  	v13 =	vbroadcast v13, $0x0;
	v16 =	vmov s30;
	v57 =	vld [tilespmem:s29+$0xFFFFFF70];
	[tilespmem:s29+$0xFFFFFEC0] =	vst v1;
	v1 =	vmul.f32 v44, v63  }
0xdd: {  	v3 =	vbroadcast v15, $0x0;
	v16 =	vand.u32 $0x7F, v16;
	v59 =	vld [tilespmem:s29+$0xFFFFFF80];
	v55 =	vmul.f32 v48, v20;
	[tilespmem:s29+$0xFFFFFEF0] =	vst v52  }
0xde: {  	v60 =	vld [tilespmem:s29+$0xFFFFFF90];
	v62 =	vor.u32 v0, v16;
	[tilespmem:s29+$0xFFFFFEE0] =	vst v1;
	v1 =	vmul.f32 v47, v20  }
0xdf: {  	v16 =	vld [tilespmem:s29+$0xFFFFFFC0];
	v15 =	vbroadcast v62, $0x0;
	v58 =	vmul.f32 v51, v20;
	[tilespmem:s29+$0xFFFFFF10] =	vst v55  }
0xe0: {  	v62 =	vld [tilespmem:s29+$0xFFFFFFA0];
	[tilespmem:s29+$0xFFFFFF00] =	vst v1;
	v1 =	vmul.f32 v50, v20  }
0xe1: {  	v17 =	vld [tilespmem:s29+$0xFFFFFFD0];
	v61 =	vmul.f32 v54, v20;
	[tilespmem:s29+$0xFFFFFF30] =	vst v58  }
0xe2: {  	v5 =	vld.idx.msk [tilespmem:v13+s16+$0x0], $0xffff;
	[tilespmem:s29+$0xFFFFFF20] =	vst v1;
	v1 =	vmul.f32 v53, v20  }
0xe3: {  	v3 =	vld.idx.msk [tilespmem:v3+s16+$0x0], $0xffff;
	v18 =	vmul.f32 v60, v11;
	[tilespmem:s29+$0xFFFFFF50] =	vst v61  }
0xe4: {  	v51 =	vld [tilespmem:s29+$0x150];
	[tilespmem:s29+$0xFFFFFF40] =	vst v1;
	v1 =	vmul.f32 v56, v20  }
0xe5: {  	[tilespmem:s29+$0xFFFFFF90] =	vst v18;
	v2 =	vld.idx.msk [tilespmem:v15+s16+$0x0], $0xffff;
	v15 =	vmul.f32 v57, v20  }
0xe6: {  	v14 =	vbroadcast v14, $0x0;
	v26 =	vld [tilespmem:s29+$0x30];
	[tilespmem:s29+$0xFFFFFF60] =	vst v1;
	v1 =	vmul.f32 v59, v11  }
0xe7: {  	v24 =	vmul.f32 v17, v11;
	[tilespmem:s29+$0xFFFFFF70] =	vst v15;
	v19 =	vld [tilespmem:s29+$0xFFFFFFE0]  }
0xe8: {  	v46 =	vld [tilespmem:s29+$0x110];
	[tilespmem:s29+$0xFFFFFF80] =	vst v1;
	v1 =	vmul.f32 v62, v11  }
0xe9: {  	v22 =	vld [tilespmem:s29+$0x0];
	v58 =	vmul.f32 v51, v3;
	[tilespmem:s29+$0xFFFFFFD0] =	vst v24  }
0xea: {  	v49 =	vld [tilespmem:s29+$0x130];
	[tilespmem:s29+$0xFFFFFFA0] =	vst v1;
	v1 =	vmul.f32 v16, v11  }
0xeb: {  	v25 =	vld [tilespmem:s29+$0x20];
	v33 =	vmul.f32 v26, v5;
	[tilespmem:s29+$0x150] =	vst v58  }
0xec: {  	v4 =	vld.idx.msk [tilespmem:v14+s16+$0x0], $0xffff;
	[tilespmem:s29+$0xFFFFFFC0] =	vst v1;
	v1 =	vmul.f32 v19, v11  }
0xed: {  	v28 =	vld [tilespmem:s29+$0x40];
	v52 =	vmul.f32 v46, v3;
	[tilespmem:s29+$0x30] =	vst v33  }
0xee: {  	v29 =	vld [tilespmem:s29+$0x50];
	[tilespmem:s29+$0xFFFFFFE0] =	vst v1;
	v1 =	vmul.f32 v22, v5  }
0xef: {  	v31 =	vld [tilespmem:s29+$0x60];
	v55 =	vmul.f32 v49, v3;
	[tilespmem:s29+$0x110] =	vst v52  }
0xf0: {  	v8 =	vmul.f32 v23, v2;
	v23 =	vld [tilespmem:s29+$0x10];
	[tilespmem:s29+$0x0] =	vst v1;
	v1 =	vmul.f32 v25, v5  }
0xf1: {  	v34 =	vld [tilespmem:s29+$0x80];
	[tilespmem:s29+$0x130] =	vst v55  }
0xf2: {  	v35 =	vld [tilespmem:s29+$0x90];
	[tilespmem:s29+$0x20] =	vst v1;
	v1 =	vmul.f32 v28, v5  }
0xf3: {  	v37 =	vld [tilespmem:s29+$0xA0];
	v36 =	vmul.f32 v29, v5;
	[tilespmem:s29+$0x1F0] =	vst v8  }
0xf4: {  	v38 =	vld [tilespmem:s29+$0xB0];
	[tilespmem:s29+$0x40] =	vst v1;
	v1 =	vmul.f32 v31, v5  }
0xf5: {  	v39 =	vld [tilespmem:s29+$0xC0];
	[tilespmem:s29+$0x50] =	vst v36;
	v30 =	vmul.f32 v23, v5  }
0xf6: {  	v40 =	vld [tilespmem:s29+$0xD0];
	[tilespmem:s29+$0x60] =	vst v1;
	v1 =	vmul.f32 v34, v4  }
0xf7: {  	v42 =	vld [tilespmem:s29+$0xE0];
	v41 =	vmul.f32 v35, v4;
	[tilespmem:s29+$0x10] =	vst v30  }
0xf8: {  	v63 =	vld [tilespmem:s29+$0xFFFFFFB0];
	[tilespmem:s29+$0x80] =	vst v1;
	v1 =	vmul.f32 v37, v4  }
0xf9: {  	v45 =	vld [tilespmem:s29+$0x100];
	[tilespmem:s29+$0x90] =	vst v41;
	v44 =	vmul.f32 v38, v4  }
0xfa: {  	v20 =	vld [tilespmem:s29+$0xFFFFFFF0];
	[tilespmem:s29+$0xA0] =	vst v1;
	v1 =	vmul.f32 v39, v4  }
0xfb: {  	v48 =	vld [tilespmem:s29+$0x120];
	v47 =	vmul.f32 v40, v4;
	[tilespmem:s29+$0xB0] =	vst v44  }
0xfc: {  	v32 =	vld [tilespmem:s29+$0x70];
	[tilespmem:s29+$0xC0] =	vst v1;
	v1 =	vmul.f32 v42, v4  }
0xfd: {  	[tilespmem:s29+$0xD0] =	vst v47;
	v50 =	vld [tilespmem:s29+$0x140];
	v21 =	vmul.f32 v63, v11  }
0xfe: {  	v43 =	vld [tilespmem:s29+$0xF0];
	[tilespmem:s29+$0xE0] =	vst v1;
	v1 =	vmul.f32 v45, v3  }
0xff: {  	v53 =	vld [tilespmem:s29+$0x160];
	[tilespmem:s29+$0xFFFFFFB0] =	vst v21;
	v27 =	vmul.f32 v20, v11  }
0x100: {  	v54 =	vld [tilespmem:s29+$0x170];
	[tilespmem:s29+$0x100] =	vst v1;
	v1 =	vmul.f32 v48, v3  }
0x101: {  	v56 =	vld [tilespmem:s29+$0x180];
	[tilespmem:s29+$0xFFFFFFF0] =	vst v27;
	v5 =	vmul.f32 v32, v5  }
0x102: {  	v57 =	vld [tilespmem:s29+$0x190];
	[tilespmem:s29+$0x120] =	vst v1;
	v1 =	vmul.f32 v50, v3  }
0x103: {  	v59 =	vld [tilespmem:s29+$0x1A0];
	[tilespmem:s29+$0x70] =	vst v5;
	v4 =	vmul.f32 v43, v4  }
0x104: {  	v60 =	vld [tilespmem:s29+$0x1B0];
	[tilespmem:s29+$0x140] =	vst v1;
	v1 =	vmul.f32 v53, v3  }
0x105: {  	v61 =	vld [tilespmem:s29+$0x1C0];
	[tilespmem:s29+$0xF0] =	vst v4;
	v3 =	vmul.f32 v54, v3  }
0x106: {  	v62 =	vld [tilespmem:s29+$0x1D0];
	[tilespmem:s29+$0x160] =	vst v1;
	v1 =	vmul.f32 v56, v2  }
0x107: {  	v63 =	vld [tilespmem:s29+$0x1E0];
	[tilespmem:s29+$0x170] =	vst v3;
	v3 =	vmul.f32 v57, v2  }
0x108: {  	[tilespmem:s29+$0x180] =	vst v1;
	v1 =	vmul.f32 v59, v2  }
0x109: {  	[tilespmem:s29+$0x190] =	vst v3;
	v3 =	vmul.f32 v60, v2  }
0x10a: {  	[tilespmem:s29+$0x1A0] =	vst v1;
	v1 =	vmul.f32 v61, v2  }
0x10b: {  	[tilespmem:s29+$0x1B0] =	vst v3;
	v3 =	vmul.f32 v62, v2  }
0x10c: {  	[tilespmem:s29+$0x1C0] =	vst v1;
	v1 =	vmul.f32 v63, v2  }
0x10d: {  	[tilespmem:s29+$0x1D0] =	vst v3  }
0x10e: {  	s30 =	simm.s32 $0x1B870;
	s28 =	simm.s32 $0x78;
	[tilespmem:s29+$0x1E0] =	vst v1  }
.LBB2_6:
0x10f: {  	v1 =	vmov s28  }
0x110: {  	v1 =	vand.u32 $0x7F, v1  }
0x111: {  	v1 =	vadd.s32 v0, v1  }
0x112: {  	v1 =	vbroadcast v1, $0x0;
	_ =	sdelay $0x4  }
0x113: {  	v2 =	vld [tilespmem:s30+$0xFFFFFF90]  }
0x114: {  	v1 =	vld.idx.msk [tilespmem:v1+s16+$0x0], $0xffff;
	_ =	sdelay $0x4  }
0x115: {  	v2 =	vmul.f32 v2, v1;
	_ =	sdelay $0x1  }
0x116: {  	[tilespmem:s30+$0xFFFFFF90] =	vst v2;
	v2 =	vld [tilespmem:s30+$0xFFFFFFA0];
	_ =	sdelay $0x4  }
0x117: {  	v2 =	vmul.f32 v2, v1;
	_ =	sdelay $0x1  }
0x118: {  	[tilespmem:s30+$0xFFFFFFA0] =	vst v2;
	v2 =	vld [tilespmem:s30+$0xFFFFFFB0];
	_ =	sdelay $0x4  }
0x119: {  	v2 =	vmul.f32 v2, v1;
	_ =	sdelay $0x1  }
0x11a: {  	[tilespmem:s30+$0xFFFFFFB0] =	vst v2;
	v2 =	vld [tilespmem:s30+$0xFFFFFFC0];
	_ =	sdelay $0x4  }
0x11b: {  	v2 =	vmul.f32 v2, v1;
	_ =	sdelay $0x1  }
0x11c: {  	[tilespmem:s30+$0xFFFFFFC0] =	vst v2;
	v2 =	vld [tilespmem:s30+$0xFFFFFFD0];
	_ =	sdelay $0x4  }
0x11d: {  	v2 =	vmul.f32 v2, v1;
	_ =	sdelay $0x1  }
0x11e: {  	[tilespmem:s30+$0xFFFFFFD0] =	vst v2;
	v2 =	vld [tilespmem:s30+$0xFFFFFFE0];
	_ =	sdelay $0x4  }
0x11f: {  	v2 =	vmul.f32 v2, v1;
	_ =	sdelay $0x1  }
0x120: {  	[tilespmem:s30+$0xFFFFFFE0] =	vst v2;
	v2 =	vld [tilespmem:s30+$0xFFFFFFF0];
	_ =	sdelay $0x4  }
0x121: {  	v2 =	vmul.f32 v2, v1;
	_ =	sdelay $0x1  }
0x122: {  	[tilespmem:s30+$0xFFFFFFF0] =	vst v2;
	v2 =	vld [tilespmem:s30+$0x0];
	_ =	sdelay $0x1  }
0x123: {  	p1 =	sne.s32 s28, $0x7C  }
.Ltmp1:
0x124: {  	_ = 	snop;
	(pc) =	sbr.rel @p1 .LBB2_6-.Ltmp1, $3  }
0x125: {  	_ = 	snop  }
0x126: {  	v1 =	vmul.f32 v2, v1;
	_ =	sdelay $0x1  }
0x127: {  	s28 =	sadd.s32 $0x1, s28;
	[tilespmem:s30+$0x0] =	vst v1;
	s30 =	sadd.s32 $0x80, s30  }
0x128: {  	s28 =	sshll.u32 s24, $0xA  }
0x129: {  	s29 =	sshrl.u32 s28, $0x2  }
0x12a: {  	s29 =	sadd.s32 $0x15400, s29  }
0x12b: {  	[spmem:s2] =	stream.indirect.scatter.add.f32 [tilespmem:s18], [sflag:$0x3], $0x80, s29, s17, $0xb8;
	[tilespmem:$0x1FC00] =	vst v63  }
0x12c: {  	_ =	swait.ge [sflag:s13], $0x3E80  }
0x12d: {  	s26 =	sshll.u32 s26, $0x7;
	[sflag:s13] =	ssyncset.done $0x0  }
0x12e: {  	s31 =	simm.s32 $0x7;
	p1 =	seq.s32 s24, $0x13;
	[sflag:s13] =	ssyncadd.s32 $0xFFFFC180  }
0x12f: {  	v0 =	vmov s26;
	s26 =	sshrl.u32 @!p1 s28, $0x2;
	s29 =	simm.s32 $0x0;
	_ =	swait.ge [sflag:s21], $0x3E80  }
0x130: {  	s28 =	simm.s32 @!p1 $0x7D;
	v1 =	vmov s29;
	s29 =	simm.s32 $0x1;
	[sflag:s21] =	ssyncset.done $0x0  }
0x131: {  	s26 =	sadd.s32 @!p1 $0x14100, s26;
	v2 =	vmov s29;
	s29 =	simm.s32 @!p1 $0x17C00;
	[sflag:s21] =	ssyncadd.s32 $0xFFFFC180  }
0x132: {  	v3 =	vmov s31;
	v1 =	vand.u32 $0x78, v1;
	[tilespmem:s29], [sflag:$0x1] =	stream.indirect.gather @!p1 [hbm4b:s10+s28], $0x80, s26, s28, $0xb8;
	[tilespmem:$0x1FC00] =	vst v63  }
0x133: {  	v3 =	vand.u32 $0x7F, v3;
	v1 =	vor.u32 v0, v1;
	s26 =	simm.s32 $0x1BE00  }
0x134: {  	v3 =	vor.u32 v0, v3;
	v1 =	vbroadcast v1, $0x0;
	v5 =	vld [tilespmem:s26+$0xFFFFFE10]  }
0x135: {  	v3 =	vbroadcast v3, $0x0;
	v6 =	vld [tilespmem:s26+$0xFFFFFE20]  }
0x136: {  	v7 =	vld [tilespmem:s26+$0xFFFFFE30]  }
0x137: {  	v8 =	vld [tilespmem:s26+$0xFFFFFE40]  }
0x138: {  	v2 =	vand.u32 $0x79, v2;
	v9 =	vld [tilespmem:s26+$0xFFFFFE50]  }
0x139: {  	v2 =	vor.u32 v0, v2;
	v10 =	vld [tilespmem:s26+$0xFFFFFE60]  }
0x13a: {  	v2 =	vbroadcast v2, $0x0;
	v4 =	vld.idx.msk [tilespmem:v1+s16+$0x0], $0xffff  }
0x13b: {  	v1 =	vld.idx.msk [tilespmem:v3+s16+$0x0], $0xffff  }
0x13c: {  	v3 =	vld [tilespmem:s26+$0xFFFFFE00]  }
0x13d: {  	v12 =	vld [tilespmem:s26+$0x1F0]  }
0x13e: {  	v13 =	vld [tilespmem:s26+$0xFFFFFE80]  }
0x13f: {  	v14 =	vld [tilespmem:s26+$0xFFFFFE90]  }
0x140: {  	v2 =	vld.idx.msk [tilespmem:v2+s16+$0x0], $0xffff  }
0x141: {  	v15 =	vld [tilespmem:s26+$0xFFFFFEA0];
	v3 =	vmul.f32 v3, v4  }
0x142: {  	s28 =	simm.s32 $0x2;
	v16 =	vld [tilespmem:s26+$0xFFFFFEB0];
	v12 =	vmul.f32 v12, v1  }
0x143: {  	v11 =	vmov s28;
	v17 =	vld [tilespmem:s26+$0xFFFFFEC0];
	v5 =	vmul.f32 v5, v4;
	[tilespmem:s26+$0xFFFFFE00] =	vst v3  }
0x144: {  	v6 =	vmul.f32 v6, v4;
	v3 =	vand.u32 $0x7A, v11;
	v11 =	vld [tilespmem:s26+$0xFFFFFE70];
	[tilespmem:s26+$0x1F0] =	vst v12  }
0x145: {  	v7 =	vmul.f32 v7, v4;
	v12 =	vmul.f32 v13, v2;
	v13 =	vld [tilespmem:s26+$0xFFFFFED0];
	[tilespmem:s26+$0xFFFFFE10] =	vst v5  }
0x146: {  	v5 =	vld [tilespmem:s26+$0xFFFFFEE0];
	[tilespmem:s26+$0xFFFFFE20] =	vst v6;
	v3 =	vor.u32 v0, v3  }
0x147: {  	v6 =	vmul.f32 v8, v4;
	v8 =	vld [tilespmem:s26+$0xFFFFFEF0];
	[tilespmem:s26+$0xFFFFFE30] =	vst v7;
	v3 =	vbroadcast v3, $0x0  }
0x148: {  	s28 =	simm.s32 $0x3;
	v7 =	vmul.f32 v9, v4;
	v9 =	vld [tilespmem:s26+$0xFFFFFF00];
	[tilespmem:s26+$0xFFFFFE80] =	vst v12  }
0x149: {  	v12 =	vmov s28;
	[tilespmem:s26+$0xFFFFFE40] =	vst v6;
	v6 =	vmul.f32 v10, v4;
	v10 =	vld [tilespmem:s26+$0xFFFFFF10]  }
0x14a: {  	v17 =	vmul.f32 v17, v2;
	[tilespmem:s26+$0xFFFFFE50] =	vst v7;
	v7 =	vld [tilespmem:s26+$0xFFFFFF20];
	v12 =	vand.u32 $0x7B, v12  }
0x14b: {  	v12 =	vor.u32 v0, v12;
	[tilespmem:s26+$0xFFFFFE60] =	vst v6;
	v6 =	vmul.f32 v14, v2;
	v14 =	vld [tilespmem:s26+$0xFFFFFF40];
	v4 =	vmul.f32 v11, v4  }
0x14c: {  	v12 =	vbroadcast v12, $0x0;
	v11 =	vld [tilespmem:s26+$0xFFFFFF30];
	v13 =	vmul.f32 v13, v2  }
0x14d: {  	v5 =	vmul.f32 v5, v2;
	[tilespmem:s26+$0xFFFFFE70] =	vst v4;
	v4 =	vmul.f32 v15, v2;
	v3 =	vld.idx.msk [tilespmem:v3+s16+$0x0], $0xffff  }
0x14e: {  	[tilespmem:s26+$0xFFFFFE90] =	vst v6;
	v15 =	vmul.f32 v16, v2;
	v2 =	vmul.f32 v8, v2;
	v8 =	vld [tilespmem:s26+$0xFFFFFF90]  }
0x14f: {  	[tilespmem:s26+$0xFFFFFED0] =	vst v13;
	v13 =	vld [tilespmem:s26+$0xFFFFFFD0]  }
0x150: {  	[tilespmem:s26+$0xFFFFFEA0] =	vst v4;
	v4 =	vld [tilespmem:s26+$0xFFFFFF60]  }
0x151: {  	[tilespmem:s26+$0xFFFFFEB0] =	vst v15;
	v15 =	vld [tilespmem:s26+$0xFFFFFF70]  }
0x152: {  	[tilespmem:s26+$0xFFFFFEE0] =	vst v5;
	v12 =	vld.idx.msk [tilespmem:v12+s16+$0x0], $0xffff;
	v6 =	vmul.f32 v9, v3  }
0x153: {  	s28 =	simm.s32 $0x4;
	[tilespmem:s26+$0xFFFFFEF0] =	vst v2;
	v9 =	vld [tilespmem:s26+$0xFFFFFF50];
	v5 =	vmul.f32 v10, v3  }
0x154: {  	v16 =	vmov s28;
	v10 =	vld [tilespmem:s26+$0xFFFFFFA0];
	v2 =	vmul.f32 v7, v3;
	[tilespmem:s26+$0xFFFFFF00] =	vst v6  }
0x155: {  	v14 =	vmul.f32 v14, v3;
	v6 =	vand.u32 $0x7C, v16;
	v16 =	vld [tilespmem:s26+$0xFFFFFF80];
	[tilespmem:s26+$0xFFFFFF10] =	vst v5  }
0x156: {  	v7 =	vld [tilespmem:s26+$0xFFFFFFB0];
	v4 =	vmul.f32 v4, v3;
	[tilespmem:s26+$0xFFFFFF20] =	vst v2;
	v6 =	vor.u32 v0, v6  }
0x157: {  	v5 =	vmul.f32 v11, v3;
	v11 =	vld [tilespmem:s26+$0xFFFFFFC0];
	[tilespmem:s26+$0xFFFFFF40] =	vst v14;
	v6 =	vbroadcast v6, $0x0  }
0x158: {  	v14 =	vld [tilespmem:s26+$0xFFFFFFF0];
	[tilespmem:s26+$0xFFFFFF60] =	vst v4;
	v4 =	vmul.f32 v8, v12  }
0x159: {  	v8 =	vld [tilespmem:s26+$0x10];
	[tilespmem:s26+$0xFFFFFF30] =	vst v5;
	v9 =	vmul.f32 v9, v3  }
0x15a: {  	s28 =	simm.s32 $0x5;
	v5 =	vld [tilespmem:s26+$0xFFFFFFE0];
	[tilespmem:s26+$0xFFFFFF90] =	vst v4;
	v2 =	vmul.f32 v16, v12  }
0x15b: {  	v3 =	vmul.f32 v15, v3;
	v4 =	vmul.f32 v7, v12;
	v7 =	vld [tilespmem:s26+$0x30];
	v16 =	vmov s28;
	[tilespmem:s26+$0xFFFFFF50] =	vst v9  }
0x15c: {  	v13 =	vmul.f32 v13, v12;
	v9 =	vld [tilespmem:s26+$0x0];
	[tilespmem:s26+$0xFFFFFF80] =	vst v2;
	v2 =	vand.u32 $0x7D, v16  }
0x15d: {  	[tilespmem:s26+$0xFFFFFF70] =	vst v3;
	v3 =	vmul.f32 v10, v12;
	v6 =	vld.idx.msk [tilespmem:v6+s16+$0x0], $0xffff;
	v2 =	vor.u32 v0, v2  }
0x15e: {  	[tilespmem:s26+$0xFFFFFFD0] =	vst v13;
	v13 =	vld [tilespmem:s26+$0x70];
	v2 =	vbroadcast v2, $0x0  }
0x15f: {  	v10 =	vld [tilespmem:s26+$0x20];
	[tilespmem:s26+$0xFFFFFFA0] =	vst v3;
	v3 =	vmul.f32 v11, v12  }
0x160: {  	[tilespmem:s26+$0xFFFFFFB0] =	vst v4;
	v11 =	vld [tilespmem:s26+$0x40];
	v5 =	vmul.f32 v5, v12;
	v12 =	vmul.f32 v14, v12  }
0x161: {  	[tilespmem:s26+$0xFFFFFFC0] =	vst v3;
	v3 =	vld [tilespmem:s26+$0x60]  }
0x162: {  	s28 =	simm.s32 $0x6;
	[tilespmem:s26+$0xFFFFFFF0] =	vst v12;
	v12 =	vld [tilespmem:s26+$0x90];
	v4 =	vmul.f32 v9, v6  }
0x163: {  	v15 =	vmov s28;
	[tilespmem:s26+$0xFFFFFFE0] =	vst v5;
	v9 =	vld [tilespmem:s26+$0x50];
	v5 =	vmul.f32 v8, v6  }
0x164: {  	v10 =	vmul.f32 v10, v6;
	v2 =	vld.idx.msk [tilespmem:v2+s16+$0x0], $0xffff;
	[tilespmem:s26+$0x0] =	vst v4;
	v4 =	vand.u32 $0x7E, v15  }
0x165: {  	v8 =	vld [tilespmem:s26+$0x80];
	[tilespmem:s26+$0x10] =	vst v5;
	v5 =	vmul.f32 v7, v6;
	v4 =	vor.u32 v0, v4  }
0x166: {  	[tilespmem:s26+$0x20] =	vst v10;
	v10 =	vmul.f32 v11, v6;
	v11 =	vld [tilespmem:s26+$0xB0];
	v4 =	vbroadcast v4, $0x0  }
0x167: {  	v3 =	vmul.f32 v3, v6;
	v7 =	vld [tilespmem:s26+$0xA0];
	[tilespmem:s26+$0x30] =	vst v5  }
0x168: {  	[tilespmem:s26+$0x40] =	vst v10;
	v10 =	vld [tilespmem:s26+$0xD0];
	v5 =	vmul.f32 v9, v6  }
0x169: {  	[tilespmem:s26+$0x60] =	vst v3;
	v9 =	vld [tilespmem:s26+$0xC0];
	v3 =	vmul.f32 v12, v2  }
0x16a: {  	[tilespmem:s26+$0x50] =	vst v5;
	v5 =	vld [tilespmem:s26+$0xE0]  }
0x16b: {  	[tilespmem:s26+$0x90] =	vst v3;
	v3 =	vmul.f32 v11, v2;
	v11 =	vld [tilespmem:s26+$0x110]  }
0x16c: {  	v16 =	vld.idx.msk [tilespmem:v4+s16+$0x0], $0xffff  }
0x16d: {  	[tilespmem:s26+$0xFFFFFEC0] =	vst v17;
	v4 =	vmul.f32 v13, v6;
	v6 =	vld [tilespmem:s26+$0xF0]  }
0x16e: {  	s29 =	simm.s32 $0xB;
	v8 =	vmul.f32 v8, v2;
	[tilespmem:s26+$0xB0] =	vst v3;
	v3 =	vmul.f32 v10, v2;
	v10 =	vld [tilespmem:s26+$0x130]  }
0x16f: {  	s28 =	simm.s32 $0x8;
	v14 =	vmov s29;
	s29 =	simm.s32 $0xD;
	[tilespmem:s26+$0x70] =	vst v4;
	v4 =	vmul.f32 v7, v2;
	v7 =	vld [tilespmem:s26+$0x100]  }
0x170: {  	v17 =	vmov s29;
	[tilespmem:s26+$0x80] =	vst v8;
	v8 =	vmov s28;
	s28 =	simm.s32 $0x9  }
0x171: {  	v8 =	vand.u32 $0x78, v8;
	v12 =	vmov s28;
	s28 =	simm.s32 $0xA;
	[tilespmem:s26+$0xA0] =	vst v4;
	v4 =	vmul.f32 v9, v2;
	v9 =	vld [tilespmem:s26+$0x120]  }
0x172: {  	v13 =	vmov s28;
	s28 =	simm.s32 $0xC;
	v8 =	vor.u32 v0, v8;
	[tilespmem:s26+$0xD0] =	vst v3;
	v11 =	vmul.f32 v11, v16  }
0x173: {  	v15 =	vmov s28;
	s28 =	simm.s32 $0xE;
	[tilespmem:s26+$0xC0] =	vst v4;
	v4 =	vmul.f32 v5, v2;
	v5 =	vld [tilespmem:s26+$0x140];
	v2 =	vmul.f32 v6, v2  }
0x174: {  	v18 =	vld [tilespmem:s26+$0x150];
	v6 =	vmov s28;
	v10 =	vmul.f32 v10, v16;
	v3 =	vmul.f32 v7, v16;
	[tilespmem:s26+$0x110] =	vst v11  }
0x175: {  	v19 =	vld [tilespmem:s26+$0x160];
	v7 =	vand.u32 $0x79, v12;
	v12 =	vand.u32 $0x7A, v13;
	v13 =	vand.u32 $0x7C, v15;
	[tilespmem:s26+$0xE0] =	vst v4  }
0x176: {  	v15 =	vand.u32 $0x7E, v6;
	[tilespmem:s26+$0xF0] =	vst v2;
	v2 =	vand.u32 $0x7D, v17;
	v17 =	vld [tilespmem:s26+$0x170];
	v9 =	vmul.f32 v9, v16  }
0x177: {  	v6 =	vld [tilespmem:s26+$0x180];
	v4 =	vand.u32 $0x7B, v14;
	v11 =	vor.u32 v0, v12;
	v13 =	vor.u32 v0, v13;
	[tilespmem:s26+$0x100] =	vst v3  }
0x178: {  	v3 =	vbroadcast v8, $0x0;
	v8 =	vor.u32 v0, v7;
	v7 =	vld [tilespmem:s26+$0x190];
	[tilespmem:s26+$0x120] =	vst v9;
	v9 =	vmul.f32 v5, v16  }
0x179: {  	[tilespmem:s26+$0x130] =	vst v10;
	v10 =	vmul.f32 v18, v16;
	v20 =	vor.u32 v0, v4;
	v4 =	vbroadcast v8, $0x0;
	v8 =	vld [tilespmem:s26+$0x1A0]  }
0x17a: {  	v12 =	vmul.f32 v19, v16;
	v15 =	vor.u32 v0, v15;
	v5 =	vbroadcast v11, $0x0;
	[tilespmem:s26+$0x140] =	vst v9;
	v9 =	vld [tilespmem:s26+$0x1B0]  }
0x17b: {  	s29 =	simm.s32 $0xF;
	s28 =	simm.s32 $0x10;
	v14 =	vor.u32 v0, v2;
	[tilespmem:s26+$0x150] =	vst v10;
	v10 =	vld [tilespmem:s26+$0x1C0];
	v11 =	vbroadcast v20, $0x0;
	v2 =	vmul.f32 v17, v16  }
.LBB2_8:
0x17c: {  	p1 =	slt.u32 s28, $0x70;
	v13 =	vbroadcast v13, $0x0;
	v16 =	vmov s29;
	[tilespmem:s26+$0x160] =	vst v12;
	v6 =	vmul.f32 v6, v1;
	v12 =	vld [tilespmem:s26+$0x1D0]  }
0x17d: {  	v14 =	vbroadcast v14, $0x0;
	v16 =	vand.u32 $0x7F, v16;
	[tilespmem:s26+$0x170] =	vst v2;
	v2 =	vmul.f32 v7, v1;
	v7 =	vld [tilespmem:s26+$0x1E0]  }
0x17e: {  	v15 =	vbroadcast v15, $0x0;
	v17 =	vld.idx.msk [tilespmem:v3+s16+$0x0], $0xffff;
	v3 =	vor.u32 v0, v16;
	[tilespmem:s26+$0x180] =	vst v6;
	v6 =	vmul.f32 v8, v1  }
0x17f: {  	v8 =	vld.idx.msk [tilespmem:v4+s16+$0x0], $0xffff;
	v16 =	vbroadcast v3, $0x0;
	[tilespmem:s26+$0x190] =	vst v2;
	v2 =	vmul.f32 v9, v1  }
0x180: {  	v9 =	vld.idx.msk [tilespmem:v5+s16+$0x0], $0xffff;
	[tilespmem:s26+$0x1A0] =	vst v6;
	v3 =	vmul.f32 v10, v1  }
0x181: {  	v5 =	vld.idx.msk [tilespmem:v11+s16+$0x0], $0xffff;
	[tilespmem:s26+$0x1B0] =	vst v2;
	v2 =	vmul.f32 v12, v1  }
0x182: {  	v4 =	vld.idx.msk [tilespmem:v13+s16+$0x0], $0xffff;
	[tilespmem:s26+$0x1C0] =	vst v3;
	v1 =	vmul.f32 v7, v1  }
0x183: {  	v3 =	vld.idx.msk [tilespmem:v14+s16+$0x0], $0xffff;
	[tilespmem:s26+$0x1D0] =	vst v2  }
0x184: {  	v2 =	vld.idx.msk [tilespmem:v15+s16+$0x0], $0xffff;
	[tilespmem:s26+$0x1E0] =	vst v1  }
0x185: {  	s26 =	sadd.s32 $0x400, s26;
	v1 =	vld.idx.msk [tilespmem:v16+s16+$0x0], $0xffff  }
0x186: {  	v6 =	vld [tilespmem:s26+$0x1F0]  }
0x187: {  	v7 =	vld [tilespmem:s26+$0xFFFFFE00]  }
0x188: {  	v10 =	vld [tilespmem:s26+$0xFFFFFE10]  }
0x189: {  	v11 =	vld [tilespmem:s26+$0xFFFFFE20]  }
0x18a: {  	v12 =	vld [tilespmem:s26+$0xFFFFFE30]  }
0x18b: {  	v13 =	vld [tilespmem:s26+$0xFFFFFE40];
	v6 =	vmul.f32 v6, v1  }
0x18c: {  	v7 =	vmul.f32 v7, v17;
	v14 =	vld [tilespmem:s26+$0xFFFFFE50]  }
0x18d: {  	v10 =	vmul.f32 v10, v17;
	v15 =	vld [tilespmem:s26+$0xFFFFFE60];
	[tilespmem:s26+$0x1F0] =	vst v6  }
0x18e: {  	[tilespmem:s26+$0xFFFFFE00] =	vst v7;
	v6 =	vmul.f32 v11, v17;
	v7 =	vld [tilespmem:s26+$0xFFFFFE70]  }
0x18f: {  	[tilespmem:s26+$0xFFFFFE10] =	vst v10;
	v10 =	vmul.f32 v12, v17;
	v11 =	vld [tilespmem:s26+$0xFFFFFE80]  }
0x190: {  	[tilespmem:s26+$0xFFFFFE20] =	vst v6;
	v6 =	vmul.f32 v13, v17;
	v12 =	vld [tilespmem:s26+$0xFFFFFE90]  }
0x191: {  	[tilespmem:s26+$0xFFFFFE30] =	vst v10;
	v10 =	vmul.f32 v14, v17;
	v13 =	vld [tilespmem:s26+$0xFFFFFEA0]  }
0x192: {  	[tilespmem:s26+$0xFFFFFE40] =	vst v6;
	v6 =	vmul.f32 v15, v17;
	v14 =	vld [tilespmem:s26+$0xFFFFFEB0]  }
0x193: {  	[tilespmem:s26+$0xFFFFFE50] =	vst v10;
	v7 =	vmul.f32 v7, v17;
	v10 =	vld [tilespmem:s26+$0xFFFFFEC0]  }
0x194: {  	[tilespmem:s26+$0xFFFFFE60] =	vst v6;
	v6 =	vmul.f32 v11, v8;
	v11 =	vld [tilespmem:s26+$0xFFFFFED0]  }
0x195: {  	[tilespmem:s26+$0xFFFFFE70] =	vst v7;
	v7 =	vmul.f32 v12, v8;
	v12 =	vld [tilespmem:s26+$0xFFFFFEE0]  }
0x196: {  	[tilespmem:s26+$0xFFFFFE80] =	vst v6;
	v6 =	vmul.f32 v13, v8;
	v13 =	vld [tilespmem:s26+$0xFFFFFEF0]  }
0x197: {  	[tilespmem:s26+$0xFFFFFE90] =	vst v7;
	v7 =	vmul.f32 v14, v8;
	v14 =	vld [tilespmem:s26+$0xFFFFFF00]  }
0x198: {  	[tilespmem:s26+$0xFFFFFEA0] =	vst v6;
	v6 =	vmul.f32 v10, v8;
	v10 =	vld [tilespmem:s26+$0xFFFFFF10]  }
0x199: {  	[tilespmem:s26+$0xFFFFFEB0] =	vst v7;
	v7 =	vmul.f32 v11, v8;
	v11 =	vld [tilespmem:s26+$0xFFFFFF20]  }
0x19a: {  	[tilespmem:s26+$0xFFFFFEC0] =	vst v6;
	v6 =	vmul.f32 v12, v8;
	v12 =	vld [tilespmem:s26+$0xFFFFFF30]  }
0x19b: {  	[tilespmem:s26+$0xFFFFFED0] =	vst v7;
	v7 =	vmul.f32 v13, v8;
	v8 =	vld [tilespmem:s26+$0xFFFFFF40]  }
0x19c: {  	[tilespmem:s26+$0xFFFFFEE0] =	vst v6;
	v6 =	vmul.f32 v14, v9;
	v13 =	vld [tilespmem:s26+$0xFFFFFF50]  }
0x19d: {  	[tilespmem:s26+$0xFFFFFEF0] =	vst v7;
	v7 =	vmul.f32 v10, v9;
	v10 =	vld [tilespmem:s26+$0xFFFFFF60]  }
0x19e: {  	[tilespmem:s26+$0xFFFFFF00] =	vst v6;
	v6 =	vmul.f32 v11, v9;
	v11 =	vld [tilespmem:s26+$0xFFFFFF70]  }
0x19f: {  	[tilespmem:s26+$0xFFFFFF10] =	vst v7;
	v7 =	vmul.f32 v12, v9;
	v12 =	vld [tilespmem:s26+$0xFFFFFF80]  }
0x1a0: {  	[tilespmem:s26+$0xFFFFFF20] =	vst v6;
	v6 =	vmul.f32 v8, v9;
	v8 =	vld [tilespmem:s26+$0xFFFFFF90]  }
0x1a1: {  	[tilespmem:s26+$0xFFFFFF30] =	vst v7;
	v7 =	vmul.f32 v13, v9;
	v13 =	vld [tilespmem:s26+$0xFFFFFFA0]  }
0x1a2: {  	[tilespmem:s26+$0xFFFFFF40] =	vst v6;
	v6 =	vmul.f32 v10, v9;
	v10 =	vld [tilespmem:s26+$0xFFFFFFB0]  }
0x1a3: {  	[tilespmem:s26+$0xFFFFFF50] =	vst v7;
	v7 =	vmul.f32 v11, v9;
	v9 =	vld [tilespmem:s26+$0xFFFFFFC0]  }
0x1a4: {  	[tilespmem:s26+$0xFFFFFF60] =	vst v6;
	v6 =	vmul.f32 v12, v5;
	v11 =	vld [tilespmem:s26+$0xFFFFFFD0]  }
0x1a5: {  	[tilespmem:s26+$0xFFFFFF70] =	vst v7;
	v7 =	vmul.f32 v8, v5;
	v8 =	vld [tilespmem:s26+$0xFFFFFFE0]  }
0x1a6: {  	[tilespmem:s26+$0xFFFFFF80] =	vst v6;
	v6 =	vmul.f32 v13, v5;
	v12 =	vld [tilespmem:s26+$0xFFFFFFF0]  }
0x1a7: {  	[tilespmem:s26+$0xFFFFFF90] =	vst v7;
	v7 =	vmul.f32 v10, v5;
	v10 =	vld [tilespmem:s26+$0x0]  }
0x1a8: {  	[tilespmem:s26+$0xFFFFFFA0] =	vst v6;
	v6 =	vmul.f32 v9, v5;
	v9 =	vld [tilespmem:s26+$0x10]  }
0x1a9: {  	[tilespmem:s26+$0xFFFFFFB0] =	vst v7;
	v7 =	vmul.f32 v11, v5;
	v11 =	vld [tilespmem:s26+$0x20]  }
0x1aa: {  	[tilespmem:s26+$0xFFFFFFC0] =	vst v6;
	v6 =	vmul.f32 v8, v5;
	v8 =	vld [tilespmem:s26+$0x30]  }
0x1ab: {  	[tilespmem:s26+$0xFFFFFFD0] =	vst v7;
	v5 =	vmul.f32 v12, v5;
	v7 =	vld [tilespmem:s26+$0x40]  }
0x1ac: {  	[tilespmem:s26+$0xFFFFFFE0] =	vst v6;
	v6 =	vmul.f32 v10, v4;
	v10 =	vld [tilespmem:s26+$0x50]  }
0x1ad: {  	[tilespmem:s26+$0xFFFFFFF0] =	vst v5;
	v5 =	vmul.f32 v9, v4;
	v9 =	vld [tilespmem:s26+$0x60]  }
0x1ae: {  	[tilespmem:s26+$0x0] =	vst v6;
	v6 =	vmul.f32 v11, v4;
	v11 =	vld [tilespmem:s26+$0x70]  }
0x1af: {  	[tilespmem:s26+$0x10] =	vst v5;
	v5 =	vmul.f32 v8, v4;
	v8 =	vld [tilespmem:s26+$0x80]  }
0x1b0: {  	[tilespmem:s26+$0x20] =	vst v6;
	v6 =	vmul.f32 v7, v4;
	v7 =	vld [tilespmem:s26+$0x90]  }
0x1b1: {  	[tilespmem:s26+$0x30] =	vst v5;
	v5 =	vmul.f32 v10, v4;
	v10 =	vld [tilespmem:s26+$0xA0]  }
0x1b2: {  	[tilespmem:s26+$0x40] =	vst v6;
	v6 =	vmul.f32 v9, v4;
	v9 =	vld [tilespmem:s26+$0xB0]  }
0x1b3: {  	[tilespmem:s26+$0x50] =	vst v5;
	v4 =	vmul.f32 v11, v4;
	v5 =	vld [tilespmem:s26+$0xC0]  }
0x1b4: {  	[tilespmem:s26+$0x60] =	vst v6;
	v6 =	vmul.f32 v8, v3;
	v8 =	vld [tilespmem:s26+$0xD0]  }
0x1b5: {  	[tilespmem:s26+$0x70] =	vst v4;
	v4 =	vmul.f32 v7, v3;
	v7 =	vld [tilespmem:s26+$0xE0]  }
0x1b6: {  	[tilespmem:s26+$0x80] =	vst v6;
	v6 =	vmul.f32 v10, v3;
	v10 =	vld [tilespmem:s26+$0xF0]  }
0x1b7: {  	s29 =	sadd.s32 $0x1, s28;
	v11 =	vmov s28;
	[tilespmem:s26+$0x90] =	vst v4;
	v4 =	vmul.f32 v9, v3;
	v9 =	vld [tilespmem:s26+$0x100]  }
0x1b8: {  	s30 =	sadd.s32 $0x3, s28;
	v12 =	vmov s29;
	s29 =	sadd.s32 $0x2, s28;
	v11 =	vand.u32 $0x78, v11;
	[tilespmem:s26+$0xA0] =	vst v6;
	v5 =	vmul.f32 v5, v3;
	v6 =	vld [tilespmem:s26+$0x110]  }
0x1b9: {  	v14 =	vmov s30;
	s30 =	sadd.s32 $0x5, s28;
	v13 =	vmov s29;
	s29 =	sadd.s32 $0x4, s28;
	[tilespmem:s26+$0xB0] =	vst v4;
	v4 =	vmul.f32 v8, v3;
	v8 =	vld [tilespmem:s26+$0x120]  }
0x1ba: {  	v16 =	vmov s30;
	v15 =	vmov s29;
	s29 =	sadd.s32 $0x6, s28;
	[tilespmem:s26+$0xC0] =	vst v5;
	v5 =	vmul.f32 v7, v3;
	v7 =	vld [tilespmem:s26+$0x130]  }
0x1bb: {  	v17 =	vmov s29;
	v11 =	vor.u32 v0, v11;
	[tilespmem:s26+$0xD0] =	vst v4;
	v3 =	vmul.f32 v10, v3;
	v4 =	vld [tilespmem:s26+$0x140]  }
0x1bc: {  	v10 =	vand.u32 $0x79, v12;
	v12 =	vand.u32 $0x7A, v13;
	[tilespmem:s26+$0xE0] =	vst v5;
	v5 =	vmul.f32 v9, v2;
	v9 =	vld [tilespmem:s26+$0x150]  }
0x1bd: {  	v13 =	vand.u32 $0x7B, v14;
	v14 =	vand.u32 $0x7C, v15;
	[tilespmem:s26+$0xF0] =	vst v3;
	v6 =	vmul.f32 v6, v2;
	v15 =	vld [tilespmem:s26+$0x160]  }
0x1be: {  	v16 =	vand.u32 $0x7D, v16;
	v17 =	vand.u32 $0x7E, v17;
	[tilespmem:s26+$0x100] =	vst v5;
	v5 =	vmul.f32 v8, v2;
	v18 =	vld [tilespmem:s26+$0x170]  }
.Ltmp2:
0x1bf: {  	v3 =	vbroadcast v11, $0x0;
	v8 =	vor.u32 v0, v10;
	[tilespmem:s26+$0x110] =	vst v6;
	v10 =	vmul.f32 v7, v2;
	v6 =	vld [tilespmem:s26+$0x180];
	(pc) =	sbr.rel @p1 .LBB2_8-.Ltmp2, $4  }
0x1c0: {  	v19 =	vor.u32 v0, v13;
	v11 =	vor.u32 v0, v12;
	[tilespmem:s26+$0x120] =	vst v5;
	v12 =	vmul.f32 v4, v2;
	v7 =	vld [tilespmem:s26+$0x190]  }
0x1c1: {  	v13 =	vor.u32 v0, v14;
	v4 =	vbroadcast v8, $0x0;
	[tilespmem:s26+$0x130] =	vst v10;
	v10 =	vmul.f32 v9, v2;
	v8 =	vld [tilespmem:s26+$0x1A0]  }
0x1c2: {  	v14 =	vor.u32 v0, v16;
	v5 =	vbroadcast v11, $0x0;
	[tilespmem:s26+$0x140] =	vst v12;
	v12 =	vmul.f32 v15, v2;
	v9 =	vld [tilespmem:s26+$0x1B0]  }
0x1c3: {  	s29 =	sadd.s32 $0x7, s28;
	s28 =	sadd.s32 $0x8, s28;
	v11 =	vbroadcast v19, $0x0;
	v15 =	vor.u32 v0, v17;
	[tilespmem:s26+$0x150] =	vst v10;
	v2 =	vmul.f32 v18, v2;
	v10 =	vld [tilespmem:s26+$0x1C0]  }
0x1c4: {  	_ =	sdelay $0x1  }
0x1c5: {  	v17 =	vld [tilespmem:s26+$0x1D0]  }
0x1c6: {  	v18 =	vld [tilespmem:s26+$0x1E0]  }
0x1c7: {  	v19 =	vld.idx.msk [tilespmem:v3+s16+$0x0], $0xffff  }
0x1c8: {  	v63 =	vld.idx.msk [tilespmem:v4+s16+$0x0], $0xffff  }
0x1c9: {  	v20 =	vld.idx.msk [tilespmem:v5+s16+$0x0], $0xffff  }
0x1ca: {  	s28 =	sadd.s32 $0x400, s26;
	v11 =	vld.idx.msk [tilespmem:v11+s16+$0x0], $0xffff  }
0x1cb: {  	v23 =	vld [tilespmem:s28+$0x1F0]  }
0x1cc: {  	v25 =	vld [tilespmem:s28+$0xFFFFFE00]  }
0x1cd: {  	[tilespmem:s26+$0x160] =	vst v12;
	v6 =	vmul.f32 v6, v1;
	v27 =	vld [tilespmem:s28+$0xFFFFFE10]  }
0x1ce: {  	[tilespmem:s26+$0x170] =	vst v2;
	v7 =	vmul.f32 v7, v1;
	v29 =	vld [tilespmem:s28+$0xFFFFFE20]  }
0x1cf: {  	v30 =	vld [tilespmem:s28+$0xFFFFFE30];
	[tilespmem:s26+$0x180] =	vst v6;
	v22 =	vmul.f32 v8, v1  }
0x1d0: {  	v31 =	vld [tilespmem:s28+$0xFFFFFE40];
	[tilespmem:s26+$0x190] =	vst v7;
	v24 =	vmul.f32 v9, v1  }
0x1d1: {  	v32 =	vld [tilespmem:s28+$0xFFFFFE50];
	[tilespmem:s26+$0x1A0] =	vst v22;
	v26 =	vmul.f32 v10, v1  }
0x1d2: {  	v33 =	vld [tilespmem:s28+$0xFFFFFE60];
	[tilespmem:s26+$0x1B0] =	vst v24;
	v28 =	vmul.f32 v17, v1  }
0x1d3: {  	v34 =	vld [tilespmem:s28+$0xFFFFFE70];
	v1 =	vmul.f32 v18, v1;
	[tilespmem:s26+$0x1C0] =	vst v26  }
0x1d4: {  	v35 =	vld [tilespmem:s28+$0xFFFFFE80];
	v10 =	vmul.f32 v27, v19;
	[tilespmem:s26+$0x1D0] =	vst v28  }
0x1d5: {  	v36 =	vld [tilespmem:s28+$0xFFFFFE90];
	[tilespmem:s26+$0x1E0] =	vst v1;
	v1 =	vmul.f32 v25, v19  }
0x1d6: {  	v38 =	vld [tilespmem:s28+$0xFFFFFEA0];
	v6 =	vmul.f32 v30, v19;
	[tilespmem:s28+$0xFFFFFE10] =	vst v10  }
0x1d7: {  	v39 =	vld [tilespmem:s28+$0xFFFFFEB0];
	[tilespmem:s28+$0xFFFFFE00] =	vst v1;
	v1 =	vmul.f32 v29, v19  }
0x1d8: {  	v41 =	vld [tilespmem:s28+$0xFFFFFEC0];
	v37 =	vmul.f32 v32, v19;
	[tilespmem:s28+$0xFFFFFE30] =	vst v6  }
0x1d9: {  	v42 =	vld [tilespmem:s28+$0xFFFFFED0];
	[tilespmem:s28+$0xFFFFFE20] =	vst v1;
	v1 =	vmul.f32 v31, v19  }
0x1da: {  	v44 =	vld [tilespmem:s28+$0xFFFFFEE0];
	v40 =	vmul.f32 v34, v19;
	[tilespmem:s28+$0xFFFFFE50] =	vst v37  }
0x1db: {  	v45 =	vld [tilespmem:s28+$0xFFFFFEF0];
	[tilespmem:s28+$0xFFFFFE40] =	vst v1;
	v1 =	vmul.f32 v33, v19  }
0x1dc: {  	v47 =	vld [tilespmem:s28+$0xFFFFFF00];
	v43 =	vmul.f32 v36, v63;
	[tilespmem:s28+$0xFFFFFE70] =	vst v40  }
0x1dd: {  	v48 =	vld [tilespmem:s28+$0xFFFFFF10];
	[tilespmem:s28+$0xFFFFFE60] =	vst v1;
	v1 =	vmul.f32 v35, v63  }
0x1de: {  	v50 =	vld [tilespmem:s28+$0xFFFFFF20];
	v46 =	vmul.f32 v39, v63;
	[tilespmem:s28+$0xFFFFFE90] =	vst v43  }
0x1df: {  	v51 =	vld [tilespmem:s28+$0xFFFFFF30];
	[tilespmem:s28+$0xFFFFFE80] =	vst v1;
	v1 =	vmul.f32 v38, v63  }
0x1e0: {  	v53 =	vld [tilespmem:s28+$0xFFFFFF40];
	v49 =	vmul.f32 v42, v63;
	[tilespmem:s28+$0xFFFFFEB0] =	vst v46  }
0x1e1: {  	v54 =	vld [tilespmem:s28+$0xFFFFFF50];
	[tilespmem:s28+$0xFFFFFEA0] =	vst v1;
	v1 =	vmul.f32 v41, v63  }
0x1e2: {  	v56 =	vld [tilespmem:s28+$0xFFFFFF60];
	v52 =	vmul.f32 v45, v63;
	[tilespmem:s28+$0xFFFFFED0] =	vst v49  }
0x1e3: {  	v13 =	vbroadcast v13, $0x0;
	v16 =	vmov s29;
	v57 =	vld [tilespmem:s28+$0xFFFFFF70];
	[tilespmem:s28+$0xFFFFFEC0] =	vst v1;
	v1 =	vmul.f32 v44, v63  }
0x1e4: {  	v3 =	vbroadcast v15, $0x0;
	v16 =	vand.u32 $0x7F, v16;
	v59 =	vld [tilespmem:s28+$0xFFFFFF80];
	v55 =	vmul.f32 v48, v20;
	[tilespmem:s28+$0xFFFFFEF0] =	vst v52  }
0x1e5: {  	v60 =	vld [tilespmem:s28+$0xFFFFFF90];
	v62 =	vor.u32 v0, v16;
	[tilespmem:s28+$0xFFFFFEE0] =	vst v1;
	v1 =	vmul.f32 v47, v20  }
0x1e6: {  	v16 =	vld [tilespmem:s28+$0xFFFFFFC0];
	v15 =	vbroadcast v62, $0x0;
	v58 =	vmul.f32 v51, v20;
	[tilespmem:s28+$0xFFFFFF10] =	vst v55  }
0x1e7: {  	v62 =	vld [tilespmem:s28+$0xFFFFFFA0];
	[tilespmem:s28+$0xFFFFFF00] =	vst v1;
	v1 =	vmul.f32 v50, v20  }
0x1e8: {  	v17 =	vld [tilespmem:s28+$0xFFFFFFD0];
	v61 =	vmul.f32 v54, v20;
	[tilespmem:s28+$0xFFFFFF30] =	vst v58  }
0x1e9: {  	v5 =	vld.idx.msk [tilespmem:v13+s16+$0x0], $0xffff;
	[tilespmem:s28+$0xFFFFFF20] =	vst v1;
	v1 =	vmul.f32 v53, v20  }
0x1ea: {  	v3 =	vld.idx.msk [tilespmem:v3+s16+$0x0], $0xffff;
	v18 =	vmul.f32 v60, v11;
	[tilespmem:s28+$0xFFFFFF50] =	vst v61  }
0x1eb: {  	v51 =	vld [tilespmem:s28+$0x150];
	[tilespmem:s28+$0xFFFFFF40] =	vst v1;
	v1 =	vmul.f32 v56, v20  }
0x1ec: {  	[tilespmem:s28+$0xFFFFFF90] =	vst v18;
	v2 =	vld.idx.msk [tilespmem:v15+s16+$0x0], $0xffff;
	v15 =	vmul.f32 v57, v20  }
0x1ed: {  	v14 =	vbroadcast v14, $0x0;
	v26 =	vld [tilespmem:s28+$0x30];
	[tilespmem:s28+$0xFFFFFF60] =	vst v1;
	v1 =	vmul.f32 v59, v11  }
0x1ee: {  	v24 =	vmul.f32 v17, v11;
	[tilespmem:s28+$0xFFFFFF70] =	vst v15;
	v19 =	vld [tilespmem:s28+$0xFFFFFFE0]  }
0x1ef: {  	v46 =	vld [tilespmem:s28+$0x110];
	[tilespmem:s28+$0xFFFFFF80] =	vst v1;
	v1 =	vmul.f32 v62, v11  }
0x1f0: {  	v22 =	vld [tilespmem:s28+$0x0];
	v58 =	vmul.f32 v51, v3;
	[tilespmem:s28+$0xFFFFFFD0] =	vst v24  }
0x1f1: {  	v49 =	vld [tilespmem:s28+$0x130];
	[tilespmem:s28+$0xFFFFFFA0] =	vst v1;
	v1 =	vmul.f32 v16, v11  }
0x1f2: {  	v25 =	vld [tilespmem:s28+$0x20];
	v33 =	vmul.f32 v26, v5;
	[tilespmem:s28+$0x150] =	vst v58  }
0x1f3: {  	v4 =	vld.idx.msk [tilespmem:v14+s16+$0x0], $0xffff;
	[tilespmem:s28+$0xFFFFFFC0] =	vst v1;
	v1 =	vmul.f32 v19, v11  }
0x1f4: {  	v28 =	vld [tilespmem:s28+$0x40];
	v52 =	vmul.f32 v46, v3;
	[tilespmem:s28+$0x30] =	vst v33  }
0x1f5: {  	v29 =	vld [tilespmem:s28+$0x50];
	[tilespmem:s28+$0xFFFFFFE0] =	vst v1;
	v1 =	vmul.f32 v22, v5  }
0x1f6: {  	v31 =	vld [tilespmem:s28+$0x60];
	v55 =	vmul.f32 v49, v3;
	[tilespmem:s28+$0x110] =	vst v52  }
0x1f7: {  	v8 =	vmul.f32 v23, v2;
	v23 =	vld [tilespmem:s28+$0x10];
	[tilespmem:s28+$0x0] =	vst v1;
	v1 =	vmul.f32 v25, v5  }
0x1f8: {  	v34 =	vld [tilespmem:s28+$0x80];
	[tilespmem:s28+$0x130] =	vst v55  }
0x1f9: {  	v35 =	vld [tilespmem:s28+$0x90];
	[tilespmem:s28+$0x20] =	vst v1;
	v1 =	vmul.f32 v28, v5  }
0x1fa: {  	v37 =	vld [tilespmem:s28+$0xA0];
	v36 =	vmul.f32 v29, v5;
	[tilespmem:s28+$0x1F0] =	vst v8  }
0x1fb: {  	v38 =	vld [tilespmem:s28+$0xB0];
	[tilespmem:s28+$0x40] =	vst v1;
	v1 =	vmul.f32 v31, v5  }
0x1fc: {  	v39 =	vld [tilespmem:s28+$0xC0];
	[tilespmem:s28+$0x50] =	vst v36;
	v30 =	vmul.f32 v23, v5  }
0x1fd: {  	v40 =	vld [tilespmem:s28+$0xD0];
	[tilespmem:s28+$0x60] =	vst v1;
	v1 =	vmul.f32 v34, v4  }
0x1fe: {  	v42 =	vld [tilespmem:s28+$0xE0];
	v41 =	vmul.f32 v35, v4;
	[tilespmem:s28+$0x10] =	vst v30  }
0x1ff: {  	v63 =	vld [tilespmem:s28+$0xFFFFFFB0];
	[tilespmem:s28+$0x80] =	vst v1;
	v1 =	vmul.f32 v37, v4  }
0x200: {  	v45 =	vld [tilespmem:s28+$0x100];
	[tilespmem:s28+$0x90] =	vst v41;
	v44 =	vmul.f32 v38, v4  }
0x201: {  	v20 =	vld [tilespmem:s28+$0xFFFFFFF0];
	[tilespmem:s28+$0xA0] =	vst v1;
	v1 =	vmul.f32 v39, v4  }
0x202: {  	v48 =	vld [tilespmem:s28+$0x120];
	v47 =	vmul.f32 v40, v4;
	[tilespmem:s28+$0xB0] =	vst v44  }
0x203: {  	v32 =	vld [tilespmem:s28+$0x70];
	[tilespmem:s28+$0xC0] =	vst v1;
	v1 =	vmul.f32 v42, v4  }
0x204: {  	[tilespmem:s28+$0xD0] =	vst v47;
	v50 =	vld [tilespmem:s28+$0x140];
	v21 =	vmul.f32 v63, v11  }
0x205: {  	v43 =	vld [tilespmem:s28+$0xF0];
	[tilespmem:s28+$0xE0] =	vst v1;
	v1 =	vmul.f32 v45, v3  }
0x206: {  	v53 =	vld [tilespmem:s28+$0x160];
	[tilespmem:s28+$0xFFFFFFB0] =	vst v21;
	v27 =	vmul.f32 v20, v11  }
0x207: {  	v54 =	vld [tilespmem:s28+$0x170];
	[tilespmem:s28+$0x100] =	vst v1;
	v1 =	vmul.f32 v48, v3  }
0x208: {  	v56 =	vld [tilespmem:s28+$0x180];
	[tilespmem:s28+$0xFFFFFFF0] =	vst v27;
	v5 =	vmul.f32 v32, v5  }
0x209: {  	v57 =	vld [tilespmem:s28+$0x190];
	[tilespmem:s28+$0x120] =	vst v1;
	v1 =	vmul.f32 v50, v3  }
0x20a: {  	v59 =	vld [tilespmem:s28+$0x1A0];
	[tilespmem:s28+$0x70] =	vst v5;
	v4 =	vmul.f32 v43, v4  }
0x20b: {  	v60 =	vld [tilespmem:s28+$0x1B0];
	[tilespmem:s28+$0x140] =	vst v1;
	v1 =	vmul.f32 v53, v3  }
0x20c: {  	v61 =	vld [tilespmem:s28+$0x1C0];
	[tilespmem:s28+$0xF0] =	vst v4;
	v3 =	vmul.f32 v54, v3  }
0x20d: {  	v62 =	vld [tilespmem:s28+$0x1D0];
	[tilespmem:s28+$0x160] =	vst v1;
	v1 =	vmul.f32 v56, v2  }
0x20e: {  	v63 =	vld [tilespmem:s28+$0x1E0];
	[tilespmem:s28+$0x170] =	vst v3;
	v3 =	vmul.f32 v57, v2  }
0x20f: {  	[tilespmem:s28+$0x180] =	vst v1;
	v1 =	vmul.f32 v59, v2  }
0x210: {  	[tilespmem:s28+$0x190] =	vst v3;
	v3 =	vmul.f32 v60, v2  }
0x211: {  	[tilespmem:s28+$0x1A0] =	vst v1;
	v1 =	vmul.f32 v61, v2  }
0x212: {  	[tilespmem:s28+$0x1B0] =	vst v3;
	v3 =	vmul.f32 v62, v2  }
0x213: {  	[tilespmem:s28+$0x1C0] =	vst v1;
	v1 =	vmul.f32 v63, v2  }
0x214: {  	[tilespmem:s28+$0x1D0] =	vst v3  }
0x215: {  	s29 =	simm.s32 $0x1F870;
	s26 =	simm.s32 $0x78;
	[tilespmem:s28+$0x1E0] =	vst v1  }
.LBB2_10:
0x216: {  	v1 =	vmov s26  }
0x217: {  	v1 =	vand.u32 $0x7F, v1  }
0x218: {  	v1 =	vadd.s32 v0, v1  }
0x219: {  	v1 =	vbroadcast v1, $0x0;
	_ =	sdelay $0x4  }
0x21a: {  	v2 =	vld [tilespmem:s29+$0xFFFFFF90]  }
0x21b: {  	v1 =	vld.idx.msk [tilespmem:v1+s16+$0x0], $0xffff;
	_ =	sdelay $0x4  }
0x21c: {  	v2 =	vmul.f32 v2, v1;
	_ =	sdelay $0x1  }
0x21d: {  	[tilespmem:s29+$0xFFFFFF90] =	vst v2;
	v2 =	vld [tilespmem:s29+$0xFFFFFFA0];
	_ =	sdelay $0x4  }
0x21e: {  	v2 =	vmul.f32 v2, v1;
	_ =	sdelay $0x1  }
0x21f: {  	[tilespmem:s29+$0xFFFFFFA0] =	vst v2;
	v2 =	vld [tilespmem:s29+$0xFFFFFFB0];
	_ =	sdelay $0x4  }
0x220: {  	v2 =	vmul.f32 v2, v1;
	_ =	sdelay $0x1  }
0x221: {  	[tilespmem:s29+$0xFFFFFFB0] =	vst v2;
	v2 =	vld [tilespmem:s29+$0xFFFFFFC0];
	_ =	sdelay $0x4  }
0x222: {  	v2 =	vmul.f32 v2, v1;
	_ =	sdelay $0x1  }
0x223: {  	[tilespmem:s29+$0xFFFFFFC0] =	vst v2;
	v2 =	vld [tilespmem:s29+$0xFFFFFFD0];
	_ =	sdelay $0x4  }
0x224: {  	v2 =	vmul.f32 v2, v1;
	_ =	sdelay $0x1  }
0x225: {  	[tilespmem:s29+$0xFFFFFFD0] =	vst v2;
	v2 =	vld [tilespmem:s29+$0xFFFFFFE0];
	_ =	sdelay $0x4  }
0x226: {  	v2 =	vmul.f32 v2, v1;
	_ =	sdelay $0x1  }
0x227: {  	[tilespmem:s29+$0xFFFFFFE0] =	vst v2;
	v2 =	vld [tilespmem:s29+$0xFFFFFFF0];
	_ =	sdelay $0x4  }
0x228: {  	v2 =	vmul.f32 v2, v1;
	_ =	sdelay $0x1  }
0x229: {  	[tilespmem:s29+$0xFFFFFFF0] =	vst v2;
	v2 =	vld [tilespmem:s29+$0x0];
	_ =	sdelay $0x1  }
0x22a: {  	p1 =	sne.s32 s26, $0x7C  }
.Ltmp3:
0x22b: {  	_ = 	snop;
	(pc) =	sbr.rel @p1 .LBB2_10-.Ltmp3, $3  }
0x22c: {  	_ = 	snop  }
0x22d: {  	v1 =	vmul.f32 v2, v1;
	_ =	sdelay $0x1  }
0x22e: {  	s26 =	sadd.s32 $0x1, s26;
	[tilespmem:s29+$0x0] =	vst v1;
	s29 =	sadd.s32 $0x80, s29  }
0x22f: {  	s24 =	sadd.s32 $0x1, s24  }
0x230: {  	p1 =	sne.s32 s24, $0x14  }
.Ltmp4:
0x231: {  	s25 =	sadd.s32 $0x15400, s25;
	(pc) =	sbr.rel @p1 .LBB2_3-.Ltmp4, $4  }
0x232: {  	[spmem:s2] =	stream.indirect.scatter.add.f32 [tilespmem:s20], [sflag:$0x3], $0x80, s25, s17, $0xb8;
	[tilespmem:$0x1FC00] =	vst v63  }
0x233: {  	_ =	swait.ge [sflag:s13], $0x3E80  }
0x234: {  	[sflag:s13] =	ssyncset.done $0x0  }
0x235: {  	[sflag:s13] =	ssyncadd.s32 $0xFFFFC180  }
.Ltmp5:
0x236: {  	(pc) =	sbr.rel @p0 .LBB2_2-.Ltmp5, $2  }
0x237: {  	_ =	sdelay $0x2  }
0x238: {  	s23 =	simm.s32 $0x28;
	p1 =	por $0x0, $0x0  }
0x239: {  	s3 =	sadd.s32 $0x1, s3  }
0x23a: {  	p0 =	sne.s32 s3, s11  }
.Ltmp6:
0x23b: {  	[bflag:$0x0] =	sbarrier.arrive $0xFFFF;
	(pc) =	sbr.rel @p0 .LBB2_1-.Ltmp6, $4  }
0x23c: {  	[hbm:s22], [sflag:s8] =	dma.local [spmem:s12], $0x2800  }
0x23d: {  	_ =	swait.ge [sflag:s13], $0x2800  }
0x23e: {  	[sflag:s13] =	ssyncset.done $0x0  }
0x23f: {  	[sflag:s13] =	ssyncadd.s32 $0xFFFFD800  }
0x240: {  	_ =	sfence.sel $0x180000  }
0x241: {  	[bflag:$0x0] =	sbarrier.arrive $0xFFFF  }
0x242: {  	p0 =	sne.s32 s4, $0x0;
	_ =	strace $0x9000004A  }
0x243: {  	s0 =	sadd.s32 @!p0 $0x100000, s0;
	[bflag:$0x2] =	sbarrier.arrive $0xFFFF  }
0x244: {  	[sflag:s0] =	ssyncadd.tile.s32 @!p0 $0x1;
	_ =	shalt  }
.Lfunc_end2:
_tile_overlayer_lowered:
.L_overlay_start_2:
0x245: {  	(tag) =	ssettag $0x2  }
0x246: {  	s0 =	rddreg [dreg:$0x0];
	s2 =	stileid.u32  }
0x247: {  	s1 =	rddreg [dreg:$0x1];
	p0 =	sne.s32 s2, $0x0  }
0x248: {  	s3 =	rddreg [dreg:$0x2];
	[bflag:$0x3] =	sbarrier.arrive $0xFFFF;
	s2 =	simm.s32 @!p0 $0x1C03  }
0x249: {  	[timem:s3], [sflag:s2] =	dma.local @!p0 [hbm:s0], s1  }
0x24a: {  	s0 =	simm.s32 @!p0 $0x3  }
0x24b: {  	_ =	swait.ge @!p0 [sflag:s0], s1  }
0x24c: {  	s1 =	ssub.s32 @!p0 $0x0, s1;
	[sflag:s0] =	ssyncset.done @!p0 $0x0  }
0x24d: {  	[sflag:s0] =	ssyncadd.s32 @!p0 s1  }
0x24e: {  	[bflag:$0x3] =	sbarrier.arrive $0xFFFF  }
0x24f: {  	_ =	shalt  }

// kernel: kernel.14.cloned.1.call-start
scs
__scs_entry_jumppad:
0x0: {  	(pc) =	sbr.rel $0x88, $3  }
0x1: {  	(tag) =	ssettag $0x0;
	lr =	simm.s32 $0x1  }
0x2: {  	[smem:$0x3F9A] =	sst lr;
	_ =	strace $0xD0000000  }
0x3: {  	_ = 	snop  }
0x4: {  	_ = 	snop  }
0x5: {  	_ = 	snop  }
0x6: {  	_ = 	snop  }
0x7: {  	_ = 	snop  }
__scs_overlays_trampoline_lowered:
0x8: {  	[smem:$0x3FA9] =	sst s0  }
0x9: {  	[smem:$0x3FAA] =	sst s1  }
0xa: {  	[smem:$0x3FAB] =	sst s2  }
0xb: {  	[smem:$0x3FAC] =	sst s3  }
0xc: {  	[smem:$0x3FAD] =	sst s4  }
0xd: {  	[smem:$0x3FAE] =	sst s5  }
0xe: {  	[smem:$0x3FAF] =	sst s6  }
0xf: {  	[smem:$0x3FB0] =	sst s7  }
0x10: {  	[smem:$0x3FB1] =	sst s8  }
0x11: {  	[smem:$0x3FB2] =	sst s9;
	s0 =	simm.s32 @!p0 $0x0  }
0x12: {  	s1 =	sld [smem:$0x3F98];
	s0 =	simm.s32 @p0 $0x1  }
0x13: {  	[smem:$0x3FB3] =	sst s0;
	s0 =	simm.s32 @!p1 $0x0  }
0x14: {  	s2 =	sld [smem:$0x3F97];
	s0 =	simm.s32 @p1 $0x1  }
0x15: {  	[smem:$0x3FB4] =	sst s0;
	s0 =	simm.s32 @!p2 $0x0  }
0x16: {  	s3 =	sld [smem:$0x3FDB];
	s0 =	simm.s32 @p2 $0x1  }
0x17: {  	s4 =	simm.s32 $0x1BF5;
	[smem:$0x3FB6] =	sst s0  }
0x18: {  	s0 =	sld [smem:$0x3F99];
	_ =	swait.ge [sflag:s4], $0x0  }
0x19: {  	s7 =	sld [smem:$0x3F9A]  }
0x1a: {  	s8 =	sadd.s32 $0xFFFFE003, lr  }
0x1b: {  	s9 =	sadd.s32 $0xFFFFFEF7, lr;
	s5 =	simm.s32 $0xFFFFFFFF;
	p2 =	slt.u32 s8, $0xFFFFF086  }
0x1c: {  	p1 =	slt.u32 s9, $0xF7A;
	s5 =	simm.s32 @!p2 $0x0  }
0x1d: {  	s5 =	simm.s32 @p1 $0x1;
	p0 =	seq.s32 s7, s2  }
0x1e: {  	s7 =	smul.u32 @!p0 $0xF7A, s2;
	p2 =	seq.s32 @!p0 s5, $0x0  }
0x1f: {  	s9 =	smul.u32 $0xF7A, s1;
	s8 =	simm.s32 @!p0 $0x1BF5;
	p2 =	por !p2, p0  }
0x20: {  	[sflag:s8] =	ssyncset.s32 @!p0 $0xFFFFF086;
	s6 =	sadd.s32 @!p0 s3, s7;
	s7 =	simm.s32 @!p0 $0x108  }
0x21: {  	s3 =	sadd.s32 s3, s9;
	s6 =	sadd.s32 @!p0 $0x88, s6;
	s7 =	simm.s32 @p2 $0x1082  }
0x22: {  	[simem:s7], [sflag:s8] =	dma.local @!p0 [hbm:s6], $0xF7A  }
0x23: {  	s9 =	sor.u32 $0xD0000000, s2;
	s6 =	simm.s32 $0x108;
	_ =	swait.ge @!p0 [sflag:s8], $0x0  }
0x24: {  	s3 =	sadd.s32 $0x88, s3;
	s6 =	simm.s32 @!p1 $0x1082;
	[sflag:s4] =	ssyncset.s32 $0xFFFFF086  }
0x25: {  	[simem:s6], [sflag:s4] =	dma.local [hbm:s3], $0xF7A  }
0x26: {  	[smem:$0x3F9A] =	sst s1;
	(tag) =	ssettag s2;
	_ =	strace s9  }
0x27: {  	s1 =	sld [smem:$0x3FAA]  }
0x28: {  	s2 =	sld [smem:$0x3FAB]  }
0x29: {  	s4 =	sld [smem:$0x3FAD]  }
0x2a: {  	p0 =	seq.s32 s5, $0x0;
	s5 =	sld [smem:$0x3FAE]  }
0x2b: {  	s6 =	sld [smem:$0x3FAF]  }
0x2c: {  	s7 =	sld [smem:$0x3FB0]  }
0x2d: {  	s3 =	simm.s32 $0x108;
	s8 =	sld [smem:$0x3FB1]  }
0x2e: {  	s3 =	simm.s32 @!p0 $0x1082;
	s9 =	sld [smem:$0x3FB2]  }
0x2f: {  	lr =	sadd.s32 s0, s3;
	s0 =	sld [smem:$0x3FA9]  }
0x30: {  	s3 =	sld [smem:$0x3FAC]  }
0x31: {  	[smem:$0x3FB5] =	sst s10  }
0x32: {  	s10 =	sld [smem:$0x3FB3];
	_ =	sdelay $0x3  }
0x33: {  	p0 =	seq.s32 s10, $0x1;
	s10 =	sld [smem:$0x3FB5];
	_ =	sdelay $0x3  }
0x34: {  	[smem:$0x3FB5] =	sst s10  }
0x35: {  	s10 =	sld [smem:$0x3FB4];
	_ =	sdelay $0x3  }
0x36: {  	p1 =	seq.s32 s10, $0x1;
	s10 =	sld [smem:$0x3FB5];
	_ =	sdelay $0x3  }
0x37: {  	[smem:$0x3FB5] =	sst s10  }
0x38: {  	s10 =	sld [smem:$0x3FB6]  }
0x39: {  	_ = 	snop;
	(pc) =	sbr.ind lr, $3  }
0x3a: {  	_ = 	snop  }
0x3b: {  	_ = 	snop  }
0x3c: {  	p2 =	seq.s32 s10, $0x1;
	s10 =	sld [smem:$0x3FB5]  }
0x3d: {  	_ =	shalt  }
0x3e: {  	_ =	shalt  }
0x3f: {  	_ =	shalt  }
0x40: {  	_ =	shalt  }
0x41: {  	_ =	shalt  }
0x42: {  	_ =	shalt  }
0x43: {  	_ =	shalt  }
0x44: {  	_ =	shalt  }
0x45: {  	_ =	shalt  }
0x46: {  	_ =	shalt  }
0x47: {  	_ =	shalt  }
0x48: {  	_ =	shalt  }
0x49: {  	_ =	shalt  }
0x4a: {  	_ =	shalt  }
0x4b: {  	_ =	shalt  }
0x4c: {  	_ =	shalt  }
0x4d: {  	_ =	shalt  }
0x4e: {  	_ =	shalt  }
0x4f: {  	_ =	shalt  }
0x50: {  	_ =	shalt  }
0x51: {  	_ =	shalt  }
0x52: {  	_ =	shalt  }
0x53: {  	_ =	shalt  }
0x54: {  	_ =	shalt  }
0x55: {  	_ =	shalt  }
0x56: {  	_ =	shalt  }
0x57: {  	_ =	shalt  }
0x58: {  	_ =	shalt  }
0x59: {  	_ =	shalt  }
0x5a: {  	_ =	shalt  }
0x5b: {  	_ =	shalt  }
0x5c: {  	_ =	shalt  }
0x5d: {  	_ =	shalt  }
0x5e: {  	_ =	shalt  }
0x5f: {  	_ =	shalt  }
0x60: {  	_ =	shalt  }
0x61: {  	_ =	shalt  }
0x62: {  	_ =	shalt  }
0x63: {  	_ =	shalt  }
0x64: {  	_ =	shalt  }
0x65: {  	_ =	shalt  }
0x66: {  	_ =	shalt  }
0x67: {  	_ =	shalt  }
0x68: {  	_ =	shalt  }
0x69: {  	_ =	shalt  }
0x6a: {  	_ =	shalt  }
0x6b: {  	_ =	shalt  }
0x6c: {  	_ =	shalt  }
0x6d: {  	_ =	shalt  }
0x6e: {  	_ =	shalt  }
0x6f: {  	_ =	shalt  }
0x70: {  	_ =	shalt  }
0x71: {  	_ =	shalt  }
0x72: {  	_ =	shalt  }
0x73: {  	_ =	shalt  }
0x74: {  	_ =	shalt  }
0x75: {  	_ =	shalt  }
0x76: {  	_ =	shalt  }
0x77: {  	_ =	shalt  }
0x78: {  	_ =	shalt  }
0x79: {  	_ =	shalt  }
0x7a: {  	_ =	shalt  }
0x7b: {  	_ =	shalt  }
0x7c: {  	_ =	shalt  }
0x7d: {  	_ =	shalt  }
0x7e: {  	_ =	shalt  }
0x7f: {  	_ =	shalt  }
0x80: {  	_ =	shalt  }
0x81: {  	_ =	shalt  }
0x82: {  	_ =	shalt  }
0x83: {  	_ =	shalt  }
0x84: {  	_ =	shalt  }
0x85: {  	_ =	shalt  }
0x86: {  	_ =	shalt  }
0x87: {  	_ =	shalt  }
.Lfunc_end0:
.L_simem_size_0:
called_computation.2_lowered:
.L_overlay_start_0:
0x88: {  	s2 =	sld [smem:$0x3FD9]  }
0x89: {  	s3 =	sld [smem:$0x3FFE];
	_ =	sdelay $0x1  }
0x8a: {  	s1 =	srdreg.scid  }
0x8b: {  	s0 =	sand.u32 $0x1, s1  }
0x8c: {  	s17 =	sshll.u32 s0, $0xA;
	s2 =	sadd.s32 s3, s2  }
0x8d: {  	s2 =	sadd.s32 s2, s17  }
0x8e: {  	[smem:$0x3FC1] =	sst s2  }
0x8f: {  	_ = 	snop  }
0x90: {  	s2 =	sld [smem:$0x3FD0];
	(tm) =	ssettm $0x1  }
0x91: {  	s18 =	sld [smem:$0x3FFB];
	_ =	sdelay $0x3  }
0x92: {  	_ =	strace s18  }
0x93: {  	s3 =	sld [smem:$0x3FFC];
	_ =	sdelay $0x3  }
0x94: {  	_ =	strace s3  }
0x95: {  	s3 =	sld [smem:$0x3FFD];
	_ =	sdelay $0x3  }
0x96: {  	_ =	strace s3  }
0x97: {  	_ =	strace $0x8FFFFFFF  }
0x98: {  	s19 =	sld [smem:$0x3FDB];
	_ =	sdelay $0x1  }
0x99: {  	s4 =	simm.s32 $_scs_section_size  }
0x9a: {  	s5 =	simm.s32 $_size__tile_overlayer_lowered;
	s6 =	simm.s32 $_tile_overlayer_lowered  }
0x9b: {  	s22 =	simm.s32 $0x1BFF;
	s21 =	sshll.u32 s6, $0x1;
	s3 =	sadd.s32 s4, s19  }
0x9c: {  	s7 =	simm.s32 $0x0;
	s20 =	sshll.u32 s5, $0x1;
	s5 =	sadd.s32 s21, s3  }
0x9d: {  	[timem:s7], [sflag:s22] =	dma.local [hbm:s5], s20  }
0x9e: {  	_ =	swait.ge [sflag:s22], s20  }
0x9f: {  	s4 =	ssub.s32 $0x0, s20;
	[sflag:s22] =	ssyncset.done $0x0  }
0xa0: {  	[sflag:s22] =	ssyncadd.s32 s4;
	_ =	sdelay $0x1  }
0xa1: {  	s23 =	simm.s32 $0x1B8B  }
0xa2: {  	_ =	swait.ge [sflag:s23], $0x1  }
0xa3: {  	[sflag:s23] =	ssyncset.done $0x0  }
0xa4: {  	s25 =	simm.s32 $0x1B8E;
	s24 =	sld [smem:$0x3FFE];
	[sflag:s23] =	ssyncadd.s32 $0xFFFFFFFF  }
0xa5: {  	s26 =	simm.s32 $execute0_lowered;
	[smem:$0x3FD2] =	sst s25  }
0xa6: {  	s5 =	sshll.u32 s26, $0x1;
	_ =	strace $0x8000004C;
	[dreg:$0x1] =	wrdreg $0xFFFFFFFF  }
0xa7: {  	s28 =	simm.s32 $_size_execute0_lowered;
	s3 =	sadd.s32 s3, s5;
	[dreg:$0x0] =	wrdreg $0x0  }
0xa8: {  	s5 =	sshll.u32 s28, $0x1;
	[dreg:$0x2] =	wrdreg s3  }
0xa9: {  	[dreg:$0x3] =	wrdreg s5  }
0xaa: {  	[dreg:$0x4] =	wrdreg $0xC0  }
0xab: {  	_ =	task [dreg:s7], $0x5FFFF  }
0xac: {  	[dreg:$0x1] =	wrdreg $0xFFFFFFFF  }
0xad: {  	[dreg:$0x0] =	wrdreg $0x60  }
0xae: {  	[dreg:$0x2] =	wrdreg s24  }
0xaf: {  	[dreg:$0x3] =	wrdreg s2  }
0xb0: {  	[dreg:$0x4] =	wrdreg $0x0  }
0xb1: {  	[dreg:$0x5] =	wrdreg $0x9  }
0xb2: {  	_ =	task.clear_ibuf [dreg:s7], $0x6FFFF;
	_ =	strace $0x9000004C  }
0xb3: {  	s29 =	simm.s32 $0x9;
	_ =	strace $0x8000004E  }
0xb4: {  	_ =	swait.ge [sflag:s29], $0x1  }
0xb5: {  	[sflag:s29] =	ssyncadd.s32 $0xFFFFFFFF  }
0xb6: {  	_ =	strace $0x9000004E  }
0xb7: {  	_ =	sfence  }
0xb8: {  	s30 =	sld [smem:$0x0];
	_ =	sdelay $0x2  }
0xb9: {  	s31 =	sshll.u32 s1, $0xD;
	s1 =	sshrl.u32 s1, $0x2  }
0xba: {  	s3 =	sand.u32 $0x4000, s31;
	s1 =	sadd.s32 s1, s30  }
0xbb: {  	s0 =	sor.u32 s3, s0;
	s1 =	sshll.u32 s1, $0x11  }
0xbc: {  	s0 =	sor.u32 s1, s0  }
0xbd: {  	s0 =	sadd.s32 $0x8F2B, s0  }
0xbe: {  	[sflag:s0] =	ssyncadd.remote.s32 $0x1  }
0xbf: {  	_ =	sfence.sel $0xFFFF  }
0xc0: {  	[dreg:$0x0] =	wrdreg $0xFFFFFFFF;
	(pc) =	sbr.abs _section_cstart, $3  }
0xc1: {  	[dreg:$0x1] =	wrdreg $0xFFFFFFFF  }
0xc2: {  	_ =	task.clear_ibuf [dreg:s7], $0x2FFFF;
	_ =	strace $0x9FFFFFFF  }
0xc3: {  	(tm) =	ssettm $0x7FFFFFFF  }
tec
execute0_lowered:
.L_overlay_start_1:
0x0: {  	(tag) =	ssettag $0x1  }
0x1: {  	s8 =	rddreg [dreg:$0x0]  }
0x2: {  	s1 =	rddreg [dreg:$0x1]  }
0x3: {  	s2 =	rddreg [dreg:$0x2]  }
0x4: {  	s0 =	rddreg [dreg:$0x3];
	s3 =	simm.s32 $0x0;
	s4 =	srdreg.scid  }
0x5: {  	s15 =	simm.s32 $0x15400;
	s16 =	simm.s32 $0x16800;
	s17 =	simm.s32 $0x7D  }
0x6: {  	s18 =	simm.s32 $0x17C00;
	s19 =	simm.s32 $0x1;
	s20 =	simm.s32 $0x1BC00  }
0x7: {  	s21 =	simm.s32 $0x2;
	[smem:$0x7FF] =	sst s3;
	s7 =	sand.u32 $0x1, s4  }
0x8: {  	s5 =	sadd.s32 $0x59600, s8;
	s4 =	stileid.u32;
	s6 =	sadd.s32 $0x1E00, s8  }
0x9: {  	_ =	strace $0x8000004D;
	s9 =	smul.u32 $0x28000, s7;
	s10 =	ssub.s32 $0x2, s7  }
0xa: {  	s11 =	smul.u32 $0x50000, s4;
	s7 =	sadd.s32 $0x6E00, s8;
	s31 =	sshll.u32 s4, $0x6  }
0xb: {  	s23 =	smul.u32 $0x2800, s4;
	s29 =	sshrl.u32 s10, $0x1;
	s12 =	sadd.s32 s9, s8  }
0xc: {  	s13 =	ssub.s32 s10, s29;
	s30 =	sshrl.u32 s11, $0x2;
	s8 =	sor.u32 $0x1C03, s31  }
0xd: {  	s9 =	smul.u32 $0x50, s4;
	s14 =	sadd.s32 s30, s2;
	s10 =	sadd.s32 $0x9600, s12  }
0xe: {  	s22 =	sadd.s32 $0x5E600, s12;
	s11 =	smax.u32 s13, $0x1;
	s13 =	simm.s32 $0x3  }
0xf: {  	s12 =	sshrl.u32 s14, $0x3;
	s14 =	simm.s32 $0x14000;
	s22 =	sadd.s32 s23, s22  }
.LBB2_1:
0x10: {  	[spmem:s12], [sflag:s8] =	dma.local [hbm:s7], $0x2800  }
0x11: {  	_ =	swait.ge [sflag:s13], $0x2800  }
0x12: {  	[sflag:s13] =	ssyncset.done $0x0  }
0x13: {  	[sflag:s13] =	ssyncadd.s32 $0xFFFFD800  }
0x14: {  	p1 =	por $0x1, $0x1;
	s23 =	simm.s32 $0x0;
	[bflag:$0x0] =	sbarrier.arrive $0xFFFF  }
.LBB2_2:
0x15: {  	s23 =	sadd.s32 s9, s23  }
0x16: {  	s24 =	sshll.u32 s23, $0x4  }
0x17: {  	s23 =	simm.s32 $0x0;
	s25 =	sadd.s32 s5, s24  }
0x18: {  	[tilespmem:s14], [sflag:$0x3] =	stream.linear.gather [hbm4b:s25+s23], $0x1400, $0x38;
	[tilespmem:$0x1FC00] =	vst v63  }
0x19: {  	_ =	swait.ge [sflag:s13], $0x1400  }
0x1a: {  	[sflag:s13] =	ssyncset.done $0x0  }
0x1b: {  	s31 =	sadd.s32 s1, s24;
	[sflag:s13] =	ssyncadd.s32 $0xFFFFEC00  }
0x1c: {  	[tilespmem:s15], [sflag:$0x3] =	stream.linear.gather [hbm4b:s31+s23], $0x1400, $0x38;
	[tilespmem:$0x1FC00] =	vst v63  }
0x1d: {  	_ =	swait.ge [sflag:s13], $0x1400  }
0x1e: {  	[sflag:s13] =	ssyncset.done $0x0  }
0x1f: {  	s24 =	sadd.s32 s6, s24;
	[sflag:s13] =	ssyncadd.s32 $0xFFFFEC00  }
0x20: {  	[tilespmem:s16], [sflag:$0x3] =	stream.linear.gather [hbm4b:s24+s23], $0x1400, $0x38;
	[tilespmem:$0x1FC00] =	vst v63  }
0x21: {  	_ =	swait.ge [sflag:s13], $0x1400  }
0x22: {  	[sflag:s13] =	ssyncset.done $0x0  }
0x23: {  	p0 =	por p1, p1;
	s24 =	simm.s32 $0x0;
	[sflag:s13] =	ssyncadd.s32 $0xFFFFEC00  }
0x24: {  	[tilespmem:s18], [sflag:$0x1] =	stream.indirect.gather [hbm4b:s10+s17], $0x80, s14, s17, $0xb8;
	[tilespmem:$0x1FC00] =	vst v63  }
.LBB2_3:
0x25: {  	s26 =	simm.s32 $0x1  }
0x26: {  	v2 =	vmov s26;
	s26 =	simm.s32 $0x7  }
0x27: {  	v3 =	vmov s26;
	s26 =	sshllo.u32 s24, $0x1  }
0x28: {  	s25 =	sshll.u32 s24, $0x8;
	_ =	swait.ge [sflag:s19], $0x3E80;
	s31 =	sshll.u32 s26, $0x9  }
0x29: {  	v0 =	vmov s25;
	[sflag:s19] =	ssyncset.done $0x0;
	s25 =	sshrl.u32 s31, $0x2  }
0x2a: {  	[sflag:s19] =	ssyncadd.s32 $0xFFFFC180;
	s28 =	sadd.s32 $0x14000, s25  }
0x2b: {  	[tilespmem:s20], [sflag:$0x2] =	stream.indirect.gather [hbm4b:s10+s17], $0x80, s28, s17, $0xb8;
	[tilespmem:$0x1FC00] =	vst v63  }
0x2c: {  	v1 =	vmov s23;
	s28 =	simm.s32 $0x17E00  }
0x2d: {  	v1 =	vand.u32 $0x78, v1;
	v5 =	vld [tilespmem:s28+$0xFFFFFE10]  }
0x2e: {  	v1 =	vor.u32 v0, v1;
	v3 =	vand.u32 $0x7F, v3;
	v6 =	vld [tilespmem:s28+$0xFFFFFE20]  }
0x2f: {  	v1 =	vbroadcast v1, $0x0;
	v3 =	vor.u32 v0, v3;
	v7 =	vld [tilespmem:s28+$0xFFFFFE30]  }
0x30: {  	v3 =	vbroadcast v3, $0x0;
	v8 =	vld [tilespmem:s28+$0xFFFFFE40]  }
0x31: {  	v9 =	vld [tilespmem:s28+$0xFFFFFE50]  }
0x32: {  	v10 =	vld [tilespmem:s28+$0xFFFFFE60]  }
0x33: {  	v2 =	vand.u32 $0x79, v2;
	v12 =	vld [tilespmem:s28+$0x1F0]  }
0x34: {  	v2 =	vor.u32 v0, v2;
	v13 =	vld [tilespmem:s28+$0xFFFFFE80]  }
0x35: {  	v2 =	vbroadcast v2, $0x0;
	v4 =	vld.idx.msk [tilespmem:v1+s16+$0x0], $0xffff  }
0x36: {  	v1 =	vld.idx.msk [tilespmem:v3+s16+$0x0], $0xffff  }
0x37: {  	v3 =	vld [tilespmem:s28+$0xFFFFFE00]  }
0x38: {  	v14 =	vld [tilespmem:s28+$0xFFFFFE90]  }
0x39: {  	v15 =	vld [tilespmem:s28+$0xFFFFFEA0]  }
0x3a: {  	v16 =	vld [tilespmem:s28+$0xFFFFFEB0];
	v5 =	vmul.f32 v5, v4  }
0x3b: {  	v2 =	vld.idx.msk [tilespmem:v2+s16+$0x0], $0xffff;
	v6 =	vmul.f32 v6, v4  }
0x3c: {  	s29 =	simm.s32 $0x2;
	v17 =	vld [tilespmem:s28+$0xFFFFFEC0];
	v3 =	vmul.f32 v3, v4;
	[tilespmem:s28+$0xFFFFFE10] =	vst v5  }
0x3d: {  	v11 =	vmov s29;
	v7 =	vmul.f32 v7, v4;
	v5 =	vld [tilespmem:s28+$0xFFFFFEE0];
	[tilespmem:s28+$0xFFFFFE20] =	vst v6  }
0x3e: {  	v12 =	vmul.f32 v12, v1;
	v6 =	vmul.f32 v8, v4;
	v8 =	vld [tilespmem:s28+$0xFFFFFEF0];
	[tilespmem:s28+$0xFFFFFE00] =	vst v3;
	v3 =	vand.u32 $0x7A, v11  }
0x3f: {  	[tilespmem:s28+$0xFFFFFE30] =	vst v7;
	v7 =	vmul.f32 v9, v4;
	v11 =	vld [tilespmem:s28+$0xFFFFFE70];
	v3 =	vor.u32 v0, v3  }
0x40: {  	v9 =	vld [tilespmem:s28+$0xFFFFFF00];
	[tilespmem:s28+$0x1F0] =	vst v12;
	v12 =	vmul.f32 v13, v2;
	v3 =	vbroadcast v3, $0x0  }
0x41: {  	s29 =	simm.s32 $0x3;
	v13 =	vld [tilespmem:s28+$0xFFFFFED0];
	[tilespmem:s28+$0xFFFFFE40] =	vst v6  }
0x42: {  	v6 =	vmul.f32 v10, v4;
	v10 =	vld [tilespmem:s28+$0xFFFFFF10];
	[tilespmem:s28+$0xFFFFFE80] =	vst v12;
	v12 =	vmov s29  }
0x43: {  	v17 =	vmul.f32 v17, v2;
	[tilespmem:s28+$0xFFFFFE50] =	vst v7;
	v7 =	vld [tilespmem:s28+$0xFFFFFF20];
	v12 =	vand.u32 $0x7B, v12  }
0x44: {  	[tilespmem:s28+$0xFFFFFE60] =	vst v6;
	v6 =	vmul.f32 v14, v2;
	v14 =	vld [tilespmem:s28+$0xFFFFFF40];
	v12 =	vor.u32 v0, v12;
	v4 =	vmul.f32 v11, v4  }
0x45: {  	v5 =	vmul.f32 v5, v2;
	v12 =	vbroadcast v12, $0x0;
	v11 =	vld [tilespmem:s28+$0xFFFFFF30]  }
0x46: {  	v13 =	vmul.f32 v13, v2;
	[tilespmem:s28+$0xFFFFFE70] =	vst v4;
	v4 =	vmul.f32 v15, v2;
	v3 =	vld.idx.msk [tilespmem:v3+s16+$0x0], $0xffff  }
0x47: {  	[tilespmem:s28+$0xFFFFFE90] =	vst v6;
	v15 =	vmul.f32 v16, v2;
	v2 =	vmul.f32 v8, v2;
	v8 =	vld [tilespmem:s28+$0xFFFFFF90]  }
0x48: {  	[tilespmem:s28+$0xFFFFFED0] =	vst v13;
	v13 =	vld [tilespmem:s28+$0xFFFFFFD0]  }
0x49: {  	[tilespmem:s28+$0xFFFFFEA0] =	vst v4;
	v4 =	vld [tilespmem:s28+$0xFFFFFF60]  }
0x4a: {  	[tilespmem:s28+$0xFFFFFEB0] =	vst v15;
	v15 =	vld [tilespmem:s28+$0xFFFFFF70]  }
0x4b: {  	[tilespmem:s28+$0xFFFFFEE0] =	vst v5;
	v12 =	vld.idx.msk [tilespmem:v12+s16+$0x0], $0xffff;
	v6 =	vmul.f32 v9, v3  }
0x4c: {  	s29 =	simm.s32 $0x4;
	[tilespmem:s28+$0xFFFFFEF0] =	vst v2;
	v9 =	vld [tilespmem:s28+$0xFFFFFF50];
	v5 =	vmul.f32 v10, v3  }
0x4d: {  	v16 =	vmov s29;
	v10 =	vld [tilespmem:s28+$0xFFFFFFA0];
	v2 =	vmul.f32 v7, v3;
	[tilespmem:s28+$0xFFFFFF00] =	vst v6  }
0x4e: {  	v14 =	vmul.f32 v14, v3;
	v6 =	vand.u32 $0x7C, v16;
	v16 =	vld [tilespmem:s28+$0xFFFFFF80];
	[tilespmem:s28+$0xFFFFFF10] =	vst v5  }
0x4f: {  	v7 =	vld [tilespmem:s28+$0xFFFFFFB0];
	v4 =	vmul.f32 v4, v3;
	[tilespmem:s28+$0xFFFFFF20] =	vst v2;
	v6 =	vor.u32 v0, v6  }
0x50: {  	v5 =	vmul.f32 v11, v3;
	v11 =	vld [tilespmem:s28+$0xFFFFFFC0];
	[tilespmem:s28+$0xFFFFFF40] =	vst v14;
	v6 =	vbroadcast v6, $0x0  }
0x51: {  	v14 =	vld [tilespmem:s28+$0xFFFFFFF0];
	[tilespmem:s28+$0xFFFFFF60] =	vst v4;
	v4 =	vmul.f32 v8, v12  }
0x52: {  	v8 =	vld [tilespmem:s28+$0x10];
	[tilespmem:s28+$0xFFFFFF30] =	vst v5;
	v9 =	vmul.f32 v9, v3  }
0x53: {  	s29 =	simm.s32 $0x5;
	v5 =	vld [tilespmem:s28+$0xFFFFFFE0];
	[tilespmem:s28+$0xFFFFFF90] =	vst v4;
	v2 =	vmul.f32 v16, v12  }
0x54: {  	v3 =	vmul.f32 v15, v3;
	v4 =	vmul.f32 v7, v12;
	v7 =	vld [tilespmem:s28+$0x30];
	v16 =	vmov s29;
	[tilespmem:s28+$0xFFFFFF50] =	vst v9  }
0x55: {  	v13 =	vmul.f32 v13, v12;
	v9 =	vld [tilespmem:s28+$0x0];
	[tilespmem:s28+$0xFFFFFF80] =	vst v2;
	v2 =	vand.u32 $0x7D, v16  }
0x56: {  	[tilespmem:s28+$0xFFFFFF70] =	vst v3;
	v3 =	vmul.f32 v10, v12;
	v6 =	vld.idx.msk [tilespmem:v6+s16+$0x0], $0xffff;
	v2 =	vor.u32 v0, v2  }
0x57: {  	[tilespmem:s28+$0xFFFFFFD0] =	vst v13;
	v13 =	vld [tilespmem:s28+$0x70];
	v2 =	vbroadcast v2, $0x0  }
0x58: {  	v10 =	vld [tilespmem:s28+$0x20];
	[tilespmem:s28+$0xFFFFFFA0] =	vst v3;
	v3 =	vmul.f32 v11, v12  }
0x59: {  	[tilespmem:s28+$0xFFFFFFB0] =	vst v4;
	v11 =	vld [tilespmem:s28+$0x40];
	v5 =	vmul.f32 v5, v12;
	v12 =	vmul.f32 v14, v12  }
0x5a: {  	[tilespmem:s28+$0xFFFFFFC0] =	vst v3;
	v3 =	vld [tilespmem:s28+$0x60]  }
0x5b: {  	s29 =	simm.s32 $0x6;
	[tilespmem:s28+$0xFFFFFFF0] =	vst v12;
	v12 =	vld [tilespmem:s28+$0x90];
	v4 =	vmul.f32 v9, v6  }
0x5c: {  	v15 =	vmov s29;
	[tilespmem:s28+$0xFFFFFFE0] =	vst v5;
	v9 =	vld [tilespmem:s28+$0x50];
	v5 =	vmul.f32 v8, v6  }
0x5d: {  	v10 =	vmul.f32 v10, v6;
	v2 =	vld.idx.msk [tilespmem:v2+s16+$0x0], $0xffff;
	[tilespmem:s28+$0x0] =	vst v4;
	v4 =	vand.u32 $0x7E, v15  }
0x5e: {  	v8 =	vld [tilespmem:s28+$0x80];
	[tilespmem:s28+$0x10] =	vst v5;
	v5 =	vmul.f32 v7, v6;
	v4 =	vor.u32 v0, v4  }
0x5f: {  	[tilespmem:s28+$0x20] =	vst v10;
	v10 =	vmul.f32 v11, v6;
	v11 =	vld [tilespmem:s28+$0xB0];
	v4 =	vbroadcast v4, $0x0  }
0x60: {  	v3 =	vmul.f32 v3, v6;
	v7 =	vld [tilespmem:s28+$0xA0];
	[tilespmem:s28+$0x30] =	vst v5  }
0x61: {  	[tilespmem:s28+$0x40] =	vst v10;
	v10 =	vld [tilespmem:s28+$0xD0];
	v5 =	vmul.f32 v9, v6  }
0x62: {  	[tilespmem:s28+$0x60] =	vst v3;
	v9 =	vld [tilespmem:s28+$0xC0];
	v3 =	vmul.f32 v12, v2  }
0x63: {  	[tilespmem:s28+$0x50] =	vst v5;
	v5 =	vld [tilespmem:s28+$0xE0]  }
0x64: {  	[tilespmem:s28+$0x90] =	vst v3;
	v3 =	vmul.f32 v11, v2;
	v11 =	vld [tilespmem:s28+$0x110]  }
0x65: {  	v16 =	vld.idx.msk [tilespmem:v4+s16+$0x0], $0xffff  }
0x66: {  	[tilespmem:s28+$0xFFFFFEC0] =	vst v17;
	v4 =	vmul.f32 v13, v6;
	v6 =	vld [tilespmem:s28+$0xF0]  }
0x67: {  	s30 =	simm.s32 $0xB;
	v8 =	vmul.f32 v8, v2;
	[tilespmem:s28+$0xB0] =	vst v3;
	v3 =	vmul.f32 v10, v2;
	v10 =	vld [tilespmem:s28+$0x130]  }
0x68: {  	s29 =	simm.s32 $0x8;
	v14 =	vmov s30;
	s30 =	simm.s32 $0xD;
	[tilespmem:s28+$0x70] =	vst v4;
	v4 =	vmul.f32 v7, v2;
	v7 =	vld [tilespmem:s28+$0x100]  }
0x69: {  	v17 =	vmov s30;
	[tilespmem:s28+$0x80] =	vst v8;
	v8 =	vmov s29;
	s29 =	simm.s32 $0x9  }
0x6a: {  	v8 =	vand.u32 $0x78, v8;
	v12 =	vmov s29;
	s29 =	simm.s32 $0xA;
	[tilespmem:s28+$0xA0] =	vst v4;
	v4 =	vmul.f32 v9, v2;
	v9 =	vld [tilespmem:s28+$0x120]  }
0x6b: {  	v13 =	vmov s29;
	s29 =	simm.s32 $0xC;
	v8 =	vor.u32 v0, v8;
	[tilespmem:s28+$0xD0] =	vst v3;
	v11 =	vmul.f32 v11, v16  }
0x6c: {  	v15 =	vmov s29;
	s29 =	simm.s32 $0xE;
	[tilespmem:s28+$0xC0] =	vst v4;
	v4 =	vmul.f32 v5, v2;
	v5 =	vld [tilespmem:s28+$0x140];
	v2 =	vmul.f32 v6, v2  }
0x6d: {  	v18 =	vld [tilespmem:s28+$0x150];
	v6 =	vmov s29;
	v10 =	vmul.f32 v10, v16;
	v3 =	vmul.f32 v7, v16;
	[tilespmem:s28+$0x110] =	vst v11  }
0x6e: {  	v19 =	vld [tilespmem:s28+$0x160];
	v7 =	vand.u32 $0x79, v12;
	v12 =	vand.u32 $0x7A, v13;
	v13 =	vand.u32 $0x7C, v15;
	[tilespmem:s28+$0xE0] =	vst v4  }
0x6f: {  	v15 =	vand.u32 $0x7E, v6;
	[tilespmem:s28+$0xF0] =	vst v2;
	v2 =	vand.u32 $0x7D, v17;
	v17 =	vld [tilespmem:s28+$0x170];
	v9 =	vmul.f32 v9, v16  }
0x70: {  	v6 =	vld [tilespmem:s28+$0x180];
	v4 =	vand.u32 $0x7B, v14;
	v11 =	vor.u32 v0, v12;
	v13 =	vor.u32 v0, v13;
	[tilespmem:s28+$0x100] =	vst v3  }
0x71: {  	v3 =	vbroadcast v8, $0x0;
	v8 =	vor.u32 v0, v7;
	v7 =	vld [tilespmem:s28+$0x190];
	[tilespmem:s28+$0x120] =	vst v9;
	v9 =	vmul.f32 v5, v16  }
0x72: {  	[tilespmem:s28+$0x130] =	vst v10;
	v10 =	vmul.f32 v18, v16;
	v20 =	vor.u32 v0, v4;
	v4 =	vbroadcast v8, $0x0;
	v8 =	vld [tilespmem:s28+$0x1A0]  }
0x73: {  	v12 =	vmul.f32 v19, v16;
	v15 =	vor.u32 v0, v15;
	v5 =	vbroadcast v11, $0x0;
	[tilespmem:s28+$0x140] =	vst v9;
	v9 =	vld [tilespmem:s28+$0x1B0]  }
0x74: {  	s30 =	simm.s32 $0xF;
	s29 =	simm.s32 $0x10;
	v14 =	vor.u32 v0, v2;
	[tilespmem:s28+$0x150] =	vst v10;
	v10 =	vld [tilespmem:s28+$0x1C0];
	v11 =	vbroadcast v20, $0x0;
	v2 =	vmul.f32 v17, v16  }
.LBB2_4:
0x75: {  	p1 =	slt.u32 s29, $0x70;
	v13 =	vbroadcast v13, $0x0;
	v16 =	vmov s30;
	[tilespmem:s28+$0x160] =	vst v12;
	v6 =	vmul.f32 v6, v1;
	v12 =	vld [tilespmem:s28+$0x1D0]  }
0x76: {  	v14 =	vbroadcast v14, $0x0;
	v16 =	vand.u32 $0x7F, v16;
	[tilespmem:s28+$0x170] =	vst v2;
	v2 =	vmul.f32 v7, v1;
	v7 =	vld [tilespmem:s28+$0x1E0]  }
0x77: {  	v15 =	vbroadcast v15, $0x0;
	v17 =	vld.idx.msk [tilespmem:v3+s16+$0x0], $0xffff;
	v3 =	vor.u32 v0, v16;
	[tilespmem:s28+$0x180] =	vst v6;
	v6 =	vmul.f32 v8, v1  }
0x78: {  	v8 =	vld.idx.msk [tilespmem:v4+s16+$0x0], $0xffff;
	v16 =	vbroadcast v3, $0x0;
	[tilespmem:s28+$0x190] =	vst v2;
	v2 =	vmul.f32 v9, v1  }
0x79: {  	v9 =	vld.idx.msk [tilespmem:v5+s16+$0x0], $0xffff;
	[tilespmem:s28+$0x1A0] =	vst v6;
	v3 =	vmul.f32 v10, v1  }
0x7a: {  	v5 =	vld.idx.msk [tilespmem:v11+s16+$0x0], $0xffff;
	[tilespmem:s28+$0x1B0] =	vst v2;
	v2 =	vmul.f32 v12, v1  }
0x7b: {  	v4 =	vld.idx.msk [tilespmem:v13+s16+$0x0], $0xffff;
	[tilespmem:s28+$0x1C0] =	vst v3;
	v1 =	vmul.f32 v7, v1  }
0x7c: {  	v3 =	vld.idx.msk [tilespmem:v14+s16+$0x0], $0xffff;
	[tilespmem:s28+$0x1D0] =	vst v2  }
0x7d: {  	v2 =	vld.idx.msk [tilespmem:v15+s16+$0x0], $0xffff;
	[tilespmem:s28+$0x1E0] =	vst v1  }
0x7e: {  	s28 =	sadd.s32 $0x400, s28;
	v1 =	vld.idx.msk [tilespmem:v16+s16+$0x0], $0xffff  }
0x7f: {  	v6 =	vld [tilespmem:s28+$0x1F0]  }
0x80: {  	v7 =	vld [tilespmem:s28+$0xFFFFFE00]  }
0x81: {  	v10 =	vld [tilespmem:s28+$0xFFFFFE10]  }
0x82: {  	v11 =	vld [tilespmem:s28+$0xFFFFFE20]  }
0x83: {  	v12 =	vld [tilespmem:s28+$0xFFFFFE30]  }
0x84: {  	v13 =	vld [tilespmem:s28+$0xFFFFFE40];
	v6 =	vmul.f32 v6, v1  }
0x85: {  	v7 =	vmul.f32 v7, v17;
	v14 =	vld [tilespmem:s28+$0xFFFFFE50]  }
0x86: {  	v10 =	vmul.f32 v10, v17;
	v15 =	vld [tilespmem:s28+$0xFFFFFE60];
	[tilespmem:s28+$0x1F0] =	vst v6  }
0x87: {  	[tilespmem:s28+$0xFFFFFE00] =	vst v7;
	v6 =	vmul.f32 v11, v17;
	v7 =	vld [tilespmem:s28+$0xFFFFFE70]  }
0x88: {  	[tilespmem:s28+$0xFFFFFE10] =	vst v10;
	v10 =	vmul.f32 v12, v17;
	v11 =	vld [tilespmem:s28+$0xFFFFFE80]  }
0x89: {  	[tilespmem:s28+$0xFFFFFE20] =	vst v6;
	v6 =	vmul.f32 v13, v17;
	v12 =	vld [tilespmem:s28+$0xFFFFFE90]  }
0x8a: {  	[tilespmem:s28+$0xFFFFFE30] =	vst v10;
	v10 =	vmul.f32 v14, v17;
	v13 =	vld [tilespmem:s28+$0xFFFFFEA0]  }
0x8b: {  	[tilespmem:s28+$0xFFFFFE40] =	vst v6;
	v6 =	vmul.f32 v15, v17;
	v14 =	vld [tilespmem:s28+$0xFFFFFEB0]  }
0x8c: {  	[tilespmem:s28+$0xFFFFFE50] =	vst v10;
	v7 =	vmul.f32 v7, v17;
	v10 =	vld [tilespmem:s28+$0xFFFFFEC0]  }
0x8d: {  	[tilespmem:s28+$0xFFFFFE60] =	vst v6;
	v6 =	vmul.f32 v11, v8;
	v11 =	vld [tilespmem:s28+$0xFFFFFED0]  }
0x8e: {  	[tilespmem:s28+$0xFFFFFE70] =	vst v7;
	v7 =	vmul.f32 v12, v8;
	v12 =	vld [tilespmem:s28+$0xFFFFFEE0]  }
0x8f: {  	[tilespmem:s28+$0xFFFFFE80] =	vst v6;
	v6 =	vmul.f32 v13, v8;
	v13 =	vld [tilespmem:s28+$0xFFFFFEF0]  }
0x90: {  	[tilespmem:s28+$0xFFFFFE90] =	vst v7;
	v7 =	vmul.f32 v14, v8;
	v14 =	vld [tilespmem:s28+$0xFFFFFF00]  }
0x91: {  	[tilespmem:s28+$0xFFFFFEA0] =	vst v6;
	v6 =	vmul.f32 v10, v8;
	v10 =	vld [tilespmem:s28+$0xFFFFFF10]  }
0x92: {  	[tilespmem:s28+$0xFFFFFEB0] =	vst v7;
	v7 =	vmul.f32 v11, v8;
	v11 =	vld [tilespmem:s28+$0xFFFFFF20]  }
0x93: {  	[tilespmem:s28+$0xFFFFFEC0] =	vst v6;
	v6 =	vmul.f32 v12, v8;
	v12 =	vld [tilespmem:s28+$0xFFFFFF30]  }
0x94: {  	[tilespmem:s28+$0xFFFFFED0] =	vst v7;
	v7 =	vmul.f32 v13, v8;
	v8 =	vld [tilespmem:s28+$0xFFFFFF40]  }
0x95: {  	[tilespmem:s28+$0xFFFFFEE0] =	vst v6;
	v6 =	vmul.f32 v14, v9;
	v13 =	vld [tilespmem:s28+$0xFFFFFF50]  }
0x96: {  	[tilespmem:s28+$0xFFFFFEF0] =	vst v7;
	v7 =	vmul.f32 v10, v9;
	v10 =	vld [tilespmem:s28+$0xFFFFFF60]  }
0x97: {  	[tilespmem:s28+$0xFFFFFF00] =	vst v6;
	v6 =	vmul.f32 v11, v9;
	v11 =	vld [tilespmem:s28+$0xFFFFFF70]  }
0x98: {  	[tilespmem:s28+$0xFFFFFF10] =	vst v7;
	v7 =	vmul.f32 v12, v9;
	v12 =	vld [tilespmem:s28+$0xFFFFFF80]  }
0x99: {  	[tilespmem:s28+$0xFFFFFF20] =	vst v6;
	v6 =	vmul.f32 v8, v9;
	v8 =	vld [tilespmem:s28+$0xFFFFFF90]  }
0x9a: {  	[tilespmem:s28+$0xFFFFFF30] =	vst v7;
	v7 =	vmul.f32 v13, v9;
	v13 =	vld [tilespmem:s28+$0xFFFFFFA0]  }
0x9b: {  	[tilespmem:s28+$0xFFFFFF40] =	vst v6;
	v6 =	vmul.f32 v10, v9;
	v10 =	vld [tilespmem:s28+$0xFFFFFFB0]  }
0x9c: {  	[tilespmem:s28+$0xFFFFFF50] =	vst v7;
	v7 =	vmul.f32 v11, v9;
	v9 =	vld [tilespmem:s28+$0xFFFFFFC0]  }
0x9d: {  	[tilespmem:s28+$0xFFFFFF60] =	vst v6;
	v6 =	vmul.f32 v12, v5;
	v11 =	vld [tilespmem:s28+$0xFFFFFFD0]  }
0x9e: {  	[tilespmem:s28+$0xFFFFFF70] =	vst v7;
	v7 =	vmul.f32 v8, v5;
	v8 =	vld [tilespmem:s28+$0xFFFFFFE0]  }
0x9f: {  	[tilespmem:s28+$0xFFFFFF80] =	vst v6;
	v6 =	vmul.f32 v13, v5;
	v12 =	vld [tilespmem:s28+$0xFFFFFFF0]  }
0xa0: {  	[tilespmem:s28+$0xFFFFFF90] =	vst v7;
	v7 =	vmul.f32 v10, v5;
	v10 =	vld [tilespmem:s28+$0x0]  }
0xa1: {  	[tilespmem:s28+$0xFFFFFFA0] =	vst v6;
	v6 =	vmul.f32 v9, v5;
	v9 =	vld [tilespmem:s28+$0x10]  }
0xa2: {  	[tilespmem:s28+$0xFFFFFFB0] =	vst v7;
	v7 =	vmul.f32 v11, v5;
	v11 =	vld [tilespmem:s28+$0x20]  }
0xa3: {  	[tilespmem:s28+$0xFFFFFFC0] =	vst v6;
	v6 =	vmul.f32 v8, v5;
	v8 =	vld [tilespmem:s28+$0x30]  }
0xa4: {  	[tilespmem:s28+$0xFFFFFFD0] =	vst v7;
	v5 =	vmul.f32 v12, v5;
	v7 =	vld [tilespmem:s28+$0x40]  }
0xa5: {  	[tilespmem:s28+$0xFFFFFFE0] =	vst v6;
	v6 =	vmul.f32 v10, v4;
	v10 =	vld [tilespmem:s28+$0x50]  }
0xa6: {  	[tilespmem:s28+$0xFFFFFFF0] =	vst v5;
	v5 =	vmul.f32 v9, v4;
	v9 =	vld [tilespmem:s28+$0x60]  }
0xa7: {  	[tilespmem:s28+$0x0] =	vst v6;
	v6 =	vmul.f32 v11, v4;
	v11 =	vld [tilespmem:s28+$0x70]  }
0xa8: {  	[tilespmem:s28+$0x10] =	vst v5;
	v5 =	vmul.f32 v8, v4;
	v8 =	vld [tilespmem:s28+$0x80]  }
0xa9: {  	[tilespmem:s28+$0x20] =	vst v6;
	v6 =	vmul.f32 v7, v4;
	v7 =	vld [tilespmem:s28+$0x90]  }
0xaa: {  	[tilespmem:s28+$0x30] =	vst v5;
	v5 =	vmul.f32 v10, v4;
	v10 =	vld [tilespmem:s28+$0xA0]  }
0xab: {  	[tilespmem:s28+$0x40] =	vst v6;
	v6 =	vmul.f32 v9, v4;
	v9 =	vld [tilespmem:s28+$0xB0]  }
0xac: {  	[tilespmem:s28+$0x50] =	vst v5;
	v4 =	vmul.f32 v11, v4;
	v5 =	vld [tilespmem:s28+$0xC0]  }
0xad: {  	[tilespmem:s28+$0x60] =	vst v6;
	v6 =	vmul.f32 v8, v3;
	v8 =	vld [tilespmem:s28+$0xD0]  }
0xae: {  	[tilespmem:s28+$0x70] =	vst v4;
	v4 =	vmul.f32 v7, v3;
	v7 =	vld [tilespmem:s28+$0xE0]  }
0xaf: {  	[tilespmem:s28+$0x80] =	vst v6;
	v6 =	vmul.f32 v10, v3;
	v10 =	vld [tilespmem:s28+$0xF0]  }
0xb0: {  	s30 =	sadd.s32 $0x1, s29;
	v11 =	vmov s29;
	[tilespmem:s28+$0x90] =	vst v4;
	v4 =	vmul.f32 v9, v3;
	v9 =	vld [tilespmem:s28+$0x100]  }
0xb1: {  	s31 =	sadd.s32 $0x3, s29;
	v12 =	vmov s30;
	s30 =	sadd.s32 $0x2, s29;
	v11 =	vand.u32 $0x78, v11;
	[tilespmem:s28+$0xA0] =	vst v6;
	v5 =	vmul.f32 v5, v3;
	v6 =	vld [tilespmem:s28+$0x110]  }
0xb2: {  	v14 =	vmov s31;
	s31 =	sadd.s32 $0x5, s29;
	v13 =	vmov s30;
	s30 =	sadd.s32 $0x4, s29;
	[tilespmem:s28+$0xB0] =	vst v4;
	v4 =	vmul.f32 v8, v3;
	v8 =	vld [tilespmem:s28+$0x120]  }
0xb3: {  	v16 =	vmov s31;
	v15 =	vmov s30;
	s30 =	sadd.s32 $0x6, s29;
	[tilespmem:s28+$0xC0] =	vst v5;
	v5 =	vmul.f32 v7, v3;
	v7 =	vld [tilespmem:s28+$0x130]  }
0xb4: {  	v17 =	vmov s30;
	v11 =	vor.u32 v0, v11;
	[tilespmem:s28+$0xD0] =	vst v4;
	v3 =	vmul.f32 v10, v3;
	v4 =	vld [tilespmem:s28+$0x140]  }
0xb5: {  	v10 =	vand.u32 $0x79, v12;
	v12 =	vand.u32 $0x7A, v13;
	[tilespmem:s28+$0xE0] =	vst v5;
	v5 =	vmul.f32 v9, v2;
	v9 =	vld [tilespmem:s28+$0x150]  }
0xb6: {  	v13 =	vand.u32 $0x7B, v14;
	v14 =	vand.u32 $0x7C, v15;
	[tilespmem:s28+$0xF0] =	vst v3;
	v6 =	vmul.f32 v6, v2;
	v15 =	vld [tilespmem:s28+$0x160]  }
0xb7: {  	v16 =	vand.u32 $0x7D, v16;
	v17 =	vand.u32 $0x7E, v17;
	[tilespmem:s28+$0x100] =	vst v5;
	v5 =	vmul.f32 v8, v2;
	v18 =	vld [tilespmem:s28+$0x170]  }
.Ltmp0:
0xb8: {  	v3 =	vbroadcast v11, $0x0;
	v8 =	vor.u32 v0, v10;
	[tilespmem:s28+$0x110] =	vst v6;
	v10 =	vmul.f32 v7, v2;
	v6 =	vld [tilespmem:s28+$0x180];
	(pc) =	sbr.rel @p1 .LBB2_4-.Ltmp0, $4  }
0xb9: {  	v19 =	vor.u32 v0, v13;
	v11 =	vor.u32 v0, v12;
	[tilespmem:s28+$0x120] =	vst v5;
	v12 =	vmul.f32 v4, v2;
	v7 =	vld [tilespmem:s28+$0x190]  }
0xba: {  	v13 =	vor.u32 v0, v14;
	v4 =	vbroadcast v8, $0x0;
	[tilespmem:s28+$0x130] =	vst v10;
	v10 =	vmul.f32 v9, v2;
	v8 =	vld [tilespmem:s28+$0x1A0]  }
0xbb: {  	v14 =	vor.u32 v0, v16;
	v5 =	vbroadcast v11, $0x0;
	[tilespmem:s28+$0x140] =	vst v12;
	v12 =	vmul.f32 v15, v2;
	v9 =	vld [tilespmem:s28+$0x1B0]  }
0xbc: {  	s30 =	sadd.s32 $0x7, s29;
	s29 =	sadd.s32 $0x8, s29;
	v11 =	vbroadcast v19, $0x0;
	v15 =	vor.u32 v0, v17;
	[tilespmem:s28+$0x150] =	vst v10;
	v2 =	vmul.f32 v18, v2;
	v10 =	vld [tilespmem:s28+$0x1C0]  }
0xbd: {  	_ =	sdelay $0x1  }
0xbe: {  	v17 =	vld [tilespmem:s28+$0x1D0]  }
0xbf: {  	v18 =	vld [tilespmem:s28+$0x1E0]  }
0xc0: {  	v19 =	vld.idx.msk [tilespmem:v3+s16+$0x0], $0xffff  }
0xc1: {  	v63 =	vld.idx.msk [tilespmem:v4+s16+$0x0], $0xffff  }
0xc2: {  	v20 =	vld.idx.msk [tilespmem:v5+s16+$0x0], $0xffff  }
0xc3: {  	s29 =	sadd.s32 $0x400, s28;
	v11 =	vld.idx.msk [tilespmem:v11+s16+$0x0], $0xffff  }
0xc4: {  	v23 =	vld [tilespmem:s29+$0x1F0]  }
0xc5: {  	v25 =	vld [tilespmem:s29+$0xFFFFFE00]  }
0xc6: {  	[tilespmem:s28+$0x160] =	vst v12;
	v6 =	vmul.f32 v6, v1;
	v27 =	vld [tilespmem:s29+$0xFFFFFE10]  }
0xc7: {  	[tilespmem:s28+$0x170] =	vst v2;
	v7 =	vmul.f32 v7, v1;
	v29 =	vld [tilespmem:s29+$0xFFFFFE20]  }
0xc8: {  	v30 =	vld [tilespmem:s29+$0xFFFFFE30];
	[tilespmem:s28+$0x180] =	vst v6;
	v22 =	vmul.f32 v8, v1  }
0xc9: {  	v31 =	vld [tilespmem:s29+$0xFFFFFE40];
	[tilespmem:s28+$0x190] =	vst v7;
	v24 =	vmul.f32 v9, v1  }
0xca: {  	v32 =	vld [tilespmem:s29+$0xFFFFFE50];
	[tilespmem:s28+$0x1A0] =	vst v22;
	v26 =	vmul.f32 v10, v1  }
0xcb: {  	v33 =	vld [tilespmem:s29+$0xFFFFFE60];
	[tilespmem:s28+$0x1B0] =	vst v24;
	v28 =	vmul.f32 v17, v1  }
0xcc: {  	v34 =	vld [tilespmem:s29+$0xFFFFFE70];
	v1 =	vmul.f32 v18, v1;
	[tilespmem:s28+$0x1C0] =	vst v26  }
0xcd: {  	v35 =	vld [tilespmem:s29+$0xFFFFFE80];
	v10 =	vmul.f32 v27, v19;
	[tilespmem:s28+$0x1D0] =	vst v28  }
0xce: {  	v36 =	vld [tilespmem:s29+$0xFFFFFE90];
	[tilespmem:s28+$0x1E0] =	vst v1;
	v1 =	vmul.f32 v25, v19  }
0xcf: {  	v38 =	vld [tilespmem:s29+$0xFFFFFEA0];
	v6 =	vmul.f32 v30, v19;
	[tilespmem:s29+$0xFFFFFE10] =	vst v10  }
0xd0: {  	v39 =	vld [tilespmem:s29+$0xFFFFFEB0];
	[tilespmem:s29+$0xFFFFFE00] =	vst v1;
	v1 =	vmul.f32 v29, v19  }
0xd1: {  	v41 =	vld [tilespmem:s29+$0xFFFFFEC0];
	v37 =	vmul.f32 v32, v19;
	[tilespmem:s29+$0xFFFFFE30] =	vst v6  }
0xd2: {  	v42 =	vld [tilespmem:s29+$0xFFFFFED0];
	[tilespmem:s29+$0xFFFFFE20] =	vst v1;
	v1 =	vmul.f32 v31, v19  }
0xd3: {  	v44 =	vld [tilespmem:s29+$0xFFFFFEE0];
	v40 =	vmul.f32 v34, v19;
	[tilespmem:s29+$0xFFFFFE50] =	vst v37  }
0xd4: {  	v45 =	vld [tilespmem:s29+$0xFFFFFEF0];
	[tilespmem:s29+$0xFFFFFE40] =	vst v1;
	v1 =	vmul.f32 v33, v19  }
0xd5: {  	v47 =	vld [tilespmem:s29+$0xFFFFFF00];
	v43 =	vmul.f32 v36, v63;
	[tilespmem:s29+$0xFFFFFE70] =	vst v40  }
0xd6: {  	v48 =	vld [tilespmem:s29+$0xFFFFFF10];
	[tilespmem:s29+$0xFFFFFE60] =	vst v1;
	v1 =	vmul.f32 v35, v63  }
0xd7: {  	v50 =	vld [tilespmem:s29+$0xFFFFFF20];
	v46 =	vmul.f32 v39, v63;
	[tilespmem:s29+$0xFFFFFE90] =	vst v43  }
0xd8: {  	v51 =	vld [tilespmem:s29+$0xFFFFFF30];
	[tilespmem:s29+$0xFFFFFE80] =	vst v1;
	v1 =	vmul.f32 v38, v63  }
0xd9: {  	v53 =	vld [tilespmem:s29+$0xFFFFFF40];
	v49 =	vmul.f32 v42, v63;
	[tilespmem:s29+$0xFFFFFEB0] =	vst v46  }
0xda: {  	v54 =	vld [tilespmem:s29+$0xFFFFFF50];
	[tilespmem:s29+$0xFFFFFEA0] =	vst v1;
	v1 =	vmul.f32 v41, v63  }
0xdb: {  	v56 =	vld [tilespmem:s29+$0xFFFFFF60];
	v52 =	vmul.f32 v45, v63;
	[tilespmem:s29+$0xFFFFFED0] =	vst v49  }
0xdc: {  	v13 =	vbroadcast v13, $0x0;
	v16 =	vmov s30;
	v57 =	vld [tilespmem:s29+$0xFFFFFF70];
	[tilespmem:s29+$0xFFFFFEC0] =	vst v1;
	v1 =	vmul.f32 v44, v63  }
0xdd: {  	v3 =	vbroadcast v15, $0x0;
	v16 =	vand.u32 $0x7F, v16;
	v59 =	vld [tilespmem:s29+$0xFFFFFF80];
	v55 =	vmul.f32 v48, v20;
	[tilespmem:s29+$0xFFFFFEF0] =	vst v52  }
0xde: {  	v60 =	vld [tilespmem:s29+$0xFFFFFF90];
	v62 =	vor.u32 v0, v16;
	[tilespmem:s29+$0xFFFFFEE0] =	vst v1;
	v1 =	vmul.f32 v47, v20  }
0xdf: {  	v16 =	vld [tilespmem:s29+$0xFFFFFFC0];
	v15 =	vbroadcast v62, $0x0;
	v58 =	vmul.f32 v51, v20;
	[tilespmem:s29+$0xFFFFFF10] =	vst v55  }
0xe0: {  	v62 =	vld [tilespmem:s29+$0xFFFFFFA0];
	[tilespmem:s29+$0xFFFFFF00] =	vst v1;
	v1 =	vmul.f32 v50, v20  }
0xe1: {  	v17 =	vld [tilespmem:s29+$0xFFFFFFD0];
	v61 =	vmul.f32 v54, v20;
	[tilespmem:s29+$0xFFFFFF30] =	vst v58  }
0xe2: {  	v5 =	vld.idx.msk [tilespmem:v13+s16+$0x0], $0xffff;
	[tilespmem:s29+$0xFFFFFF20] =	vst v1;
	v1 =	vmul.f32 v53, v20  }
0xe3: {  	v3 =	vld.idx.msk [tilespmem:v3+s16+$0x0], $0xffff;
	v18 =	vmul.f32 v60, v11;
	[tilespmem:s29+$0xFFFFFF50] =	vst v61  }
0xe4: {  	v51 =	vld [tilespmem:s29+$0x150];
	[tilespmem:s29+$0xFFFFFF40] =	vst v1;
	v1 =	vmul.f32 v56, v20  }
0xe5: {  	[tilespmem:s29+$0xFFFFFF90] =	vst v18;
	v2 =	vld.idx.msk [tilespmem:v15+s16+$0x0], $0xffff;
	v15 =	vmul.f32 v57, v20  }
0xe6: {  	v14 =	vbroadcast v14, $0x0;
	v26 =	vld [tilespmem:s29+$0x30];
	[tilespmem:s29+$0xFFFFFF60] =	vst v1;
	v1 =	vmul.f32 v59, v11  }
0xe7: {  	v24 =	vmul.f32 v17, v11;
	[tilespmem:s29+$0xFFFFFF70] =	vst v15;
	v19 =	vld [tilespmem:s29+$0xFFFFFFE0]  }
0xe8: {  	v46 =	vld [tilespmem:s29+$0x110];
	[tilespmem:s29+$0xFFFFFF80] =	vst v1;
	v1 =	vmul.f32 v62, v11  }
0xe9: {  	v22 =	vld [tilespmem:s29+$0x0];
	v58 =	vmul.f32 v51, v3;
	[tilespmem:s29+$0xFFFFFFD0] =	vst v24  }
0xea: {  	v49 =	vld [tilespmem:s29+$0x130];
	[tilespmem:s29+$0xFFFFFFA0] =	vst v1;
	v1 =	vmul.f32 v16, v11  }
0xeb: {  	v25 =	vld [tilespmem:s29+$0x20];
	v33 =	vmul.f32 v26, v5;
	[tilespmem:s29+$0x150] =	vst v58  }
0xec: {  	v4 =	vld.idx.msk [tilespmem:v14+s16+$0x0], $0xffff;
	[tilespmem:s29+$0xFFFFFFC0] =	vst v1;
	v1 =	vmul.f32 v19, v11  }
0xed: {  	v28 =	vld [tilespmem:s29+$0x40];
	v52 =	vmul.f32 v46, v3;
	[tilespmem:s29+$0x30] =	vst v33  }
0xee: {  	v29 =	vld [tilespmem:s29+$0x50];
	[tilespmem:s29+$0xFFFFFFE0] =	vst v1;
	v1 =	vmul.f32 v22, v5  }
0xef: {  	v31 =	vld [tilespmem:s29+$0x60];
	v55 =	vmul.f32 v49, v3;
	[tilespmem:s29+$0x110] =	vst v52  }
0xf0: {  	v8 =	vmul.f32 v23, v2;
	v23 =	vld [tilespmem:s29+$0x10];
	[tilespmem:s29+$0x0] =	vst v1;
	v1 =	vmul.f32 v25, v5  }
0xf1: {  	v34 =	vld [tilespmem:s29+$0x80];
	[tilespmem:s29+$0x130] =	vst v55  }
0xf2: {  	v35 =	vld [tilespmem:s29+$0x90];
	[tilespmem:s29+$0x20] =	vst v1;
	v1 =	vmul.f32 v28, v5  }
0xf3: {  	v37 =	vld [tilespmem:s29+$0xA0];
	v36 =	vmul.f32 v29, v5;
	[tilespmem:s29+$0x1F0] =	vst v8  }
0xf4: {  	v38 =	vld [tilespmem:s29+$0xB0];
	[tilespmem:s29+$0x40] =	vst v1;
	v1 =	vmul.f32 v31, v5  }
0xf5: {  	v39 =	vld [tilespmem:s29+$0xC0];
	[tilespmem:s29+$0x50] =	vst v36;
	v30 =	vmul.f32 v23, v5  }
0xf6: {  	v40 =	vld [tilespmem:s29+$0xD0];
	[tilespmem:s29+$0x60] =	vst v1;
	v1 =	vmul.f32 v34, v4  }
0xf7: {  	v42 =	vld [tilespmem:s29+$0xE0];
	v41 =	vmul.f32 v35, v4;
	[tilespmem:s29+$0x10] =	vst v30  }
0xf8: {  	v63 =	vld [tilespmem:s29+$0xFFFFFFB0];
	[tilespmem:s29+$0x80] =	vst v1;
	v1 =	vmul.f32 v37, v4  }
0xf9: {  	v45 =	vld [tilespmem:s29+$0x100];
	[tilespmem:s29+$0x90] =	vst v41;
	v44 =	vmul.f32 v38, v4  }
0xfa: {  	v20 =	vld [tilespmem:s29+$0xFFFFFFF0];
	[tilespmem:s29+$0xA0] =	vst v1;
	v1 =	vmul.f32 v39, v4  }
0xfb: {  	v48 =	vld [tilespmem:s29+$0x120];
	v47 =	vmul.f32 v40, v4;
	[tilespmem:s29+$0xB0] =	vst v44  }
0xfc: {  	v32 =	vld [tilespmem:s29+$0x70];
	[tilespmem:s29+$0xC0] =	vst v1;
	v1 =	vmul.f32 v42, v4  }
0xfd: {  	[tilespmem:s29+$0xD0] =	vst v47;
	v50 =	vld [tilespmem:s29+$0x140];
	v21 =	vmul.f32 v63, v11  }
0xfe: {  	v43 =	vld [tilespmem:s29+$0xF0];
	[tilespmem:s29+$0xE0] =	vst v1;
	v1 =	vmul.f32 v45, v3  }
0xff: {  	v53 =	vld [tilespmem:s29+$0x160];
	[tilespmem:s29+$0xFFFFFFB0] =	vst v21;
	v27 =	vmul.f32 v20, v11  }
0x100: {  	v54 =	vld [tilespmem:s29+$0x170];
	[tilespmem:s29+$0x100] =	vst v1;
	v1 =	vmul.f32 v48, v3  }
0x101: {  	v56 =	vld [tilespmem:s29+$0x180];
	[tilespmem:s29+$0xFFFFFFF0] =	vst v27;
	v5 =	vmul.f32 v32, v5  }
0x102: {  	v57 =	vld [tilespmem:s29+$0x190];
	[tilespmem:s29+$0x120] =	vst v1;
	v1 =	vmul.f32 v50, v3  }
0x103: {  	v59 =	vld [tilespmem:s29+$0x1A0];
	[tilespmem:s29+$0x70] =	vst v5;
	v4 =	vmul.f32 v43, v4  }
0x104: {  	v60 =	vld [tilespmem:s29+$0x1B0];
	[tilespmem:s29+$0x140] =	vst v1;
	v1 =	vmul.f32 v53, v3  }
0x105: {  	v61 =	vld [tilespmem:s29+$0x1C0];
	[tilespmem:s29+$0xF0] =	vst v4;
	v3 =	vmul.f32 v54, v3  }
0x106: {  	v62 =	vld [tilespmem:s29+$0x1D0];
	[tilespmem:s29+$0x160] =	vst v1;
	v1 =	vmul.f32 v56, v2  }
0x107: {  	v63 =	vld [tilespmem:s29+$0x1E0];
	[tilespmem:s29+$0x170] =	vst v3;
	v3 =	vmul.f32 v57, v2  }
0x108: {  	[tilespmem:s29+$0x180] =	vst v1;
	v1 =	vmul.f32 v59, v2  }
0x109: {  	[tilespmem:s29+$0x190] =	vst v3;
	v3 =	vmul.f32 v60, v2  }
0x10a: {  	[tilespmem:s29+$0x1A0] =	vst v1;
	v1 =	vmul.f32 v61, v2  }
0x10b: {  	[tilespmem:s29+$0x1B0] =	vst v3;
	v3 =	vmul.f32 v62, v2  }
0x10c: {  	[tilespmem:s29+$0x1C0] =	vst v1;
	v1 =	vmul.f32 v63, v2  }
0x10d: {  	[tilespmem:s29+$0x1D0] =	vst v3  }
0x10e: {  	s30 =	simm.s32 $0x1B870;
	s28 =	simm.s32 $0x78;
	[tilespmem:s29+$0x1E0] =	vst v1  }
.LBB2_6:
0x10f: {  	v1 =	vmov s28  }
0x110: {  	v1 =	vand.u32 $0x7F, v1  }
0x111: {  	v1 =	vadd.s32 v0, v1  }
0x112: {  	v1 =	vbroadcast v1, $0x0;
	_ =	sdelay $0x4  }
0x113: {  	v2 =	vld [tilespmem:s30+$0xFFFFFF90]  }
0x114: {  	v1 =	vld.idx.msk [tilespmem:v1+s16+$0x0], $0xffff;
	_ =	sdelay $0x4  }
0x115: {  	v2 =	vmul.f32 v2, v1;
	_ =	sdelay $0x1  }
0x116: {  	[tilespmem:s30+$0xFFFFFF90] =	vst v2;
	v2 =	vld [tilespmem:s30+$0xFFFFFFA0];
	_ =	sdelay $0x4  }
0x117: {  	v2 =	vmul.f32 v2, v1;
	_ =	sdelay $0x1  }
0x118: {  	[tilespmem:s30+$0xFFFFFFA0] =	vst v2;
	v2 =	vld [tilespmem:s30+$0xFFFFFFB0];
	_ =	sdelay $0x4  }
0x119: {  	v2 =	vmul.f32 v2, v1;
	_ =	sdelay $0x1  }
0x11a: {  	[tilespmem:s30+$0xFFFFFFB0] =	vst v2;
	v2 =	vld [tilespmem:s30+$0xFFFFFFC0];
	_ =	sdelay $0x4  }
0x11b: {  	v2 =	vmul.f32 v2, v1;
	_ =	sdelay $0x1  }
0x11c: {  	[tilespmem:s30+$0xFFFFFFC0] =	vst v2;
	v2 =	vld [tilespmem:s30+$0xFFFFFFD0];
	_ =	sdelay $0x4  }
0x11d: {  	v2 =	vmul.f32 v2, v1;
	_ =	sdelay $0x1  }
0x11e: {  	[tilespmem:s30+$0xFFFFFFD0] =	vst v2;
	v2 =	vld [tilespmem:s30+$0xFFFFFFE0];
	_ =	sdelay $0x4  }
0x11f: {  	v2 =	vmul.f32 v2, v1;
	_ =	sdelay $0x1  }
0x120: {  	[tilespmem:s30+$0xFFFFFFE0] =	vst v2;
	v2 =	vld [tilespmem:s30+$0xFFFFFFF0];
	_ =	sdelay $0x4  }
0x121: {  	v2 =	vmul.f32 v2, v1;
	_ =	sdelay $0x1  }
0x122: {  	[tilespmem:s30+$0xFFFFFFF0] =	vst v2;
	v2 =	vld [tilespmem:s30+$0x0];
	_ =	sdelay $0x1  }
0x123: {  	p1 =	sne.s32 s28, $0x7C  }
.Ltmp1:
0x124: {  	_ = 	snop;
	(pc) =	sbr.rel @p1 .LBB2_6-.Ltmp1, $3  }
0x125: {  	_ = 	snop  }
0x126: {  	v1 =	vmul.f32 v2, v1;
	_ =	sdelay $0x1  }
0x127: {  	s28 =	sadd.s32 $0x1, s28;
	[tilespmem:s30+$0x0] =	vst v1;
	s30 =	sadd.s32 $0x80, s30  }
0x128: {  	s28 =	sshll.u32 s24, $0xA  }
0x129: {  	s29 =	sshrl.u32 s28, $0x2  }
0x12a: {  	s29 =	sadd.s32 $0x15400, s29  }
0x12b: {  	[spmem:s2] =	stream.indirect.scatter.add.f32 [tilespmem:s18], [sflag:$0x3], $0x80, s29, s17, $0xb8;
	[tilespmem:$0x1FC00] =	vst v63  }
0x12c: {  	_ =	swait.ge [sflag:s13], $0x3E80  }
0x12d: {  	s26 =	sshll.u32 s26, $0x7;
	[sflag:s13] =	ssyncset.done $0x0  }
0x12e: {  	s31 =	simm.s32 $0x7;
	p1 =	seq.s32 s24, $0x13;
	[sflag:s13] =	ssyncadd.s32 $0xFFFFC180  }
0x12f: {  	v0 =	vmov s26;
	s26 =	sshrl.u32 @!p1 s28, $0x2;
	s29 =	simm.s32 $0x0;
	_ =	swait.ge [sflag:s21], $0x3E80  }
0x130: {  	s28 =	simm.s32 @!p1 $0x7D;
	v1 =	vmov s29;
	s29 =	simm.s32 $0x1;
	[sflag:s21] =	ssyncset.done $0x0  }
0x131: {  	s26 =	sadd.s32 @!p1 $0x14100, s26;
	v2 =	vmov s29;
	s29 =	simm.s32 @!p1 $0x17C00;
	[sflag:s21] =	ssyncadd.s32 $0xFFFFC180  }
0x132: {  	v3 =	vmov s31;
	v1 =	vand.u32 $0x78, v1;
	[tilespmem:s29], [sflag:$0x1] =	stream.indirect.gather @!p1 [hbm4b:s10+s28], $0x80, s26, s28, $0xb8;
	[tilespmem:$0x1FC00] =	vst v63  }
0x133: {  	v3 =	vand.u32 $0x7F, v3;
	v1 =	vor.u32 v0, v1;
	s26 =	simm.s32 $0x1BE00  }
0x134: {  	v3 =	vor.u32 v0, v3;
	v1 =	vbroadcast v1, $0x0;
	v5 =	vld [tilespmem:s26+$0xFFFFFE10]  }
0x135: {  	v3 =	vbroadcast v3, $0x0;
	v6 =	vld [tilespmem:s26+$0xFFFFFE20]  }
0x136: {  	v7 =	vld [tilespmem:s26+$0xFFFFFE30]  }
0x137: {  	v8 =	vld [tilespmem:s26+$0xFFFFFE40]  }
0x138: {  	v2 =	vand.u32 $0x79, v2;
	v9 =	vld [tilespmem:s26+$0xFFFFFE50]  }
0x139: {  	v2 =	vor.u32 v0, v2;
	v10 =	vld [tilespmem:s26+$0xFFFFFE60]  }
0x13a: {  	v2 =	vbroadcast v2, $0x0;
	v4 =	vld.idx.msk [tilespmem:v1+s16+$0x0], $0xffff  }
0x13b: {  	v1 =	vld.idx.msk [tilespmem:v3+s16+$0x0], $0xffff  }
0x13c: {  	v3 =	vld [tilespmem:s26+$0xFFFFFE00]  }
0x13d: {  	v12 =	vld [tilespmem:s26+$0x1F0]  }
0x13e: {  	v13 =	vld [tilespmem:s26+$0xFFFFFE80]  }
0x13f: {  	v14 =	vld [tilespmem:s26+$0xFFFFFE90]  }
0x140: {  	v2 =	vld.idx.msk [tilespmem:v2+s16+$0x0], $0xffff  }
0x141: {  	v15 =	vld [tilespmem:s26+$0xFFFFFEA0];
	v3 =	vmul.f32 v3, v4  }
0x142: {  	s28 =	simm.s32 $0x2;
	v16 =	vld [tilespmem:s26+$0xFFFFFEB0];
	v12 =	vmul.f32 v12, v1  }
0x143: {  	v11 =	vmov s28;
	v17 =	vld [tilespmem:s26+$0xFFFFFEC0];
	v5 =	vmul.f32 v5, v4;
	[tilespmem:s26+$0xFFFFFE00] =	vst v3  }
0x144: {  	v6 =	vmul.f32 v6, v4;
	v3 =	vand.u32 $0x7A, v11;
	v11 =	vld [tilespmem:s26+$0xFFFFFE70];
	[tilespmem:s26+$0x1F0] =	vst v12  }
0x145: {  	v7 =	vmul.f32 v7, v4;
	v12 =	vmul.f32 v13, v2;
	v13 =	vld [tilespmem:s26+$0xFFFFFED0];
	[tilespmem:s26+$0xFFFFFE10] =	vst v5  }
0x146: {  	v5 =	vld [tilespmem:s26+$0xFFFFFEE0];
	[tilespmem:s26+$0xFFFFFE20] =	vst v6;
	v3 =	vor.u32 v0, v3  }
0x147: {  	v6 =	vmul.f32 v8, v4;
	v8 =	vld [tilespmem:s26+$0xFFFFFEF0];
	[tilespmem:s26+$0xFFFFFE30] =	vst v7;
	v3 =	vbroadcast v3, $0x0  }
0x148: {  	s28 =	simm.s32 $0x3;
	v7 =	vmul.f32 v9, v4;
	v9 =	vld [tilespmem:s26+$0xFFFFFF00];
	[tilespmem:s26+$0xFFFFFE80] =	vst v12  }
0x149: {  	v12 =	vmov s28;
	[tilespmem:s26+$0xFFFFFE40] =	vst v6;
	v6 =	vmul.f32 v10, v4;
	v10 =	vld [tilespmem:s26+$0xFFFFFF10]  }
0x14a: {  	v17 =	vmul.f32 v17, v2;
	[tilespmem:s26+$0xFFFFFE50] =	vst v7;
	v7 =	vld [tilespmem:s26+$0xFFFFFF20];
	v12 =	vand.u32 $0x7B, v12  }
0x14b: {  	v12 =	vor.u32 v0, v12;
	[tilespmem:s26+$0xFFFFFE60] =	vst v6;
	v6 =	vmul.f32 v14, v2;
	v14 =	vld [tilespmem:s26+$0xFFFFFF40];
	v4 =	vmul.f32 v11, v4  }
0x14c: {  	v12 =	vbroadcast v12, $0x0;
	v11 =	vld [tilespmem:s26+$0xFFFFFF30];
	v13 =	vmul.f32 v13, v2  }
0x14d: {  	v5 =	vmul.f32 v5, v2;
	[tilespmem:s26+$0xFFFFFE70] =	vst v4;
	v4 =	vmul.f32 v15, v2;
	v3 =	vld.idx.msk [tilespmem:v3+s16+$0x0], $0xffff  }
0x14e: {  	[tilespmem:s26+$0xFFFFFE90] =	vst v6;
	v15 =	vmul.f32 v16, v2;
	v2 =	vmul.f32 v8, v2;
	v8 =	vld [tilespmem:s26+$0xFFFFFF90]  }
0x14f: {  	[tilespmem:s26+$0xFFFFFED0] =	vst v13;
	v13 =	vld [tilespmem:s26+$0xFFFFFFD0]  }
0x150: {  	[tilespmem:s26+$0xFFFFFEA0] =	vst v4;
	v4 =	vld [tilespmem:s26+$0xFFFFFF60]  }
0x151: {  	[tilespmem:s26+$0xFFFFFEB0] =	vst v15;
	v15 =	vld [tilespmem:s26+$0xFFFFFF70]  }
0x152: {  	[tilespmem:s26+$0xFFFFFEE0] =	vst v5;
	v12 =	vld.idx.msk [tilespmem:v12+s16+$0x0], $0xffff;
	v6 =	vmul.f32 v9, v3  }
0x153: {  	s28 =	simm.s32 $0x4;
	[tilespmem:s26+$0xFFFFFEF0] =	vst v2;
	v9 =	vld [tilespmem:s26+$0xFFFFFF50];
	v5 =	vmul.f32 v10, v3  }
0x154: {  	v16 =	vmov s28;
	v10 =	vld [tilespmem:s26+$0xFFFFFFA0];
	v2 =	vmul.f32 v7, v3;
	[tilespmem:s26+$0xFFFFFF00] =	vst v6  }
0x155: {  	v14 =	vmul.f32 v14, v3;
	v6 =	vand.u32 $0x7C, v16;
	v16 =	vld [tilespmem:s26+$0xFFFFFF80];
	[tilespmem:s26+$0xFFFFFF10] =	vst v5  }
0x156: {  	v7 =	vld [tilespmem:s26+$0xFFFFFFB0];
	v4 =	vmul.f32 v4, v3;
	[tilespmem:s26+$0xFFFFFF20] =	vst v2;
	v6 =	vor.u32 v0, v6  }
0x157: {  	v5 =	vmul.f32 v11, v3;
	v11 =	vld [tilespmem:s26+$0xFFFFFFC0];
	[tilespmem:s26+$0xFFFFFF40] =	vst v14;
	v6 =	vbroadcast v6, $0x0  }
0x158: {  	v14 =	vld [tilespmem:s26+$0xFFFFFFF0];
	[tilespmem:s26+$0xFFFFFF60] =	vst v4;
	v4 =	vmul.f32 v8, v12  }
0x159: {  	v8 =	vld [tilespmem:s26+$0x10];
	[tilespmem:s26+$0xFFFFFF30] =	vst v5;
	v9 =	vmul.f32 v9, v3  }
0x15a: {  	s28 =	simm.s32 $0x5;
	v5 =	vld [tilespmem:s26+$0xFFFFFFE0];
	[tilespmem:s26+$0xFFFFFF90] =	vst v4;
	v2 =	vmul.f32 v16, v12  }
0x15b: {  	v3 =	vmul.f32 v15, v3;
	v4 =	vmul.f32 v7, v12;
	v7 =	vld [tilespmem:s26+$0x30];
	v16 =	vmov s28;
	[tilespmem:s26+$0xFFFFFF50] =	vst v9  }
0x15c: {  	v13 =	vmul.f32 v13, v12;
	v9 =	vld [tilespmem:s26+$0x0];
	[tilespmem:s26+$0xFFFFFF80] =	vst v2;
	v2 =	vand.u32 $0x7D, v16  }
0x15d: {  	[tilespmem:s26+$0xFFFFFF70] =	vst v3;
	v3 =	vmul.f32 v10, v12;
	v6 =	vld.idx.msk [tilespmem:v6+s16+$0x0], $0xffff;
	v2 =	vor.u32 v0, v2  }
0x15e: {  	[tilespmem:s26+$0xFFFFFFD0] =	vst v13;
	v13 =	vld [tilespmem:s26+$0x70];
	v2 =	vbroadcast v2, $0x0  }
0x15f: {  	v10 =	vld [tilespmem:s26+$0x20];
	[tilespmem:s26+$0xFFFFFFA0] =	vst v3;
	v3 =	vmul.f32 v11, v12  }
0x160: {  	[tilespmem:s26+$0xFFFFFFB0] =	vst v4;
	v11 =	vld [tilespmem:s26+$0x40];
	v5 =	vmul.f32 v5, v12;
	v12 =	vmul.f32 v14, v12  }
0x161: {  	[tilespmem:s26+$0xFFFFFFC0] =	vst v3;
	v3 =	vld [tilespmem:s26+$0x60]  }
0x162: {  	s28 =	simm.s32 $0x6;
	[tilespmem:s26+$0xFFFFFFF0] =	vst v12;
	v12 =	vld [tilespmem:s26+$0x90];
	v4 =	vmul.f32 v9, v6  }
0x163: {  	v15 =	vmov s28;
	[tilespmem:s26+$0xFFFFFFE0] =	vst v5;
	v9 =	vld [tilespmem:s26+$0x50];
	v5 =	vmul.f32 v8, v6  }
0x164: {  	v10 =	vmul.f32 v10, v6;
	v2 =	vld.idx.msk [tilespmem:v2+s16+$0x0], $0xffff;
	[tilespmem:s26+$0x0] =	vst v4;
	v4 =	vand.u32 $0x7E, v15  }
0x165: {  	v8 =	vld [tilespmem:s26+$0x80];
	[tilespmem:s26+$0x10] =	vst v5;
	v5 =	vmul.f32 v7, v6;
	v4 =	vor.u32 v0, v4  }
0x166: {  	[tilespmem:s26+$0x20] =	vst v10;
	v10 =	vmul.f32 v11, v6;
	v11 =	vld [tilespmem:s26+$0xB0];
	v4 =	vbroadcast v4, $0x0  }
0x167: {  	v3 =	vmul.f32 v3, v6;
	v7 =	vld [tilespmem:s26+$0xA0];
	[tilespmem:s26+$0x30] =	vst v5  }
0x168: {  	[tilespmem:s26+$0x40] =	vst v10;
	v10 =	vld [tilespmem:s26+$0xD0];
	v5 =	vmul.f32 v9, v6  }
0x169: {  	[tilespmem:s26+$0x60] =	vst v3;
	v9 =	vld [tilespmem:s26+$0xC0];
	v3 =	vmul.f32 v12, v2  }
0x16a: {  	[tilespmem:s26+$0x50] =	vst v5;
	v5 =	vld [tilespmem:s26+$0xE0]  }
0x16b: {  	[tilespmem:s26+$0x90] =	vst v3;
	v3 =	vmul.f32 v11, v2;
	v11 =	vld [tilespmem:s26+$0x110]  }
0x16c: {  	v16 =	vld.idx.msk [tilespmem:v4+s16+$0x0], $0xffff  }
0x16d: {  	[tilespmem:s26+$0xFFFFFEC0] =	vst v17;
	v4 =	vmul.f32 v13, v6;
	v6 =	vld [tilespmem:s26+$0xF0]  }
0x16e: {  	s29 =	simm.s32 $0xB;
	v8 =	vmul.f32 v8, v2;
	[tilespmem:s26+$0xB0] =	vst v3;
	v3 =	vmul.f32 v10, v2;
	v10 =	vld [tilespmem:s26+$0x130]  }
0x16f: {  	s28 =	simm.s32 $0x8;
	v14 =	vmov s29;
	s29 =	simm.s32 $0xD;
	[tilespmem:s26+$0x70] =	vst v4;
	v4 =	vmul.f32 v7, v2;
	v7 =	vld [tilespmem:s26+$0x100]  }
0x170: {  	v17 =	vmov s29;
	[tilespmem:s26+$0x80] =	vst v8;
	v8 =	vmov s28;
	s28 =	simm.s32 $0x9  }
0x171: {  	v8 =	vand.u32 $0x78, v8;
	v12 =	vmov s28;
	s28 =	simm.s32 $0xA;
	[tilespmem:s26+$0xA0] =	vst v4;
	v4 =	vmul.f32 v9, v2;
	v9 =	vld [tilespmem:s26+$0x120]  }
0x172: {  	v13 =	vmov s28;
	s28 =	simm.s32 $0xC;
	v8 =	vor.u32 v0, v8;
	[tilespmem:s26+$0xD0] =	vst v3;
	v11 =	vmul.f32 v11, v16  }
0x173: {  	v15 =	vmov s28;
	s28 =	simm.s32 $0xE;
	[tilespmem:s26+$0xC0] =	vst v4;
	v4 =	vmul.f32 v5, v2;
	v5 =	vld [tilespmem:s26+$0x140];
	v2 =	vmul.f32 v6, v2  }
0x174: {  	v18 =	vld [tilespmem:s26+$0x150];
	v6 =	vmov s28;
	v10 =	vmul.f32 v10, v16;
	v3 =	vmul.f32 v7, v16;
	[tilespmem:s26+$0x110] =	vst v11  }
0x175: {  	v19 =	vld [tilespmem:s26+$0x160];
	v7 =	vand.u32 $0x79, v12;
	v12 =	vand.u32 $0x7A, v13;
	v13 =	vand.u32 $0x7C, v15;
	[tilespmem:s26+$0xE0] =	vst v4  }
0x176: {  	v15 =	vand.u32 $0x7E, v6;
	[tilespmem:s26+$0xF0] =	vst v2;
	v2 =	vand.u32 $0x7D, v17;
	v17 =	vld [tilespmem:s26+$0x170];
	v9 =	vmul.f32 v9, v16  }
0x177: {  	v6 =	vld [tilespmem:s26+$0x180];
	v4 =	vand.u32 $0x7B, v14;
	v11 =	vor.u32 v0, v12;
	v13 =	vor.u32 v0, v13;
	[tilespmem:s26+$0x100] =	vst v3  }
0x178: {  	v3 =	vbroadcast v8, $0x0;
	v8 =	vor.u32 v0, v7;
	v7 =	vld [tilespmem:s26+$0x190];
	[tilespmem:s26+$0x120] =	vst v9;
	v9 =	vmul.f32 v5, v16  }
0x179: {  	[tilespmem:s26+$0x130] =	vst v10;
	v10 =	vmul.f32 v18, v16;
	v20 =	vor.u32 v0, v4;
	v4 =	vbroadcast v8, $0x0;
	v8 =	vld [tilespmem:s26+$0x1A0]  }
0x17a: {  	v12 =	vmul.f32 v19, v16;
	v15 =	vor.u32 v0, v15;
	v5 =	vbroadcast v11, $0x0;
	[tilespmem:s26+$0x140] =	vst v9;
	v9 =	vld [tilespmem:s26+$0x1B0]  }
0x17b: {  	s29 =	simm.s32 $0xF;
	s28 =	simm.s32 $0x10;
	v14 =	vor.u32 v0, v2;
	[tilespmem:s26+$0x150] =	vst v10;
	v10 =	vld [tilespmem:s26+$0x1C0];
	v11 =	vbroadcast v20, $0x0;
	v2 =	vmul.f32 v17, v16  }
.LBB2_8:
0x17c: {  	p1 =	slt.u32 s28, $0x70;
	v13 =	vbroadcast v13, $0x0;
	v16 =	vmov s29;
	[tilespmem:s26+$0x160] =	vst v12;
	v6 =	vmul.f32 v6, v1;
	v12 =	vld [tilespmem:s26+$0x1D0]  }
0x17d: {  	v14 =	vbroadcast v14, $0x0;
	v16 =	vand.u32 $0x7F, v16;
	[tilespmem:s26+$0x170] =	vst v2;
	v2 =	vmul.f32 v7, v1;
	v7 =	vld [tilespmem:s26+$0x1E0]  }
0x17e: {  	v15 =	vbroadcast v15, $0x0;
	v17 =	vld.idx.msk [tilespmem:v3+s16+$0x0], $0xffff;
	v3 =	vor.u32 v0, v16;
	[tilespmem:s26+$0x180] =	vst v6;
	v6 =	vmul.f32 v8, v1  }
0x17f: {  	v8 =	vld.idx.msk [tilespmem:v4+s16+$0x0], $0xffff;
	v16 =	vbroadcast v3, $0x0;
	[tilespmem:s26+$0x190] =	vst v2;
	v2 =	vmul.f32 v9, v1  }
0x180: {  	v9 =	vld.idx.msk [tilespmem:v5+s16+$0x0], $0xffff;
	[tilespmem:s26+$0x1A0] =	vst v6;
	v3 =	vmul.f32 v10, v1  }
0x181: {  	v5 =	vld.idx.msk [tilespmem:v11+s16+$0x0], $0xffff;
	[tilespmem:s26+$0x1B0] =	vst v2;
	v2 =	vmul.f32 v12, v1  }
0x182: {  	v4 =	vld.idx.msk [tilespmem:v13+s16+$0x0], $0xffff;
	[tilespmem:s26+$0x1C0] =	vst v3;
	v1 =	vmul.f32 v7, v1  }
0x183: {  	v3 =	vld.idx.msk [tilespmem:v14+s16+$0x0], $0xffff;
	[tilespmem:s26+$0x1D0] =	vst v2  }
0x184: {  	v2 =	vld.idx.msk [tilespmem:v15+s16+$0x0], $0xffff;
	[tilespmem:s26+$0x1E0] =	vst v1  }
0x185: {  	s26 =	sadd.s32 $0x400, s26;
	v1 =	vld.idx.msk [tilespmem:v16+s16+$0x0], $0xffff  }
0x186: {  	v6 =	vld [tilespmem:s26+$0x1F0]  }
0x187: {  	v7 =	vld [tilespmem:s26+$0xFFFFFE00]  }
0x188: {  	v10 =	vld [tilespmem:s26+$0xFFFFFE10]  }
0x189: {  	v11 =	vld [tilespmem:s26+$0xFFFFFE20]  }
0x18a: {  	v12 =	vld [tilespmem:s26+$0xFFFFFE30]  }
0x18b: {  	v13 =	vld [tilespmem:s26+$0xFFFFFE40];
	v6 =	vmul.f32 v6, v1  }
0x18c: {  	v7 =	vmul.f32 v7, v17;
	v14 =	vld [tilespmem:s26+$0xFFFFFE50]  }
0x18d: {  	v10 =	vmul.f32 v10, v17;
	v15 =	vld [tilespmem:s26+$0xFFFFFE60];
	[tilespmem:s26+$0x1F0] =	vst v6  }
0x18e: {  	[tilespmem:s26+$0xFFFFFE00] =	vst v7;
	v6 =	vmul.f32 v11, v17;
	v7 =	vld [tilespmem:s26+$0xFFFFFE70]  }
0x18f: {  	[tilespmem:s26+$0xFFFFFE10] =	vst v10;
	v10 =	vmul.f32 v12, v17;
	v11 =	vld [tilespmem:s26+$0xFFFFFE80]  }
0x190: {  	[tilespmem:s26+$0xFFFFFE20] =	vst v6;
	v6 =	vmul.f32 v13, v17;
	v12 =	vld [tilespmem:s26+$0xFFFFFE90]  }
0x191: {  	[tilespmem:s26+$0xFFFFFE30] =	vst v10;
	v10 =	vmul.f32 v14, v17;
	v13 =	vld [tilespmem:s26+$0xFFFFFEA0]  }
0x192: {  	[tilespmem:s26+$0xFFFFFE40] =	vst v6;
	v6 =	vmul.f32 v15, v17;
	v14 =	vld [tilespmem:s26+$0xFFFFFEB0]  }
0x193: {  	[tilespmem:s26+$0xFFFFFE50] =	vst v10;
	v7 =	vmul.f32 v7, v17;
	v10 =	vld [tilespmem:s26+$0xFFFFFEC0]  }
0x194: {  	[tilespmem:s26+$0xFFFFFE60] =	vst v6;
	v6 =	vmul.f32 v11, v8;
	v11 =	vld [tilespmem:s26+$0xFFFFFED0]  }
0x195: {  	[tilespmem:s26+$0xFFFFFE70] =	vst v7;
	v7 =	vmul.f32 v12, v8;
	v12 =	vld [tilespmem:s26+$0xFFFFFEE0]  }
0x196: {  	[tilespmem:s26+$0xFFFFFE80] =	vst v6;
	v6 =	vmul.f32 v13, v8;
	v13 =	vld [tilespmem:s26+$0xFFFFFEF0]  }
0x197: {  	[tilespmem:s26+$0xFFFFFE90] =	vst v7;
	v7 =	vmul.f32 v14, v8;
	v14 =	vld [tilespmem:s26+$0xFFFFFF00]  }
0x198: {  	[tilespmem:s26+$0xFFFFFEA0] =	vst v6;
	v6 =	vmul.f32 v10, v8;
	v10 =	vld [tilespmem:s26+$0xFFFFFF10]  }
0x199: {  	[tilespmem:s26+$0xFFFFFEB0] =	vst v7;
	v7 =	vmul.f32 v11, v8;
	v11 =	vld [tilespmem:s26+$0xFFFFFF20]  }
0x19a: {  	[tilespmem:s26+$0xFFFFFEC0] =	vst v6;
	v6 =	vmul.f32 v12, v8;
	v12 =	vld [tilespmem:s26+$0xFFFFFF30]  }
0x19b: {  	[tilespmem:s26+$0xFFFFFED0] =	vst v7;
	v7 =	vmul.f32 v13, v8;
	v8 =	vld [tilespmem:s26+$0xFFFFFF40]  }
0x19c: {  	[tilespmem:s26+$0xFFFFFEE0] =	vst v6;
	v6 =	vmul.f32 v14, v9;
	v13 =	vld [tilespmem:s26+$0xFFFFFF50]  }
0x19d: {  	[tilespmem:s26+$0xFFFFFEF0] =	vst v7;
	v7 =	vmul.f32 v10, v9;
	v10 =	vld [tilespmem:s26+$0xFFFFFF60]  }
0x19e: {  	[tilespmem:s26+$0xFFFFFF00] =	vst v6;
	v6 =	vmul.f32 v11, v9;
	v11 =	vld [tilespmem:s26+$0xFFFFFF70]  }
0x19f: {  	[tilespmem:s26+$0xFFFFFF10] =	vst v7;
	v7 =	vmul.f32 v12, v9;
	v12 =	vld [tilespmem:s26+$0xFFFFFF80]  }
0x1a0: {  	[tilespmem:s26+$0xFFFFFF20] =	vst v6;
	v6 =	vmul.f32 v8, v9;
	v8 =	vld [tilespmem:s26+$0xFFFFFF90]  }
0x1a1: {  	[tilespmem:s26+$0xFFFFFF30] =	vst v7;
	v7 =	vmul.f32 v13, v9;
	v13 =	vld [tilespmem:s26+$0xFFFFFFA0]  }
0x1a2: {  	[tilespmem:s26+$0xFFFFFF40] =	vst v6;
	v6 =	vmul.f32 v10, v9;
	v10 =	vld [tilespmem:s26+$0xFFFFFFB0]  }
0x1a3: {  	[tilespmem:s26+$0xFFFFFF50] =	vst v7;
	v7 =	vmul.f32 v11, v9;
	v9 =	vld [tilespmem:s26+$0xFFFFFFC0]  }
0x1a4: {  	[tilespmem:s26+$0xFFFFFF60] =	vst v6;
	v6 =	vmul.f32 v12, v5;
	v11 =	vld [tilespmem:s26+$0xFFFFFFD0]  }
0x1a5: {  	[tilespmem:s26+$0xFFFFFF70] =	vst v7;
	v7 =	vmul.f32 v8, v5;
	v8 =	vld [tilespmem:s26+$0xFFFFFFE0]  }
0x1a6: {  	[tilespmem:s26+$0xFFFFFF80] =	vst v6;
	v6 =	vmul.f32 v13, v5;
	v12 =	vld [tilespmem:s26+$0xFFFFFFF0]  }
0x1a7: {  	[tilespmem:s26+$0xFFFFFF90] =	vst v7;
	v7 =	vmul.f32 v10, v5;
	v10 =	vld [tilespmem:s26+$0x0]  }
0x1a8: {  	[tilespmem:s26+$0xFFFFFFA0] =	vst v6;
	v6 =	vmul.f32 v9, v5;
	v9 =	vld [tilespmem:s26+$0x10]  }
0x1a9: {  	[tilespmem:s26+$0xFFFFFFB0] =	vst v7;
	v7 =	vmul.f32 v11, v5;
	v11 =	vld [tilespmem:s26+$0x20]  }
0x1aa: {  	[tilespmem:s26+$0xFFFFFFC0] =	vst v6;
	v6 =	vmul.f32 v8, v5;
	v8 =	vld [tilespmem:s26+$0x30]  }
0x1ab: {  	[tilespmem:s26+$0xFFFFFFD0] =	vst v7;
	v5 =	vmul.f32 v12, v5;
	v7 =	vld [tilespmem:s26+$0x40]  }
0x1ac: {  	[tilespmem:s26+$0xFFFFFFE0] =	vst v6;
	v6 =	vmul.f32 v10, v4;
	v10 =	vld [tilespmem:s26+$0x50]  }
0x1ad: {  	[tilespmem:s26+$0xFFFFFFF0] =	vst v5;
	v5 =	vmul.f32 v9, v4;
	v9 =	vld [tilespmem:s26+$0x60]  }
0x1ae: {  	[tilespmem:s26+$0x0] =	vst v6;
	v6 =	vmul.f32 v11, v4;
	v11 =	vld [tilespmem:s26+$0x70]  }
0x1af: {  	[tilespmem:s26+$0x10] =	vst v5;
	v5 =	vmul.f32 v8, v4;
	v8 =	vld [tilespmem:s26+$0x80]  }
0x1b0: {  	[tilespmem:s26+$0x20] =	vst v6;
	v6 =	vmul.f32 v7, v4;
	v7 =	vld [tilespmem:s26+$0x90]  }
0x1b1: {  	[tilespmem:s26+$0x30] =	vst v5;
	v5 =	vmul.f32 v10, v4;
	v10 =	vld [tilespmem:s26+$0xA0]  }
0x1b2: {  	[tilespmem:s26+$0x40] =	vst v6;
	v6 =	vmul.f32 v9, v4;
	v9 =	vld [tilespmem:s26+$0xB0]  }
0x1b3: {  	[tilespmem:s26+$0x50] =	vst v5;
	v4 =	vmul.f32 v11, v4;
	v5 =	vld [tilespmem:s26+$0xC0]  }
0x1b4: {  	[tilespmem:s26+$0x60] =	vst v6;
	v6 =	vmul.f32 v8, v3;
	v8 =	vld [tilespmem:s26+$0xD0]  }
0x1b5: {  	[tilespmem:s26+$0x70] =	vst v4;
	v4 =	vmul.f32 v7, v3;
	v7 =	vld [tilespmem:s26+$0xE0]  }
0x1b6: {  	[tilespmem:s26+$0x80] =	vst v6;
	v6 =	vmul.f32 v10, v3;
	v10 =	vld [tilespmem:s26+$0xF0]  }
0x1b7: {  	s29 =	sadd.s32 $0x1, s28;
	v11 =	vmov s28;
	[tilespmem:s26+$0x90] =	vst v4;
	v4 =	vmul.f32 v9, v3;
	v9 =	vld [tilespmem:s26+$0x100]  }
0x1b8: {  	s30 =	sadd.s32 $0x3, s28;
	v12 =	vmov s29;
	s29 =	sadd.s32 $0x2, s28;
	v11 =	vand.u32 $0x78, v11;
	[tilespmem:s26+$0xA0] =	vst v6;
	v5 =	vmul.f32 v5, v3;
	v6 =	vld [tilespmem:s26+$0x110]  }
0x1b9: {  	v14 =	vmov s30;
	s30 =	sadd.s32 $0x5, s28;
	v13 =	vmov s29;
	s29 =	sadd.s32 $0x4, s28;
	[tilespmem:s26+$0xB0] =	vst v4;
	v4 =	vmul.f32 v8, v3;
	v8 =	vld [tilespmem:s26+$0x120]  }
0x1ba: {  	v16 =	vmov s30;
	v15 =	vmov s29;
	s29 =	sadd.s32 $0x6, s28;
	[tilespmem:s26+$0xC0] =	vst v5;
	v5 =	vmul.f32 v7, v3;
	v7 =	vld [tilespmem:s26+$0x130]  }
0x1bb: {  	v17 =	vmov s29;
	v11 =	vor.u32 v0, v11;
	[tilespmem:s26+$0xD0] =	vst v4;
	v3 =	vmul.f32 v10, v3;
	v4 =	vld [tilespmem:s26+$0x140]  }
0x1bc: {  	v10 =	vand.u32 $0x79, v12;
	v12 =	vand.u32 $0x7A, v13;
	[tilespmem:s26+$0xE0] =	vst v5;
	v5 =	vmul.f32 v9, v2;
	v9 =	vld [tilespmem:s26+$0x150]  }
0x1bd: {  	v13 =	vand.u32 $0x7B, v14;
	v14 =	vand.u32 $0x7C, v15;
	[tilespmem:s26+$0xF0] =	vst v3;
	v6 =	vmul.f32 v6, v2;
	v15 =	vld [tilespmem:s26+$0x160]  }
0x1be: {  	v16 =	vand.u32 $0x7D, v16;
	v17 =	vand.u32 $0x7E, v17;
	[tilespmem:s26+$0x100] =	vst v5;
	v5 =	vmul.f32 v8, v2;
	v18 =	vld [tilespmem:s26+$0x170]  }
.Ltmp2:
0x1bf: {  	v3 =	vbroadcast v11, $0x0;
	v8 =	vor.u32 v0, v10;
	[tilespmem:s26+$0x110] =	vst v6;
	v10 =	vmul.f32 v7, v2;
	v6 =	vld [tilespmem:s26+$0x180];
	(pc) =	sbr.rel @p1 .LBB2_8-.Ltmp2, $4  }
0x1c0: {  	v19 =	vor.u32 v0, v13;
	v11 =	vor.u32 v0, v12;
	[tilespmem:s26+$0x120] =	vst v5;
	v12 =	vmul.f32 v4, v2;
	v7 =	vld [tilespmem:s26+$0x190]  }
0x1c1: {  	v13 =	vor.u32 v0, v14;
	v4 =	vbroadcast v8, $0x0;
	[tilespmem:s26+$0x130] =	vst v10;
	v10 =	vmul.f32 v9, v2;
	v8 =	vld [tilespmem:s26+$0x1A0]  }
0x1c2: {  	v14 =	vor.u32 v0, v16;
	v5 =	vbroadcast v11, $0x0;
	[tilespmem:s26+$0x140] =	vst v12;
	v12 =	vmul.f32 v15, v2;
	v9 =	vld [tilespmem:s26+$0x1B0]  }
0x1c3: {  	s29 =	sadd.s32 $0x7, s28;
	s28 =	sadd.s32 $0x8, s28;
	v11 =	vbroadcast v19, $0x0;
	v15 =	vor.u32 v0, v17;
	[tilespmem:s26+$0x150] =	vst v10;
	v2 =	vmul.f32 v18, v2;
	v10 =	vld [tilespmem:s26+$0x1C0]  }
0x1c4: {  	_ =	sdelay $0x1  }
0x1c5: {  	v17 =	vld [tilespmem:s26+$0x1D0]  }
0x1c6: {  	v18 =	vld [tilespmem:s26+$0x1E0]  }
0x1c7: {  	v19 =	vld.idx.msk [tilespmem:v3+s16+$0x0], $0xffff  }
0x1c8: {  	v63 =	vld.idx.msk [tilespmem:v4+s16+$0x0], $0xffff  }
0x1c9: {  	v20 =	vld.idx.msk [tilespmem:v5+s16+$0x0], $0xffff  }
0x1ca: {  	s28 =	sadd.s32 $0x400, s26;
	v11 =	vld.idx.msk [tilespmem:v11+s16+$0x0], $0xffff  }
0x1cb: {  	v23 =	vld [tilespmem:s28+$0x1F0]  }
0x1cc: {  	v25 =	vld [tilespmem:s28+$0xFFFFFE00]  }
0x1cd: {  	[tilespmem:s26+$0x160] =	vst v12;
	v6 =	vmul.f32 v6, v1;
	v27 =	vld [tilespmem:s28+$0xFFFFFE10]  }
0x1ce: {  	[tilespmem:s26+$0x170] =	vst v2;
	v7 =	vmul.f32 v7, v1;
	v29 =	vld [tilespmem:s28+$0xFFFFFE20]  }
0x1cf: {  	v30 =	vld [tilespmem:s28+$0xFFFFFE30];
	[tilespmem:s26+$0x180] =	vst v6;
	v22 =	vmul.f32 v8, v1  }
0x1d0: {  	v31 =	vld [tilespmem:s28+$0xFFFFFE40];
	[tilespmem:s26+$0x190] =	vst v7;
	v24 =	vmul.f32 v9, v1  }
0x1d1: {  	v32 =	vld [tilespmem:s28+$0xFFFFFE50];
	[tilespmem:s26+$0x1A0] =	vst v22;
	v26 =	vmul.f32 v10, v1  }
0x1d2: {  	v33 =	vld [tilespmem:s28+$0xFFFFFE60];
	[tilespmem:s26+$0x1B0] =	vst v24;
	v28 =	vmul.f32 v17, v1  }
0x1d3: {  	v34 =	vld [tilespmem:s28+$0xFFFFFE70];
	v1 =	vmul.f32 v18, v1;
	[tilespmem:s26+$0x1C0] =	vst v26  }
0x1d4: {  	v35 =	vld [tilespmem:s28+$0xFFFFFE80];
	v10 =	vmul.f32 v27, v19;
	[tilespmem:s26+$0x1D0] =	vst v28  }
0x1d5: {  	v36 =	vld [tilespmem:s28+$0xFFFFFE90];
	[tilespmem:s26+$0x1E0] =	vst v1;
	v1 =	vmul.f32 v25, v19  }
0x1d6: {  	v38 =	vld [tilespmem:s28+$0xFFFFFEA0];
	v6 =	vmul.f32 v30, v19;
	[tilespmem:s28+$0xFFFFFE10] =	vst v10  }
0x1d7: {  	v39 =	vld [tilespmem:s28+$0xFFFFFEB0];
	[tilespmem:s28+$0xFFFFFE00] =	vst v1;
	v1 =	vmul.f32 v29, v19  }
0x1d8: {  	v41 =	vld [tilespmem:s28+$0xFFFFFEC0];
	v37 =	vmul.f32 v32, v19;
	[tilespmem:s28+$0xFFFFFE30] =	vst v6  }
0x1d9: {  	v42 =	vld [tilespmem:s28+$0xFFFFFED0];
	[tilespmem:s28+$0xFFFFFE20] =	vst v1;
	v1 =	vmul.f32 v31, v19  }
0x1da: {  	v44 =	vld [tilespmem:s28+$0xFFFFFEE0];
	v40 =	vmul.f32 v34, v19;
	[tilespmem:s28+$0xFFFFFE50] =	vst v37  }
0x1db: {  	v45 =	vld [tilespmem:s28+$0xFFFFFEF0];
	[tilespmem:s28+$0xFFFFFE40] =	vst v1;
	v1 =	vmul.f32 v33, v19  }
0x1dc: {  	v47 =	vld [tilespmem:s28+$0xFFFFFF00];
	v43 =	vmul.f32 v36, v63;
	[tilespmem:s28+$0xFFFFFE70] =	vst v40  }
0x1dd: {  	v48 =	vld [tilespmem:s28+$0xFFFFFF10];
	[tilespmem:s28+$0xFFFFFE60] =	vst v1;
	v1 =	vmul.f32 v35, v63  }
0x1de: {  	v50 =	vld [tilespmem:s28+$0xFFFFFF20];
	v46 =	vmul.f32 v39, v63;
	[tilespmem:s28+$0xFFFFFE90] =	vst v43  }
0x1df: {  	v51 =	vld [tilespmem:s28+$0xFFFFFF30];
	[tilespmem:s28+$0xFFFFFE80] =	vst v1;
	v1 =	vmul.f32 v38, v63  }
0x1e0: {  	v53 =	vld [tilespmem:s28+$0xFFFFFF40];
	v49 =	vmul.f32 v42, v63;
	[tilespmem:s28+$0xFFFFFEB0] =	vst v46  }
0x1e1: {  	v54 =	vld [tilespmem:s28+$0xFFFFFF50];
	[tilespmem:s28+$0xFFFFFEA0] =	vst v1;
	v1 =	vmul.f32 v41, v63  }
0x1e2: {  	v56 =	vld [tilespmem:s28+$0xFFFFFF60];
	v52 =	vmul.f32 v45, v63;
	[tilespmem:s28+$0xFFFFFED0] =	vst v49  }
0x1e3: {  	v13 =	vbroadcast v13, $0x0;
	v16 =	vmov s29;
	v57 =	vld [tilespmem:s28+$0xFFFFFF70];
	[tilespmem:s28+$0xFFFFFEC0] =	vst v1;
	v1 =	vmul.f32 v44, v63  }
0x1e4: {  	v3 =	vbroadcast v15, $0x0;
	v16 =	vand.u32 $0x7F, v16;
	v59 =	vld [tilespmem:s28+$0xFFFFFF80];
	v55 =	vmul.f32 v48, v20;
	[tilespmem:s28+$0xFFFFFEF0] =	vst v52  }
0x1e5: {  	v60 =	vld [tilespmem:s28+$0xFFFFFF90];
	v62 =	vor.u32 v0, v16;
	[tilespmem:s28+$0xFFFFFEE0] =	vst v1;
	v1 =	vmul.f32 v47, v20  }
0x1e6: {  	v16 =	vld [tilespmem:s28+$0xFFFFFFC0];
	v15 =	vbroadcast v62, $0x0;
	v58 =	vmul.f32 v51, v20;
	[tilespmem:s28+$0xFFFFFF10] =	vst v55  }
0x1e7: {  	v62 =	vld [tilespmem:s28+$0xFFFFFFA0];
	[tilespmem:s28+$0xFFFFFF00] =	vst v1;
	v1 =	vmul.f32 v50, v20  }
0x1e8: {  	v17 =	vld [tilespmem:s28+$0xFFFFFFD0];
	v61 =	vmul.f32 v54, v20;
	[tilespmem:s28+$0xFFFFFF30] =	vst v58  }
0x1e9: {  	v5 =	vld.idx.msk [tilespmem:v13+s16+$0x0], $0xffff;
	[tilespmem:s28+$0xFFFFFF20] =	vst v1;
	v1 =	vmul.f32 v53, v20  }
0x1ea: {  	v3 =	vld.idx.msk [tilespmem:v3+s16+$0x0], $0xffff;
	v18 =	vmul.f32 v60, v11;
	[tilespmem:s28+$0xFFFFFF50] =	vst v61  }
0x1eb: {  	v51 =	vld [tilespmem:s28+$0x150];
	[tilespmem:s28+$0xFFFFFF40] =	vst v1;
	v1 =	vmul.f32 v56, v20  }
0x1ec: {  	[tilespmem:s28+$0xFFFFFF90] =	vst v18;
	v2 =	vld.idx.msk [tilespmem:v15+s16+$0x0], $0xffff;
	v15 =	vmul.f32 v57, v20  }
0x1ed: {  	v14 =	vbroadcast v14, $0x0;
	v26 =	vld [tilespmem:s28+$0x30];
	[tilespmem:s28+$0xFFFFFF60] =	vst v1;
	v1 =	vmul.f32 v59, v11  }
0x1ee: {  	v24 =	vmul.f32 v17, v11;
	[tilespmem:s28+$0xFFFFFF70] =	vst v15;
	v19 =	vld [tilespmem:s28+$0xFFFFFFE0]  }
0x1ef: {  	v46 =	vld [tilespmem:s28+$0x110];
	[tilespmem:s28+$0xFFFFFF80] =	vst v1;
	v1 =	vmul.f32 v62, v11  }
0x1f0: {  	v22 =	vld [tilespmem:s28+$0x0];
	v58 =	vmul.f32 v51, v3;
	[tilespmem:s28+$0xFFFFFFD0] =	vst v24  }
0x1f1: {  	v49 =	vld [tilespmem:s28+$0x130];
	[tilespmem:s28+$0xFFFFFFA0] =	vst v1;
	v1 =	vmul.f32 v16, v11  }
0x1f2: {  	v25 =	vld [tilespmem:s28+$0x20];
	v33 =	vmul.f32 v26, v5;
	[tilespmem:s28+$0x150] =	vst v58  }
0x1f3: {  	v4 =	vld.idx.msk [tilespmem:v14+s16+$0x0], $0xffff;
	[tilespmem:s28+$0xFFFFFFC0] =	vst v1;
	v1 =	vmul.f32 v19, v11  }
0x1f4: {  	v28 =	vld [tilespmem:s28+$0x40];
	v52 =	vmul.f32 v46, v3;
	[tilespmem:s28+$0x30] =	vst v33  }
0x1f5: {  	v29 =	vld [tilespmem:s28+$0x50];
	[tilespmem:s28+$0xFFFFFFE0] =	vst v1;
	v1 =	vmul.f32 v22, v5  }
0x1f6: {  	v31 =	vld [tilespmem:s28+$0x60];
	v55 =	vmul.f32 v49, v3;
	[tilespmem:s28+$0x110] =	vst v52  }
0x1f7: {  	v8 =	vmul.f32 v23, v2;
	v23 =	vld [tilespmem:s28+$0x10];
	[tilespmem:s28+$0x0] =	vst v1;
	v1 =	vmul.f32 v25, v5  }
0x1f8: {  	v34 =	vld [tilespmem:s28+$0x80];
	[tilespmem:s28+$0x130] =	vst v55  }
0x1f9: {  	v35 =	vld [tilespmem:s28+$0x90];
	[tilespmem:s28+$0x20] =	vst v1;
	v1 =	vmul.f32 v28, v5  }
0x1fa: {  	v37 =	vld [tilespmem:s28+$0xA0];
	v36 =	vmul.f32 v29, v5;
	[tilespmem:s28+$0x1F0] =	vst v8  }
0x1fb: {  	v38 =	vld [tilespmem:s28+$0xB0];
	[tilespmem:s28+$0x40] =	vst v1;
	v1 =	vmul.f32 v31, v5  }
0x1fc: {  	v39 =	vld [tilespmem:s28+$0xC0];
	[tilespmem:s28+$0x50] =	vst v36;
	v30 =	vmul.f32 v23, v5  }
0x1fd: {  	v40 =	vld [tilespmem:s28+$0xD0];
	[tilespmem:s28+$0x60] =	vst v1;
	v1 =	vmul.f32 v34, v4  }
0x1fe: {  	v42 =	vld [tilespmem:s28+$0xE0];
	v41 =	vmul.f32 v35, v4;
	[tilespmem:s28+$0x10] =	vst v30  }
0x1ff: {  	v63 =	vld [tilespmem:s28+$0xFFFFFFB0];
	[tilespmem:s28+$0x80] =	vst v1;
	v1 =	vmul.f32 v37, v4  }
0x200: {  	v45 =	vld [tilespmem:s28+$0x100];
	[tilespmem:s28+$0x90] =	vst v41;
	v44 =	vmul.f32 v38, v4  }
0x201: {  	v20 =	vld [tilespmem:s28+$0xFFFFFFF0];
	[tilespmem:s28+$0xA0] =	vst v1;
	v1 =	vmul.f32 v39, v4  }
0x202: {  	v48 =	vld [tilespmem:s28+$0x120];
	v47 =	vmul.f32 v40, v4;
	[tilespmem:s28+$0xB0] =	vst v44  }
0x203: {  	v32 =	vld [tilespmem:s28+$0x70];
	[tilespmem:s28+$0xC0] =	vst v1;
	v1 =	vmul.f32 v42, v4  }
0x204: {  	[tilespmem:s28+$0xD0] =	vst v47;
	v50 =	vld [tilespmem:s28+$0x140];
	v21 =	vmul.f32 v63, v11  }
0x205: {  	v43 =	vld [tilespmem:s28+$0xF0];
	[tilespmem:s28+$0xE0] =	vst v1;
	v1 =	vmul.f32 v45, v3  }
0x206: {  	v53 =	vld [tilespmem:s28+$0x160];
	[tilespmem:s28+$0xFFFFFFB0] =	vst v21;
	v27 =	vmul.f32 v20, v11  }
0x207: {  	v54 =	vld [tilespmem:s28+$0x170];
	[tilespmem:s28+$0x100] =	vst v1;
	v1 =	vmul.f32 v48, v3  }
0x208: {  	v56 =	vld [tilespmem:s28+$0x180];
	[tilespmem:s28+$0xFFFFFFF0] =	vst v27;
	v5 =	vmul.f32 v32, v5  }
0x209: {  	v57 =	vld [tilespmem:s28+$0x190];
	[tilespmem:s28+$0x120] =	vst v1;
	v1 =	vmul.f32 v50, v3  }
0x20a: {  	v59 =	vld [tilespmem:s28+$0x1A0];
	[tilespmem:s28+$0x70] =	vst v5;
	v4 =	vmul.f32 v43, v4  }
0x20b: {  	v60 =	vld [tilespmem:s28+$0x1B0];
	[tilespmem:s28+$0x140] =	vst v1;
	v1 =	vmul.f32 v53, v3  }
0x20c: {  	v61 =	vld [tilespmem:s28+$0x1C0];
	[tilespmem:s28+$0xF0] =	vst v4;
	v3 =	vmul.f32 v54, v3  }
0x20d: {  	v62 =	vld [tilespmem:s28+$0x1D0];
	[tilespmem:s28+$0x160] =	vst v1;
	v1 =	vmul.f32 v56, v2  }
0x20e: {  	v63 =	vld [tilespmem:s28+$0x1E0];
	[tilespmem:s28+$0x170] =	vst v3;
	v3 =	vmul.f32 v57, v2  }
0x20f: {  	[tilespmem:s28+$0x180] =	vst v1;
	v1 =	vmul.f32 v59, v2  }
0x210: {  	[tilespmem:s28+$0x190] =	vst v3;
	v3 =	vmul.f32 v60, v2  }
0x211: {  	[tilespmem:s28+$0x1A0] =	vst v1;
	v1 =	vmul.f32 v61, v2  }
0x212: {  	[tilespmem:s28+$0x1B0] =	vst v3;
	v3 =	vmul.f32 v62, v2  }
0x213: {  	[tilespmem:s28+$0x1C0] =	vst v1;
	v1 =	vmul.f32 v63, v2  }
0x214: {  	[tilespmem:s28+$0x1D0] =	vst v3  }
0x215: {  	s29 =	simm.s32 $0x1F870;
	s26 =	simm.s32 $0x78;
	[tilespmem:s28+$0x1E0] =	vst v1  }
.LBB2_10:
0x216: {  	v1 =	vmov s26  }
0x217: {  	v1 =	vand.u32 $0x7F, v1  }
0x218: {  	v1 =	vadd.s32 v0, v1  }
0x219: {  	v1 =	vbroadcast v1, $0x0;
	_ =	sdelay $0x4  }
0x21a: {  	v2 =	vld [tilespmem:s29+$0xFFFFFF90]  }
0x21b: {  	v1 =	vld.idx.msk [tilespmem:v1+s16+$0x0], $0xffff;
	_ =	sdelay $0x4  }
0x21c: {  	v2 =	vmul.f32 v2, v1;
	_ =	sdelay $0x1  }
0x21d: {  	[tilespmem:s29+$0xFFFFFF90] =	vst v2;
	v2 =	vld [tilespmem:s29+$0xFFFFFFA0];
	_ =	sdelay $0x4  }
0x21e: {  	v2 =	vmul.f32 v2, v1;
	_ =	sdelay $0x1  }
0x21f: {  	[tilespmem:s29+$0xFFFFFFA0] =	vst v2;
	v2 =	vld [tilespmem:s29+$0xFFFFFFB0];
	_ =	sdelay $0x4  }
0x220: {  	v2 =	vmul.f32 v2, v1;
	_ =	sdelay $0x1  }
0x221: {  	[tilespmem:s29+$0xFFFFFFB0] =	vst v2;
	v2 =	vld [tilespmem:s29+$0xFFFFFFC0];
	_ =	sdelay $0x4  }
0x222: {  	v2 =	vmul.f32 v2, v1;
	_ =	sdelay $0x1  }
0x223: {  	[tilespmem:s29+$0xFFFFFFC0] =	vst v2;
	v2 =	vld [tilespmem:s29+$0xFFFFFFD0];
	_ =	sdelay $0x4  }
0x224: {  	v2 =	vmul.f32 v2, v1;
	_ =	sdelay $0x1  }
0x225: {  	[tilespmem:s29+$0xFFFFFFD0] =	vst v2;
	v2 =	vld [tilespmem:s29+$0xFFFFFFE0];
	_ =	sdelay $0x4  }
0x226: {  	v2 =	vmul.f32 v2, v1;
	_ =	sdelay $0x1  }
0x227: {  	[tilespmem:s29+$0xFFFFFFE0] =	vst v2;
	v2 =	vld [tilespmem:s29+$0xFFFFFFF0];
	_ =	sdelay $0x4  }
0x228: {  	v2 =	vmul.f32 v2, v1;
	_ =	sdelay $0x1  }
0x229: {  	[tilespmem:s29+$0xFFFFFFF0] =	vst v2;
	v2 =	vld [tilespmem:s29+$0x0];
	_ =	sdelay $0x1  }
0x22a: {  	p1 =	sne.s32 s26, $0x7C  }
.Ltmp3:
0x22b: {  	_ = 	snop;
	(pc) =	sbr.rel @p1 .LBB2_10-.Ltmp3, $3  }
0x22c: {  	_ = 	snop  }
0x22d: {  	v1 =	vmul.f32 v2, v1;
	_ =	sdelay $0x1  }
0x22e: {  	s26 =	sadd.s32 $0x1, s26;
	[tilespmem:s29+$0x0] =	vst v1;
	s29 =	sadd.s32 $0x80, s29  }
0x22f: {  	s24 =	sadd.s32 $0x1, s24  }
0x230: {  	p1 =	sne.s32 s24, $0x14  }
.Ltmp4:
0x231: {  	s25 =	sadd.s32 $0x15400, s25;
	(pc) =	sbr.rel @p1 .LBB2_3-.Ltmp4, $4  }
0x232: {  	[spmem:s2] =	stream.indirect.scatter.add.f32 [tilespmem:s20], [sflag:$0x3], $0x80, s25, s17, $0xb8;
	[tilespmem:$0x1FC00] =	vst v63  }
0x233: {  	_ =	swait.ge [sflag:s13], $0x3E80  }
0x234: {  	[sflag:s13] =	ssyncset.done $0x0  }
0x235: {  	[sflag:s13] =	ssyncadd.s32 $0xFFFFC180  }
.Ltmp5:
0x236: {  	(pc) =	sbr.rel @p0 .LBB2_2-.Ltmp5, $2  }
0x237: {  	_ =	sdelay $0x2  }
0x238: {  	s23 =	simm.s32 $0x28;
	p1 =	por $0x0, $0x0  }
0x239: {  	s3 =	sadd.s32 $0x1, s3  }
0x23a: {  	p0 =	sne.s32 s3, s11  }
.Ltmp6:
0x23b: {  	[bflag:$0x0] =	sbarrier.arrive $0xFFFF;
	(pc) =	sbr.rel @p0 .LBB2_1-.Ltmp6, $4  }
0x23c: {  	[hbm:s22], [sflag:s8] =	dma.local [spmem:s12], $0x2800  }
0x23d: {  	_ =	swait.ge [sflag:s13], $0x2800  }
0x23e: {  	[sflag:s13] =	ssyncset.done $0x0  }
0x23f: {  	[sflag:s13] =	ssyncadd.s32 $0xFFFFD800  }
0x240: {  	_ =	sfence.sel $0x180000  }
0x241: {  	[bflag:$0x0] =	sbarrier.arrive $0xFFFF  }
0x242: {  	p0 =	sne.s32 s4, $0x0;
	_ =	strace $0x9000004D  }
0x243: {  	s0 =	sadd.s32 @!p0 $0x100000, s0;
	[bflag:$0x2] =	sbarrier.arrive $0xFFFF  }
0x244: {  	[sflag:s0] =	ssyncadd.tile.s32 @!p0 $0x1;
	_ =	shalt  }
.Lfunc_end2:
_tile_overlayer_lowered:
.L_overlay_start_2:
0x245: {  	(tag) =	ssettag $0x2  }
0x246: {  	s0 =	rddreg [dreg:$0x0];
	s2 =	stileid.u32  }
0x247: {  	s1 =	rddreg [dreg:$0x1];
	p0 =	sne.s32 s2, $0x0  }
0x248: {  	s3 =	rddreg [dreg:$0x2];
	[bflag:$0x3] =	sbarrier.arrive $0xFFFF;
	s2 =	simm.s32 @!p0 $0x1C03  }
0x249: {  	[timem:s3], [sflag:s2] =	dma.local @!p0 [hbm:s0], s1  }
0x24a: {  	s0 =	simm.s32 @!p0 $0x3  }
0x24b: {  	_ =	swait.ge @!p0 [sflag:s0], s1  }
0x24c: {  	s1 =	ssub.s32 @!p0 $0x0, s1;
	[sflag:s0] =	ssyncset.done @!p0 $0x0  }
0x24d: {  	[sflag:s0] =	ssyncadd.s32 @!p0 s1  }
0x24e: {  	[bflag:$0x3] =	sbarrier.arrive $0xFFFF  }
0x24f: {  	_ =	shalt  }

// kernel: kernel.8.cloned.1.call-start
scs
__scs_entry_jumppad:
0x0: {  	(pc) =	sbr.rel $0x88, $3  }
0x1: {  	(tag) =	ssettag $0x0;
	lr =	simm.s32 $0x1  }
0x2: {  	[smem:$0x3F9A] =	sst lr;
	_ =	strace $0xD0000000  }
0x3: {  	_ = 	snop  }
0x4: {  	_ = 	snop  }
0x5: {  	_ = 	snop  }
0x6: {  	_ = 	snop  }
0x7: {  	_ = 	snop  }
__scs_overlays_trampoline_lowered:
0x8: {  	[smem:$0x3FA9] =	sst s0  }
0x9: {  	[smem:$0x3FAA] =	sst s1  }
0xa: {  	[smem:$0x3FAB] =	sst s2  }
0xb: {  	[smem:$0x3FAC] =	sst s3  }
0xc: {  	[smem:$0x3FAD] =	sst s4  }
0xd: {  	[smem:$0x3FAE] =	sst s5  }
0xe: {  	[smem:$0x3FAF] =	sst s6  }
0xf: {  	[smem:$0x3FB0] =	sst s7  }
0x10: {  	[smem:$0x3FB1] =	sst s8  }
0x11: {  	[smem:$0x3FB2] =	sst s9;
	s0 =	simm.s32 @!p0 $0x0  }
0x12: {  	s1 =	sld [smem:$0x3F98];
	s0 =	simm.s32 @p0 $0x1  }
0x13: {  	[smem:$0x3FB3] =	sst s0;
	s0 =	simm.s32 @!p1 $0x0  }
0x14: {  	s2 =	sld [smem:$0x3F97];
	s0 =	simm.s32 @p1 $0x1  }
0x15: {  	[smem:$0x3FB4] =	sst s0;
	s0 =	simm.s32 @!p2 $0x0  }
0x16: {  	s3 =	sld [smem:$0x3FDB];
	s0 =	simm.s32 @p2 $0x1  }
0x17: {  	s4 =	simm.s32 $0x1BF5;
	[smem:$0x3FB6] =	sst s0  }
0x18: {  	s0 =	sld [smem:$0x3F99];
	_ =	swait.ge [sflag:s4], $0x0  }
0x19: {  	s7 =	sld [smem:$0x3F9A]  }
0x1a: {  	s8 =	sadd.s32 $0xFFFFE003, lr  }
0x1b: {  	s9 =	sadd.s32 $0xFFFFFEF7, lr;
	s5 =	simm.s32 $0xFFFFFFFF;
	p2 =	slt.u32 s8, $0xFFFFF086  }
0x1c: {  	p1 =	slt.u32 s9, $0xF7A;
	s5 =	simm.s32 @!p2 $0x0  }
0x1d: {  	s5 =	simm.s32 @p1 $0x1;
	p0 =	seq.s32 s7, s2  }
0x1e: {  	s7 =	smul.u32 @!p0 $0xF7A, s2;
	p2 =	seq.s32 @!p0 s5, $0x0  }
0x1f: {  	s9 =	smul.u32 $0xF7A, s1;
	s8 =	simm.s32 @!p0 $0x1BF5;
	p2 =	por !p2, p0  }
0x20: {  	[sflag:s8] =	ssyncset.s32 @!p0 $0xFFFFF086;
	s6 =	sadd.s32 @!p0 s3, s7;
	s7 =	simm.s32 @!p0 $0x108  }
0x21: {  	s3 =	sadd.s32 s3, s9;
	s6 =	sadd.s32 @!p0 $0x88, s6;
	s7 =	simm.s32 @p2 $0x1082  }
0x22: {  	[simem:s7], [sflag:s8] =	dma.local @!p0 [hbm:s6], $0xF7A  }
0x23: {  	s9 =	sor.u32 $0xD0000000, s2;
	s6 =	simm.s32 $0x108;
	_ =	swait.ge @!p0 [sflag:s8], $0x0  }
0x24: {  	s3 =	sadd.s32 $0x88, s3;
	s6 =	simm.s32 @!p1 $0x1082;
	[sflag:s4] =	ssyncset.s32 $0xFFFFF086  }
0x25: {  	[simem:s6], [sflag:s4] =	dma.local [hbm:s3], $0xF7A  }
0x26: {  	[smem:$0x3F9A] =	sst s1;
	(tag) =	ssettag s2;
	_ =	strace s9  }
0x27: {  	s1 =	sld [smem:$0x3FAA]  }
0x28: {  	s2 =	sld [smem:$0x3FAB]  }
0x29: {  	s4 =	sld [smem:$0x3FAD]  }
0x2a: {  	p0 =	seq.s32 s5, $0x0;
	s5 =	sld [smem:$0x3FAE]  }
0x2b: {  	s6 =	sld [smem:$0x3FAF]  }
0x2c: {  	s7 =	sld [smem:$0x3FB0]  }
0x2d: {  	s3 =	simm.s32 $0x108;
	s8 =	sld [smem:$0x3FB1]  }
0x2e: {  	s3 =	simm.s32 @!p0 $0x1082;
	s9 =	sld [smem:$0x3FB2]  }
0x2f: {  	lr =	sadd.s32 s0, s3;
	s0 =	sld [smem:$0x3FA9]  }
0x30: {  	s3 =	sld [smem:$0x3FAC]  }
0x31: {  	[smem:$0x3FB5] =	sst s10  }
0x32: {  	s10 =	sld [smem:$0x3FB3];
	_ =	sdelay $0x3  }
0x33: {  	p0 =	seq.s32 s10, $0x1;
	s10 =	sld [smem:$0x3FB5];
	_ =	sdelay $0x3  }
0x34: {  	[smem:$0x3FB5] =	sst s10  }
0x35: {  	s10 =	sld [smem:$0x3FB4];
	_ =	sdelay $0x3  }
0x36: {  	p1 =	seq.s32 s10, $0x1;
	s10 =	sld [smem:$0x3FB5];
	_ =	sdelay $0x3  }
0x37: {  	[smem:$0x3FB5] =	sst s10  }
0x38: {  	s10 =	sld [smem:$0x3FB6]  }
0x39: {  	_ = 	snop;
	(pc) =	sbr.ind lr, $3  }
0x3a: {  	_ = 	snop  }
0x3b: {  	_ = 	snop  }
0x3c: {  	p2 =	seq.s32 s10, $0x1;
	s10 =	sld [smem:$0x3FB5]  }
0x3d: {  	_ =	shalt  }
0x3e: {  	_ =	shalt  }
0x3f: {  	_ =	shalt  }
0x40: {  	_ =	shalt  }
0x41: {  	_ =	shalt  }
0x42: {  	_ =	shalt  }
0x43: {  	_ =	shalt  }
0x44: {  	_ =	shalt  }
0x45: {  	_ =	shalt  }
0x46: {  	_ =	shalt  }
0x47: {  	_ =	shalt  }
0x48: {  	_ =	shalt  }
0x49: {  	_ =	shalt  }
0x4a: {  	_ =	shalt  }
0x4b: {  	_ =	shalt  }
0x4c: {  	_ =	shalt  }
0x4d: {  	_ =	shalt  }
0x4e: {  	_ =	shalt  }
0x4f: {  	_ =	shalt  }
0x50: {  	_ =	shalt  }
0x51: {  	_ =	shalt  }
0x52: {  	_ =	shalt  }
0x53: {  	_ =	shalt  }
0x54: {  	_ =	shalt  }
0x55: {  	_ =	shalt  }
0x56: {  	_ =	shalt  }
0x57: {  	_ =	shalt  }
0x58: {  	_ =	shalt  }
0x59: {  	_ =	shalt  }
0x5a: {  	_ =	shalt  }
0x5b: {  	_ =	shalt  }
0x5c: {  	_ =	shalt  }
0x5d: {  	_ =	shalt  }
0x5e: {  	_ =	shalt  }
0x5f: {  	_ =	shalt  }
0x60: {  	_ =	shalt  }
0x61: {  	_ =	shalt  }
0x62: {  	_ =	shalt  }
0x63: {  	_ =	shalt  }
0x64: {  	_ =	shalt  }
0x65: {  	_ =	shalt  }
0x66: {  	_ =	shalt  }
0x67: {  	_ =	shalt  }
0x68: {  	_ =	shalt  }
0x69: {  	_ =	shalt  }
0x6a: {  	_ =	shalt  }
0x6b: {  	_ =	shalt  }
0x6c: {  	_ =	shalt  }
0x6d: {  	_ =	shalt  }
0x6e: {  	_ =	shalt  }
0x6f: {  	_ =	shalt  }
0x70: {  	_ =	shalt  }
0x71: {  	_ =	shalt  }
0x72: {  	_ =	shalt  }
0x73: {  	_ =	shalt  }
0x74: {  	_ =	shalt  }
0x75: {  	_ =	shalt  }
0x76: {  	_ =	shalt  }
0x77: {  	_ =	shalt  }
0x78: {  	_ =	shalt  }
0x79: {  	_ =	shalt  }
0x7a: {  	_ =	shalt  }
0x7b: {  	_ =	shalt  }
0x7c: {  	_ =	shalt  }
0x7d: {  	_ =	shalt  }
0x7e: {  	_ =	shalt  }
0x7f: {  	_ =	shalt  }
0x80: {  	_ =	shalt  }
0x81: {  	_ =	shalt  }
0x82: {  	_ =	shalt  }
0x83: {  	_ =	shalt  }
0x84: {  	_ =	shalt  }
0x85: {  	_ =	shalt  }
0x86: {  	_ =	shalt  }
0x87: {  	_ =	shalt  }
.Lfunc_end0:
.L_simem_size_0:
called_computation_lowered:
.L_overlay_start_0:
0x88: {  	s2 =	sld [smem:$0x3FD9]  }
0x89: {  	s3 =	sld [smem:$0x3FFE];
	_ =	sdelay $0x1  }
0x8a: {  	s1 =	srdreg.scid  }
0x8b: {  	s0 =	sand.u32 $0x1, s1  }
0x8c: {  	s17 =	sshll.u32 s0, $0xA;
	s2 =	sadd.s32 s3, s2  }
0x8d: {  	s2 =	sadd.s32 s2, s17  }
0x8e: {  	[smem:$0x3FC1] =	sst s2  }
0x8f: {  	_ = 	snop  }
0x90: {  	s2 =	sld [smem:$0x3FD0];
	(tm) =	ssettm $0x1  }
0x91: {  	s18 =	sld [smem:$0x3FFB];
	_ =	sdelay $0x3  }
0x92: {  	_ =	strace s18  }
0x93: {  	s3 =	sld [smem:$0x3FFC];
	_ =	sdelay $0x3  }
0x94: {  	_ =	strace s3  }
0x95: {  	s3 =	sld [smem:$0x3FFD];
	_ =	sdelay $0x3  }
0x96: {  	_ =	strace s3  }
0x97: {  	_ =	strace $0x8FFFFFFF  }
0x98: {  	s19 =	sld [smem:$0x3FDB];
	_ =	sdelay $0x1  }
0x99: {  	s4 =	simm.s32 $_scs_section_size  }
0x9a: {  	s5 =	simm.s32 $_size__tile_overlayer_lowered;
	s6 =	simm.s32 $_tile_overlayer_lowered  }
0x9b: {  	s22 =	simm.s32 $0x1BFF;
	s21 =	sshll.u32 s6, $0x1;
	s3 =	sadd.s32 s4, s19  }
0x9c: {  	s7 =	simm.s32 $0x0;
	s20 =	sshll.u32 s5, $0x1;
	s5 =	sadd.s32 s21, s3  }
0x9d: {  	[timem:s7], [sflag:s22] =	dma.local [hbm:s5], s20  }
0x9e: {  	_ =	swait.ge [sflag:s22], s20  }
0x9f: {  	s4 =	ssub.s32 $0x0, s20;
	[sflag:s22] =	ssyncset.done $0x0  }
0xa0: {  	[sflag:s22] =	ssyncadd.s32 s4;
	_ =	sdelay $0x1  }
0xa1: {  	s23 =	simm.s32 $0x1B8B  }
0xa2: {  	_ =	swait.ge [sflag:s23], $0x1  }
0xa3: {  	[sflag:s23] =	ssyncset.done $0x0  }
0xa4: {  	s25 =	simm.s32 $0x1B8E;
	s24 =	sld [smem:$0x3FFE];
	[sflag:s23] =	ssyncadd.s32 $0xFFFFFFFF  }
0xa5: {  	s26 =	simm.s32 $execute0_lowered;
	[smem:$0x3FD2] =	sst s25  }
0xa6: {  	s5 =	sshll.u32 s26, $0x1;
	_ =	strace $0x80000046;
	[dreg:$0x1] =	wrdreg $0xFFFFFFFF  }
0xa7: {  	s28 =	simm.s32 $_size_execute0_lowered;
	s3 =	sadd.s32 s3, s5;
	[dreg:$0x0] =	wrdreg $0x0  }
0xa8: {  	s5 =	sshll.u32 s28, $0x1;
	[dreg:$0x2] =	wrdreg s3  }
0xa9: {  	[dreg:$0x3] =	wrdreg s5  }
0xaa: {  	[dreg:$0x4] =	wrdreg $0xC0  }
0xab: {  	_ =	task [dreg:s7], $0x5FFFF  }
0xac: {  	[dreg:$0x1] =	wrdreg $0xFFFFFFFF  }
0xad: {  	[dreg:$0x0] =	wrdreg $0x60  }
0xae: {  	[dreg:$0x2] =	wrdreg s2  }
0xaf: {  	[dreg:$0x3] =	wrdreg s24  }
0xb0: {  	[dreg:$0x4] =	wrdreg $0x0  }
0xb1: {  	[dreg:$0x5] =	wrdreg $0x9  }
0xb2: {  	_ =	task.clear_ibuf [dreg:s7], $0x6FFFF;
	_ =	strace $0x90000046  }
0xb3: {  	s29 =	simm.s32 $0x9;
	_ =	strace $0x80000048  }
0xb4: {  	_ =	swait.ge [sflag:s29], $0x1  }
0xb5: {  	[sflag:s29] =	ssyncadd.s32 $0xFFFFFFFF  }
0xb6: {  	_ =	strace $0x90000048  }
0xb7: {  	_ =	sfence  }
0xb8: {  	s30 =	sld [smem:$0x0];
	_ =	sdelay $0x2  }
0xb9: {  	s31 =	sshll.u32 s1, $0xD;
	s1 =	sshrl.u32 s1, $0x2  }
0xba: {  	s3 =	sand.u32 $0x4000, s31;
	s1 =	sadd.s32 s1, s30  }
0xbb: {  	s0 =	sor.u32 s3, s0;
	s1 =	sshll.u32 s1, $0x11  }
0xbc: {  	s0 =	sor.u32 s1, s0  }
0xbd: {  	s0 =	sadd.s32 $0x8F2B, s0  }
0xbe: {  	[sflag:s0] =	ssyncadd.remote.s32 $0x1  }
0xbf: {  	_ =	sfence.sel $0xFFFF  }
0xc0: {  	[dreg:$0x0] =	wrdreg $0xFFFFFFFF;
	(pc) =	sbr.abs _section_cstart, $3  }
0xc1: {  	[dreg:$0x1] =	wrdreg $0xFFFFFFFF  }
0xc2: {  	_ =	task.clear_ibuf [dreg:s7], $0x2FFFF;
	_ =	strace $0x9FFFFFFF  }
0xc3: {  	(tm) =	ssettm $0x7FFFFFFF  }
tec
execute0_lowered:
.L_overlay_start_1:
0x0: {  	(tag) =	ssettag $0x1  }
0x1: {  	s6 =	rddreg [dreg:$0x0]  }
0x2: {  	s5 =	rddreg [dreg:$0x1]  }
0x3: {  	s0 =	srdreg.scid;
	s2 =	rddreg [dreg:$0x2]  }
0x4: {  	s1 =	rddreg [dreg:$0x3];
	s3 =	simm.s32 $0x0;
	s7 =	sand.u32 $0x1, s0  }
0x5: {  	s13 =	simm.s32 $0x7D;
	s0 =	stileid.u32;
	s4 =	smul.u32 $0x280, s7  }
0x6: {  	s14 =	simm.s32 $0x16800;
	[smem:$0x7FF] =	sst s3;
	s8 =	smul.u32 $0x28, s0  }
0x7: {  	s15 =	simm.s32 $0x1A800;
	s29 =	smul.u32 $0x28000, s7;
	_ =	strace $0x80000047  }
0x8: {  	s10 =	smul.u32 $0x50000, s0;
	s7 =	ssub.s32 $0x2, s7;
	s31 =	sshll.u32 s0, $0x6  }
0x9: {  	s17 =	smul.u32 $0x2800, s0;
	s30 =	sshrl.u32 s7, $0x1;
	s4 =	sadd.s32 s8, s4  }
0xa: {  	s8 =	sadd.s32 s29, s5;
	s10 =	sshrl.u32 s10, $0x2;
	s12 =	ssub.s32 s7, s30  }
0xb: {  	s9 =	sshll.u32 s4, $0x4;
	s4 =	sadd.s32 $0x6E00, s5;
	s10 =	sadd.s32 s10, s2  }
0xc: {  	s16 =	sadd.s32 $0x9600, s8;
	s8 =	smax.u32 s12, $0x1;
	s12 =	simm.s32 $0x15400  }
0xd: {  	s11 =	sadd.s32 s9, s5;
	s5 =	sor.u32 $0x1C01, s31;
	s6 =	sadd.s32 s6, s9  }
0xe: {  	s9 =	sshrl.u32 s10, $0x3;
	s10 =	simm.s32 $0x1;
	s16 =	sadd.s32 s17, s16  }
0xf: {  	v0 =	vimm.f32 $0.0e+00;
	s17 =	simm.s32 $0x0;
	s7 =	sadd.s32 $0x1E00, s11;
	s11 =	simm.s32 $0x14000  }
.LBB2_1:
0x10: {  	[spmem:s9], [sflag:s5] =	dma.local [hbm:s4], $0x2800  }
0x11: {  	_ =	swait.ge [sflag:s10], $0x2800  }
0x12: {  	[sflag:s10] =	ssyncset.done $0x0  }
0x13: {  	[sflag:s10] =	ssyncadd.s32 $0xFFFFD800  }
0x14: {  	[tilespmem:s11], [sflag:$0x1] =	stream.linear.gather [hbm4b:s6+s3], $0x1400, $0x38;
	[tilespmem:$0x1E800] =	vst v63  }
0x15: {  	_ =	swait.ge [sflag:s10], $0x1400  }
0x16: {  	[sflag:s10] =	ssyncset.done $0x0  }
0x17: {  	[sflag:s10] =	ssyncadd.s32 $0xFFFFEC00  }
0x18: {  	[tilespmem:s12], [sflag:$0x1] =	stream.linear.gather [hbm4b:s7+s3], $0x1400, $0x38;
	[tilespmem:$0x1E800] =	vst v63  }
0x19: {  	_ =	swait.ge [sflag:s10], $0x1400  }
0x1a: {  	[sflag:s10] =	ssyncset.done $0x0  }
0x1b: {  	s18 =	simm.s32 $0x0;
	s19 =	simm.s32 $0x200;
	[sflag:s10] =	ssyncadd.s32 $0xFFFFEC00  }
.LBB2_2:
0x1c: {  	p0 =	sne.s32 s19, $0xF800;
	[tilespmem:s18+$0x1A870] =	vst v0  }
0x1d: {  	[tilespmem:s18+$0x16810] =	vst v0  }
0x1e: {  	[tilespmem:s18+$0x1A810] =	vst v0  }
0x1f: {  	[tilespmem:s18+$0x16820] =	vst v0  }
0x20: {  	[tilespmem:s18+$0x1A820] =	vst v0  }
0x21: {  	[tilespmem:s18+$0x16830] =	vst v0  }
0x22: {  	[tilespmem:s18+$0x1A830] =	vst v0  }
0x23: {  	[tilespmem:s18+$0x16840] =	vst v0  }
0x24: {  	[tilespmem:s18+$0x1A840] =	vst v0  }
.Ltmp0:
0x25: {  	[tilespmem:s18+$0x16850] =	vst v0;
	(pc) =	sbr.rel @p0 .LBB2_2-.Ltmp0, $4  }
0x26: {  	[tilespmem:s18+$0x1A850] =	vst v0  }
0x27: {  	[tilespmem:s18+$0x16860] =	vst v0  }
0x28: {  	[tilespmem:s18+$0x1A860] =	vst v0  }
0x29: {  	[tilespmem:s18+$0x16870] =	vst v0;
	s18 =	sshra.s32 s19, $0x2;
	s19 =	sadd.s32 $0x200, s19  }
0x2a: {  	[tilespmem:s18+$0x1A870] =	vst v0  }
0x2b: {  	[tilespmem:s18+$0x16810] =	vst v0  }
0x2c: {  	[tilespmem:s18+$0x1A810] =	vst v0  }
0x2d: {  	[tilespmem:s18+$0x16820] =	vst v0  }
0x2e: {  	[tilespmem:s18+$0x1A820] =	vst v0  }
0x2f: {  	[tilespmem:s18+$0x16830] =	vst v0  }
0x30: {  	[tilespmem:s18+$0x1A830] =	vst v0  }
0x31: {  	[tilespmem:s18+$0x16840] =	vst v0  }
0x32: {  	[tilespmem:s18+$0x1A840] =	vst v0  }
0x33: {  	[tilespmem:s18+$0x16850] =	vst v0  }
0x34: {  	[tilespmem:s18+$0x1A850] =	vst v0  }
0x35: {  	[tilespmem:s18+$0x16860] =	vst v0  }
0x36: {  	[tilespmem:s18+$0x1A860] =	vst v0  }
0x37: {  	[tilespmem:s18+$0x16870] =	vst v0  }
0x38: {  	s18 =	simm.s32 $0x0;
	s19 =	simm.s32 $0x0;
	[bflag:$0x0] =	sbarrier.arrive $0xFFFF  }
.LBB2_4:
0x39: {  	s20 =	sshll.u32 s19, $0x8  }
0x3a: {  	v2 =	vmov s18;
	s21 =	simm.s32 $0x1;
	s22 =	simm.s32 $0x2;
	s23 =	simm.s32 $0x3;
	v1 =	vmov s20  }
0x3b: {  	s29 =	simm.s32 $0x7;
	s30 =	simm.s32 $0x4;
	s31 =	simm.s32 $0x5;
	v3 =	vmov s21;
	v4 =	vmov s22;
	v5 =	vmov s23  }
0x3c: {  	s24 =	simm.s32 $0x9;
	v6 =	vmov s29;
	v7 =	vmov s30;
	v8 =	vmov s31  }
0x3d: {  	s22 =	simm.s32 $0x6;
	v2 =	vand.u32 $0x78, v2;
	v11 =	vmov s24;
	v6 =	vand.u32 $0x7F, v6  }
0x3e: {  	v3 =	vand.u32 $0x79, v3;
	v9 =	vmov s22;
	v6 =	vor.u32 v1, v6  }
0x3f: {  	v4 =	vand.u32 $0x7A, v4;
	v3 =	vor.u32 v1, v3;
	v6 =	vbroadcast v6, $0x0  }
0x40: {  	v5 =	vand.u32 $0x7B, v5;
	v4 =	vor.u32 v1, v4;
	v3 =	vbroadcast v3, $0x0  }
0x41: {  	v7 =	vand.u32 $0x7C, v7;
	v5 =	vor.u32 v1, v5;
	v4 =	vbroadcast v4, $0x0  }
0x42: {  	v8 =	vand.u32 $0x7D, v8;
	v7 =	vor.u32 v1, v7;
	v5 =	vbroadcast v5, $0x0  }
0x43: {  	s25 =	simm.s32 $0xA;
	v8 =	vor.u32 v1, v8;
	v9 =	vand.u32 $0x7E, v9;
	v7 =	vbroadcast v7, $0x0  }
0x44: {  	s28 =	simm.s32 $0xF;
	v12 =	vmov s25;
	v8 =	vbroadcast v8, $0x0;
	v9 =	vor.u32 v1, v9  }
0x45: {  	s26 =	simm.s32 $0xB;
	v14 =	vmov s28;
	v2 =	vor.u32 v1, v2;
	v9 =	vbroadcast v9, $0x0;
	v6 =	vld.idx.msk [tilespmem:v6+s12+$0x0], $0xffff  }
0x46: {  	s23 =	simm.s32 $0x8;
	v13 =	vmov s26;
	s30 =	simm.s32 $0xD;
	v14 =	vand.u32 $0x7F, v14;
	v2 =	vbroadcast v2, $0x0;
	v3 =	vld.idx.msk [tilespmem:v3+s12+$0x0], $0xffff  }
0x47: {  	v10 =	vmov s23;
	v16 =	vmov s30;
	v14 =	vor.u32 v1, v14;
	v15 =	vld.idx.msk [tilespmem:v4+s12+$0x0], $0xffff  }
0x48: {  	s29 =	simm.s32 $0xC;
	s31 =	simm.s32 $0xE;
	v12 =	vand.u32 $0x7A, v12;
	v14 =	vbroadcast v14, $0x0;
	v17 =	vld.idx.msk [tilespmem:v5+s12+$0x0], $0xffff;
	v5 =	vand.u32 $0x79, v11  }
0x49: {  	s22 =	simm.s32 $0x16A00;
	v4 =	vmov s29;
	v11 =	vmov s31;
	v7 =	vld.idx.msk [tilespmem:v7+s12+$0x0], $0xffff;
	v5 =	vor.u32 v1, v5  }
0x4a: {  	v18 =	vld.idx.msk [tilespmem:v8+s12+$0x0], $0xffff;
	v8 =	vand.u32 $0x7B, v13;
	v19 =	vbroadcast v5, $0x0;
	v5 =	vor.u32 v1, v12;
	[tilespmem:s22+$0x180] =	vst v6  }
0x4b: {  	v20 =	vld.idx.msk [tilespmem:v9+s12+$0x0], $0xffff;
	v5 =	vbroadcast v5, $0x0;
	v6 =	vor.u32 v1, v8;
	v8 =	vand.u32 $0x7C, v4;
	[tilespmem:s22+$0xFFFFFE80] =	vst v3  }
0x4c: {  	[tilespmem:s22+$0xFFFFFF00] =	vst v15;
	v4 =	vbroadcast v6, $0x0;
	v3 =	vor.u32 v1, v8;
	v6 =	vand.u32 $0x7D, v16;
	v8 =	vld.idx.msk [tilespmem:v2+s12+$0x0], $0xffff  }
0x4d: {  	v9 =	vand.u32 $0x7E, v11;
	[tilespmem:s22+$0xFFFFFF80] =	vst v17;
	v3 =	vbroadcast v3, $0x0;
	v6 =	vor.u32 v1, v6  }
0x4e: {  	s24 =	simm.s32 $0x11;
	v10 =	vand.u32 $0x78, v10;
	v9 =	vor.u32 v1, v9;
	[tilespmem:s22+$0x0] =	vst v7;
	v6 =	vbroadcast v6, $0x0  }
0x4f: {  	s21 =	sshll.u32 s19, $0x1;
	s25 =	simm.s32 $0x12;
	s23 =	simm.s32 $0x10;
	v10 =	vor.u32 v1, v10;
	v13 =	vmov s24;
	v7 =	vbroadcast v9, $0x0;
	v9 =	vld.idx.msk [tilespmem:v14+s12+$0x0], $0xffff;
	[tilespmem:s22+$0x80] =	vst v18  }
0x50: {  	s26 =	simm.s32 $0x13;
	v10 =	vbroadcast v10, $0x0;
	s24 =	simm.s32 $0x18;
	v12 =	vmov s25;
	s25 =	simm.s32 $0x17;
	v2 =	vmov s23;
	[tilespmem:s22+$0x100] =	vst v20;
	v11 =	vld.idx.msk [tilespmem:v19+s12+$0x0], $0xffff  }
.LBB2_5:
0x51: {  	p0 =	slt.u32 s24, $0x70;
	v14 =	vmov s26;
	s26 =	sadd.s32 $0x4, s23;
	s28 =	sadd.s32 $0x5, s23;
	v15 =	vmov s25;
	v16 =	vld.idx.msk [tilespmem:v5+s12+$0x0], $0xffff;
	[tilespmem:s22+$0xFFFFFE00] =	vst v8  }
0x52: {  	s25 =	sadd.s32 $0x6, s23;
	s23 =	smov.u32 s24;
	v8 =	vmov s26;
	v17 =	vmov s28;
	v5 =	vand.u32 $0x7F, v15;
	v15 =	vld.idx.msk [tilespmem:v4+s12+$0x0], $0xffff  }
0x53: {  	v4 =	vand.u32 $0x79, v13;
	v13 =	vmov s25;
	v5 =	vor.u32 v1, v5;
	v18 =	vld.idx.msk [tilespmem:v3+s12+$0x0], $0xffff  }
0x54: {  	s22 =	sadd.s32 $0x400, s22;
	v3 =	vor.u32 v1, v4;
	v4 =	vand.u32 $0x7A, v12;
	v12 =	vbroadcast v5, $0x0;
	v19 =	vld.idx.msk [tilespmem:v6+s12+$0x0], $0xffff  }
0x55: {  	v20 =	vbroadcast v3, $0x0;
	v3 =	vor.u32 v1, v4;
	v4 =	vand.u32 $0x7B, v14;
	v14 =	vld.idx.msk [tilespmem:v7+s12+$0x0], $0xffff;
	[tilespmem:s22+$0x180] =	vst v9  }
0x56: {  	v6 =	vand.u32 $0x7C, v8;
	v5 =	vbroadcast v3, $0x0;
	v3 =	vor.u32 v1, v4;
	v8 =	vld.idx.msk [tilespmem:v10+s12+$0x0], $0xffff;
	[tilespmem:s22+$0xFFFFFE80] =	vst v11  }
.Ltmp1:
0x57: {  	v4 =	vbroadcast v3, $0x0;
	v3 =	vor.u32 v1, v6;
	v6 =	vand.u32 $0x7D, v17;
	[tilespmem:s22+$0xFFFFFF00] =	vst v16;
	(pc) =	sbr.rel @p0 .LBB2_5-.Ltmp1, $4  }
0x58: {  	v7 =	vand.u32 $0x7E, v13;
	v3 =	vbroadcast v3, $0x0;
	v6 =	vor.u32 v1, v6;
	[tilespmem:s22+$0xFFFFFF80] =	vst v15  }
0x59: {  	v9 =	vand.u32 $0x78, v2;
	v7 =	vor.u32 v1, v7;
	v6 =	vbroadcast v6, $0x0;
	[tilespmem:s22+$0x0] =	vst v18  }
0x5a: {  	s25 =	sadd.s32 $0x1, s24;
	s26 =	sadd.s32 $0x2, s24;
	v2 =	vmov s24;
	v10 =	vor.u32 v1, v9;
	v7 =	vbroadcast v7, $0x0;
	v9 =	vld.idx.msk [tilespmem:v12+s12+$0x0], $0xffff;
	[tilespmem:s22+$0x80] =	vst v19  }
0x5b: {  	v13 =	vmov s25;
	s25 =	sadd.s32 $0x7, s23;
	s24 =	sadd.s32 $0x8, s24;
	v10 =	vbroadcast v10, $0x0;
	v12 =	vmov s26;
	s26 =	sadd.s32 $0x3, s23;
	v11 =	vld.idx.msk [tilespmem:v20+s12+$0x0], $0xffff;
	[tilespmem:s22+$0x100] =	vst v14  }
0x5c: {  	_ = 	snop  }
0x5d: {  	v14 =	vmov s26;
	v15 =	vmov s25  }
0x5e: {  	s24 =	sadd.s32 $0x4, s23;
	s28 =	sadd.s32 $0x5, s23;
	v13 =	vand.u32 $0x79, v13;
	v12 =	vand.u32 $0x7A, v12;
	v2 =	vand.u32 $0x78, v2  }
0x5f: {  	v16 =	vmov s24;
	v17 =	vmov s28;
	v13 =	vor.u32 v1, v13  }
0x60: {  	s29 =	sadd.s32 $0x6, s23;
	v5 =	vld.idx.msk [tilespmem:v5+s12+$0x0], $0xffff;
	v15 =	vand.u32 $0x7F, v15;
	v12 =	vor.u32 v1, v12;
	v13 =	vbroadcast v13, $0x0  }
0x61: {  	v3 =	vld.idx.msk [tilespmem:v3+s12+$0x0], $0xffff;
	v18 =	vmov s29;
	v2 =	vor.u32 v1, v2;
	v48 =	vbroadcast v12, $0x0  }
0x62: {  	v4 =	vld.idx.msk [tilespmem:v4+s12+$0x0], $0xffff;
	[tilespmem:s22+$0xFFFFFE00] =	vst v8;
	s30 =	sadd.s32 $0x400, s22;
	v14 =	vand.u32 $0x7B, v14;
	v15 =	vor.u32 v1, v15;
	v2 =	vbroadcast v2, $0x0  }
0x63: {  	v6 =	vld.idx.msk [tilespmem:v6+s12+$0x0], $0xffff;
	v49 =	vor.u32 v1, v14;
	v50 =	vand.u32 $0x7C, v16;
	v15 =	vbroadcast v15, $0x0;
	[tilespmem:s30+$0x180] =	vst v9  }
0x64: {  	v7 =	vld.idx.msk [tilespmem:v7+s12+$0x0], $0xffff;
	v53 =	vand.u32 $0x7D, v17;
	v51 =	vbroadcast v49, $0x0;
	v52 =	vor.u32 v1, v50;
	[tilespmem:s30+$0xFFFFFE80] =	vst v11  }
0x65: {  	v10 =	vld.idx.msk [tilespmem:v10+s12+$0x0], $0xffff;
	v56 =	vand.u32 $0x7E, v18;
	v55 =	vor.u32 v1, v53;
	v54 =	vbroadcast v52, $0x0;
	[tilespmem:s30+$0xFFFFFF00] =	vst v5  }
0x66: {  	v58 =	vor.u32 v1, v56;
	v57 =	vbroadcast v55, $0x0;
	[tilespmem:s30+$0x0] =	vst v3;
	v3 =	vld.idx.msk [tilespmem:v13+s12+$0x0], $0xffff  }
0x67: {  	v59 =	vbroadcast v58, $0x0;
	[tilespmem:s30+$0xFFFFFF80] =	vst v4;
	v61 =	vld.idx.msk [tilespmem:v48+s12+$0x0], $0xffff  }
0x68: {  	[tilespmem:s30+$0x80] =	vst v6;
	v2 =	vld.idx.msk [tilespmem:v2+s12+$0x0], $0xffff  }
0x69: {  	[tilespmem:s30+$0x100] =	vst v7;
	v60 =	vld.idx.msk [tilespmem:v15+s12+$0x0], $0xffff  }
0x6a: {  	s31 =	sadd.s32 $0x400, s30;
	[tilespmem:s30+$0xFFFFFE00] =	vst v10;
	v62 =	vld.idx.msk [tilespmem:v51+s12+$0x0], $0xffff  }
0x6b: {  	v63 =	vld.idx.msk [tilespmem:v54+s12+$0x0], $0xffff;
	[tilespmem:s31+$0xFFFFFE80] =	vst v3  }
0x6c: {  	v5 =	vld.idx.msk [tilespmem:v57+s12+$0x0], $0xffff;
	[tilespmem:s31+$0xFFFFFF00] =	vst v61  }
0x6d: {  	v4 =	vld.idx.msk [tilespmem:v59+s12+$0x0], $0xffff;
	[tilespmem:s31+$0xFFFFFE00] =	vst v2  }
0x6e: {  	[tilespmem:s31+$0x180] =	vst v60  }
0x6f: {  	[tilespmem:s31+$0xFFFFFF80] =	vst v62  }
0x70: {  	[tilespmem:s31+$0x0] =	vst v63  }
0x71: {  	[tilespmem:s31+$0x80] =	vst v5  }
0x72: {  	s22 =	simm.s32 $0x78;
	s23 =	simm.s32 $0x1A400;
	[tilespmem:s31+$0x100] =	vst v4  }
.LBB2_7:
0x73: {  	v2 =	vmov s22  }
0x74: {  	v2 =	vand.u32 $0x7F, v2  }
0x75: {  	v2 =	vadd.s32 v1, v2  }
0x76: {  	v2 =	vbroadcast v2, $0x0;
	_ =	sdelay $0x5  }
0x77: {  	p0 =	sne.s32 s22, $0x7C;
	v2 =	vld.idx.msk [tilespmem:v2+s12+$0x0], $0xffff  }
.Ltmp2:
0x78: {  	_ = 	snop;
	(pc) =	sbr.rel @p0 .LBB2_7-.Ltmp2, $2  }
0x79: {  	_ =	sdelay $0x2  }
0x7a: {  	s22 =	sadd.s32 $0x1, s22;
	[tilespmem:s23+$0x0] =	vst v2;
	s23 =	sadd.s32 $0x80, s23  }
0x7b: {  	s21 =	sor.u32 $0x1, s21;
	s22 =	simm.s32 $0x0;
	s25 =	simm.s32 $0x1  }
0x7c: {  	s23 =	simm.s32 $0x2;
	s24 =	simm.s32 $0x3;
	s26 =	simm.s32 $0x7;
	v2 =	vmov s22;
	v3 =	vmov s25  }
0x7d: {  	s28 =	simm.s32 $0x4;
	s29 =	simm.s32 $0x5;
	s30 =	simm.s32 $0x6;
	v4 =	vmov s23;
	v5 =	vmov s24;
	v6 =	vmov s26  }
0x7e: {  	s31 =	simm.s32 $0x8;
	s21 =	sshll.u32 s21, $0x7;
	v7 =	vmov s28;
	v8 =	vmov s29;
	v9 =	vmov s30  }
0x7f: {  	v10 =	vmov s31;
	v1 =	vmov s21;
	v6 =	vand.u32 $0x7F, v6  }
0x80: {  	v3 =	vand.u32 $0x79, v3;
	v4 =	vand.u32 $0x7A, v4;
	v6 =	vor.u32 v1, v6  }
0x81: {  	s20 =	sand.u32 $0x3FFFFF00, s20;
	v5 =	vand.u32 $0x7B, v5;
	v3 =	vor.u32 v1, v3;
	v6 =	vbroadcast v6, $0x0  }
0x82: {  	s20 =	sadd.s32 $0x14000, s20;
	v7 =	vand.u32 $0x7C, v7;
	v4 =	vor.u32 v1, v4;
	v3 =	vbroadcast v3, $0x0  }
0x83: {  	[spmem:s2] =	stream.indirect.scatter.add.f32 [tilespmem:s14], [sflag:$0x1], $0x80, s20, s13, $0xb8;
	v8 =	vand.u32 $0x7D, v8;
	v5 =	vor.u32 v1, v5;
	v4 =	vbroadcast v4, $0x0;
	[tilespmem:$0x1E800] =	vst v63  }
0x84: {  	v9 =	vand.u32 $0x7E, v9;
	v7 =	vor.u32 v1, v7;
	_ =	swait.ge [sflag:s10], $0x3E80;
	v5 =	vbroadcast v5, $0x0  }
0x85: {  	s22 =	simm.s32 $0x9;
	v2 =	vand.u32 $0x78, v2;
	v8 =	vor.u32 v1, v8;
	v7 =	vbroadcast v7, $0x0;
	[sflag:s10] =	ssyncset.done $0x0  }
0x86: {  	s25 =	simm.s32 $0xF;
	v11 =	vmov s22;
	v9 =	vor.u32 v1, v9;
	v8 =	vbroadcast v8, $0x0;
	[sflag:s10] =	ssyncadd.s32 $0xFFFFC180  }
0x87: {  	s23 =	simm.s32 $0xA;
	v14 =	vmov s25;
	v2 =	vor.u32 v1, v2;
	v9 =	vbroadcast v9, $0x0;
	v6 =	vld.idx.msk [tilespmem:v6+s12+$0x0], $0xffff  }
0x88: {  	s24 =	simm.s32 $0xB;
	s28 =	simm.s32 $0xD;
	v12 =	vmov s23;
	v14 =	vand.u32 $0x7F, v14;
	v2 =	vbroadcast v2, $0x0;
	v3 =	vld.idx.msk [tilespmem:v3+s12+$0x0], $0xffff  }
0x89: {  	v13 =	vmov s24;
	v16 =	vmov s28;
	v14 =	vor.u32 v1, v14;
	v15 =	vld.idx.msk [tilespmem:v4+s12+$0x0], $0xffff  }
0x8a: {  	s26 =	simm.s32 $0xC;
	s29 =	simm.s32 $0xE;
	v12 =	vand.u32 $0x7A, v12;
	v14 =	vbroadcast v14, $0x0;
	v17 =	vld.idx.msk [tilespmem:v5+s12+$0x0], $0xffff;
	v5 =	vand.u32 $0x79, v11  }
0x8b: {  	s20 =	simm.s32 $0x1AA00;
	v4 =	vmov s26;
	v11 =	vmov s29;
	v7 =	vld.idx.msk [tilespmem:v7+s12+$0x0], $0xffff;
	v5 =	vor.u32 v1, v5  }
0x8c: {  	v18 =	vld.idx.msk [tilespmem:v8+s12+$0x0], $0xffff;
	v8 =	vand.u32 $0x7B, v13;
	v19 =	vbroadcast v5, $0x0;
	v5 =	vor.u32 v1, v12;
	[tilespmem:s20+$0x180] =	vst v6  }
0x8d: {  	v20 =	vld.idx.msk [tilespmem:v9+s12+$0x0], $0xffff;
	v5 =	vbroadcast v5, $0x0;
	v6 =	vor.u32 v1, v8;
	v8 =	vand.u32 $0x7C, v4;
	[tilespmem:s20+$0xFFFFFE80] =	vst v3  }
0x8e: {  	[tilespmem:s20+$0xFFFFFF00] =	vst v15;
	v4 =	vbroadcast v6, $0x0;
	v3 =	vor.u32 v1, v8;
	v6 =	vand.u32 $0x7D, v16;
	v8 =	vld.idx.msk [tilespmem:v2+s12+$0x0], $0xffff  }
0x8f: {  	v9 =	vand.u32 $0x7E, v11;
	[tilespmem:s20+$0xFFFFFF80] =	vst v17;
	v3 =	vbroadcast v3, $0x0;
	v6 =	vor.u32 v1, v6  }
0x90: {  	s30 =	simm.s32 $0x11;
	v10 =	vand.u32 $0x78, v10;
	v9 =	vor.u32 v1, v9;
	[tilespmem:s20+$0x0] =	vst v7;
	v6 =	vbroadcast v6, $0x0  }
0x91: {  	s31 =	simm.s32 $0x12;
	s22 =	simm.s32 $0x10;
	v10 =	vor.u32 v1, v10;
	v13 =	vmov s30;
	v7 =	vbroadcast v9, $0x0;
	v9 =	vld.idx.msk [tilespmem:v14+s12+$0x0], $0xffff;
	[tilespmem:s20+$0x80] =	vst v18  }
0x92: {  	s25 =	simm.s32 $0x13;
	s24 =	simm.s32 $0x17;
	s23 =	simm.s32 $0x18;
	v10 =	vbroadcast v10, $0x0;
	v12 =	vmov s31;
	[tilespmem:s20+$0x100] =	vst v20;
	v2 =	vmov s22;
	v11 =	vld.idx.msk [tilespmem:v19+s12+$0x0], $0xffff  }
.LBB2_9:
0x93: {  	p0 =	slt.u32 s23, $0x70;
	v14 =	vmov s25;
	s25 =	sadd.s32 $0x4, s22;
	s26 =	sadd.s32 $0x5, s22;
	v15 =	vmov s24;
	v16 =	vld.idx.msk [tilespmem:v5+s12+$0x0], $0xffff;
	[tilespmem:s20+$0xFFFFFE00] =	vst v8  }
0x94: {  	s24 =	sadd.s32 $0x6, s22;
	s22 =	smov.u32 s23;
	v8 =	vmov s25;
	v17 =	vmov s26;
	v5 =	vand.u32 $0x7F, v15;
	v15 =	vld.idx.msk [tilespmem:v4+s12+$0x0], $0xffff  }
0x95: {  	v4 =	vand.u32 $0x79, v13;
	v13 =	vmov s24;
	v5 =	vor.u32 v1, v5;
	v18 =	vld.idx.msk [tilespmem:v3+s12+$0x0], $0xffff  }
0x96: {  	s20 =	sadd.s32 $0x400, s20;
	v3 =	vor.u32 v1, v4;
	v4 =	vand.u32 $0x7A, v12;
	v12 =	vbroadcast v5, $0x0;
	v19 =	vld.idx.msk [tilespmem:v6+s12+$0x0], $0xffff  }
0x97: {  	v20 =	vbroadcast v3, $0x0;
	v3 =	vor.u32 v1, v4;
	v4 =	vand.u32 $0x7B, v14;
	v14 =	vld.idx.msk [tilespmem:v7+s12+$0x0], $0xffff;
	[tilespmem:s20+$0x180] =	vst v9  }
0x98: {  	v6 =	vand.u32 $0x7C, v8;
	v5 =	vbroadcast v3, $0x0;
	v3 =	vor.u32 v1, v4;
	v8 =	vld.idx.msk [tilespmem:v10+s12+$0x0], $0xffff;
	[tilespmem:s20+$0xFFFFFE80] =	vst v11  }
.Ltmp3:
0x99: {  	v4 =	vbroadcast v3, $0x0;
	v3 =	vor.u32 v1, v6;
	v6 =	vand.u32 $0x7D, v17;
	[tilespmem:s20+$0xFFFFFF00] =	vst v16;
	(pc) =	sbr.rel @p0 .LBB2_9-.Ltmp3, $4  }
0x9a: {  	v7 =	vand.u32 $0x7E, v13;
	v3 =	vbroadcast v3, $0x0;
	v6 =	vor.u32 v1, v6;
	[tilespmem:s20+$0xFFFFFF80] =	vst v15  }
0x9b: {  	v9 =	vand.u32 $0x78, v2;
	v7 =	vor.u32 v1, v7;
	v6 =	vbroadcast v6, $0x0;
	[tilespmem:s20+$0x0] =	vst v18  }
0x9c: {  	s24 =	sadd.s32 $0x1, s23;
	s25 =	sadd.s32 $0x2, s23;
	v2 =	vmov s23;
	v10 =	vor.u32 v1, v9;
	v7 =	vbroadcast v7, $0x0;
	v9 =	vld.idx.msk [tilespmem:v12+s12+$0x0], $0xffff;
	[tilespmem:s20+$0x80] =	vst v19  }
0x9d: {  	v13 =	vmov s24;
	s24 =	sadd.s32 $0x7, s22;
	s23 =	sadd.s32 $0x8, s23;
	v10 =	vbroadcast v10, $0x0;
	v12 =	vmov s25;
	s25 =	sadd.s32 $0x3, s22;
	v11 =	vld.idx.msk [tilespmem:v20+s12+$0x0], $0xffff;
	[tilespmem:s20+$0x100] =	vst v14  }
0x9e: {  	_ = 	snop  }
0x9f: {  	v14 =	vmov s25;
	v15 =	vmov s24  }
0xa0: {  	s23 =	sadd.s32 $0x4, s22;
	s28 =	sadd.s32 $0x5, s22;
	v13 =	vand.u32 $0x79, v13;
	v12 =	vand.u32 $0x7A, v12;
	v2 =	vand.u32 $0x78, v2  }
0xa1: {  	v16 =	vmov s23;
	v17 =	vmov s28;
	v13 =	vor.u32 v1, v13  }
0xa2: {  	s29 =	sadd.s32 $0x6, s22;
	v5 =	vld.idx.msk [tilespmem:v5+s12+$0x0], $0xffff;
	v15 =	vand.u32 $0x7F, v15;
	v12 =	vor.u32 v1, v12;
	v13 =	vbroadcast v13, $0x0  }
0xa3: {  	v3 =	vld.idx.msk [tilespmem:v3+s12+$0x0], $0xffff;
	v18 =	vmov s29;
	v2 =	vor.u32 v1, v2;
	v48 =	vbroadcast v12, $0x0  }
0xa4: {  	v4 =	vld.idx.msk [tilespmem:v4+s12+$0x0], $0xffff;
	[tilespmem:s20+$0xFFFFFE00] =	vst v8;
	s30 =	sadd.s32 $0x400, s20;
	v14 =	vand.u32 $0x7B, v14;
	v15 =	vor.u32 v1, v15;
	v2 =	vbroadcast v2, $0x0  }
0xa5: {  	v6 =	vld.idx.msk [tilespmem:v6+s12+$0x0], $0xffff;
	v49 =	vor.u32 v1, v14;
	v50 =	vand.u32 $0x7C, v16;
	v15 =	vbroadcast v15, $0x0;
	[tilespmem:s30+$0x180] =	vst v9  }
0xa6: {  	v7 =	vld.idx.msk [tilespmem:v7+s12+$0x0], $0xffff;
	v53 =	vand.u32 $0x7D, v17;
	v51 =	vbroadcast v49, $0x0;
	v52 =	vor.u32 v1, v50;
	[tilespmem:s30+$0xFFFFFE80] =	vst v11  }
0xa7: {  	v10 =	vld.idx.msk [tilespmem:v10+s12+$0x0], $0xffff;
	v56 =	vand.u32 $0x7E, v18;
	v55 =	vor.u32 v1, v53;
	v54 =	vbroadcast v52, $0x0;
	[tilespmem:s30+$0xFFFFFF00] =	vst v5  }
0xa8: {  	v58 =	vor.u32 v1, v56;
	v57 =	vbroadcast v55, $0x0;
	[tilespmem:s30+$0x0] =	vst v3;
	v3 =	vld.idx.msk [tilespmem:v13+s12+$0x0], $0xffff  }
0xa9: {  	v59 =	vbroadcast v58, $0x0;
	[tilespmem:s30+$0xFFFFFF80] =	vst v4;
	v61 =	vld.idx.msk [tilespmem:v48+s12+$0x0], $0xffff  }
0xaa: {  	[tilespmem:s30+$0x80] =	vst v6;
	v2 =	vld.idx.msk [tilespmem:v2+s12+$0x0], $0xffff  }
0xab: {  	[tilespmem:s30+$0x100] =	vst v7;
	v60 =	vld.idx.msk [tilespmem:v15+s12+$0x0], $0xffff  }
0xac: {  	s31 =	sadd.s32 $0x400, s30;
	[tilespmem:s30+$0xFFFFFE00] =	vst v10;
	v62 =	vld.idx.msk [tilespmem:v51+s12+$0x0], $0xffff  }
0xad: {  	v63 =	vld.idx.msk [tilespmem:v54+s12+$0x0], $0xffff;
	[tilespmem:s31+$0xFFFFFE80] =	vst v3  }
0xae: {  	v5 =	vld.idx.msk [tilespmem:v57+s12+$0x0], $0xffff;
	[tilespmem:s31+$0xFFFFFF00] =	vst v61  }
0xaf: {  	v4 =	vld.idx.msk [tilespmem:v59+s12+$0x0], $0xffff;
	[tilespmem:s31+$0xFFFFFE00] =	vst v2  }
0xb0: {  	[tilespmem:s31+$0x180] =	vst v60  }
0xb1: {  	[tilespmem:s31+$0xFFFFFF80] =	vst v62  }
0xb2: {  	[tilespmem:s31+$0x0] =	vst v63  }
0xb3: {  	[tilespmem:s31+$0x80] =	vst v5  }
0xb4: {  	s20 =	simm.s32 $0x78;
	s22 =	simm.s32 $0x1E400;
	[tilespmem:s31+$0x100] =	vst v4  }
.LBB2_11:
0xb5: {  	v2 =	vmov s20  }
0xb6: {  	v2 =	vand.u32 $0x7F, v2  }
0xb7: {  	v2 =	vadd.s32 v1, v2  }
0xb8: {  	v2 =	vbroadcast v2, $0x0;
	_ =	sdelay $0x5  }
0xb9: {  	p0 =	sne.s32 s20, $0x7C;
	v2 =	vld.idx.msk [tilespmem:v2+s12+$0x0], $0xffff  }
.Ltmp4:
0xba: {  	_ = 	snop;
	(pc) =	sbr.rel @p0 .LBB2_11-.Ltmp4, $2  }
0xbb: {  	_ =	sdelay $0x2  }
0xbc: {  	s20 =	sadd.s32 $0x1, s20;
	[tilespmem:s22+$0x0] =	vst v2;
	s22 =	sadd.s32 $0x80, s22  }
0xbd: {  	s19 =	sadd.s32 $0x1, s19  }
0xbe: {  	s20 =	sand.u32 $0x3FFFFF80, s21;
	p0 =	sne.s32 s19, $0x14  }
.Ltmp5:
0xbf: {  	s20 =	sadd.s32 $0x14000, s20;
	(pc) =	sbr.rel @p0 .LBB2_4-.Ltmp5, $4  }
0xc0: {  	[spmem:s2] =	stream.indirect.scatter.add.f32 [tilespmem:s15], [sflag:$0x1], $0x80, s20, s13, $0xb8;
	[tilespmem:$0x1E800] =	vst v63  }
0xc1: {  	_ =	swait.ge [sflag:s10], $0x3E80  }
0xc2: {  	[sflag:s10] =	ssyncset.done $0x0  }
0xc3: {  	[sflag:s10] =	ssyncadd.s32 $0xFFFFC180  }
0xc4: {  	s17 =	sadd.s32 $0x1, s17  }
0xc5: {  	p0 =	sne.s32 s17, s8  }
.Ltmp6:
0xc6: {  	[bflag:$0x0] =	sbarrier.arrive $0xFFFF;
	(pc) =	sbr.rel @p0 .LBB2_1-.Ltmp6, $4  }
0xc7: {  	[hbm:s16], [sflag:s5] =	dma.local [spmem:s9], $0x2800  }
0xc8: {  	_ =	swait.ge [sflag:s10], $0x2800  }
0xc9: {  	[sflag:s10] =	ssyncset.done $0x0  }
0xca: {  	[sflag:s10] =	ssyncadd.s32 $0xFFFFD800  }
0xcb: {  	_ =	sfence.sel $0x180000  }
0xcc: {  	[bflag:$0x0] =	sbarrier.arrive $0xFFFF  }
0xcd: {  	p0 =	sne.s32 s0, $0x0;
	_ =	strace $0x90000047  }
0xce: {  	s0 =	sadd.s32 @!p0 $0x100000, s1;
	[bflag:$0x2] =	sbarrier.arrive $0xFFFF  }
0xcf: {  	[sflag:s0] =	ssyncadd.tile.s32 @!p0 $0x1;
	_ =	shalt  }
.Lfunc_end2:
_tile_overlayer_lowered:
.L_overlay_start_2:
0xd0: {  	(tag) =	ssettag $0x2  }
0xd1: {  	s0 =	rddreg [dreg:$0x0];
	s2 =	stileid.u32  }
0xd2: {  	s1 =	rddreg [dreg:$0x1];
	p0 =	sne.s32 s2, $0x0  }
0xd3: {  	s3 =	rddreg [dreg:$0x2];
	[bflag:$0x3] =	sbarrier.arrive $0xFFFF;
	s2 =	simm.s32 @!p0 $0x1C01  }
0xd4: {  	[timem:s3], [sflag:s2] =	dma.local @!p0 [hbm:s0], s1  }
0xd5: {  	s0 =	simm.s32 @!p0 $0x1  }
0xd6: {  	_ =	swait.ge @!p0 [sflag:s0], s1  }
0xd7: {  	s1 =	ssub.s32 @!p0 $0x0, s1;
	[sflag:s0] =	ssyncset.done @!p0 $0x0  }
0xd8: {  	[sflag:s0] =	ssyncadd.s32 @!p0 s1  }
0xd9: {  	[bflag:$0x3] =	sbarrier.arrive $0xFFFF  }
0xda: {  	_ =	shalt  }

</sc_bundles>
